<compile_context>
chip_gen: v7x
topology: tpu7x:2x2x1
jax: 0.10.2.dev20260603
libtpu: 0.0.44.dev20260713+nightly
codegen_flags: <defaults>
</compile_context>

<pallas_src>
import functools

import jax
import jax.numpy as jnp
from jax import lax
from jax.experimental import pallas as pl
from jax.experimental.pallas import tpu as pltpu
from jax.experimental.pallas import tpu_sc as plsc

_N = 10000
_E = 320000
_D = 128
_BN_EPS = 1e-5

_K = 64
_NCHUNK = _E // _K
_NW = 32
_STEPS = -(-_NCHUNK // _NW)
_RPT = 624
_ZR = 104


def _sc_aggr_body(x_hbm, src_hbm, dst_hbm, ea_hbm, out_hbm,
                  sidx0, sidx1, sidx2, didx0, didx1, didx2, didx3,
                  ebuf0, ebuf1, ebuf2, ebuf3,
                  aggr, semi0, semi1, seme0, seme1, seme2, seme3,
                  semg0, semg1, sems0, sems1):
    c = lax.axis_index("c")
    s = lax.axis_index("s")
    g = s * 2 + c

    sidx = (sidx0, sidx1, sidx2)
    didx = (didx0, didx1, didx2, didx3)
    ebuf = (ebuf0, ebuf1, ebuf2, ebuf3)
    semi = (semi0, semi1)
    seme = (seme0, seme1, seme2, seme3)
    semg = (semg0, semg1)
    sems = (sems0, sems1)

    zv = jnp.zeros((16,), jnp.float32)

    def zrow(r, carry):
        for cc in range(8):
            ebuf0[r, pl.ds(cc * 16, 16)] = zv
        return carry

    lax.fori_loop(0, _K, zrow, 0)
    _nfull = _RPT // _K
    _tail = _RPT - _nfull * _K
    for i in range(_nfull):
        pltpu.sync_copy(ebuf0, aggr.at[pl.ds(s * _RPT + i * _K, _K), :])
    if _tail:
        pltpu.sync_copy(ebuf0.at[pl.ds(0, _tail), :],
                        aggr.at[pl.ds(s * _RPT + _nfull * _K, _tail), :])

    @pl.when(s == 15)
    def _():
        pltpu.sync_copy(ebuf0.at[pl.ds(0, 16), :],
                        aggr.at[pl.ds(16 * _RPT, 16), :])

    plsc.subcore_barrier()

    nact = jnp.where(g < _NCHUNK - (_STEPS - 1) * _NW, _STEPS, _STEPS - 1)

    def issue_idx(t, ps, pd, pm):
        base = (g + t * _NW) * _K
        pltpu.async_copy(src_hbm.at[pl.ds(base, _K)], sidx[ps], semi[pm])
        pltpu.async_copy(dst_hbm.at[pl.ds(base, _K)], didx[pd], semi[pm])

    def wait_idx(ps, pd, pm):
        pltpu.make_async_copy(src_hbm.at[pl.ds(0, _K)], sidx[ps], semi[pm]).wait()
        pltpu.make_async_copy(dst_hbm.at[pl.ds(0, _K)], didx[pd], semi[pm]).wait()

    def issue_ea(t, pe):
        base = (g + t * _NW) * _K
        pltpu.async_copy(ea_hbm.at[pl.ds(base, _K), :], ebuf[pe], seme[pe])

    def wait_ea(pe):
        pltpu.make_async_copy(ea_hbm.at[pl.ds(0, _K), :], ebuf[pe], seme[pe]).wait()

    def issue_gadd(ps, pe, pm):
        pltpu.async_copy(x_hbm.at[sidx[ps]], ebuf[pe], semg[pm], add=True)

    def wait_gadd(ps, pe, pm):
        pltpu.make_async_copy(x_hbm.at[sidx[ps]], ebuf[pe], semg[pm]).wait()

    def wait_scatter(pe, pd, pm):
        pltpu.make_async_copy(ebuf[pe], aggr.at[didx[pd]], sems[pm]).wait()

    @pl.when(0 < nact)
    def _():
        issue_idx(0, 0, 0, 0)

    @pl.when(1 < nact)
    def _():
        issue_idx(1, 1, 1, 1)

    @pl.when(0 < nact)
    def _():
        wait_idx(0, 0, 0)
        issue_ea(0, 0)

    @pl.when(1 < nact)
    def _():
        issue_ea(1, 1)

    @pl.when(0 < nact)
    def _():
        wait_ea(0)
        issue_gadd(0, 0, 0)

    def stage(u, j):
        t = 12 * u + j
        pe = j % 4
        ps = j % 3
        pm = j % 2

        @pl.when(jnp.logical_and(t >= 2, t < nact + 2))
        def _():
            wait_scatter((j - 2) % 4, (j - 2) % 4, pm)

        @pl.when(t + 1 < nact)
        def _():
            wait_idx((j + 1) % 3, (j + 1) % 4, (j + 1) % 2)
            wait_ea((j + 1) % 4)
            issue_gadd((j + 1) % 3, (j + 1) % 4, (j + 1) % 2)

        @pl.when(t < nact)
        def _():
            wait_gadd(ps, pe, pm)

            @pl.when(t + 2 < nact)
            def _():
                issue_idx(t + 2, (j + 2) % 3, (j + 2) % 4, pm)
                issue_ea(t + 2, (j + 2) % 4)

            eb = ebuf[pe]

            @plsc.parallel_loop(0, _K, unroll=4)
            def crow(r):
                for cc in range(8):
                    sl = pl.ds(cc * 16, 16)
                    eb[r, sl] = jnp.maximum(eb[r, sl], 0.0)

            pltpu.async_copy(eb, aggr.at[didx[pe]], sems[pm], add=True)

    def group(u, carry):
        for j in range(12):
            stage(u, j)
        return carry

    lax.fori_loop(0, -(-(_STEPS + 2) // 12), group, 0)

    plsc.subcore_barrier()

    for i in range(_RPT // _ZR):
        sl = pl.ds(s * _RPT + i * _ZR, _ZR)
        pltpu.sync_copy(aggr.at[sl, :], out_hbm.at[c, sl, :])

    @pl.when(s == 15)
    def _():
        sl = pl.ds(16 * _RPT, 16)
        pltpu.sync_copy(aggr.at[sl, :], out_hbm.at[c, sl, :])


@functools.cache
def _sc_aggr():
    return pl.kernel(
        _sc_aggr_body,
        mesh=plsc.VectorSubcoreMesh(core_axis_name="c", subcore_axis_name="s"),
        out_type=jax.ShapeDtypeStruct((2, _N, _D), jnp.float32),
        scratch_types=(
            [pltpu.VMEM((_K,), jnp.int32)] * 7
            + [pltpu.VMEM((_K, _D), jnp.float32)] * 4
            + [pltpu.VMEM_SHARED((_N, _D), jnp.float32)]
            + [pltpu.SemaphoreType.DMA] * 10
        ),
    )


def _tc_mlp(x_ref, p_ref, w1_ref, b1_ref, g1_ref, be1_ref,
            w2_ref, b2_ref, eps_ref, g2_ref, be2_ref, o_ref):
    x = x_ref[...]
    a = p_ref[0] + p_ref[1]
    h = (1.0 + eps_ref[0]) * x + a
    z = jnp.dot(h, w1_ref[...], preferred_element_type=jnp.float32) + b1_ref[...]
    mu = jnp.mean(z, axis=0, keepdims=True)
    d = z - mu
    var = jnp.mean(d * d, axis=0, keepdims=True)
    z = g1_ref[...] * d * lax.rsqrt(var + _BN_EPS) + be1_ref[...]
    z = jnp.maximum(z, 0.0)
    y = x + jnp.dot(z, w2_ref[...], preferred_element_type=jnp.float32) + b2_ref[...]
    mu2 = jnp.mean(y, axis=0, keepdims=True)
    d2 = y - mu2
    var2 = jnp.mean(d2 * d2, axis=0, keepdims=True)
    o_ref[...] = jnp.maximum(
        g2_ref[...] * d2 * lax.rsqrt(var2 + _BN_EPS) + be2_ref[...], 0.0)


def kernel(x, edge_index, edge_attr_emb, W1, b1, bn1_gamma, bn1_beta,
           W2, b2, gine_eps, bn2_gamma, bn2_beta):
    src = edge_index[0]
    dst = edge_index[1]
    partials = _sc_aggr()(x, src, dst, edge_attr_emb)

    out = pl.pallas_call(
        _tc_mlp,
        out_shape=jax.ShapeDtypeStruct((_N, _D), jnp.float32),
        in_specs=[
            pl.BlockSpec(memory_space=pltpu.VMEM),
            pl.BlockSpec(memory_space=pltpu.VMEM),
            pl.BlockSpec(memory_space=pltpu.VMEM),
            pl.BlockSpec(memory_space=pltpu.VMEM),
            pl.BlockSpec(memory_space=pltpu.VMEM),
            pl.BlockSpec(memory_space=pltpu.VMEM),
            pl.BlockSpec(memory_space=pltpu.VMEM),
            pl.BlockSpec(memory_space=pltpu.VMEM),
            pl.BlockSpec(memory_space=pltpu.SMEM),
            pl.BlockSpec(memory_space=pltpu.VMEM),
            pl.BlockSpec(memory_space=pltpu.VMEM),
        ],
        out_specs=pl.BlockSpec(memory_space=pltpu.VMEM),
    )(
        x, partials, W1,
        b1.reshape(1, _D), bn1_gamma.reshape(1, _D), bn1_beta.reshape(1, _D),
        W2, b2.reshape(1, _D), gine_eps.reshape(1),
        bn2_gamma.reshape(1, _D), bn2_beta.reshape(1, _D),
    )
    return out

# --- scband reference (transcript-rebuilt; emitter-appended) ---
"""Pipeline reference for scband-baseline-ginelayer-10866267259113 (READ-ONLY COPY).

The authoritative reference and input builder live on the scoring server;
editing this copy changes nothing except your own understanding.
"""

import jax, jax.numpy as jnp
import numpy as np

N = 10000
E = 320000
D = 128
BN_EPS = 1e-5


def _batchnorm(h, gamma, beta):
    mu = jnp.mean(h, axis=0)
    var = jnp.var(h, axis=0)  # biased, matches torch BN training-mode normalization
    return gamma * (h - mu) / jnp.sqrt(var + BN_EPS) + beta


def setup_inputs(seed: int = 0) -> dict:
    key = jax.random.key(seed)
    ks = jax.random.split(key, 8)
    x = jax.random.normal(ks[0], (N, D), dtype=jnp.float32)
    edge_index = jax.random.randint(ks[1], (2, E), 0, N, dtype=jnp.int32)
    edge_attr_emb = jax.random.normal(ks[2], (E, D), dtype=jnp.float32)
    scale = 1.0 / np.sqrt(D)
    W1 = jax.random.normal(ks[3], (D, D), dtype=jnp.float32) * scale
    b1 = jnp.zeros((D,), jnp.float32)
    bn1_gamma = jnp.ones((D,), jnp.float32)
    bn1_beta = jnp.zeros((D,), jnp.float32)
    W2 = jax.random.normal(ks[4], (D, D), dtype=jnp.float32) * scale
    b2 = jnp.zeros((D,), jnp.float32)
    gine_eps = jnp.zeros((), jnp.float32)  # train_eps=True, init 0
    bn2_gamma = jnp.ones((D,), jnp.float32)
    bn2_beta = jnp.zeros((D,), jnp.float32)
    return {
        'x': x, 'edge_index': edge_index, 'edge_attr_emb': edge_attr_emb,
        'W1': W1, 'b1': b1, 'bn1_gamma': bn1_gamma, 'bn1_beta': bn1_beta,
        'W2': W2, 'b2': b2, 'gine_eps': gine_eps,
        'bn2_gamma': bn2_gamma, 'bn2_beta': bn2_beta,
    }


def reference(x, edge_index, edge_attr_emb, W1, b1, bn1_gamma, bn1_beta, W2, b2, gine_eps, bn2_gamma, bn2_beta):
    src = edge_index[0]
    dst = edge_index[1]
    # GINEConv message: relu(x_j + edge_attr), sum-aggregated at destination nodes
    msg = jax.nn.relu(jnp.take(x, src, axis=0) + edge_attr_emb)
    aggr = jax.ops.segment_sum(msg, dst, num_segments=N)
    h = (1.0 + gine_eps) * x + aggr
    # nn1: Linear -> BatchNorm1d -> ReLU -> Dropout(identity in eval) -> Linear
    h = h @ W1 + b1
    h = _batchnorm(h, bn1_gamma, bn1_beta)
    h = jax.nn.relu(h)
    h = h @ W2 + b2
    # residual + BN + ReLU
    out = jax.nn.relu(_batchnorm(x + h, bn2_gamma, bn2_beta))
    return out

if __name__ == "__main__":
    import jax
    _d = setup_inputs()
    print(jax.jit(kernel)(*tuple(_d.values())))

</pallas_src>

<mosaic_0001>
#map = affine_map<(d0, d1) -> (0, 0)>
#map1 = affine_map<(d0, d1) -> (0)>
#map2 = affine_map<(d0, d1) -> (0, 0, 0)>
module attributes {stable_mosaic.version = 14 : i64} {
  func.func @_sc_aggr_body(%arg0: i32, %arg1: i32, %arg2: memref<10000x128xf32, #tpu.memory_space<hbm>>, %arg3: memref<320000xi32, #tpu.memory_space<hbm>>, %arg4: memref<320000xi32, #tpu.memory_space<hbm>>, %arg5: memref<320000x128xf32, #tpu.memory_space<hbm>>, %arg6: memref<2x10000x128xf32, #tpu.memory_space<hbm>>, %arg7: memref<64xi32, #tpu.memory_space<vmem>>, %arg8: memref<64xi32, #tpu.memory_space<vmem>>, %arg9: memref<64xi32, #tpu.memory_space<vmem>>, %arg10: memref<64xi32, #tpu.memory_space<vmem>>, %arg11: memref<64xi32, #tpu.memory_space<vmem>>, %arg12: memref<64xi32, #tpu.memory_space<vmem>>, %arg13: memref<64xi32, #tpu.memory_space<vmem>>, %arg14: memref<64x128xf32, #tpu.memory_space<vmem>>, %arg15: memref<64x128xf32, #tpu.memory_space<vmem>>, %arg16: memref<64x128xf32, #tpu.memory_space<vmem>>, %arg17: memref<64x128xf32, #tpu.memory_space<vmem>>, %arg18: memref<10000x128xf32, #tpu.memory_space<vmem_shared>>, %arg19: memref<!tpu.dma_semaphore, #tpu.memory_space<semaphore_mem>>, %arg20: memref<!tpu.dma_semaphore, #tpu.memory_space<semaphore_mem>>, %arg21: memref<!tpu.dma_semaphore, #tpu.memory_space<semaphore_mem>>, %arg22: memref<!tpu.dma_semaphore, #tpu.memory_space<semaphore_mem>>, %arg23: memref<!tpu.dma_semaphore, #tpu.memory_space<semaphore_mem>>, %arg24: memref<!tpu.dma_semaphore, #tpu.memory_space<semaphore_mem>>, %arg25: memref<!tpu.dma_semaphore, #tpu.memory_space<semaphore_mem>>, %arg26: memref<!tpu.dma_semaphore, #tpu.memory_space<semaphore_mem>>, %arg27: memref<!tpu.dma_semaphore, #tpu.memory_space<semaphore_mem>>, %arg28: memref<!tpu.dma_semaphore, #tpu.memory_space<semaphore_mem>>) attributes {dimension_semantics = [#tpu.dimension_semantics<core_parallel>, #tpu.dimension_semantics<subcore_parallel>], iteration_bounds = array<i64: 2, 16>, scalar_prefetch = 0 : i64, scratch_operands = 22 : i64, tpu.core_type = #tpu.core_type<sc_vector_subcore>, window_params = [{transform_indices = #map}, {transform_indices = #map1}, {transform_indices = #map1}, {transform_indices = #map}, {transform_indices = #map2}]} {
    %mul3A = arith.constant 2 : i32
    %mul3A_0 = arith.muli %arg1, %mul3A : i32
    %add3A = arith.addi %mul3A_0, %arg0 : i32
    %broadcast_in_dim3A = arith.constant 0.000000e+00 : f32
    %broadcast_in_dim3A_1 = vector.broadcast %broadcast_in_dim3A : f32 to vector<16xf32>
    %scan3A = arith.constant 0 : i32
    %scan3A_2 = arith.constant 0 : i32
    %scan3A_3 = arith.constant 64 : i32
    %scan3A_4 = arith.addi %scan3A_2, %scan3A_3 : i32
    %scan3A_5 = arith.constant 1 : i32
    scf.for %scan3A_111 = %scan3A_2 to %scan3A_4 step %scan3A_5  : i32 {
      %swap3A = arith.index_cast %scan3A_111 : i32 to index
      %swap3A_112 = arith.constant 0 : index
      %swap3A_113 = tpu.vector_load %arg14[%swap3A, %swap3A_112] {strides = array<i32>} : memref<64x128xf32, #tpu.memory_space<vmem>>, vector<1x16xf32>,
      %swap3A_114 = vector.shape_cast %swap3A_113 : vector<1x16xf32> to vector<16xf32>
      %swap3A_115 = vector.shape_cast %broadcast_in_dim3A_1 : vector<16xf32> to vector<1x16xf32>
      tpu.vector_store %arg14[%swap3A, %swap3A_112], %swap3A_115 {strides = array<i32>} : memref<64x128xf32, #tpu.memory_space<vmem>>, vector<1x16xf32>,
      %swap3A_116 = arith.index_cast %scan3A_111 : i32 to index
      %swap3A_117 = arith.constant 16 : index
      %swap3A_118 = tpu.vector_load %arg14[%swap3A_116, %swap3A_117] {strides = array<i32>} : memref<64x128xf32, #tpu.memory_space<vmem>>, vector<1x16xf32>,
      %swap3A_119 = vector.shape_cast %swap3A_118 : vector<1x16xf32> to vector<16xf32>
      %swap3A_120 = vector.shape_cast %broadcast_in_dim3A_1 : vector<16xf32> to vector<1x16xf32>
      tpu.vector_store %arg14[%swap3A_116, %swap3A_117], %swap3A_120 {strides = array<i32>} : memref<64x128xf32, #tpu.memory_space<vmem>>, vector<1x16xf32>,
      %swap3A_121 = arith.index_cast %scan3A_111 : i32 to index
      %swap3A_122 = arith.constant 32 : index
      %swap3A_123 = tpu.vector_load %arg14[%swap3A_121, %swap3A_122] {strides = array<i32>} : memref<64x128xf32, #tpu.memory_space<vmem>>, vector<1x16xf32>,
      %swap3A_124 = vector.shape_cast %swap3A_123 : vector<1x16xf32> to vector<16xf32>
      %swap3A_125 = vector.shape_cast %broadcast_in_dim3A_1 : vector<16xf32> to vector<1x16xf32>
      tpu.vector_store %arg14[%swap3A_121, %swap3A_122], %swap3A_125 {strides = array<i32>} : memref<64x128xf32, #tpu.memory_space<vmem>>, vector<1x16xf32>,
      %swap3A_126 = arith.index_cast %scan3A_111 : i32 to index
      %swap3A_127 = arith.constant 48 : index
      %swap3A_128 = tpu.vector_load %arg14[%swap3A_126, %swap3A_127] {strides = array<i32>} : memref<64x128xf32, #tpu.memory_space<vmem>>, vector<1x16xf32>,
      %swap3A_129 = vector.shape_cast %swap3A_128 : vector<1x16xf32> to vector<16xf32>
      %swap3A_130 = vector.shape_cast %broadcast_in_dim3A_1 : vector<16xf32> to vector<1x16xf32>
      tpu.vector_store %arg14[%swap3A_126, %swap3A_127], %swap3A_130 {strides = array<i32>} : memref<64x128xf32, #tpu.memory_space<vmem>>, vector<1x16xf32>,
      %swap3A_131 = arith.index_cast %scan3A_111 : i32 to index
      %swap3A_132 = arith.constant 64 : index
      %swap3A_133 = tpu.vector_load %arg14[%swap3A_131, %swap3A_132] {strides = array<i32>} : memref<64x128xf32, #tpu.memory_space<vmem>>, vector<1x16xf32>,
      %swap3A_134 = vector.shape_cast %swap3A_133 : vector<1x16xf32> to vector<16xf32>
      %swap3A_135 = vector.shape_cast %broadcast_in_dim3A_1 : vector<16xf32> to vector<1x16xf32>
      tpu.vector_store %arg14[%swap3A_131, %swap3A_132], %swap3A_135 {strides = array<i32>} : memref<64x128xf32, #tpu.memory_space<vmem>>, vector<1x16xf32>,
      %swap3A_136 = arith.index_cast %scan3A_111 : i32 to index
      %swap3A_137 = arith.constant 80 : index
      %swap3A_138 = tpu.vector_load %arg14[%swap3A_136, %swap3A_137] {strides = array<i32>} : memref<64x128xf32, #tpu.memory_space<vmem>>, vector<1x16xf32>,
      %swap3A_139 = vector.shape_cast %swap3A_138 : vector<1x16xf32> to vector<16xf32>
      %swap3A_140 = vector.shape_cast %broadcast_in_dim3A_1 : vector<16xf32> to vector<1x16xf32>
      tpu.vector_store %arg14[%swap3A_136, %swap3A_137], %swap3A_140 {strides = array<i32>} : memref<64x128xf32, #tpu.memory_space<vmem>>, vector<1x16xf32>,
      %swap3A_141 = arith.index_cast %scan3A_111 : i32 to index
      %swap3A_142 = arith.constant 96 : index
      %swap3A_143 = tpu.vector_load %arg14[%swap3A_141, %swap3A_142] {strides = array<i32>} : memref<64x128xf32, #tpu.memory_space<vmem>>, vector<1x16xf32>,
      %swap3A_144 = vector.shape_cast %swap3A_143 : vector<1x16xf32> to vector<16xf32>
      %swap3A_145 = vector.shape_cast %broadcast_in_dim3A_1 : vector<16xf32> to vector<1x16xf32>
      tpu.vector_store %arg14[%swap3A_141, %swap3A_142], %swap3A_145 {strides = array<i32>} : memref<64x128xf32, #tpu.memory_space<vmem>>, vector<1x16xf32>,
      %swap3A_146 = arith.index_cast %scan3A_111 : i32 to index
      %swap3A_147 = arith.constant 112 : index
      %swap3A_148 = tpu.vector_load %arg14[%swap3A_146, %swap3A_147] {strides = array<i32>} : memref<64x128xf32, #tpu.memory_space<vmem>>, vector<1x16xf32>,
      %swap3A_149 = vector.shape_cast %swap3A_148 : vector<1x16xf32> to vector<16xf32>
      %swap3A_150 = vector.shape_cast %broadcast_in_dim3A_1 : vector<16xf32> to vector<1x16xf32>
      tpu.vector_store %arg14[%swap3A_146, %swap3A_147], %swap3A_150 {strides = array<i32>} : memref<64x128xf32, #tpu.memory_space<vmem>>, vector<1x16xf32>,
    }
    %scan3A_6 = arith.constant 64 : i32
    %mul3A_7 = arith.constant 624 : i32
    %mul3A_8 = arith.muli %arg1, %mul3A_7 : i32
    %add3A_9 = arith.constant 0 : i32
    %add3A_10 = arith.addi %mul3A_8, %add3A_9 : i32
    "tpu.region"() ({
      %run_scoped3A = tpu.sem_alloc : memref<!tpu.dma_semaphore, #tpu.memory_space<semaphore_mem>>
      %dma_start3A = arith.constant 0 : i32
      %dma_start3A_111 = tpu.memref_slice %arg18[%add3A_10, %dma_start3A] : memref<10000x128xf32, #tpu.memory_space<vmem_shared>> -> memref<64x128xf32, #tpu.memory_space<vmem_shared>>
      %dma_start3A_112 = arith.constant 0 : i32
      %dma_start3A_113 = tpu.memref_slice %arg18[%add3A_10, %dma_start3A_112] : memref<10000x128xf32, #tpu.memory_space<vmem_shared>> -> memref<64x128xf32, #tpu.memory_space<vmem_shared>>
      tpu.enqueue_dma source(%arg14 : memref<64x128xf32, #tpu.memory_space<vmem>>) target(%dma_start3A_113 : memref<64x128xf32, #tpu.memory_space<vmem_shared>>) target_semaphore(%run_scoped3A : memref<!tpu.dma_semaphore, #tpu.memory_space<semaphore_mem>>)
      %dma_wait3A = arith.constant 0 : i32
      %dma_wait3A_114 = tpu.memref_slice %arg18[%add3A_10, %dma_wait3A] : memref<10000x128xf32, #tpu.memory_space<vmem_shared>> -> memref<64x128xf32, #tpu.memory_space<vmem_shared>>
      %dma_wait3A_115 = arith.constant 0 : i32
      %dma_wait3A_116 = tpu.memref_slice %arg18[%add3A_10, %dma_wait3A_115] : memref<10000x128xf32, #tpu.memory_space<vmem_shared>> -> memref<64x128xf32, #tpu.memory_space<vmem_shared>>
      tpu.wait_dma2 semaphore(%run_scoped3A : memref<!tpu.dma_semaphore, #tpu.memory_space<semaphore_mem>>) src(%arg14 : memref<64x128xf32, #tpu.memory_space<vmem>>) dst(%dma_wait3A_116 : memref<64x128xf32, #tpu.memory_space<vmem_shared>>)
      tpu.yield
    }) : () -> ()
    %mul3A_11 = arith.constant 624 : i32
    %mul3A_12 = arith.muli %arg1, %mul3A_11 : i32
    %add3A_13 = arith.constant 64 : i32
    %add3A_14 = arith.addi %mul3A_12, %add3A_13 : i32
    "tpu.region"() ({
      %run_scoped3A = tpu.sem_alloc : memref<!tpu.dma_semaphore, #tpu.memory_space<semaphore_mem>>
      %dma_start3A = arith.constant 0 : i32
      %dma_start3A_111 = tpu.memref_slice %arg18[%add3A_14, %dma_start3A] : memref<10000x128xf32, #tpu.memory_space<vmem_shared>> -> memref<64x128xf32, #tpu.memory_space<vmem_shared>>
      %dma_start3A_112 = arith.constant 0 : i32
      %dma_start3A_113 = tpu.memref_slice %arg18[%add3A_14, %dma_start3A_112] : memref<10000x128xf32, #tpu.memory_space<vmem_shared>> -> memref<64x128xf32, #tpu.memory_space<vmem_shared>>
      tpu.enqueue_dma source(%arg14 : memref<64x128xf32, #tpu.memory_space<vmem>>) target(%dma_start3A_113 : memref<64x128xf32, #tpu.memory_space<vmem_shared>>) target_semaphore(%run_scoped3A : memref<!tpu.dma_semaphore, #tpu.memory_space<semaphore_mem>>)
      %dma_wait3A = arith.constant 0 : i32
      %dma_wait3A_114 = tpu.memref_slice %arg18[%add3A_14, %dma_wait3A] : memref<10000x128xf32, #tpu.memory_space<vmem_shared>> -> memref<64x128xf32, #tpu.memory_space<vmem_shared>>
      %dma_wait3A_115 = arith.constant 0 : i32
      %dma_wait3A_116 = tpu.memref_slice %arg18[%add3A_14, %dma_wait3A_115] : memref<10000x128xf32, #tpu.memory_space<vmem_shared>> -> memref<64x128xf32, #tpu.memory_space<vmem_shared>>
      tpu.wait_dma2 semaphore(%run_scoped3A : memref<!tpu.dma_semaphore, #tpu.memory_space<semaphore_mem>>) src(%arg14 : memref<64x128xf32, #tpu.memory_space<vmem>>) dst(%dma_wait3A_116 : memref<64x128xf32, #tpu.memory_space<vmem_shared>>)
      tpu.yield
    }) : () -> ()
    %mul3A_15 = arith.constant 624 : i32
    %mul3A_16 = arith.muli %arg1, %mul3A_15 : i32
    %add3A_17 = arith.constant 128 : i32
    %add3A_18 = arith.addi %mul3A_16, %add3A_17 : i32
    "tpu.region"() ({
      %run_scoped3A = tpu.sem_alloc : memref<!tpu.dma_semaphore, #tpu.memory_space<semaphore_mem>>
      %dma_start3A = arith.constant 0 : i32
      %dma_start3A_111 = tpu.memref_slice %arg18[%add3A_18, %dma_start3A] : memref<10000x128xf32, #tpu.memory_space<vmem_shared>> -> memref<64x128xf32, #tpu.memory_space<vmem_shared>>
      %dma_start3A_112 = arith.constant 0 : i32
      %dma_start3A_113 = tpu.memref_slice %arg18[%add3A_18, %dma_start3A_112] : memref<10000x128xf32, #tpu.memory_space<vmem_shared>> -> memref<64x128xf32, #tpu.memory_space<vmem_shared>>
      tpu.enqueue_dma source(%arg14 : memref<64x128xf32, #tpu.memory_space<vmem>>) target(%dma_start3A_113 : memref<64x128xf32, #tpu.memory_space<vmem_shared>>) target_semaphore(%run_scoped3A : memref<!tpu.dma_semaphore, #tpu.memory_space<semaphore_mem>>)
      %dma_wait3A = arith.constant 0 : i32
      %dma_wait3A_114 = tpu.memref_slice %arg18[%add3A_18, %dma_wait3A] : memref<10000x128xf32, #tpu.memory_space<vmem_shared>> -> memref<64x128xf32, #tpu.memory_space<vmem_shared>>
      %dma_wait3A_115 = arith.constant 0 : i32
      %dma_wait3A_116 = tpu.memref_slice %arg18[%add3A_18, %dma_wait3A_115] : memref<10000x128xf32, #tpu.memory_space<vmem_shared>> -> memref<64x128xf32, #tpu.memory_space<vmem_shared>>
      tpu.wait_dma2 semaphore(%run_scoped3A : memref<!tpu.dma_semaphore, #tpu.memory_space<semaphore_mem>>) src(%arg14 : memref<64x128xf32, #tpu.memory_space<vmem>>) dst(%dma_wait3A_116 : memref<64x128xf32, #tpu.memory_space<vmem_shared>>)
      tpu.yield
    }) : () -> ()
    %mul3A_19 = arith.constant 624 : i32
    %mul3A_20 = arith.muli %arg1, %mul3A_19 : i32
    %add3A_21 = arith.constant 192 : i32
    %add3A_22 = arith.addi %mul3A_20, %add3A_21 : i32
    "tpu.region"() ({
      %run_scoped3A = tpu.sem_alloc : memref<!tpu.dma_semaphore, #tpu.memory_space<semaphore_mem>>
      %dma_start3A = arith.constant 0 : i32
      %dma_start3A_111 = tpu.memref_slice %arg18[%add3A_22, %dma_start3A] : memref<10000x128xf32, #tpu.memory_space<vmem_shared>> -> memref<64x128xf32, #tpu.memory_space<vmem_shared>>
      %dma_start3A_112 = arith.constant 0 : i32
      %dma_start3A_113 = tpu.memref_slice %arg18[%add3A_22, %dma_start3A_112] : memref<10000x128xf32, #tpu.memory_space<vmem_shared>> -> memref<64x128xf32, #tpu.memory_space<vmem_shared>>
      tpu.enqueue_dma source(%arg14 : memref<64x128xf32, #tpu.memory_space<vmem>>) target(%dma_start3A_113 : memref<64x128xf32, #tpu.memory_space<vmem_shared>>) target_semaphore(%run_scoped3A : memref<!tpu.dma_semaphore, #tpu.memory_space<semaphore_mem>>)
      %dma_wait3A = arith.constant 0 : i32
      %dma_wait3A_114 = tpu.memref_slice %arg18[%add3A_22, %dma_wait3A] : memref<10000x128xf32, #tpu.memory_space<vmem_shared>> -> memref<64x128xf32, #tpu.memory_space<vmem_shared>>
      %dma_wait3A_115 = arith.constant 0 : i32
      %dma_wait3A_116 = tpu.memref_slice %arg18[%add3A_22, %dma_wait3A_115] : memref<10000x128xf32, #tpu.memory_space<vmem_shared>> -> memref<64x128xf32, #tpu.memory_space<vmem_shared>>
      tpu.wait_dma2 semaphore(%run_scoped3A : memref<!tpu.dma_semaphore, #tpu.memory_space<semaphore_mem>>) src(%arg14 : memref<64x128xf32, #tpu.memory_space<vmem>>) dst(%dma_wait3A_116 : memref<64x128xf32, #tpu.memory_space<vmem_shared>>)
      tpu.yield
    }) : () -> ()
    %mul3A_23 = arith.constant 624 : i32
    %mul3A_24 = arith.muli %arg1, %mul3A_23 : i32
    %add3A_25 = arith.constant 256 : i32
    %add3A_26 = arith.addi %mul3A_24, %add3A_25 : i32
    "tpu.region"() ({
      %run_scoped3A = tpu.sem_alloc : memref<!tpu.dma_semaphore, #tpu.memory_space<semaphore_mem>>
      %dma_start3A = arith.constant 0 : i32
      %dma_start3A_111 = tpu.memref_slice %arg18[%add3A_26, %dma_start3A] : memref<10000x128xf32, #tpu.memory_space<vmem_shared>> -> memref<64x128xf32, #tpu.memory_space<vmem_shared>>
      %dma_start3A_112 = arith.constant 0 : i32
      %dma_start3A_113 = tpu.memref_slice %arg18[%add3A_26, %dma_start3A_112] : memref<10000x128xf32, #tpu.memory_space<vmem_shared>> -> memref<64x128xf32, #tpu.memory_space<vmem_shared>>
      tpu.enqueue_dma source(%arg14 : memref<64x128xf32, #tpu.memory_space<vmem>>) target(%dma_start3A_113 : memref<64x128xf32, #tpu.memory_space<vmem_shared>>) target_semaphore(%run_scoped3A : memref<!tpu.dma_semaphore, #tpu.memory_space<semaphore_mem>>)
      %dma_wait3A = arith.constant 0 : i32
      %dma_wait3A_114 = tpu.memref_slice %arg18[%add3A_26, %dma_wait3A] : memref<10000x128xf32, #tpu.memory_space<vmem_shared>> -> memref<64x128xf32, #tpu.memory_space<vmem_shared>>
      %dma_wait3A_115 = arith.constant 0 : i32
      %dma_wait3A_116 = tpu.memref_slice %arg18[%add3A_26, %dma_wait3A_115] : memref<10000x128xf32, #tpu.memory_space<vmem_shared>> -> memref<64x128xf32, #tpu.memory_space<vmem_shared>>
      tpu.wait_dma2 semaphore(%run_scoped3A : memref<!tpu.dma_semaphore, #tpu.memory_space<semaphore_mem>>) src(%arg14 : memref<64x128xf32, #tpu.memory_space<vmem>>) dst(%dma_wait3A_116 : memref<64x128xf32, #tpu.memory_space<vmem_shared>>)
      tpu.yield
    }) : () -> ()
    %mul3A_27 = arith.constant 624 : i32
    %mul3A_28 = arith.muli %arg1, %mul3A_27 : i32
    %add3A_29 = arith.constant 320 : i32
    %add3A_30 = arith.addi %mul3A_28, %add3A_29 : i32
    "tpu.region"() ({
      %run_scoped3A = tpu.sem_alloc : memref<!tpu.dma_semaphore, #tpu.memory_space<semaphore_mem>>
      %dma_start3A = arith.constant 0 : i32
      %dma_start3A_111 = tpu.memref_slice %arg18[%add3A_30, %dma_start3A] : memref<10000x128xf32, #tpu.memory_space<vmem_shared>> -> memref<64x128xf32, #tpu.memory_space<vmem_shared>>
      %dma_start3A_112 = arith.constant 0 : i32
      %dma_start3A_113 = tpu.memref_slice %arg18[%add3A_30, %dma_start3A_112] : memref<10000x128xf32, #tpu.memory_space<vmem_shared>> -> memref<64x128xf32, #tpu.memory_space<vmem_shared>>
      tpu.enqueue_dma source(%arg14 : memref<64x128xf32, #tpu.memory_space<vmem>>) target(%dma_start3A_113 : memref<64x128xf32, #tpu.memory_space<vmem_shared>>) target_semaphore(%run_scoped3A : memref<!tpu.dma_semaphore, #tpu.memory_space<semaphore_mem>>)
      %dma_wait3A = arith.constant 0 : i32
      %dma_wait3A_114 = tpu.memref_slice %arg18[%add3A_30, %dma_wait3A] : memref<10000x128xf32, #tpu.memory_space<vmem_shared>> -> memref<64x128xf32, #tpu.memory_space<vmem_shared>>
      %dma_wait3A_115 = arith.constant 0 : i32
      %dma_wait3A_116 = tpu.memref_slice %arg18[%add3A_30, %dma_wait3A_115] : memref<10000x128xf32, #tpu.memory_space<vmem_shared>> -> memref<64x128xf32, #tpu.memory_space<vmem_shared>>
      tpu.wait_dma2 semaphore(%run_scoped3A : memref<!tpu.dma_semaphore, #tpu.memory_space<semaphore_mem>>) src(%arg14 : memref<64x128xf32, #tpu.memory_space<vmem>>) dst(%dma_wait3A_116 : memref<64x128xf32, #tpu.memory_space<vmem_shared>>)
      tpu.yield
    }) : () -> ()
    %mul3A_31 = arith.constant 624 : i32
    %mul3A_32 = arith.muli %arg1, %mul3A_31 : i32
    %add3A_33 = arith.constant 384 : i32
    %add3A_34 = arith.addi %mul3A_32, %add3A_33 : i32
    "tpu.region"() ({
      %run_scoped3A = tpu.sem_alloc : memref<!tpu.dma_semaphore, #tpu.memory_space<semaphore_mem>>
      %dma_start3A = arith.constant 0 : i32
      %dma_start3A_111 = tpu.memref_slice %arg18[%add3A_34, %dma_start3A] : memref<10000x128xf32, #tpu.memory_space<vmem_shared>> -> memref<64x128xf32, #tpu.memory_space<vmem_shared>>
      %dma_start3A_112 = arith.constant 0 : i32
      %dma_start3A_113 = tpu.memref_slice %arg18[%add3A_34, %dma_start3A_112] : memref<10000x128xf32, #tpu.memory_space<vmem_shared>> -> memref<64x128xf32, #tpu.memory_space<vmem_shared>>
      tpu.enqueue_dma source(%arg14 : memref<64x128xf32, #tpu.memory_space<vmem>>) target(%dma_start3A_113 : memref<64x128xf32, #tpu.memory_space<vmem_shared>>) target_semaphore(%run_scoped3A : memref<!tpu.dma_semaphore, #tpu.memory_space<semaphore_mem>>)
      %dma_wait3A = arith.constant 0 : i32
      %dma_wait3A_114 = tpu.memref_slice %arg18[%add3A_34, %dma_wait3A] : memref<10000x128xf32, #tpu.memory_space<vmem_shared>> -> memref<64x128xf32, #tpu.memory_space<vmem_shared>>
      %dma_wait3A_115 = arith.constant 0 : i32
      %dma_wait3A_116 = tpu.memref_slice %arg18[%add3A_34, %dma_wait3A_115] : memref<10000x128xf32, #tpu.memory_space<vmem_shared>> -> memref<64x128xf32, #tpu.memory_space<vmem_shared>>
      tpu.wait_dma2 semaphore(%run_scoped3A : memref<!tpu.dma_semaphore, #tpu.memory_space<semaphore_mem>>) src(%arg14 : memref<64x128xf32, #tpu.memory_space<vmem>>) dst(%dma_wait3A_116 : memref<64x128xf32, #tpu.memory_space<vmem_shared>>)
      tpu.yield
    }) : () -> ()
    %mul3A_35 = arith.constant 624 : i32
    %mul3A_36 = arith.muli %arg1, %mul3A_35 : i32
    %add3A_37 = arith.constant 448 : i32
    %add3A_38 = arith.addi %mul3A_36, %add3A_37 : i32
    "tpu.region"() ({
      %run_scoped3A = tpu.sem_alloc : memref<!tpu.dma_semaphore, #tpu.memory_space<semaphore_mem>>
      %dma_start3A = arith.constant 0 : i32
      %dma_start3A_111 = tpu.memref_slice %arg18[%add3A_38, %dma_start3A] : memref<10000x128xf32, #tpu.memory_space<vmem_shared>> -> memref<64x128xf32, #tpu.memory_space<vmem_shared>>
      %dma_start3A_112 = arith.constant 0 : i32
      %dma_start3A_113 = tpu.memref_slice %arg18[%add3A_38, %dma_start3A_112] : memref<10000x128xf32, #tpu.memory_space<vmem_shared>> -> memref<64x128xf32, #tpu.memory_space<vmem_shared>>
      tpu.enqueue_dma source(%arg14 : memref<64x128xf32, #tpu.memory_space<vmem>>) target(%dma_start3A_113 : memref<64x128xf32, #tpu.memory_space<vmem_shared>>) target_semaphore(%run_scoped3A : memref<!tpu.dma_semaphore, #tpu.memory_space<semaphore_mem>>)
      %dma_wait3A = arith.constant 0 : i32
      %dma_wait3A_114 = tpu.memref_slice %arg18[%add3A_38, %dma_wait3A] : memref<10000x128xf32, #tpu.memory_space<vmem_shared>> -> memref<64x128xf32, #tpu.memory_space<vmem_shared>>
      %dma_wait3A_115 = arith.constant 0 : i32
      %dma_wait3A_116 = tpu.memref_slice %arg18[%add3A_38, %dma_wait3A_115] : memref<10000x128xf32, #tpu.memory_space<vmem_shared>> -> memref<64x128xf32, #tpu.memory_space<vmem_shared>>
      tpu.wait_dma2 semaphore(%run_scoped3A : memref<!tpu.dma_semaphore, #tpu.memory_space<semaphore_mem>>) src(%arg14 : memref<64x128xf32, #tpu.memory_space<vmem>>) dst(%dma_wait3A_116 : memref<64x128xf32, #tpu.memory_space<vmem_shared>>)
      tpu.yield
    }) : () -> ()
    %mul3A_39 = arith.constant 624 : i32
    %mul3A_40 = arith.muli %arg1, %mul3A_39 : i32
    %add3A_41 = arith.constant 512 : i32
    %add3A_42 = arith.addi %mul3A_40, %add3A_41 : i32
    "tpu.region"() ({
      %run_scoped3A = tpu.sem_alloc : memref<!tpu.dma_semaphore, #tpu.memory_space<semaphore_mem>>
      %dma_start3A = arith.constant 0 : i32
      %dma_start3A_111 = tpu.memref_slice %arg18[%add3A_42, %dma_start3A] : memref<10000x128xf32, #tpu.memory_space<vmem_shared>> -> memref<64x128xf32, #tpu.memory_space<vmem_shared>>
      %dma_start3A_112 = arith.constant 0 : i32
      %dma_start3A_113 = tpu.memref_slice %arg18[%add3A_42, %dma_start3A_112] : memref<10000x128xf32, #tpu.memory_space<vmem_shared>> -> memref<64x128xf32, #tpu.memory_space<vmem_shared>>
      tpu.enqueue_dma source(%arg14 : memref<64x128xf32, #tpu.memory_space<vmem>>) target(%dma_start3A_113 : memref<64x128xf32, #tpu.memory_space<vmem_shared>>) target_semaphore(%run_scoped3A : memref<!tpu.dma_semaphore, #tpu.memory_space<semaphore_mem>>)
      %dma_wait3A = arith.constant 0 : i32
      %dma_wait3A_114 = tpu.memref_slice %arg18[%add3A_42, %dma_wait3A] : memref<10000x128xf32, #tpu.memory_space<vmem_shared>> -> memref<64x128xf32, #tpu.memory_space<vmem_shared>>
      %dma_wait3A_115 = arith.constant 0 : i32
      %dma_wait3A_116 = tpu.memref_slice %arg18[%add3A_42, %dma_wait3A_115] : memref<10000x128xf32, #tpu.memory_space<vmem_shared>> -> memref<64x128xf32, #tpu.memory_space<vmem_shared>>
      tpu.wait_dma2 semaphore(%run_scoped3A : memref<!tpu.dma_semaphore, #tpu.memory_space<semaphore_mem>>) src(%arg14 : memref<64x128xf32, #tpu.memory_space<vmem>>) dst(%dma_wait3A_116 : memref<64x128xf32, #tpu.memory_space<vmem_shared>>)
      tpu.yield
    }) : () -> ()
    %mul3A_43 = arith.constant 624 : i32
    %mul3A_44 = arith.muli %arg1, %mul3A_43 : i32
    %add3A_45 = arith.constant 576 : i32
    %add3A_46 = arith.addi %mul3A_44, %add3A_45 : i32
    "tpu.region"() ({
      %run_scoped3A = tpu.sem_alloc : memref<!tpu.dma_semaphore, #tpu.memory_space<semaphore_mem>>
      %dma_start3A = arith.constant 0 : i32
      %dma_start3A_111 = arith.constant 0 : i32
      %dma_start3A_112 = tpu.memref_slice %arg14[%dma_start3A, %dma_start3A_111] : memref<64x128xf32, #tpu.memory_space<vmem>> -> memref<48x128xf32, #tpu.memory_space<vmem>>
      %dma_start3A_113 = arith.constant 0 : i32
      %dma_start3A_114 = tpu.memref_slice %arg18[%add3A_46, %dma_start3A_113] : memref<10000x128xf32, #tpu.memory_space<vmem_shared>> -> memref<48x128xf32, #tpu.memory_space<vmem_shared>>
      %dma_start3A_115 = arith.constant 0 : i32
      %dma_start3A_116 = tpu.memref_slice %arg18[%add3A_46, %dma_start3A_115] : memref<10000x128xf32, #tpu.memory_space<vmem_shared>> -> memref<48x128xf32, #tpu.memory_space<vmem_shared>>
      %dma_start3A_117 = arith.constant 0 : i32
      %dma_start3A_118 = arith.constant 0 : i32
      %dma_start3A_119 = tpu.memref_slice %arg14[%dma_start3A_117, %dma_start3A_118] : memref<64x128xf32, #tpu.memory_space<vmem>> -> memref<48x128xf32, #tpu.memory_space<vmem>>
      tpu.enqueue_dma source(%dma_start3A_119 : memref<48x128xf32, #tpu.memory_space<vmem>>) target(%dma_start3A_116 : memref<48x128xf32, #tpu.memory_space<vmem_shared>>) target_semaphore(%run_scoped3A : memref<!tpu.dma_semaphore, #tpu.memory_space<semaphore_mem>>)
      %dma_wait3A = arith.constant 0 : i32
      %dma_wait3A_120 = arith.constant 0 : i32
      %dma_wait3A_121 = tpu.memref_slice %arg14[%dma_wait3A, %dma_wait3A_120] : memref<64x128xf32, #tpu.memory_space<vmem>> -> memref<48x128xf32, #tpu.memory_space<vmem>>
      %dma_wait3A_122 = arith.constant 0 : i32
      %dma_wait3A_123 = tpu.memref_slice %arg18[%add3A_46, %dma_wait3A_122] : memref<10000x128xf32, #tpu.memory_space<vmem_shared>> -> memref<48x128xf32, #tpu.memory_space<vmem_shared>>
      %dma_wait3A_124 = arith.constant 0 : i32
      %dma_wait3A_125 = tpu.memref_slice %arg18[%add3A_46, %dma_wait3A_124] : memref<10000x128xf32, #tpu.memory_space<vmem_shared>> -> memref<48x128xf32, #tpu.memory_space<vmem_shared>>
      %dma_wait3A_126 = arith.constant 0 : i32
      %dma_wait3A_127 = arith.constant 0 : i32
      %dma_wait3A_128 = tpu.memref_slice %arg14[%dma_wait3A_126, %dma_wait3A_127] : memref<64x128xf32, #tpu.memory_space<vmem>> -> memref<48x128xf32, #tpu.memory_space<vmem>>
      tpu.wait_dma2 semaphore(%run_scoped3A : memref<!tpu.dma_semaphore, #tpu.memory_space<semaphore_mem>>) src(%dma_wait3A_128 : memref<48x128xf32, #tpu.memory_space<vmem>>) dst(%dma_wait3A_125 : memref<48x128xf32, #tpu.memory_space<vmem_shared>>)
      tpu.yield
    }) : () -> ()
    %eq3A = arith.constant 15 : i32
    %eq3A_47 = arith.cmpi eq, %arg1, %eq3A : i32
    %convert_element_type3A = arith.extui %eq3A_47 : i1 to i32
    %cond3A = arith.constant 0 : i32
    %cond3A_48 = arith.cmpi ne, %convert_element_type3A, %cond3A : i32
    scf.if %cond3A_48 {
      "tpu.region"() ({
        %run_scoped3A = tpu.sem_alloc : memref<!tpu.dma_semaphore, #tpu.memory_space<semaphore_mem>>
        %dma_start3A = arith.constant 0 : i32
        %dma_start3A_111 = arith.constant 0 : i32
        %dma_start3A_112 = tpu.memref_slice %arg14[%dma_start3A, %dma_start3A_111] : memref<64x128xf32, #tpu.memory_space<vmem>> -> memref<16x128xf32, #tpu.memory_space<vmem>>
        %dma_start3A_113 = arith.constant 9984 : i32
        %dma_start3A_114 = arith.constant 0 : i32
        %dma_start3A_115 = tpu.memref_slice %arg18[%dma_start3A_113, %dma_start3A_114] : memref<10000x128xf32, #tpu.memory_space<vmem_shared>> -> memref<16x128xf32, #tpu.memory_space<vmem_shared>>
        %dma_start3A_116 = arith.constant 9984 : i32
        %dma_start3A_117 = arith.constant 0 : i32
        %dma_start3A_118 = tpu.memref_slice %arg18[%dma_start3A_116, %dma_start3A_117] : memref<10000x128xf32, #tpu.memory_space<vmem_shared>> -> memref<16x128xf32, #tpu.memory_space<vmem_shared>>
        %dma_start3A_119 = arith.constant 0 : i32
        %dma_start3A_120 = arith.constant 0 : i32
        %dma_start3A_121 = tpu.memref_slice %arg14[%dma_start3A_119, %dma_start3A_120] : memref<64x128xf32, #tpu.memory_space<vmem>> -> memref<16x128xf32, #tpu.memory_space<vmem>>
        tpu.enqueue_dma source(%dma_start3A_121 : memref<16x128xf32, #tpu.memory_space<vmem>>) target(%dma_start3A_118 : memref<16x128xf32, #tpu.memory_space<vmem_shared>>) target_semaphore(%run_scoped3A : memref<!tpu.dma_semaphore, #tpu.memory_space<semaphore_mem>>)
        %dma_wait3A = arith.constant 0 : i32
        %dma_wait3A_122 = arith.constant 0 : i32
        %dma_wait3A_123 = tpu.memref_slice %arg14[%dma_wait3A, %dma_wait3A_122] : memref<64x128xf32, #tpu.memory_space<vmem>> -> memref<16x128xf32, #tpu.memory_space<vmem>>
        %dma_wait3A_124 = arith.constant 9984 : i32
        %dma_wait3A_125 = arith.constant 0 : i32
        %dma_wait3A_126 = tpu.memref_slice %arg18[%dma_wait3A_124, %dma_wait3A_125] : memref<10000x128xf32, #tpu.memory_space<vmem_shared>> -> memref<16x128xf32, #tpu.memory_space<vmem_shared>>
        %dma_wait3A_127 = arith.constant 9984 : i32
        %dma_wait3A_128 = arith.constant 0 : i32
        %dma_wait3A_129 = tpu.memref_slice %arg18[%dma_wait3A_127, %dma_wait3A_128] : memref<10000x128xf32, #tpu.memory_space<vmem_shared>> -> memref<16x128xf32, #tpu.memory_space<vmem_shared>>
        %dma_wait3A_130 = arith.constant 0 : i32
        %dma_wait3A_131 = arith.constant 0 : i32
        %dma_wait3A_132 = tpu.memref_slice %arg14[%dma_wait3A_130, %dma_wait3A_131] : memref<64x128xf32, #tpu.memory_space<vmem>> -> memref<16x128xf32, #tpu.memory_space<vmem>>
        tpu.wait_dma2 semaphore(%run_scoped3A : memref<!tpu.dma_semaphore, #tpu.memory_space<semaphore_mem>>) src(%dma_wait3A_132 : memref<16x128xf32, #tpu.memory_space<vmem>>) dst(%dma_wait3A_129 : memref<16x128xf32, #tpu.memory_space<vmem_shared>>)
        tpu.yield
      }) : () -> ()
    } else {
    }
    %barrier3A = arith.constant 0 : index
    tpu.barrier barrier_id(%barrier3A)
    %lt3A = arith.constant 8 : i32
    %lt3A_49 = arith.cmpi slt, %add3A, %lt3A : i32
    %jit3A = arith.constant 157 : i32
    %jit3A_50 = arith.constant 156 : i32
    %select_n3A = arith.select %lt3A_49, %jit3A, %jit3A_50 : i32
    %gt3A = arith.constant 0 : i32
    %gt3A_51 = arith.cmpi sgt, %select_n3A, %gt3A : i32
    %convert_element_type3A_52 = arith.extui %gt3A_51 : i1 to i32
    %cond3A_53 = arith.constant 0 : i32
    %cond3A_54 = arith.cmpi ne, %convert_element_type3A_52, %cond3A_53 : i32
    scf.if %cond3A_54 {
      %add3A_111 = arith.constant 0 : i32
      %add3A_112 = arith.addi %add3A, %add3A_111 : i32
      %mul3A_113 = arith.constant 64 : i32
      %mul3A_114 = arith.muli %add3A_112, %mul3A_113 : i32
      %dma_start3A = tpu.memref_slice %arg3[%mul3A_114] : memref<320000xi32, #tpu.memory_space<hbm>> -> memref<64xi32, #tpu.memory_space<hbm>>
      %dma_start3A_115 = tpu.memref_slice %arg3[%mul3A_114] : memref<320000xi32, #tpu.memory_space<hbm>> -> memref<64xi32, #tpu.memory_space<hbm>>
      tpu.enqueue_dma source(%dma_start3A_115 : memref<64xi32, #tpu.memory_space<hbm>>) target(%arg7 : memref<64xi32, #tpu.memory_space<vmem>>) target_semaphore(%arg19 : memref<!tpu.dma_semaphore, #tpu.memory_space<semaphore_mem>>)
      %dma_start3A_116 = tpu.memref_slice %arg4[%mul3A_114] : memref<320000xi32, #tpu.memory_space<hbm>> -> memref<64xi32, #tpu.memory_space<hbm>>
      %dma_start3A_117 = tpu.memref_slice %arg4[%mul3A_114] : memref<320000xi32, #tpu.memory_space<hbm>> -> memref<64xi32, #tpu.memory_space<hbm>>
      tpu.enqueue_dma source(%dma_start3A_117 : memref<64xi32, #tpu.memory_space<hbm>>) target(%arg10 : memref<64xi32, #tpu.memory_space<vmem>>) target_semaphore(%arg19 : memref<!tpu.dma_semaphore, #tpu.memory_space<semaphore_mem>>)
    } else {
    }
    %gt3A_55 = arith.constant 1 : i32
    %gt3A_56 = arith.cmpi sgt, %select_n3A, %gt3A_55 : i32
    %convert_element_type3A_57 = arith.extui %gt3A_56 : i1 to i32
    %cond3A_58 = arith.constant 0 : i32
    %cond3A_59 = arith.cmpi ne, %convert_element_type3A_57, %cond3A_58 : i32
    scf.if %cond3A_59 {
      %add3A_111 = arith.constant 32 : i32
      %add3A_112 = arith.addi %add3A, %add3A_111 : i32
      %mul3A_113 = arith.constant 64 : i32
      %mul3A_114 = arith.muli %add3A_112, %mul3A_113 : i32
      %dma_start3A = tpu.memref_slice %arg3[%mul3A_114] : memref<320000xi32, #tpu.memory_space<hbm>> -> memref<64xi32, #tpu.memory_space<hbm>>
      %dma_start3A_115 = tpu.memref_slice %arg3[%mul3A_114] : memref<320000xi32, #tpu.memory_space<hbm>> -> memref<64xi32, #tpu.memory_space<hbm>>
      tpu.enqueue_dma source(%dma_start3A_115 : memref<64xi32, #tpu.memory_space<hbm>>) target(%arg8 : memref<64xi32, #tpu.memory_space<vmem>>) target_semaphore(%arg20 : memref<!tpu.dma_semaphore, #tpu.memory_space<semaphore_mem>>)
      %dma_start3A_116 = tpu.memref_slice %arg4[%mul3A_114] : memref<320000xi32, #tpu.memory_space<hbm>> -> memref<64xi32, #tpu.memory_space<hbm>>
      %dma_start3A_117 = tpu.memref_slice %arg4[%mul3A_114] : memref<320000xi32, #tpu.memory_space<hbm>> -> memref<64xi32, #tpu.memory_space<hbm>>
      tpu.enqueue_dma source(%dma_start3A_117 : memref<64xi32, #tpu.memory_space<hbm>>) target(%arg11 : memref<64xi32, #tpu.memory_space<vmem>>) target_semaphore(%arg20 : memref<!tpu.dma_semaphore, #tpu.memory_space<semaphore_mem>>)
    } else {
    }
    %gt3A_60 = arith.constant 0 : i32
    %gt3A_61 = arith.cmpi sgt, %select_n3A, %gt3A_60 : i32
    %convert_element_type3A_62 = arith.extui %gt3A_61 : i1 to i32
    %cond3A_63 = arith.constant 0 : i32
    %cond3A_64 = arith.cmpi ne, %convert_element_type3A_62, %cond3A_63 : i32
    scf.if %cond3A_64 {
      %dma_wait3A = arith.constant 0 : i32
      %dma_wait3A_111 = tpu.memref_slice %arg3[%dma_wait3A] : memref<320000xi32, #tpu.memory_space<hbm>> -> memref<64xi32, #tpu.memory_space<hbm>>
      %dma_wait3A_112 = arith.constant 0 : i32
      %dma_wait3A_113 = tpu.memref_slice %arg3[%dma_wait3A_112] : memref<320000xi32, #tpu.memory_space<hbm>> -> memref<64xi32, #tpu.memory_space<hbm>>
      tpu.wait_dma2 semaphore(%arg19 : memref<!tpu.dma_semaphore, #tpu.memory_space<semaphore_mem>>) src(%dma_wait3A_113 : memref<64xi32, #tpu.memory_space<hbm>>) dst(%arg7 : memref<64xi32, #tpu.memory_space<vmem>>)
      %dma_wait3A_114 = arith.constant 0 : i32
      %dma_wait3A_115 = tpu.memref_slice %arg4[%dma_wait3A_114] : memref<320000xi32, #tpu.memory_space<hbm>> -> memref<64xi32, #tpu.memory_space<hbm>>
      %dma_wait3A_116 = arith.constant 0 : i32
      %dma_wait3A_117 = tpu.memref_slice %arg4[%dma_wait3A_116] : memref<320000xi32, #tpu.memory_space<hbm>> -> memref<64xi32, #tpu.memory_space<hbm>>
      tpu.wait_dma2 semaphore(%arg19 : memref<!tpu.dma_semaphore, #tpu.memory_space<semaphore_mem>>) src(%dma_wait3A_117 : memref<64xi32, #tpu.memory_space<hbm>>) dst(%arg10 : memref<64xi32, #tpu.memory_space<vmem>>)
      %add3A_118 = arith.constant 0 : i32
      %add3A_119 = arith.addi %add3A, %add3A_118 : i32
      %mul3A_120 = arith.constant 64 : i32
      %mul3A_121 = arith.muli %add3A_119, %mul3A_120 : i32
      %dma_start3A = arith.constant 0 : i32
      %dma_start3A_122 = tpu.memref_slice %arg5[%mul3A_121, %dma_start3A] : memref<320000x128xf32, #tpu.memory_space<hbm>> -> memref<64x128xf32, #tpu.memory_space<hbm>>
      %dma_start3A_123 = arith.constant 0 : i32
      %dma_start3A_124 = tpu.memref_slice %arg5[%mul3A_121, %dma_start3A_123] : memref<320000x128xf32, #tpu.memory_space<hbm>> -> memref<64x128xf32, #tpu.memory_space<hbm>>
      tpu.enqueue_dma source(%dma_start3A_124 : memref<64x128xf32, #tpu.memory_space<hbm>>) target(%arg14 : memref<64x128xf32, #tpu.memory_space<vmem>>) target_semaphore(%arg21 : memref<!tpu.dma_semaphore, #tpu.memory_space<semaphore_mem>>)
    } else {
    }
    %gt3A_65 = arith.constant 1 : i32
    %gt3A_66 = arith.cmpi sgt, %select_n3A, %gt3A_65 : i32
    %convert_element_type3A_67 = arith.extui %gt3A_66 : i1 to i32
    %cond3A_68 = arith.constant 0 : i32
    %cond3A_69 = arith.cmpi ne, %convert_element_type3A_67, %cond3A_68 : i32
    scf.if %cond3A_69 {
      %add3A_111 = arith.constant 32 : i32
      %add3A_112 = arith.addi %add3A, %add3A_111 : i32
      %mul3A_113 = arith.constant 64 : i32
      %mul3A_114 = arith.muli %add3A_112, %mul3A_113 : i32
      %dma_start3A = arith.constant 0 : i32
      %dma_start3A_115 = tpu.memref_slice %arg5[%mul3A_114, %dma_start3A] : memref<320000x128xf32, #tpu.memory_space<hbm>> -> memref<64x128xf32, #tpu.memory_space<hbm>>
      %dma_start3A_116 = arith.constant 0 : i32
      %dma_start3A_117 = tpu.memref_slice %arg5[%mul3A_114, %dma_start3A_116] : memref<320000x128xf32, #tpu.memory_space<hbm>> -> memref<64x128xf32, #tpu.memory_space<hbm>>
      tpu.enqueue_dma source(%dma_start3A_117 : memref<64x128xf32, #tpu.memory_space<hbm>>) target(%arg15 : memref<64x128xf32, #tpu.memory_space<vmem>>) target_semaphore(%arg22 : memref<!tpu.dma_semaphore, #tpu.memory_space<semaphore_mem>>)
    } else {
    }
    %gt3A_70 = arith.constant 0 : i32
    %gt3A_71 = arith.cmpi sgt, %select_n3A, %gt3A_70 : i32
    %convert_element_type3A_72 = arith.extui %gt3A_71 : i1 to i32
    %cond3A_73 = arith.constant 0 : i32
    %cond3A_74 = arith.cmpi ne, %convert_element_type3A_72, %cond3A_73 : i32
    scf.if %cond3A_74 {
      %dma_wait3A = arith.constant 0 : i32
      %dma_wait3A_111 = arith.constant 0 : i32
      %dma_wait3A_112 = tpu.memref_slice %arg5[%dma_wait3A, %dma_wait3A_111] : memref<320000x128xf32, #tpu.memory_space<hbm>> -> memref<64x128xf32, #tpu.memory_space<hbm>>
      %dma_wait3A_113 = arith.constant 0 : i32
      %dma_wait3A_114 = arith.constant 0 : i32
      %dma_wait3A_115 = tpu.memref_slice %arg5[%dma_wait3A_113, %dma_wait3A_114] : memref<320000x128xf32, #tpu.memory_space<hbm>> -> memref<64x128xf32, #tpu.memory_space<hbm>>
      tpu.wait_dma2 semaphore(%arg21 : memref<!tpu.dma_semaphore, #tpu.memory_space<semaphore_mem>>) src(%dma_wait3A_115 : memref<64x128xf32, #tpu.memory_space<hbm>>) dst(%arg14 : memref<64x128xf32, #tpu.memory_space<vmem>>)
      %dma_start3A = arith.constant 0 : i32
      %dma_start3A_116 = arith.constant 0 : i32
      %dma_start3A_117 = tpu.memref_slice %arg2[%dma_start3A, %dma_start3A_116] : memref<10000x128xf32, #tpu.memory_space<hbm>> -> memref<10000x128xf32, #tpu.memory_space<hbm>>
      tpu.enqueue_indirect_dma source(%dma_start3A_117 : memref<10000x128xf32, #tpu.memory_space<hbm>>) target(%arg14 : memref<64x128xf32, #tpu.memory_space<vmem>>) offsets(%arg7 : memref<64xi32, #tpu.memory_space<vmem>>) semaphore(%arg25 : memref<!tpu.dma_semaphore, #tpu.memory_space<semaphore_mem>>) {add = true}
    } else {
    }
    %scan3A_75 = arith.constant 0 : i32
    %scan3A_76 = arith.constant 0 : i32
    %scan3A_77 = arith.constant 14 : i32
    %scan3A_78 = arith.addi %scan3A_76, %scan3A_77 : i32
    %scan3A_79 = arith.constant 1 : i32
    scf.for %scan3A_111 = %scan3A_76 to %scan3A_78 step %scan3A_79  : i32 {
      %mul3A_112 = arith.constant 12 : i32
      %mul3A_113 = arith.muli %mul3A_112, %scan3A_111 : i32
      %add3A_114 = arith.constant 0 : i32
      %add3A_115 = arith.addi %mul3A_113, %add3A_114 : i32
      %ge3A = arith.constant 2 : i32
      %ge3A_116 = arith.cmpi sge, %add3A_115, %ge3A : i32
      %add3A_117 = arith.constant 2 : i32
      %add3A_118 = arith.addi %select_n3A, %add3A_117 : i32
      %lt3A_119 = arith.cmpi slt, %add3A_115, %add3A_118 : i32
      %and3A = arith.andi %ge3A_116, %lt3A_119 : i1
      %convert_element_type3A_120 = arith.extui %and3A : i1 to i32
      %cond3A_121 = arith.constant 0 : i32
      %cond3A_122 = arith.cmpi ne, %convert_element_type3A_120, %cond3A_121 : i32
      scf.if %cond3A_122 {
        %dma_wait3A = arith.constant 0 : i32
        %dma_wait3A_386 = arith.constant 0 : i32
        %dma_wait3A_387 = tpu.memref_slice %arg18[%dma_wait3A, %dma_wait3A_386] : memref<10000x128xf32, #tpu.memory_space<vmem_shared>> -> memref<10000x128xf32, #tpu.memory_space<vmem_shared>>
        tpu.wait_indirect_dma semaphore(%arg27 : memref<!tpu.dma_semaphore, #tpu.memory_space<semaphore_mem>>) src(%arg16 : memref<64x128xf32, #tpu.memory_space<vmem>>) dst(%dma_wait3A_387 : memref<10000x128xf32, #tpu.memory_space<vmem_shared>>)
      } else {
      }
      %add3A_123 = arith.constant 1 : i32
      %add3A_124 = arith.addi %add3A_115, %add3A_123 : i32
      %lt3A_125 = arith.cmpi slt, %add3A_124, %select_n3A : i32
      %convert_element_type3A_126 = arith.extui %lt3A_125 : i1 to i32
      %cond3A_127 = arith.constant 0 : i32
      %cond3A_128 = arith.cmpi ne, %convert_element_type3A_126, %cond3A_127 : i32
      scf.if %cond3A_128 {
        %dma_wait3A = arith.constant 0 : i32
        %dma_wait3A_386 = tpu.memref_slice %arg3[%dma_wait3A] : memref<320000xi32, #tpu.memory_space<hbm>> -> memref<64xi32, #tpu.memory_space<hbm>>
        %dma_wait3A_387 = arith.constant 0 : i32
        %dma_wait3A_388 = tpu.memref_slice %arg3[%dma_wait3A_387] : memref<320000xi32, #tpu.memory_space<hbm>> -> memref<64xi32, #tpu.memory_space<hbm>>
        tpu.wait_dma2 semaphore(%arg20 : memref<!tpu.dma_semaphore, #tpu.memory_space<semaphore_mem>>) src(%dma_wait3A_388 : memref<64xi32, #tpu.memory_space<hbm>>) dst(%arg8 : memref<64xi32, #tpu.memory_space<vmem>>)
        %dma_wait3A_389 = arith.constant 0 : i32
        %dma_wait3A_390 = tpu.memref_slice %arg4[%dma_wait3A_389] : memref<320000xi32, #tpu.memory_space<hbm>> -> memref<64xi32, #tpu.memory_space<hbm>>
        %dma_wait3A_391 = arith.constant 0 : i32
        %dma_wait3A_392 = tpu.memref_slice %arg4[%dma_wait3A_391] : memref<320000xi32, #tpu.memory_space<hbm>> -> memref<64xi32, #tpu.memory_space<hbm>>
        tpu.wait_dma2 semaphore(%arg20 : memref<!tpu.dma_semaphore, #tpu.memory_space<semaphore_mem>>) src(%dma_wait3A_392 : memref<64xi32, #tpu.memory_space<hbm>>) dst(%arg11 : memref<64xi32, #tpu.memory_space<vmem>>)
        %dma_wait3A_393 = arith.constant 0 : i32
        %dma_wait3A_394 = arith.constant 0 : i32
        %dma_wait3A_395 = tpu.memref_slice %arg5[%dma_wait3A_393, %dma_wait3A_394] : memref<320000x128xf32, #tpu.memory_space<hbm>> -> memref<64x128xf32, #tpu.memory_space<hbm>>
        %dma_wait3A_396 = arith.constant 0 : i32
        %dma_wait3A_397 = arith.constant 0 : i32
        %dma_wait3A_398 = tpu.memref_slice %arg5[%dma_wait3A_396, %dma_wait3A_397] : memref<320000x128xf32, #tpu.memory_space<hbm>> -> memref<64x128xf32, #tpu.memory_space<hbm>>
        tpu.wait_dma2 semaphore(%arg22 : memref<!tpu.dma_semaphore, #tpu.memory_space<semaphore_mem>>) src(%dma_wait3A_398 : memref<64x128xf32, #tpu.memory_space<hbm>>) dst(%arg15 : memref<64x128xf32, #tpu.memory_space<vmem>>)
        %dma_start3A = arith.constant 0 : i32
        %dma_start3A_399 = arith.constant 0 : i32
        %dma_start3A_400 = tpu.memref_slice %arg2[%dma_start3A, %dma_start3A_399] : memref<10000x128xf32, #tpu.memory_space<hbm>> -> memref<10000x128xf32, #tpu.memory_space<hbm>>
        tpu.enqueue_indirect_dma source(%dma_start3A_400 : memref<10000x128xf32, #tpu.memory_space<hbm>>) target(%arg15 : memref<64x128xf32, #tpu.memory_space<vmem>>) offsets(%arg8 : memref<64xi32, #tpu.memory_space<vmem>>) semaphore(%arg26 : memref<!tpu.dma_semaphore, #tpu.memory_space<semaphore_mem>>) {add = true}
      } else {
      }
      %lt3A_129 = arith.cmpi slt, %add3A_115, %select_n3A : i32
      %convert_element_type3A_130 = arith.extui %lt3A_129 : i1 to i32
      %cond3A_131 = arith.constant 0 : i32
      %cond3A_132 = arith.cmpi ne, %convert_element_type3A_130, %cond3A_131 : i32
      scf.if %cond3A_132 {
        %dma_wait3A = arith.constant 0 : i32
        %dma_wait3A_386 = arith.constant 0 : i32
        %dma_wait3A_387 = tpu.memref_slice %arg2[%dma_wait3A, %dma_wait3A_386] : memref<10000x128xf32, #tpu.memory_space<hbm>> -> memref<10000x128xf32, #tpu.memory_space<hbm>>
        tpu.wait_indirect_dma semaphore(%arg25 : memref<!tpu.dma_semaphore, #tpu.memory_space<semaphore_mem>>) src(%dma_wait3A_387 : memref<10000x128xf32, #tpu.memory_space<hbm>>) dst(%arg14 : memref<64x128xf32, #tpu.memory_space<vmem>>)
        %add3A_388 = arith.constant 2 : i32
        %add3A_389 = arith.addi %add3A_115, %add3A_388 : i32
        %lt3A_390 = arith.cmpi slt, %add3A_389, %select_n3A : i32
        %convert_element_type3A_391 = arith.extui %lt3A_390 : i1 to i32
        %cond3A_392 = arith.constant 0 : i32
        %cond3A_393 = arith.cmpi ne, %convert_element_type3A_391, %cond3A_392 : i32
        scf.if %cond3A_393 {
          %add3A_398 = arith.constant 2 : i32
          %add3A_399 = arith.addi %add3A_115, %add3A_398 : i32
          %mul3A_400 = arith.constant 32 : i32
          %mul3A_401 = arith.muli %add3A_399, %mul3A_400 : i32
          %add3A_402 = arith.addi %add3A, %mul3A_401 : i32
          %mul3A_403 = arith.constant 64 : i32
          %mul3A_404 = arith.muli %add3A_402, %mul3A_403 : i32
          %dma_start3A_405 = tpu.memref_slice %arg3[%mul3A_404] : memref<320000xi32, #tpu.memory_space<hbm>> -> memref<64xi32, #tpu.memory_space<hbm>>
          %dma_start3A_406 = tpu.memref_slice %arg3[%mul3A_404] : memref<320000xi32, #tpu.memory_space<hbm>> -> memref<64xi32, #tpu.memory_space<hbm>>
          tpu.enqueue_dma source(%dma_start3A_406 : memref<64xi32, #tpu.memory_space<hbm>>) target(%arg9 : memref<64xi32, #tpu.memory_space<vmem>>) target_semaphore(%arg19 : memref<!tpu.dma_semaphore, #tpu.memory_space<semaphore_mem>>)
          %dma_start3A_407 = tpu.memref_slice %arg4[%mul3A_404] : memref<320000xi32, #tpu.memory_space<hbm>> -> memref<64xi32, #tpu.memory_space<hbm>>
          %dma_start3A_408 = tpu.memref_slice %arg4[%mul3A_404] : memref<320000xi32, #tpu.memory_space<hbm>> -> memref<64xi32, #tpu.memory_space<hbm>>
          tpu.enqueue_dma source(%dma_start3A_408 : memref<64xi32, #tpu.memory_space<hbm>>) target(%arg12 : memref<64xi32, #tpu.memory_space<vmem>>) target_semaphore(%arg19 : memref<!tpu.dma_semaphore, #tpu.memory_space<semaphore_mem>>)
          %add3A_409 = arith.constant 2 : i32
          %add3A_410 = arith.addi %add3A_115, %add3A_409 : i32
          %mul3A_411 = arith.constant 32 : i32
          %mul3A_412 = arith.muli %add3A_410, %mul3A_411 : i32
          %add3A_413 = arith.addi %add3A, %mul3A_412 : i32
          %mul3A_414 = arith.constant 64 : i32
          %mul3A_415 = arith.muli %add3A_413, %mul3A_414 : i32
          %dma_start3A_416 = arith.constant 0 : i32
          %dma_start3A_417 = tpu.memref_slice %arg5[%mul3A_415, %dma_start3A_416] : memref<320000x128xf32, #tpu.memory_space<hbm>> -> memref<64x128xf32, #tpu.memory_space<hbm>>
          %dma_start3A_418 = arith.constant 0 : i32
          %dma_start3A_419 = tpu.memref_slice %arg5[%mul3A_415, %dma_start3A_418] : memref<320000x128xf32, #tpu.memory_space<hbm>> -> memref<64x128xf32, #tpu.memory_space<hbm>>
          tpu.enqueue_dma source(%dma_start3A_419 : memref<64x128xf32, #tpu.memory_space<hbm>>) target(%arg16 : memref<64x128xf32, #tpu.memory_space<vmem>>) target_semaphore(%arg23 : memref<!tpu.dma_semaphore, #tpu.memory_space<semaphore_mem>>)
        } else {
        }
        %parallel_loop3A = arith.constant 0 : i32
        %parallel_loop3A_394 = arith.constant 64 : i32
        %parallel_loop3A_395 = arith.constant 1 : i32
        scf.for %parallel_loop3A_398 = %parallel_loop3A to %parallel_loop3A_394 step %parallel_loop3A_395  : i32 {
          %parallel_loop3A_399 = arith.index_cast %parallel_loop3A_398 : i32 to index
          %parallel_loop3A_400 = arith.constant 0 : index
          %parallel_loop3A_401 = tpu.vector_load %arg14[%parallel_loop3A_399, %parallel_loop3A_400] {strides = array<i32>} : memref<64x128xf32, #tpu.memory_space<vmem>>, vector<1x16xf32>,
          %parallel_loop3A_402 = vector.shape_cast %parallel_loop3A_401 : vector<1x16xf32> to vector<16xf32>
          %parallel_loop3A_403 = arith.constant 0.000000e+00 : f32
          %parallel_loop3A_404 = vector.broadcast %parallel_loop3A_403 : f32 to vector<16xf32>
          %parallel_loop3A_405 = arith.maximumf %parallel_loop3A_402, %parallel_loop3A_404 : vector<16xf32>
          %parallel_loop3A_406 = arith.index_cast %parallel_loop3A_398 : i32 to index
          %parallel_loop3A_407 = arith.constant 0 : index
          %parallel_loop3A_408 = tpu.vector_load %arg14[%parallel_loop3A_406, %parallel_loop3A_407] {strides = array<i32>} : memref<64x128xf32, #tpu.memory_space<vmem>>, vector<1x16xf32>,
          %parallel_loop3A_409 = vector.shape_cast %parallel_loop3A_408 : vector<1x16xf32> to vector<16xf32>
          %parallel_loop3A_410 = vector.shape_cast %parallel_loop3A_405 : vector<16xf32> to vector<1x16xf32>
          tpu.vector_store %arg14[%parallel_loop3A_406, %parallel_loop3A_407], %parallel_loop3A_410 {strides = array<i32>} : memref<64x128xf32, #tpu.memory_space<vmem>>, vector<1x16xf32>,
          %parallel_loop3A_411 = arith.index_cast %parallel_loop3A_398 : i32 to index
          %parallel_loop3A_412 = arith.constant 16 : index
          %parallel_loop3A_413 = tpu.vector_load %arg14[%parallel_loop3A_411, %parallel_loop3A_412] {strides = array<i32>} : memref<64x128xf32, #tpu.memory_space<vmem>>, vector<1x16xf32>,
          %parallel_loop3A_414 = vector.shape_cast %parallel_loop3A_413 : vector<1x16xf32> to vector<16xf32>
          %parallel_loop3A_415 = arith.constant 0.000000e+00 : f32
          %parallel_loop3A_416 = vector.broadcast %parallel_loop3A_415 : f32 to vector<16xf32>
          %parallel_loop3A_417 = arith.maximumf %parallel_loop3A_414, %parallel_loop3A_416 : vector<16xf32>
          %parallel_loop3A_418 = arith.index_cast %parallel_loop3A_398 : i32 to index
          %parallel_loop3A_419 = arith.constant 16 : index
          %parallel_loop3A_420 = tpu.vector_load %arg14[%parallel_loop3A_418, %parallel_loop3A_419] {strides = array<i32>} : memref<64x128xf32, #tpu.memory_space<vmem>>, vector<1x16xf32>,
          %parallel_loop3A_421 = vector.shape_cast %parallel_loop3A_420 : vector<1x16xf32> to vector<16xf32>
          %parallel_loop3A_422 = vector.shape_cast %parallel_loop3A_417 : vector<16xf32> to vector<1x16xf32>
          tpu.vector_store %arg14[%parallel_loop3A_418, %parallel_loop3A_419], %parallel_loop3A_422 {strides = array<i32>} : memref<64x128xf32, #tpu.memory_space<vmem>>, vector<1x16xf32>,
          %parallel_loop3A_423 = arith.index_cast %parallel_loop3A_398 : i32 to index
          %parallel_loop3A_424 = arith.constant 32 : index
          %parallel_loop3A_425 = tpu.vector_load %arg14[%parallel_loop3A_423, %parallel_loop3A_424] {strides = array<i32>} : memref<64x128xf32, #tpu.memory_space<vmem>>, vector<1x16xf32>,
          %parallel_loop3A_426 = vector.shape_cast %parallel_loop3A_425 : vector<1x16xf32> to vector<16xf32>
          %parallel_loop3A_427 = arith.constant 0.000000e+00 : f32
          %parallel_loop3A_428 = vector.broadcast %parallel_loop3A_427 : f32 to vector<16xf32>
          %parallel_loop3A_429 = arith.maximumf %parallel_loop3A_426, %parallel_loop3A_428 : vector<16xf32>
          %parallel_loop3A_430 = arith.index_cast %parallel_loop3A_398 : i32 to index
          %parallel_loop3A_431 = arith.constant 32 : index
          %parallel_loop3A_432 = tpu.vector_load %arg14[%parallel_loop3A_430, %parallel_loop3A_431] {strides = array<i32>} : memref<64x128xf32, #tpu.memory_space<vmem>>, vector<1x16xf32>,
          %parallel_loop3A_433 = vector.shape_cast %parallel_loop3A_432 : vector<1x16xf32> to vector<16xf32>
          %parallel_loop3A_434 = vector.shape_cast %parallel_loop3A_429 : vector<16xf32> to vector<1x16xf32>
          tpu.vector_store %arg14[%parallel_loop3A_430, %parallel_loop3A_431], %parallel_loop3A_434 {strides = array<i32>} : memref<64x128xf32, #tpu.memory_space<vmem>>, vector<1x16xf32>,
          %parallel_loop3A_435 = arith.index_cast %parallel_loop3A_398 : i32 to index
          %parallel_loop3A_436 = arith.constant 48 : index
          %parallel_loop3A_437 = tpu.vector_load %arg14[%parallel_loop3A_435, %parallel_loop3A_436] {strides = array<i32>} : memref<64x128xf32, #tpu.memory_space<vmem>>, vector<1x16xf32>,
          %parallel_loop3A_438 = vector.shape_cast %parallel_loop3A_437 : vector<1x16xf32> to vector<16xf32>
          %parallel_loop3A_439 = arith.constant 0.000000e+00 : f32
          %parallel_loop3A_440 = vector.broadcast %parallel_loop3A_439 : f32 to vector<16xf32>
          %parallel_loop3A_441 = arith.maximumf %parallel_loop3A_438, %parallel_loop3A_440 : vector<16xf32>
          %parallel_loop3A_442 = arith.index_cast %parallel_loop3A_398 : i32 to index
          %parallel_loop3A_443 = arith.constant 48 : index
          %parallel_loop3A_444 = tpu.vector_load %arg14[%parallel_loop3A_442, %parallel_loop3A_443] {strides = array<i32>} : memref<64x128xf32, #tpu.memory_space<vmem>>, vector<1x16xf32>,
          %parallel_loop3A_445 = vector.shape_cast %parallel_loop3A_444 : vector<1x16xf32> to vector<16xf32>
          %parallel_loop3A_446 = vector.shape_cast %parallel_loop3A_441 : vector<16xf32> to vector<1x16xf32>
          tpu.vector_store %arg14[%parallel_loop3A_442, %parallel_loop3A_443], %parallel_loop3A_446 {strides = array<i32>} : memref<64x128xf32, #tpu.memory_space<vmem>>, vector<1x16xf32>,
          %parallel_loop3A_447 = arith.index_cast %parallel_loop3A_398 : i32 to index
          %parallel_loop3A_448 = arith.constant 64 : index
          %parallel_loop3A_449 = tpu.vector_load %arg14[%parallel_loop3A_447, %parallel_loop3A_448] {strides = array<i32>} : memref<64x128xf32, #tpu.memory_space<vmem>>, vector<1x16xf32>,
          %parallel_loop3A_450 = vector.shape_cast %parallel_loop3A_449 : vector<1x16xf32> to vector<16xf32>
          %parallel_loop3A_451 = arith.constant 0.000000e+00 : f32
          %parallel_loop3A_452 = vector.broadcast %parallel_loop3A_451 : f32 to vector<16xf32>
          %parallel_loop3A_453 = arith.maximumf %parallel_loop3A_450, %parallel_loop3A_452 : vector<16xf32>
          %parallel_loop3A_454 = arith.index_cast %parallel_loop3A_398 : i32 to index
          %parallel_loop3A_455 = arith.constant 64 : index
          %parallel_loop3A_456 = tpu.vector_load %arg14[%parallel_loop3A_454, %parallel_loop3A_455] {strides = array<i32>} : memref<64x128xf32, #tpu.memory_space<vmem>>, vector<1x16xf32>,
          %parallel_loop3A_457 = vector.shape_cast %parallel_loop3A_456 : vector<1x16xf32> to vector<16xf32>
          %parallel_loop3A_458 = vector.shape_cast %parallel_loop3A_453 : vector<16xf32> to vector<1x16xf32>
          tpu.vector_store %arg14[%parallel_loop3A_454, %parallel_loop3A_455], %parallel_loop3A_458 {strides = array<i32>} : memref<64x128xf32, #tpu.memory_space<vmem>>, vector<1x16xf32>,
          %parallel_loop3A_459 = arith.index_cast %parallel_loop3A_398 : i32 to index
          %parallel_loop3A_460 = arith.constant 80 : index
          %parallel_loop3A_461 = tpu.vector_load %arg14[%parallel_loop3A_459, %parallel_loop3A_460] {strides = array<i32>} : memref<64x128xf32, #tpu.memory_space<vmem>>, vector<1x16xf32>,
          %parallel_loop3A_462 = vector.shape_cast %parallel_loop3A_461 : vector<1x16xf32> to vector<16xf32>
          %parallel_loop3A_463 = arith.constant 0.000000e+00 : f32
          %parallel_loop3A_464 = vector.broadcast %parallel_loop3A_463 : f32 to vector<16xf32>
          %parallel_loop3A_465 = arith.maximumf %parallel_loop3A_462, %parallel_loop3A_464 : vector<16xf32>
          %parallel_loop3A_466 = arith.index_cast %parallel_loop3A_398 : i32 to index
          %parallel_loop3A_467 = arith.constant 80 : index
          %parallel_loop3A_468 = tpu.vector_load %arg14[%parallel_loop3A_466, %parallel_loop3A_467] {strides = array<i32>} : memref<64x128xf32, #tpu.memory_space<vmem>>, vector<1x16xf32>,
          %parallel_loop3A_469 = vector.shape_cast %parallel_loop3A_468 : vector<1x16xf32> to vector<16xf32>
          %parallel_loop3A_470 = vector.shape_cast %parallel_loop3A_465 : vector<16xf32> to vector<1x16xf32>
          tpu.vector_store %arg14[%parallel_loop3A_466, %parallel_loop3A_467], %parallel_loop3A_470 {strides = array<i32>} : memref<64x128xf32, #tpu.memory_space<vmem>>, vector<1x16xf32>,
          %parallel_loop3A_471 = arith.index_cast %parallel_loop3A_398 : i32 to index
          %parallel_loop3A_472 = arith.constant 96 : index
          %parallel_loop3A_473 = tpu.vector_load %arg14[%parallel_loop3A_471, %parallel_loop3A_472] {strides = array<i32>} : memref<64x128xf32, #tpu.memory_space<vmem>>, vector<1x16xf32>,
          %parallel_loop3A_474 = vector.shape_cast %parallel_loop3A_473 : vector<1x16xf32> to vector<16xf32>
          %parallel_loop3A_475 = arith.constant 0.000000e+00 : f32
          %parallel_loop3A_476 = vector.broadcast %parallel_loop3A_475 : f32 to vector<16xf32>
          %parallel_loop3A_477 = arith.maximumf %parallel_loop3A_474, %parallel_loop3A_476 : vector<16xf32>
          %parallel_loop3A_478 = arith.index_cast %parallel_loop3A_398 : i32 to index
          %parallel_loop3A_479 = arith.constant 96 : index
          %parallel_loop3A_480 = tpu.vector_load %arg14[%parallel_loop3A_478, %parallel_loop3A_479] {strides = array<i32>} : memref<64x128xf32, #tpu.memory_space<vmem>>, vector<1x16xf32>,
          %parallel_loop3A_481 = vector.shape_cast %parallel_loop3A_480 : vector<1x16xf32> to vector<16xf32>
          %parallel_loop3A_482 = vector.shape_cast %parallel_loop3A_477 : vector<16xf32> to vector<1x16xf32>
          tpu.vector_store %arg14[%parallel_loop3A_478, %parallel_loop3A_479], %parallel_loop3A_482 {strides = array<i32>} : memref<64x128xf32, #tpu.memory_space<vmem>>, vector<1x16xf32>,
          %parallel_loop3A_483 = arith.index_cast %parallel_loop3A_398 : i32 to index
          %parallel_loop3A_484 = arith.constant 112 : index
          %parallel_loop3A_485 = tpu.vector_load %arg14[%parallel_loop3A_483, %parallel_loop3A_484] {strides = array<i32>} : memref<64x128xf32, #tpu.memory_space<vmem>>, vector<1x16xf32>,
          %parallel_loop3A_486 = vector.shape_cast %parallel_loop3A_485 : vector<1x16xf32> to vector<16xf32>
          %parallel_loop3A_487 = arith.constant 0.000000e+00 : f32
          %parallel_loop3A_488 = vector.broadcast %parallel_loop3A_487 : f32 to vector<16xf32>
          %parallel_loop3A_489 = arith.maximumf %parallel_loop3A_486, %parallel_loop3A_488 : vector<16xf32>
          %parallel_loop3A_490 = arith.index_cast %parallel_loop3A_398 : i32 to index
          %parallel_loop3A_491 = arith.constant 112 : index
          %parallel_loop3A_492 = tpu.vector_load %arg14[%parallel_loop3A_490, %parallel_loop3A_491] {strides = array<i32>} : memref<64x128xf32, #tpu.memory_space<vmem>>, vector<1x16xf32>,
          %parallel_loop3A_493 = vector.shape_cast %parallel_loop3A_492 : vector<1x16xf32> to vector<16xf32>
          %parallel_loop3A_494 = vector.shape_cast %parallel_loop3A_489 : vector<16xf32> to vector<1x16xf32>
          tpu.vector_store %arg14[%parallel_loop3A_490, %parallel_loop3A_491], %parallel_loop3A_494 {strides = array<i32>} : memref<64x128xf32, #tpu.memory_space<vmem>>, vector<1x16xf32>,
        } {sc.loop_unroll_factor = 4 : i64, sc.parallel_access}
        %dma_start3A = arith.constant 0 : i32
        %dma_start3A_396 = arith.constant 0 : i32
        %dma_start3A_397 = tpu.memref_slice %arg18[%dma_start3A, %dma_start3A_396] : memref<10000x128xf32, #tpu.memory_space<vmem_shared>> -> memref<10000x128xf32, #tpu.memory_space<vmem_shared>>
        tpu.enqueue_indirect_dma source(%arg14 : memref<64x128xf32, #tpu.memory_space<vmem>>) target(%dma_start3A_397 : memref<10000x128xf32, #tpu.memory_space<vmem_shared>>) offsets(%arg10 : memref<64xi32, #tpu.memory_space<vmem>>) semaphore(%arg27 : memref<!tpu.dma_semaphore, #tpu.memory_space<semaphore_mem>>) {add = true}
      } else {
      }
      %mul3A_133 = arith.constant 12 : i32
      %mul3A_134 = arith.muli %mul3A_133, %scan3A_111 : i32
      %add3A_135 = arith.constant 1 : i32
      %add3A_136 = arith.addi %mul3A_134, %add3A_135 : i32
      %ge3A_137 = arith.constant 2 : i32
      %ge3A_138 = arith.cmpi sge, %add3A_136, %ge3A_137 : i32
      %add3A_139 = arith.constant 2 : i32
      %add3A_140 = arith.addi %select_n3A, %add3A_139 : i32
      %lt3A_141 = arith.cmpi slt, %add3A_136, %add3A_140 : i32
      %and3A_142 = arith.andi %ge3A_138, %lt3A_141 : i1
      %convert_element_type3A_143 = arith.extui %and3A_142 : i1 to i32
      %cond3A_144 = arith.constant 0 : i32
      %cond3A_145 = arith.cmpi ne, %convert_element_type3A_143, %cond3A_144 : i32
      scf.if %cond3A_145 {
        %dma_wait3A = arith.constant 0 : i32
        %dma_wait3A_386 = arith.constant 0 : i32
        %dma_wait3A_387 = tpu.memref_slice %arg18[%dma_wait3A, %dma_wait3A_386] : memref<10000x128xf32, #tpu.memory_space<vmem_shared>> -> memref<10000x128xf32, #tpu.memory_space<vmem_shared>>
        tpu.wait_indirect_dma semaphore(%arg28 : memref<!tpu.dma_semaphore, #tpu.memory_space<semaphore_mem>>) src(%arg17 : memref<64x128xf32, #tpu.memory_space<vmem>>) dst(%dma_wait3A_387 : memref<10000x128xf32, #tpu.memory_space<vmem_shared>>)
      } else {
      }
      %add3A_146 = arith.constant 1 : i32
      %add3A_147 = arith.addi %add3A_136, %add3A_146 : i32
      %lt3A_148 = arith.cmpi slt, %add3A_147, %select_n3A : i32
      %convert_element_type3A_149 = arith.extui %lt3A_148 : i1 to i32
      %cond3A_150 = arith.constant 0 : i32
      %cond3A_151 = arith.cmpi ne, %convert_element_type3A_149, %cond3A_150 : i32
      scf.if %cond3A_151 {
        %dma_wait3A = arith.constant 0 : i32
        %dma_wait3A_386 = tpu.memref_slice %arg3[%dma_wait3A] : memref<320000xi32, #tpu.memory_space<hbm>> -> memref<64xi32, #tpu.memory_space<hbm>>
        %dma_wait3A_387 = arith.constant 0 : i32
        %dma_wait3A_388 = tpu.memref_slice %arg3[%dma_wait3A_387] : memref<320000xi32, #tpu.memory_space<hbm>> -> memref<64xi32, #tpu.memory_space<hbm>>
        tpu.wait_dma2 semaphore(%arg19 : memref<!tpu.dma_semaphore, #tpu.memory_space<semaphore_mem>>) src(%dma_wait3A_388 : memref<64xi32, #tpu.memory_space<hbm>>) dst(%arg9 : memref<64xi32, #tpu.memory_space<vmem>>)
        %dma_wait3A_389 = arith.constant 0 : i32
        %dma_wait3A_390 = tpu.memref_slice %arg4[%dma_wait3A_389] : memref<320000xi32, #tpu.memory_space<hbm>> -> memref<64xi32, #tpu.memory_space<hbm>>
        %dma_wait3A_391 = arith.constant 0 : i32
        %dma_wait3A_392 = tpu.memref_slice %arg4[%dma_wait3A_391] : memref<320000xi32, #tpu.memory_space<hbm>> -> memref<64xi32, #tpu.memory_space<hbm>>
        tpu.wait_dma2 semaphore(%arg19 : memref<!tpu.dma_semaphore, #tpu.memory_space<semaphore_mem>>) src(%dma_wait3A_392 : memref<64xi32, #tpu.memory_space<hbm>>) dst(%arg12 : memref<64xi32, #tpu.memory_space<vmem>>)
        %dma_wait3A_393 = arith.constant 0 : i32
        %dma_wait3A_394 = arith.constant 0 : i32
        %dma_wait3A_395 = tpu.memref_slice %arg5[%dma_wait3A_393, %dma_wait3A_394] : memref<320000x128xf32, #tpu.memory_space<hbm>> -> memref<64x128xf32, #tpu.memory_space<hbm>>
        %dma_wait3A_396 = arith.constant 0 : i32
        %dma_wait3A_397 = arith.constant 0 : i32
        %dma_wait3A_398 = tpu.memref_slice %arg5[%dma_wait3A_396, %dma_wait3A_397] : memref<320000x128xf32, #tpu.memory_space<hbm>> -> memref<64x128xf32, #tpu.memory_space<hbm>>
        tpu.wait_dma2 semaphore(%arg23 : memref<!tpu.dma_semaphore, #tpu.memory_space<semaphore_mem>>) src(%dma_wait3A_398 : memref<64x128xf32, #tpu.memory_space<hbm>>) dst(%arg16 : memref<64x128xf32, #tpu.memory_space<vmem>>)
        %dma_start3A = arith.constant 0 : i32
        %dma_start3A_399 = arith.constant 0 : i32
        %dma_start3A_400 = tpu.memref_slice %arg2[%dma_start3A, %dma_start3A_399] : memref<10000x128xf32, #tpu.memory_space<hbm>> -> memref<10000x128xf32, #tpu.memory_space<hbm>>
        tpu.enqueue_indirect_dma source(%dma_start3A_400 : memref<10000x128xf32, #tpu.memory_space<hbm>>) target(%arg16 : memref<64x128xf32, #tpu.memory_space<vmem>>) offsets(%arg9 : memref<64xi32, #tpu.memory_space<vmem>>) semaphore(%arg25 : memref<!tpu.dma_semaphore, #tpu.memory_space<semaphore_mem>>) {add = true}
      } else {
      }
      %lt3A_152 = arith.cmpi slt, %add3A_136, %select_n3A : i32
      %convert_element_type3A_153 = arith.extui %lt3A_152 : i1 to i32
      %cond3A_154 = arith.constant 0 : i32
      %cond3A_155 = arith.cmpi ne, %convert_element_type3A_153, %cond3A_154 : i32
      scf.if %cond3A_155 {
        %dma_wait3A = arith.constant 0 : i32
        %dma_wait3A_386 = arith.constant 0 : i32
        %dma_wait3A_387 = tpu.memref_slice %arg2[%dma_wait3A, %dma_wait3A_386] : memref<10000x128xf32, #tpu.memory_space<hbm>> -> memref<10000x128xf32, #tpu.memory_space<hbm>>
        tpu.wait_indirect_dma semaphore(%arg26 : memref<!tpu.dma_semaphore, #tpu.memory_space<semaphore_mem>>) src(%dma_wait3A_387 : memref<10000x128xf32, #tpu.memory_space<hbm>>) dst(%arg15 : memref<64x128xf32, #tpu.memory_space<vmem>>)
        %add3A_388 = arith.constant 2 : i32
        %add3A_389 = arith.addi %add3A_136, %add3A_388 : i32
        %lt3A_390 = arith.cmpi slt, %add3A_389, %select_n3A : i32
        %convert_element_type3A_391 = arith.extui %lt3A_390 : i1 to i32
        %cond3A_392 = arith.constant 0 : i32
        %cond3A_393 = arith.cmpi ne, %convert_element_type3A_391, %cond3A_392 : i32
        scf.if %cond3A_393 {
          %add3A_398 = arith.constant 2 : i32
          %add3A_399 = arith.addi %add3A_136, %add3A_398 : i32
          %mul3A_400 = arith.constant 32 : i32
          %mul3A_401 = arith.muli %add3A_399, %mul3A_400 : i32
          %add3A_402 = arith.addi %add3A, %mul3A_401 : i32
          %mul3A_403 = arith.constant 64 : i32
          %mul3A_404 = arith.muli %add3A_402, %mul3A_403 : i32
          %dma_start3A_405 = tpu.memref_slice %arg3[%mul3A_404] : memref<320000xi32, #tpu.memory_space<hbm>> -> memref<64xi32, #tpu.memory_space<hbm>>
          %dma_start3A_406 = tpu.memref_slice %arg3[%mul3A_404] : memref<320000xi32, #tpu.memory_space<hbm>> -> memref<64xi32, #tpu.memory_space<hbm>>
          tpu.enqueue_dma source(%dma_start3A_406 : memref<64xi32, #tpu.memory_space<hbm>>) target(%arg7 : memref<64xi32, #tpu.memory_space<vmem>>) target_semaphore(%arg20 : memref<!tpu.dma_semaphore, #tpu.memory_space<semaphore_mem>>)
          %dma_start3A_407 = tpu.memref_slice %arg4[%mul3A_404] : memref<320000xi32, #tpu.memory_space<hbm>> -> memref<64xi32, #tpu.memory_space<hbm>>
          %dma_start3A_408 = tpu.memref_slice %arg4[%mul3A_404] : memref<320000xi32, #tpu.memory_space<hbm>> -> memref<64xi32, #tpu.memory_space<hbm>>
          tpu.enqueue_dma source(%dma_start3A_408 : memref<64xi32, #tpu.memory_space<hbm>>) target(%arg13 : memref<64xi32, #tpu.memory_space<vmem>>) target_semaphore(%arg20 : memref<!tpu.dma_semaphore, #tpu.memory_space<semaphore_mem>>)
          %add3A_409 = arith.constant 2 : i32
          %add3A_410 = arith.addi %add3A_136, %add3A_409 : i32
          %mul3A_411 = arith.constant 32 : i32
          %mul3A_412 = arith.muli %add3A_410, %mul3A_411 : i32
          %add3A_413 = arith.addi %add3A, %mul3A_412 : i32
          %mul3A_414 = arith.constant 64 : i32
          %mul3A_415 = arith.muli %add3A_413, %mul3A_414 : i32
          %dma_start3A_416 = arith.constant 0 : i32
          %dma_start3A_417 = tpu.memref_slice %arg5[%mul3A_415, %dma_start3A_416] : memref<320000x128xf32, #tpu.memory_space<hbm>> -> memref<64x128xf32, #tpu.memory_space<hbm>>
          %dma_start3A_418 = arith.constant 0 : i32
          %dma_start3A_419 = tpu.memref_slice %arg5[%mul3A_415, %dma_start3A_418] : memref<320000x128xf32, #tpu.memory_space<hbm>> -> memref<64x128xf32, #tpu.memory_space<hbm>>
          tpu.enqueue_dma source(%dma_start3A_419 : memref<64x128xf32, #tpu.memory_space<hbm>>) target(%arg17 : memref<64x128xf32, #tpu.memory_space<vmem>>) target_semaphore(%arg24 : memref<!tpu.dma_semaphore, #tpu.memory_space<semaphore_mem>>)
        } else {
        }
        %parallel_loop3A = arith.constant 0 : i32
        %parallel_loop3A_394 = arith.constant 64 : i32
        %parallel_loop3A_395 = arith.constant 1 : i32
        scf.for %parallel_loop3A_398 = %parallel_loop3A to %parallel_loop3A_394 step %parallel_loop3A_395  : i32 {
          %parallel_loop3A_399 = arith.index_cast %parallel_loop3A_398 : i32 to index
          %parallel_loop3A_400 = arith.constant 0 : index
          %parallel_loop3A_401 = tpu.vector_load %arg15[%parallel_loop3A_399, %parallel_loop3A_400] {strides = array<i32>} : memref<64x128xf32, #tpu.memory_space<vmem>>, vector<1x16xf32>,
          %parallel_loop3A_402 = vector.shape_cast %parallel_loop3A_401 : vector<1x16xf32> to vector<16xf32>
          %parallel_loop3A_403 = arith.constant 0.000000e+00 : f32
          %parallel_loop3A_404 = vector.broadcast %parallel_loop3A_403 : f32 to vector<16xf32>
          %parallel_loop3A_405 = arith.maximumf %parallel_loop3A_402, %parallel_loop3A_404 : vector<16xf32>
          %parallel_loop3A_406 = arith.index_cast %parallel_loop3A_398 : i32 to index
          %parallel_loop3A_407 = arith.constant 0 : index
          %parallel_loop3A_408 = tpu.vector_load %arg15[%parallel_loop3A_406, %parallel_loop3A_407] {strides = array<i32>} : memref<64x128xf32, #tpu.memory_space<vmem>>, vector<1x16xf32>,
          %parallel_loop3A_409 = vector.shape_cast %parallel_loop3A_408 : vector<1x16xf32> to vector<16xf32>
          %parallel_loop3A_410 = vector.shape_cast %parallel_loop3A_405 : vector<16xf32> to vector<1x16xf32>
          tpu.vector_store %arg15[%parallel_loop3A_406, %parallel_loop3A_407], %parallel_loop3A_410 {strides = array<i32>} : memref<64x128xf32, #tpu.memory_space<vmem>>, vector<1x16xf32>,
          %parallel_loop3A_411 = arith.index_cast %parallel_loop3A_398 : i32 to index
          %parallel_loop3A_412 = arith.constant 16 : index
          %parallel_loop3A_413 = tpu.vector_load %arg15[%parallel_loop3A_411, %parallel_loop3A_412] {strides = array<i32>} : memref<64x128xf32, #tpu.memory_space<vmem>>, vector<1x16xf32>,
          %parallel_loop3A_414 = vector.shape_cast %parallel_loop3A_413 : vector<1x16xf32> to vector<16xf32>
          %parallel_loop3A_415 = arith.constant 0.000000e+00 : f32
          %parallel_loop3A_416 = vector.broadcast %parallel_loop3A_415 : f32 to vector<16xf32>
          %parallel_loop3A_417 = arith.maximumf %parallel_loop3A_414, %parallel_loop3A_416 : vector<16xf32>
          %parallel_loop3A_418 = arith.index_cast %parallel_loop3A_398 : i32 to index
          %parallel_loop3A_419 = arith.constant 16 : index
          %parallel_loop3A_420 = tpu.vector_load %arg15[%parallel_loop3A_418, %parallel_loop3A_419] {strides = array<i32>} : memref<64x128xf32, #tpu.memory_space<vmem>>, vector<1x16xf32>,
          %parallel_loop3A_421 = vector.shape_cast %parallel_loop3A_420 : vector<1x16xf32> to vector<16xf32>
          %parallel_loop3A_422 = vector.shape_cast %parallel_loop3A_417 : vector<16xf32> to vector<1x16xf32>
          tpu.vector_store %arg15[%parallel_loop3A_418, %parallel_loop3A_419], %parallel_loop3A_422 {strides = array<i32>} : memref<64x128xf32, #tpu.memory_space<vmem>>, vector<1x16xf32>,
          %parallel_loop3A_423 = arith.index_cast %parallel_loop3A_398 : i32 to index
          %parallel_loop3A_424 = arith.constant 32 : index
          %parallel_loop3A_425 = tpu.vector_load %arg15[%parallel_loop3A_423, %parallel_loop3A_424] {strides = array<i32>} : memref<64x128xf32, #tpu.memory_space<vmem>>, vector<1x16xf32>,
          %parallel_loop3A_426 = vector.shape_cast %parallel_loop3A_425 : vector<1x16xf32> to vector<16xf32>
          %parallel_loop3A_427 = arith.constant 0.000000e+00 : f32
          %parallel_loop3A_428 = vector.broadcast %parallel_loop3A_427 : f32 to vector<16xf32>
          %parallel_loop3A_429 = arith.maximumf %parallel_loop3A_426, %parallel_loop3A_428 : vector<16xf32>
          %parallel_loop3A_430 = arith.index_cast %parallel_loop3A_398 : i32 to index
          %parallel_loop3A_431 = arith.constant 32 : index
          %parallel_loop3A_432 = tpu.vector_load %arg15[%parallel_loop3A_430, %parallel_loop3A_431] {strides = array<i32>} : memref<64x128xf32, #tpu.memory_space<vmem>>, vector<1x16xf32>,
          %parallel_loop3A_433 = vector.shape_cast %parallel_loop3A_432 : vector<1x16xf32> to vector<16xf32>
          %parallel_loop3A_434 = vector.shape_cast %parallel_loop3A_429 : vector<16xf32> to vector<1x16xf32>
          tpu.vector_store %arg15[%parallel_loop3A_430, %parallel_loop3A_431], %parallel_loop3A_434 {strides = array<i32>} : memref<64x128xf32, #tpu.memory_space<vmem>>, vector<1x16xf32>,
          %parallel_loop3A_435 = arith.index_cast %parallel_loop3A_398 : i32 to index
          %parallel_loop3A_436 = arith.constant 48 : index
          %parallel_loop3A_437 = tpu.vector_load %arg15[%parallel_loop3A_435, %parallel_loop3A_436] {strides = array<i32>} : memref<64x128xf32, #tpu.memory_space<vmem>>, vector<1x16xf32>,
          %parallel_loop3A_438 = vector.shape_cast %parallel_loop3A_437 : vector<1x16xf32> to vector<16xf32>
          %parallel_loop3A_439 = arith.constant 0.000000e+00 : f32
          %parallel_loop3A_440 = vector.broadcast %parallel_loop3A_439 : f32 to vector<16xf32>
          %parallel_loop3A_441 = arith.maximumf %parallel_loop3A_438, %parallel_loop3A_440 : vector<16xf32>
          %parallel_loop3A_442 = arith.index_cast %parallel_loop3A_398 : i32 to index
          %parallel_loop3A_443 = arith.constant 48 : index
          %parallel_loop3A_444 = tpu.vector_load %arg15[%parallel_loop3A_442, %parallel_loop3A_443] {strides = array<i32>} : memref<64x128xf32, #tpu.memory_space<vmem>>, vector<1x16xf32>,
          %parallel_loop3A_445 = vector.shape_cast %parallel_loop3A_444 : vector<1x16xf32> to vector<16xf32>
          %parallel_loop3A_446 = vector.shape_cast %parallel_loop3A_441 : vector<16xf32> to vector<1x16xf32>
          tpu.vector_store %arg15[%parallel_loop3A_442, %parallel_loop3A_443], %parallel_loop3A_446 {strides = array<i32>} : memref<64x128xf32, #tpu.memory_space<vmem>>, vector<1x16xf32>,
          %parallel_loop3A_447 = arith.index_cast %parallel_loop3A_398 : i32 to index
          %parallel_loop3A_448 = arith.constant 64 : index
          %parallel_loop3A_449 = tpu.vector_load %arg15[%parallel_loop3A_447, %parallel_loop3A_448] {strides = array<i32>} : memref<64x128xf32, #tpu.memory_space<vmem>>, vector<1x16xf32>,
          %parallel_loop3A_450 = vector.shape_cast %parallel_loop3A_449 : vector<1x16xf32> to vector<16xf32>
          %parallel_loop3A_451 = arith.constant 0.000000e+00 : f32
          %parallel_loop3A_452 = vector.broadcast %parallel_loop3A_451 : f32 to vector<16xf32>
          %parallel_loop3A_453 = arith.maximumf %parallel_loop3A_450, %parallel_loop3A_452 : vector<16xf32>
          %parallel_loop3A_454 = arith.index_cast %parallel_loop3A_398 : i32 to index
          %parallel_loop3A_455 = arith.constant 64 : index
          %parallel_loop3A_456 = tpu.vector_load %arg15[%parallel_loop3A_454, %parallel_loop3A_455] {strides = array<i32>} : memref<64x128xf32, #tpu.memory_space<vmem>>, vector<1x16xf32>,
          %parallel_loop3A_457 = vector.shape_cast %parallel_loop3A_456 : vector<1x16xf32> to vector<16xf32>
          %parallel_loop3A_458 = vector.shape_cast %parallel_loop3A_453 : vector<16xf32> to vector<1x16xf32>
          tpu.vector_store %arg15[%parallel_loop3A_454, %parallel_loop3A_455], %parallel_loop3A_458 {strides = array<i32>} : memref<64x128xf32, #tpu.memory_space<vmem>>, vector<1x16xf32>,
          %parallel_loop3A_459 = arith.index_cast %parallel_loop3A_398 : i32 to index
          %parallel_loop3A_460 = arith.constant 80 : index
          %parallel_loop3A_461 = tpu.vector_load %arg15[%parallel_loop3A_459, %parallel_loop3A_460] {strides = array<i32>} : memref<64x128xf32, #tpu.memory_space<vmem>>, vector<1x16xf32>,
          %parallel_loop3A_462 = vector.shape_cast %parallel_loop3A_461 : vector<1x16xf32> to vector<16xf32>
          %parallel_loop3A_463 = arith.constant 0.000000e+00 : f32
          %parallel_loop3A_464 = vector.broadcast %parallel_loop3A_463 : f32 to vector<16xf32>
          %parallel_loop3A_465 = arith.maximumf %parallel_loop3A_462, %parallel_loop3A_464 : vector<16xf32>
          %parallel_loop3A_466 = arith.index_cast %parallel_loop3A_398 : i32 to index
          %parallel_loop3A_467 = arith.constant 80 : index
          %parallel_loop3A_468 = tpu.vector_load %arg15[%parallel_loop3A_466, %parallel_loop3A_467] {strides = array<i32>} : memref<64x128xf32, #tpu.memory_space<vmem>>, vector<1x16xf32>,
          %parallel_loop3A_469 = vector.shape_cast %parallel_loop3A_468 : vector<1x16xf32> to vector<16xf32>
          %parallel_loop3A_470 = vector.shape_cast %parallel_loop3A_465 : vector<16xf32> to vector<1x16xf32>
          tpu.vector_store %arg15[%parallel_loop3A_466, %parallel_loop3A_467], %parallel_loop3A_470 {strides = array<i32>} : memref<64x128xf32, #tpu.memory_space<vmem>>, vector<1x16xf32>,
          %parallel_loop3A_471 = arith.index_cast %parallel_loop3A_398 : i32 to index
          %parallel_loop3A_472 = arith.constant 96 : index
          %parallel_loop3A_473 = tpu.vector_load %arg15[%parallel_loop3A_471, %parallel_loop3A_472] {strides = array<i32>} : memref<64x128xf32, #tpu.memory_space<vmem>>, vector<1x16xf32>,
          %parallel_loop3A_474 = vector.shape_cast %parallel_loop3A_473 : vector<1x16xf32> to vector<16xf32>
          %parallel_loop3A_475 = arith.constant 0.000000e+00 : f32
          %parallel_loop3A_476 = vector.broadcast %parallel_loop3A_475 : f32 to vector<16xf32>
          %parallel_loop3A_477 = arith.maximumf %parallel_loop3A_474, %parallel_loop3A_476 : vector<16xf32>
          %parallel_loop3A_478 = arith.index_cast %parallel_loop3A_398 : i32 to index
          %parallel_loop3A_479 = arith.constant 96 : index
          %parallel_loop3A_480 = tpu.vector_load %arg15[%parallel_loop3A_478, %parallel_loop3A_479] {strides = array<i32>} : memref<64x128xf32, #tpu.memory_space<vmem>>, vector<1x16xf32>,
          %parallel_loop3A_481 = vector.shape_cast %parallel_loop3A_480 : vector<1x16xf32> to vector<16xf32>
          %parallel_loop3A_482 = vector.shape_cast %parallel_loop3A_477 : vector<16xf32> to vector<1x16xf32>
          tpu.vector_store %arg15[%parallel_loop3A_478, %parallel_loop3A_479], %parallel_loop3A_482 {strides = array<i32>} : memref<64x128xf32, #tpu.memory_space<vmem>>, vector<1x16xf32>,
          %parallel_loop3A_483 = arith.index_cast %parallel_loop3A_398 : i32 to index
          %parallel_loop3A_484 = arith.constant 112 : index
          %parallel_loop3A_485 = tpu.vector_load %arg15[%parallel_loop3A_483, %parallel_loop3A_484] {strides = array<i32>} : memref<64x128xf32, #tpu.memory_space<vmem>>, vector<1x16xf32>,
          %parallel_loop3A_486 = vector.shape_cast %parallel_loop3A_485 : vector<1x16xf32> to vector<16xf32>
          %parallel_loop3A_487 = arith.constant 0.000000e+00 : f32
          %parallel_loop3A_488 = vector.broadcast %parallel_loop3A_487 : f32 to vector<16xf32>
          %parallel_loop3A_489 = arith.maximumf %parallel_loop3A_486, %parallel_loop3A_488 : vector<16xf32>
          %parallel_loop3A_490 = arith.index_cast %parallel_loop3A_398 : i32 to index
          %parallel_loop3A_491 = arith.constant 112 : index
          %parallel_loop3A_492 = tpu.vector_load %arg15[%parallel_loop3A_490, %parallel_loop3A_491] {strides = array<i32>} : memref<64x128xf32, #tpu.memory_space<vmem>>, vector<1x16xf32>,
          %parallel_loop3A_493 = vector.shape_cast %parallel_loop3A_492 : vector<1x16xf32> to vector<16xf32>
          %parallel_loop3A_494 = vector.shape_cast %parallel_loop3A_489 : vector<16xf32> to vector<1x16xf32>
          tpu.vector_store %arg15[%parallel_loop3A_490, %parallel_loop3A_491], %parallel_loop3A_494 {strides = array<i32>} : memref<64x128xf32, #tpu.memory_space<vmem>>, vector<1x16xf32>,
        } {sc.loop_unroll_factor = 4 : i64, sc.parallel_access}
        %dma_start3A = arith.constant 0 : i32
        %dma_start3A_396 = arith.constant 0 : i32
        %dma_start3A_397 = tpu.memref_slice %arg18[%dma_start3A, %dma_start3A_396] : memref<10000x128xf32, #tpu.memory_space<vmem_shared>> -> memref<10000x128xf32, #tpu.memory_space<vmem_shared>>
        tpu.enqueue_indirect_dma source(%arg15 : memref<64x128xf32, #tpu.memory_space<vmem>>) target(%dma_start3A_397 : memref<10000x128xf32, #tpu.memory_space<vmem_shared>>) offsets(%arg11 : memref<64xi32, #tpu.memory_space<vmem>>) semaphore(%arg28 : memref<!tpu.dma_semaphore, #tpu.memory_space<semaphore_mem>>) {add = true}
      } else {
      }
      %mul3A_156 = arith.constant 12 : i32
      %mul3A_157 = arith.muli %mul3A_156, %scan3A_111 : i32
      %add3A_158 = arith.constant 2 : i32
      %add3A_159 = arith.addi %mul3A_157, %add3A_158 : i32
      %ge3A_160 = arith.constant 2 : i32
      %ge3A_161 = arith.cmpi sge, %add3A_159, %ge3A_160 : i32
      %add3A_162 = arith.constant 2 : i32
      %add3A_163 = arith.addi %select_n3A, %add3A_162 : i32
      %lt3A_164 = arith.cmpi slt, %add3A_159, %add3A_163 : i32
      %and3A_165 = arith.andi %ge3A_161, %lt3A_164 : i1
      %convert_element_type3A_166 = arith.extui %and3A_165 : i1 to i32
      %cond3A_167 = arith.constant 0 : i32
      %cond3A_168 = arith.cmpi ne, %convert_element_type3A_166, %cond3A_167 : i32
      scf.if %cond3A_168 {
        %dma_wait3A = arith.constant 0 : i32
        %dma_wait3A_386 = arith.constant 0 : i32
        %dma_wait3A_387 = tpu.memref_slice %arg18[%dma_wait3A, %dma_wait3A_386] : memref<10000x128xf32, #tpu.memory_space<vmem_shared>> -> memref<10000x128xf32, #tpu.memory_space<vmem_shared>>
        tpu.wait_indirect_dma semaphore(%arg27 : memref<!tpu.dma_semaphore, #tpu.memory_space<semaphore_mem>>) src(%arg14 : memref<64x128xf32, #tpu.memory_space<vmem>>) dst(%dma_wait3A_387 : memref<10000x128xf32, #tpu.memory_space<vmem_shared>>)
      } else {
      }
      %add3A_169 = arith.constant 1 : i32
      %add3A_170 = arith.addi %add3A_159, %add3A_169 : i32
      %lt3A_171 = arith.cmpi slt, %add3A_170, %select_n3A : i32
      %convert_element_type3A_172 = arith.extui %lt3A_171 : i1 to i32
      %cond3A_173 = arith.constant 0 : i32
      %cond3A_174 = arith.cmpi ne, %convert_element_type3A_172, %cond3A_173 : i32
      scf.if %cond3A_174 {
        %dma_wait3A = arith.constant 0 : i32
        %dma_wait3A_386 = tpu.memref_slice %arg3[%dma_wait3A] : memref<320000xi32, #tpu.memory_space<hbm>> -> memref<64xi32, #tpu.memory_space<hbm>>
        %dma_wait3A_387 = arith.constant 0 : i32
        %dma_wait3A_388 = tpu.memref_slice %arg3[%dma_wait3A_387] : memref<320000xi32, #tpu.memory_space<hbm>> -> memref<64xi32, #tpu.memory_space<hbm>>
        tpu.wait_dma2 semaphore(%arg20 : memref<!tpu.dma_semaphore, #tpu.memory_space<semaphore_mem>>) src(%dma_wait3A_388 : memref<64xi32, #tpu.memory_space<hbm>>) dst(%arg7 : memref<64xi32, #tpu.memory_space<vmem>>)
        %dma_wait3A_389 = arith.constant 0 : i32
        %dma_wait3A_390 = tpu.memref_slice %arg4[%dma_wait3A_389] : memref<320000xi32, #tpu.memory_space<hbm>> -> memref<64xi32, #tpu.memory_space<hbm>>
        %dma_wait3A_391 = arith.constant 0 : i32
        %dma_wait3A_392 = tpu.memref_slice %arg4[%dma_wait3A_391] : memref<320000xi32, #tpu.memory_space<hbm>> -> memref<64xi32, #tpu.memory_space<hbm>>
        tpu.wait_dma2 semaphore(%arg20 : memref<!tpu.dma_semaphore, #tpu.memory_space<semaphore_mem>>) src(%dma_wait3A_392 : memref<64xi32, #tpu.memory_space<hbm>>) dst(%arg13 : memref<64xi32, #tpu.memory_space<vmem>>)
        %dma_wait3A_393 = arith.constant 0 : i32
        %dma_wait3A_394 = arith.constant 0 : i32
        %dma_wait3A_395 = tpu.memref_slice %arg5[%dma_wait3A_393, %dma_wait3A_394] : memref<320000x128xf32, #tpu.memory_space<hbm>> -> memref<64x128xf32, #tpu.memory_space<hbm>>
        %dma_wait3A_396 = arith.constant 0 : i32
        %dma_wait3A_397 = arith.constant 0 : i32
        %dma_wait3A_398 = tpu.memref_slice %arg5[%dma_wait3A_396, %dma_wait3A_397] : memref<320000x128xf32, #tpu.memory_space<hbm>> -> memref<64x128xf32, #tpu.memory_space<hbm>>
        tpu.wait_dma2 semaphore(%arg24 : memref<!tpu.dma_semaphore, #tpu.memory_space<semaphore_mem>>) src(%dma_wait3A_398 : memref<64x128xf32, #tpu.memory_space<hbm>>) dst(%arg17 : memref<64x128xf32, #tpu.memory_space<vmem>>)
        %dma_start3A = arith.constant 0 : i32
        %dma_start3A_399 = arith.constant 0 : i32
        %dma_start3A_400 = tpu.memref_slice %arg2[%dma_start3A, %dma_start3A_399] : memref<10000x128xf32, #tpu.memory_space<hbm>> -> memref<10000x128xf32, #tpu.memory_space<hbm>>
        tpu.enqueue_indirect_dma source(%dma_start3A_400 : memref<10000x128xf32, #tpu.memory_space<hbm>>) target(%arg17 : memref<64x128xf32, #tpu.memory_space<vmem>>) offsets(%arg7 : memref<64xi32, #tpu.memory_space<vmem>>) semaphore(%arg26 : memref<!tpu.dma_semaphore, #tpu.memory_space<semaphore_mem>>) {add = true}
      } else {
      }
      %lt3A_175 = arith.cmpi slt, %add3A_159, %select_n3A : i32
      %convert_element_type3A_176 = arith.extui %lt3A_175 : i1 to i32
      %cond3A_177 = arith.constant 0 : i32
      %cond3A_178 = arith.cmpi ne, %convert_element_type3A_176, %cond3A_177 : i32
      scf.if %cond3A_178 {
        %dma_wait3A = arith.constant 0 : i32
        %dma_wait3A_386 = arith.constant 0 : i32
        %dma_wait3A_387 = tpu.memref_slice %arg2[%dma_wait3A, %dma_wait3A_386] : memref<10000x128xf32, #tpu.memory_space<hbm>> -> memref<10000x128xf32, #tpu.memory_space<hbm>>
        tpu.wait_indirect_dma semaphore(%arg25 : memref<!tpu.dma_semaphore, #tpu.memory_space<semaphore_mem>>) src(%dma_wait3A_387 : memref<10000x128xf32, #tpu.memory_space<hbm>>) dst(%arg16 : memref<64x128xf32, #tpu.memory_space<vmem>>)
        %add3A_388 = arith.constant 2 : i32
        %add3A_389 = arith.addi %add3A_159, %add3A_388 : i32
        %lt3A_390 = arith.cmpi slt, %add3A_389, %select_n3A : i32
        %convert_element_type3A_391 = arith.extui %lt3A_390 : i1 to i32
        %cond3A_392 = arith.constant 0 : i32
        %cond3A_393 = arith.cmpi ne, %convert_element_type3A_391, %cond3A_392 : i32
        scf.if %cond3A_393 {
          %add3A_398 = arith.constant 2 : i32
          %add3A_399 = arith.addi %add3A_159, %add3A_398 : i32
          %mul3A_400 = arith.constant 32 : i32
          %mul3A_401 = arith.muli %add3A_399, %mul3A_400 : i32
          %add3A_402 = arith.addi %add3A, %mul3A_401 : i32
          %mul3A_403 = arith.constant 64 : i32
          %mul3A_404 = arith.muli %add3A_402, %mul3A_403 : i32
          %dma_start3A_405 = tpu.memref_slice %arg3[%mul3A_404] : memref<320000xi32, #tpu.memory_space<hbm>> -> memref<64xi32, #tpu.memory_space<hbm>>
          %dma_start3A_406 = tpu.memref_slice %arg3[%mul3A_404] : memref<320000xi32, #tpu.memory_space<hbm>> -> memref<64xi32, #tpu.memory_space<hbm>>
          tpu.enqueue_dma source(%dma_start3A_406 : memref<64xi32, #tpu.memory_space<hbm>>) target(%arg8 : memref<64xi32, #tpu.memory_space<vmem>>) target_semaphore(%arg19 : memref<!tpu.dma_semaphore, #tpu.memory_space<semaphore_mem>>)
          %dma_start3A_407 = tpu.memref_slice %arg4[%mul3A_404] : memref<320000xi32, #tpu.memory_space<hbm>> -> memref<64xi32, #tpu.memory_space<hbm>>
          %dma_start3A_408 = tpu.memref_slice %arg4[%mul3A_404] : memref<320000xi32, #tpu.memory_space<hbm>> -> memref<64xi32, #tpu.memory_space<hbm>>
          tpu.enqueue_dma source(%dma_start3A_408 : memref<64xi32, #tpu.memory_space<hbm>>) target(%arg10 : memref<64xi32, #tpu.memory_space<vmem>>) target_semaphore(%arg19 : memref<!tpu.dma_semaphore, #tpu.memory_space<semaphore_mem>>)
          %add3A_409 = arith.constant 2 : i32
          %add3A_410 = arith.addi %add3A_159, %add3A_409 : i32
          %mul3A_411 = arith.constant 32 : i32
          %mul3A_412 = arith.muli %add3A_410, %mul3A_411 : i32
          %add3A_413 = arith.addi %add3A, %mul3A_412 : i32
          %mul3A_414 = arith.constant 64 : i32
          %mul3A_415 = arith.muli %add3A_413, %mul3A_414 : i32
          %dma_start3A_416 = arith.constant 0 : i32
          %dma_start3A_417 = tpu.memref_slice %arg5[%mul3A_415, %dma_start3A_416] : memref<320000x128xf32, #tpu.memory_space<hbm>> -> memref<64x128xf32, #tpu.memory_space<hbm>>
          %dma_start3A_418 = arith.constant 0 : i32
          %dma_start3A_419 = tpu.memref_slice %arg5[%mul3A_415, %dma_start3A_418] : memref<320000x128xf32, #tpu.memory_space<hbm>> -> memref<64x128xf32, #tpu.memory_space<hbm>>
          tpu.enqueue_dma source(%dma_start3A_419 : memref<64x128xf32, #tpu.memory_space<hbm>>) target(%arg14 : memref<64x128xf32, #tpu.memory_space<vmem>>) target_semaphore(%arg21 : memref<!tpu.dma_semaphore, #tpu.memory_space<semaphore_mem>>)
        } else {
        }
        %parallel_loop3A = arith.constant 0 : i32
        %parallel_loop3A_394 = arith.constant 64 : i32
        %parallel_loop3A_395 = arith.constant 1 : i32
        scf.for %parallel_loop3A_398 = %parallel_loop3A to %parallel_loop3A_394 step %parallel_loop3A_395  : i32 {
          %parallel_loop3A_399 = arith.index_cast %parallel_loop3A_398 : i32 to index
          %parallel_loop3A_400 = arith.constant 0 : index
          %parallel_loop3A_401 = tpu.vector_load %arg16[%parallel_loop3A_399, %parallel_loop3A_400] {strides = array<i32>} : memref<64x128xf32, #tpu.memory_space<vmem>>, vector<1x16xf32>,
          %parallel_loop3A_402 = vector.shape_cast %parallel_loop3A_401 : vector<1x16xf32> to vector<16xf32>
          %parallel_loop3A_403 = arith.constant 0.000000e+00 : f32
          %parallel_loop3A_404 = vector.broadcast %parallel_loop3A_403 : f32 to vector<16xf32>
          %parallel_loop3A_405 = arith.maximumf %parallel_loop3A_402, %parallel_loop3A_404 : vector<16xf32>
          %parallel_loop3A_406 = arith.index_cast %parallel_loop3A_398 : i32 to index
          %parallel_loop3A_407 = arith.constant 0 : index
          %parallel_loop3A_408 = tpu.vector_load %arg16[%parallel_loop3A_406, %parallel_loop3A_407] {strides = array<i32>} : memref<64x128xf32, #tpu.memory_space<vmem>>, vector<1x16xf32>,
          %parallel_loop3A_409 = vector.shape_cast %parallel_loop3A_408 : vector<1x16xf32> to vector<16xf32>
          %parallel_loop3A_410 = vector.shape_cast %parallel_loop3A_405 : vector<16xf32> to vector<1x16xf32>
          tpu.vector_store %arg16[%parallel_loop3A_406, %parallel_loop3A_407], %parallel_loop3A_410 {strides = array<i32>} : memref<64x128xf32, #tpu.memory_space<vmem>>, vector<1x16xf32>,
          %parallel_loop3A_411 = arith.index_cast %parallel_loop3A_398 : i32 to index
          %parallel_loop3A_412 = arith.constant 16 : index
          %parallel_loop3A_413 = tpu.vector_load %arg16[%parallel_loop3A_411, %parallel_loop3A_412] {strides = array<i32>} : memref<64x128xf32, #tpu.memory_space<vmem>>, vector<1x16xf32>,
          %parallel_loop3A_414 = vector.shape_cast %parallel_loop3A_413 : vector<1x16xf32> to vector<16xf32>
          %parallel_loop3A_415 = arith.constant 0.000000e+00 : f32
          %parallel_loop3A_416 = vector.broadcast %parallel_loop3A_415 : f32 to vector<16xf32>
          %parallel_loop3A_417 = arith.maximumf %parallel_loop3A_414, %parallel_loop3A_416 : vector<16xf32>
          %parallel_loop3A_418 = arith.index_cast %parallel_loop3A_398 : i32 to index
          %parallel_loop3A_419 = arith.constant 16 : index
          %parallel_loop3A_420 = tpu.vector_load %arg16[%parallel_loop3A_418, %parallel_loop3A_419] {strides = array<i32>} : memref<64x128xf32, #tpu.memory_space<vmem>>, vector<1x16xf32>,
          %parallel_loop3A_421 = vector.shape_cast %parallel_loop3A_420 : vector<1x16xf32> to vector<16xf32>
          %parallel_loop3A_422 = vector.shape_cast %parallel_loop3A_417 : vector<16xf32> to vector<1x16xf32>
          tpu.vector_store %arg16[%parallel_loop3A_418, %parallel_loop3A_419], %parallel_loop3A_422 {strides = array<i32>} : memref<64x128xf32, #tpu.memory_space<vmem>>, vector<1x16xf32>,
          %parallel_loop3A_423 = arith.index_cast %parallel_loop3A_398 : i32 to index
          %parallel_loop3A_424 = arith.constant 32 : index
          %parallel_loop3A_425 = tpu.vector_load %arg16[%parallel_loop3A_423, %parallel_loop3A_424] {strides = array<i32>} : memref<64x128xf32, #tpu.memory_space<vmem>>, vector<1x16xf32>,
          %parallel_loop3A_426 = vector.shape_cast %parallel_loop3A_425 : vector<1x16xf32> to vector<16xf32>
          %parallel_loop3A_427 = arith.constant 0.000000e+00 : f32
          %parallel_loop3A_428 = vector.broadcast %parallel_loop3A_427 : f32 to vector<16xf32>
          %parallel_loop3A_429 = arith.maximumf %parallel_loop3A_426, %parallel_loop3A_428 : vector<16xf32>
          %parallel_loop3A_430 = arith.index_cast %parallel_loop3A_398 : i32 to index
          %parallel_loop3A_431 = arith.constant 32 : index
          %parallel_loop3A_432 = tpu.vector_load %arg16[%parallel_loop3A_430, %parallel_loop3A_431] {strides = array<i32>} : memref<64x128xf32, #tpu.memory_space<vmem>>, vector<1x16xf32>,
          %parallel_loop3A_433 = vector.shape_cast %parallel_loop3A_432 : vector<1x16xf32> to vector<16xf32>
          %parallel_loop3A_434 = vector.shape_cast %parallel_loop3A_429 : vector<16xf32> to vector<1x16xf32>
          tpu.vector_store %arg16[%parallel_loop3A_430, %parallel_loop3A_431], %parallel_loop3A_434 {strides = array<i32>} : memref<64x128xf32, #tpu.memory_space<vmem>>, vector<1x16xf32>,
          %parallel_loop3A_435 = arith.index_cast %parallel_loop3A_398 : i32 to index
          %parallel_loop3A_436 = arith.constant 48 : index
          %parallel_loop3A_437 = tpu.vector_load %arg16[%parallel_loop3A_435, %parallel_loop3A_436] {strides = array<i32>} : memref<64x128xf32, #tpu.memory_space<vmem>>, vector<1x16xf32>,
          %parallel_loop3A_438 = vector.shape_cast %parallel_loop3A_437 : vector<1x16xf32> to vector<16xf32>
          %parallel_loop3A_439 = arith.constant 0.000000e+00 : f32
          %parallel_loop3A_440 = vector.broadcast %parallel_loop3A_439 : f32 to vector<16xf32>
          %parallel_loop3A_441 = arith.maximumf %parallel_loop3A_438, %parallel_loop3A_440 : vector<16xf32>
          %parallel_loop3A_442 = arith.index_cast %parallel_loop3A_398 : i32 to index
          %parallel_loop3A_443 = arith.constant 48 : index
          %parallel_loop3A_444 = tpu.vector_load %arg16[%parallel_loop3A_442, %parallel_loop3A_443] {strides = array<i32>} : memref<64x128xf32, #tpu.memory_space<vmem>>, vector<1x16xf32>,
          %parallel_loop3A_445 = vector.shape_cast %parallel_loop3A_444 : vector<1x16xf32> to vector<16xf32>
          %parallel_loop3A_446 = vector.shape_cast %parallel_loop3A_441 : vector<16xf32> to vector<1x16xf32>
          tpu.vector_store %arg16[%parallel_loop3A_442, %parallel_loop3A_443], %parallel_loop3A_446 {strides = array<i32>} : memref<64x128xf32, #tpu.memory_space<vmem>>, vector<1x16xf32>,
          %parallel_loop3A_447 = arith.index_cast %parallel_loop3A_398 : i32 to index
          %parallel_loop3A_448 = arith.constant 64 : index
          %parallel_loop3A_449 = tpu.vector_load %arg16[%parallel_loop3A_447, %parallel_loop3A_448] {strides = array<i32>} : memref<64x128xf32, #tpu.memory_space<vmem>>, vector<1x16xf32>,
          %parallel_loop3A_450 = vector.shape_cast %parallel_loop3A_449 : vector<1x16xf32> to vector<16xf32>
          %parallel_loop3A_451 = arith.constant 0.000000e+00 : f32
          %parallel_loop3A_452 = vector.broadcast %parallel_loop3A_451 : f32 to vector<16xf32>
          %parallel_loop3A_453 = arith.maximumf %parallel_loop3A_450, %parallel_loop3A_452 : vector<16xf32>
          %parallel_loop3A_454 = arith.index_cast %parallel_loop3A_398 : i32 to index
          %parallel_loop3A_455 = arith.constant 64 : index
          %parallel_loop3A_456 = tpu.vector_load %arg16[%parallel_loop3A_454, %parallel_loop3A_455] {strides = array<i32>} : memref<64x128xf32, #tpu.memory_space<vmem>>, vector<1x16xf32>,
          %parallel_loop3A_457 = vector.shape_cast %parallel_loop3A_456 : vector<1x16xf32> to vector<16xf32>
          %parallel_loop3A_458 = vector.shape_cast %parallel_loop3A_453 : vector<16xf32> to vector<1x16xf32>
          tpu.vector_store %arg16[%parallel_loop3A_454, %parallel_loop3A_455], %parallel_loop3A_458 {strides = array<i32>} : memref<64x128xf32, #tpu.memory_space<vmem>>, vector<1x16xf32>,
          %parallel_loop3A_459 = arith.index_cast %parallel_loop3A_398 : i32 to index
          %parallel_loop3A_460 = arith.constant 80 : index
          %parallel_loop3A_461 = tpu.vector_load %arg16[%parallel_loop3A_459, %parallel_loop3A_460] {strides = array<i32>} : memref<64x128xf32, #tpu.memory_space<vmem>>, vector<1x16xf32>,
          %parallel_loop3A_462 = vector.shape_cast %parallel_loop3A_461 : vector<1x16xf32> to vector<16xf32>
          %parallel_loop3A_463 = arith.constant 0.000000e+00 : f32
          %parallel_loop3A_464 = vector.broadcast %parallel_loop3A_463 : f32 to vector<16xf32>
          %parallel_loop3A_465 = arith.maximumf %parallel_loop3A_462, %parallel_loop3A_464 : vector<16xf32>
          %parallel_loop3A_466 = arith.index_cast %parallel_loop3A_398 : i32 to index
          %parallel_loop3A_467 = arith.constant 80 : index
          %parallel_loop3A_468 = tpu.vector_load %arg16[%parallel_loop3A_466, %parallel_loop3A_467] {strides = array<i32>} : memref<64x128xf32, #tpu.memory_space<vmem>>, vector<1x16xf32>,
          %parallel_loop3A_469 = vector.shape_cast %parallel_loop3A_468 : vector<1x16xf32> to vector<16xf32>
          %parallel_loop3A_470 = vector.shape_cast %parallel_loop3A_465 : vector<16xf32> to vector<1x16xf32>
          tpu.vector_store %arg16[%parallel_loop3A_466, %parallel_loop3A_467], %parallel_loop3A_470 {strides = array<i32>} : memref<64x128xf32, #tpu.memory_space<vmem>>, vector<1x16xf32>,
          %parallel_loop3A_471 = arith.index_cast %parallel_loop3A_398 : i32 to index
          %parallel_loop3A_472 = arith.constant 96 : index
          %parallel_loop3A_473 = tpu.vector_load %arg16[%parallel_loop3A_471, %parallel_loop3A_472] {strides = array<i32>} : memref<64x128xf32, #tpu.memory_space<vmem>>, vector<1x16xf32>,
          %parallel_loop3A_474 = vector.shape_cast %parallel_loop3A_473 : vector<1x16xf32> to vector<16xf32>
          %parallel_loop3A_475 = arith.constant 0.000000e+00 : f32
          %parallel_loop3A_476 = vector.broadcast %parallel_loop3A_475 : f32 to vector<16xf32>
          %parallel_loop3A_477 = arith.maximumf %parallel_loop3A_474, %parallel_loop3A_476 : vector<16xf32>
          %parallel_loop3A_478 = arith.index_cast %parallel_loop3A_398 : i32 to index
          %parallel_loop3A_479 = arith.constant 96 : index
          %parallel_loop3A_480 = tpu.vector_load %arg16[%parallel_loop3A_478, %parallel_loop3A_479] {strides = array<i32>} : memref<64x128xf32, #tpu.memory_space<vmem>>, vector<1x16xf32>,
          %parallel_loop3A_481 = vector.shape_cast %parallel_loop3A_480 : vector<1x16xf32> to vector<16xf32>
          %parallel_loop3A_482 = vector.shape_cast %parallel_loop3A_477 : vector<16xf32> to vector<1x16xf32>
          tpu.vector_store %arg16[%parallel_loop3A_478, %parallel_loop3A_479], %parallel_loop3A_482 {strides = array<i32>} : memref<64x128xf32, #tpu.memory_space<vmem>>, vector<1x16xf32>,
          %parallel_loop3A_483 = arith.index_cast %parallel_loop3A_398 : i32 to index
          %parallel_loop3A_484 = arith.constant 112 : index
          %parallel_loop3A_485 = tpu.vector_load %arg16[%parallel_loop3A_483, %parallel_loop3A_484] {strides = array<i32>} : memref<64x128xf32, #tpu.memory_space<vmem>>, vector<1x16xf32>,
          %parallel_loop3A_486 = vector.shape_cast %parallel_loop3A_485 : vector<1x16xf32> to vector<16xf32>
          %parallel_loop3A_487 = arith.constant 0.000000e+00 : f32
          %parallel_loop3A_488 = vector.broadcast %parallel_loop3A_487 : f32 to vector<16xf32>
          %parallel_loop3A_489 = arith.maximumf %parallel_loop3A_486, %parallel_loop3A_488 : vector<16xf32>
          %parallel_loop3A_490 = arith.index_cast %parallel_loop3A_398 : i32 to index
          %parallel_loop3A_491 = arith.constant 112 : index
          %parallel_loop3A_492 = tpu.vector_load %arg16[%parallel_loop3A_490, %parallel_loop3A_491] {strides = array<i32>} : memref<64x128xf32, #tpu.memory_space<vmem>>, vector<1x16xf32>,
          %parallel_loop3A_493 = vector.shape_cast %parallel_loop3A_492 : vector<1x16xf32> to vector<16xf32>
          %parallel_loop3A_494 = vector.shape_cast %parallel_loop3A_489 : vector<16xf32> to vector<1x16xf32>
          tpu.vector_store %arg16[%parallel_loop3A_490, %parallel_loop3A_491], %parallel_loop3A_494 {strides = array<i32>} : memref<64x128xf32, #tpu.memory_space<vmem>>, vector<1x16xf32>,
        } {sc.loop_unroll_factor = 4 : i64, sc.parallel_access}
        %dma_start3A = arith.constant 0 : i32
        %dma_start3A_396 = arith.constant 0 : i32
        %dma_start3A_397 = tpu.memref_slice %arg18[%dma_start3A, %dma_start3A_396] : memref<10000x128xf32, #tpu.memory_space<vmem_shared>> -> memref<10000x128xf32, #tpu.memory_space<vmem_shared>>
        tpu.enqueue_indirect_dma source(%arg16 : memref<64x128xf32, #tpu.memory_space<vmem>>) target(%dma_start3A_397 : memref<10000x128xf32, #tpu.memory_space<vmem_shared>>) offsets(%arg12 : memref<64xi32, #tpu.memory_space<vmem>>) semaphore(%arg27 : memref<!tpu.dma_semaphore, #tpu.memory_space<semaphore_mem>>) {add = true}
      } else {
      }
      %mul3A_179 = arith.constant 12 : i32
      %mul3A_180 = arith.muli %mul3A_179, %scan3A_111 : i32
      %add3A_181 = arith.constant 3 : i32
      %add3A_182 = arith.addi %mul3A_180, %add3A_181 : i32
      %ge3A_183 = arith.constant 2 : i32
      %ge3A_184 = arith.cmpi sge, %add3A_182, %ge3A_183 : i32
      %add3A_185 = arith.constant 2 : i32
      %add3A_186 = arith.addi %select_n3A, %add3A_185 : i32
      %lt3A_187 = arith.cmpi slt, %add3A_182, %add3A_186 : i32
      %and3A_188 = arith.andi %ge3A_184, %lt3A_187 : i1
      %convert_element_type3A_189 = arith.extui %and3A_188 : i1 to i32
      %cond3A_190 = arith.constant 0 : i32
      %cond3A_191 = arith.cmpi ne, %convert_element_type3A_189, %cond3A_190 : i32
      scf.if %cond3A_191 {
        %dma_wait3A = arith.constant 0 : i32
        %dma_wait3A_386 = arith.constant 0 : i32
        %dma_wait3A_387 = tpu.memref_slice %arg18[%dma_wait3A, %dma_wait3A_386] : memref<10000x128xf32, #tpu.memory_space<vmem_shared>> -> memref<10000x128xf32, #tpu.memory_space<vmem_shared>>
        tpu.wait_indirect_dma semaphore(%arg28 : memref<!tpu.dma_semaphore, #tpu.memory_space<semaphore_mem>>) src(%arg15 : memref<64x128xf32, #tpu.memory_space<vmem>>) dst(%dma_wait3A_387 : memref<10000x128xf32, #tpu.memory_space<vmem_shared>>)
      } else {
      }
      %add3A_192 = arith.constant 1 : i32
      %add3A_193 = arith.addi %add3A_182, %add3A_192 : i32
      %lt3A_194 = arith.cmpi slt, %add3A_193, %select_n3A : i32
      %convert_element_type3A_195 = arith.extui %lt3A_194 : i1 to i32
      %cond3A_196 = arith.constant 0 : i32
      %cond3A_197 = arith.cmpi ne, %convert_element_type3A_195, %cond3A_196 : i32
      scf.if %cond3A_197 {
        %dma_wait3A = arith.constant 0 : i32
        %dma_wait3A_386 = tpu.memref_slice %arg3[%dma_wait3A] : memref<320000xi32, #tpu.memory_space<hbm>> -> memref<64xi32, #tpu.memory_space<hbm>>
        %dma_wait3A_387 = arith.constant 0 : i32
        %dma_wait3A_388 = tpu.memref_slice %arg3[%dma_wait3A_387] : memref<320000xi32, #tpu.memory_space<hbm>> -> memref<64xi32, #tpu.memory_space<hbm>>
        tpu.wait_dma2 semaphore(%arg19 : memref<!tpu.dma_semaphore, #tpu.memory_space<semaphore_mem>>) src(%dma_wait3A_388 : memref<64xi32, #tpu.memory_space<hbm>>) dst(%arg8 : memref<64xi32, #tpu.memory_space<vmem>>)
        %dma_wait3A_389 = arith.constant 0 : i32
        %dma_wait3A_390 = tpu.memref_slice %arg4[%dma_wait3A_389] : memref<320000xi32, #tpu.memory_space<hbm>> -> memref<64xi32, #tpu.memory_space<hbm>>
        %dma_wait3A_391 = arith.constant 0 : i32
        %dma_wait3A_392 = tpu.memref_slice %arg4[%dma_wait3A_391] : memref<320000xi32, #tpu.memory_space<hbm>> -> memref<64xi32, #tpu.memory_space<hbm>>
        tpu.wait_dma2 semaphore(%arg19 : memref<!tpu.dma_semaphore, #tpu.memory_space<semaphore_mem>>) src(%dma_wait3A_392 : memref<64xi32, #tpu.memory_space<hbm>>) dst(%arg10 : memref<64xi32, #tpu.memory_space<vmem>>)
        %dma_wait3A_393 = arith.constant 0 : i32
        %dma_wait3A_394 = arith.constant 0 : i32
        %dma_wait3A_395 = tpu.memref_slice %arg5[%dma_wait3A_393, %dma_wait3A_394] : memref<320000x128xf32, #tpu.memory_space<hbm>> -> memref<64x128xf32, #tpu.memory_space<hbm>>
        %dma_wait3A_396 = arith.constant 0 : i32
        %dma_wait3A_397 = arith.constant 0 : i32
        %dma_wait3A_398 = tpu.memref_slice %arg5[%dma_wait3A_396, %dma_wait3A_397] : memref<320000x128xf32, #tpu.memory_space<hbm>> -> memref<64x128xf32, #tpu.memory_space<hbm>>
        tpu.wait_dma2 semaphore(%arg21 : memref<!tpu.dma_semaphore, #tpu.memory_space<semaphore_mem>>) src(%dma_wait3A_398 : memref<64x128xf32, #tpu.memory_space<hbm>>) dst(%arg14 : memref<64x128xf32, #tpu.memory_space<vmem>>)
        %dma_start3A = arith.constant 0 : i32
        %dma_start3A_399 = arith.constant 0 : i32
        %dma_start3A_400 = tpu.memref_slice %arg2[%dma_start3A, %dma_start3A_399] : memref<10000x128xf32, #tpu.memory_space<hbm>> -> memref<10000x128xf32, #tpu.memory_space<hbm>>
        tpu.enqueue_indirect_dma source(%dma_start3A_400 : memref<10000x128xf32, #tpu.memory_space<hbm>>) target(%arg14 : memref<64x128xf32, #tpu.memory_space<vmem>>) offsets(%arg8 : memref<64xi32, #tpu.memory_space<vmem>>) semaphore(%arg25 : memref<!tpu.dma_semaphore, #tpu.memory_space<semaphore_mem>>) {add = true}
      } else {
      }
      %lt3A_198 = arith.cmpi slt, %add3A_182, %select_n3A : i32
      %convert_element_type3A_199 = arith.extui %lt3A_198 : i1 to i32
      %cond3A_200 = arith.constant 0 : i32
      %cond3A_201 = arith.cmpi ne, %convert_element_type3A_199, %cond3A_200 : i32
      scf.if %cond3A_201 {
        %dma_wait3A = arith.constant 0 : i32
        %dma_wait3A_386 = arith.constant 0 : i32
        %dma_wait3A_387 = tpu.memref_slice %arg2[%dma_wait3A, %dma_wait3A_386] : memref<10000x128xf32, #tpu.memory_space<hbm>> -> memref<10000x128xf32, #tpu.memory_space<hbm>>
        tpu.wait_indirect_dma semaphore(%arg26 : memref<!tpu.dma_semaphore, #tpu.memory_space<semaphore_mem>>) src(%dma_wait3A_387 : memref<10000x128xf32, #tpu.memory_space<hbm>>) dst(%arg17 : memref<64x128xf32, #tpu.memory_space<vmem>>)
        %add3A_388 = arith.constant 2 : i32
        %add3A_389 = arith.addi %add3A_182, %add3A_388 : i32
        %lt3A_390 = arith.cmpi slt, %add3A_389, %select_n3A : i32
        %convert_element_type3A_391 = arith.extui %lt3A_390 : i1 to i32
        %cond3A_392 = arith.constant 0 : i32
        %cond3A_393 = arith.cmpi ne, %convert_element_type3A_391, %cond3A_392 : i32
        scf.if %cond3A_393 {
          %add3A_398 = arith.constant 2 : i32
          %add3A_399 = arith.addi %add3A_182, %add3A_398 : i32
          %mul3A_400 = arith.constant 32 : i32
          %mul3A_401 = arith.muli %add3A_399, %mul3A_400 : i32
          %add3A_402 = arith.addi %add3A, %mul3A_401 : i32
          %mul3A_403 = arith.constant 64 : i32
          %mul3A_404 = arith.muli %add3A_402, %mul3A_403 : i32
          %dma_start3A_405 = tpu.memref_slice %arg3[%mul3A_404] : memref<320000xi32, #tpu.memory_space<hbm>> -> memref<64xi32, #tpu.memory_space<hbm>>
          %dma_start3A_406 = tpu.memref_slice %arg3[%mul3A_404] : memref<320000xi32, #tpu.memory_space<hbm>> -> memref<64xi32, #tpu.memory_space<hbm>>
          tpu.enqueue_dma source(%dma_start3A_406 : memref<64xi32, #tpu.memory_space<hbm>>) target(%arg9 : memref<64xi32, #tpu.memory_space<vmem>>) target_semaphore(%arg20 : memref<!tpu.dma_semaphore, #tpu.memory_space<semaphore_mem>>)
          %dma_start3A_407 = tpu.memref_slice %arg4[%mul3A_404] : memref<320000xi32, #tpu.memory_space<hbm>> -> memref<64xi32, #tpu.memory_space<hbm>>
          %dma_start3A_408 = tpu.memref_slice %arg4[%mul3A_404] : memref<320000xi32, #tpu.memory_space<hbm>> -> memref<64xi32, #tpu.memory_space<hbm>>
          tpu.enqueue_dma source(%dma_start3A_408 : memref<64xi32, #tpu.memory_space<hbm>>) target(%arg11 : memref<64xi32, #tpu.memory_space<vmem>>) target_semaphore(%arg20 : memref<!tpu.dma_semaphore, #tpu.memory_space<semaphore_mem>>)
          %add3A_409 = arith.constant 2 : i32
          %add3A_410 = arith.addi %add3A_182, %add3A_409 : i32
          %mul3A_411 = arith.constant 32 : i32
          %mul3A_412 = arith.muli %add3A_410, %mul3A_411 : i32
          %add3A_413 = arith.addi %add3A, %mul3A_412 : i32
          %mul3A_414 = arith.constant 64 : i32
          %mul3A_415 = arith.muli %add3A_413, %mul3A_414 : i32
          %dma_start3A_416 = arith.constant 0 : i32
          %dma_start3A_417 = tpu.memref_slice %arg5[%mul3A_415, %dma_start3A_416] : memref<320000x128xf32, #tpu.memory_space<hbm>> -> memref<64x128xf32, #tpu.memory_space<hbm>>
          %dma_start3A_418 = arith.constant 0 : i32
          %dma_start3A_419 = tpu.memref_slice %arg5[%mul3A_415, %dma_start3A_418] : memref<320000x128xf32, #tpu.memory_space<hbm>> -> memref<64x128xf32, #tpu.memory_space<hbm>>
          tpu.enqueue_dma source(%dma_start3A_419 : memref<64x128xf32, #tpu.memory_space<hbm>>) target(%arg15 : memref<64x128xf32, #tpu.memory_space<vmem>>) target_semaphore(%arg22 : memref<!tpu.dma_semaphore, #tpu.memory_space<semaphore_mem>>)
        } else {
        }
        %parallel_loop3A = arith.constant 0 : i32
        %parallel_loop3A_394 = arith.constant 64 : i32
        %parallel_loop3A_395 = arith.constant 1 : i32
        scf.for %parallel_loop3A_398 = %parallel_loop3A to %parallel_loop3A_394 step %parallel_loop3A_395  : i32 {
          %parallel_loop3A_399 = arith.index_cast %parallel_loop3A_398 : i32 to index
          %parallel_loop3A_400 = arith.constant 0 : index
          %parallel_loop3A_401 = tpu.vector_load %arg17[%parallel_loop3A_399, %parallel_loop3A_400] {strides = array<i32>} : memref<64x128xf32, #tpu.memory_space<vmem>>, vector<1x16xf32>,
          %parallel_loop3A_402 = vector.shape_cast %parallel_loop3A_401 : vector<1x16xf32> to vector<16xf32>
          %parallel_loop3A_403 = arith.constant 0.000000e+00 : f32
          %parallel_loop3A_404 = vector.broadcast %parallel_loop3A_403 : f32 to vector<16xf32>
          %parallel_loop3A_405 = arith.maximumf %parallel_loop3A_402, %parallel_loop3A_404 : vector<16xf32>
          %parallel_loop3A_406 = arith.index_cast %parallel_loop3A_398 : i32 to index
          %parallel_loop3A_407 = arith.constant 0 : index
          %parallel_loop3A_408 = tpu.vector_load %arg17[%parallel_loop3A_406, %parallel_loop3A_407] {strides = array<i32>} : memref<64x128xf32, #tpu.memory_space<vmem>>, vector<1x16xf32>,
          %parallel_loop3A_409 = vector.shape_cast %parallel_loop3A_408 : vector<1x16xf32> to vector<16xf32>
          %parallel_loop3A_410 = vector.shape_cast %parallel_loop3A_405 : vector<16xf32> to vector<1x16xf32>
          tpu.vector_store %arg17[%parallel_loop3A_406, %parallel_loop3A_407], %parallel_loop3A_410 {strides = array<i32>} : memref<64x128xf32, #tpu.memory_space<vmem>>, vector<1x16xf32>,
          %parallel_loop3A_411 = arith.index_cast %parallel_loop3A_398 : i32 to index
          %parallel_loop3A_412 = arith.constant 16 : index
          %parallel_loop3A_413 = tpu.vector_load %arg17[%parallel_loop3A_411, %parallel_loop3A_412] {strides = array<i32>} : memref<64x128xf32, #tpu.memory_space<vmem>>, vector<1x16xf32>,
          %parallel_loop3A_414 = vector.shape_cast %parallel_loop3A_413 : vector<1x16xf32> to vector<16xf32>
          %parallel_loop3A_415 = arith.constant 0.000000e+00 : f32
          %parallel_loop3A_416 = vector.broadcast %parallel_loop3A_415 : f32 to vector<16xf32>
          %parallel_loop3A_417 = arith.maximumf %parallel_loop3A_414, %parallel_loop3A_416 : vector<16xf32>
          %parallel_loop3A_418 = arith.index_cast %parallel_loop3A_398 : i32 to index
          %parallel_loop3A_419 = arith.constant 16 : index
          %parallel_loop3A_420 = tpu.vector_load %arg17[%parallel_loop3A_418, %parallel_loop3A_419] {strides = array<i32>} : memref<64x128xf32, #tpu.memory_space<vmem>>, vector<1x16xf32>,
          %parallel_loop3A_421 = vector.shape_cast %parallel_loop3A_420 : vector<1x16xf32> to vector<16xf32>
          %parallel_loop3A_422 = vector.shape_cast %parallel_loop3A_417 : vector<16xf32> to vector<1x16xf32>
          tpu.vector_store %arg17[%parallel_loop3A_418, %parallel_loop3A_419], %parallel_loop3A_422 {strides = array<i32>} : memref<64x128xf32, #tpu.memory_space<vmem>>, vector<1x16xf32>,
          %parallel_loop3A_423 = arith.index_cast %parallel_loop3A_398 : i32 to index
          %parallel_loop3A_424 = arith.constant 32 : index
          %parallel_loop3A_425 = tpu.vector_load %arg17[%parallel_loop3A_423, %parallel_loop3A_424] {strides = array<i32>} : memref<64x128xf32, #tpu.memory_space<vmem>>, vector<1x16xf32>,
          %parallel_loop3A_426 = vector.shape_cast %parallel_loop3A_425 : vector<1x16xf32> to vector<16xf32>
          %parallel_loop3A_427 = arith.constant 0.000000e+00 : f32
          %parallel_loop3A_428 = vector.broadcast %parallel_loop3A_427 : f32 to vector<16xf32>
          %parallel_loop3A_429 = arith.maximumf %parallel_loop3A_426, %parallel_loop3A_428 : vector<16xf32>
          %parallel_loop3A_430 = arith.index_cast %parallel_loop3A_398 : i32 to index
          %parallel_loop3A_431 = arith.constant 32 : index
          %parallel_loop3A_432 = tpu.vector_load %arg17[%parallel_loop3A_430, %parallel_loop3A_431] {strides = array<i32>} : memref<64x128xf32, #tpu.memory_space<vmem>>, vector<1x16xf32>,
          %parallel_loop3A_433 = vector.shape_cast %parallel_loop3A_432 : vector<1x16xf32> to vector<16xf32>
          %parallel_loop3A_434 = vector.shape_cast %parallel_loop3A_429 : vector<16xf32> to vector<1x16xf32>
          tpu.vector_store %arg17[%parallel_loop3A_430, %parallel_loop3A_431], %parallel_loop3A_434 {strides = array<i32>} : memref<64x128xf32, #tpu.memory_space<vmem>>, vector<1x16xf32>,
          %parallel_loop3A_435 = arith.index_cast %parallel_loop3A_398 : i32 to index
          %parallel_loop3A_436 = arith.constant 48 : index
          %parallel_loop3A_437 = tpu.vector_load %arg17[%parallel_loop3A_435, %parallel_loop3A_436] {strides = array<i32>} : memref<64x128xf32, #tpu.memory_space<vmem>>, vector<1x16xf32>,
          %parallel_loop3A_438 = vector.shape_cast %parallel_loop3A_437 : vector<1x16xf32> to vector<16xf32>
          %parallel_loop3A_439 = arith.constant 0.000000e+00 : f32
          %parallel_loop3A_440 = vector.broadcast %parallel_loop3A_439 : f32 to vector<16xf32>
          %parallel_loop3A_441 = arith.maximumf %parallel_loop3A_438, %parallel_loop3A_440 : vector<16xf32>
          %parallel_loop3A_442 = arith.index_cast %parallel_loop3A_398 : i32 to index
          %parallel_loop3A_443 = arith.constant 48 : index
          %parallel_loop3A_444 = tpu.vector_load %arg17[%parallel_loop3A_442, %parallel_loop3A_443] {strides = array<i32>} : memref<64x128xf32, #tpu.memory_space<vmem>>, vector<1x16xf32>,
          %parallel_loop3A_445 = vector.shape_cast %parallel_loop3A_444 : vector<1x16xf32> to vector<16xf32>
          %parallel_loop3A_446 = vector.shape_cast %parallel_loop3A_441 : vector<16xf32> to vector<1x16xf32>
          tpu.vector_store %arg17[%parallel_loop3A_442, %parallel_loop3A_443], %parallel_loop3A_446 {strides = array<i32>} : memref<64x128xf32, #tpu.memory_space<vmem>>, vector<1x16xf32>,
          %parallel_loop3A_447 = arith.index_cast %parallel_loop3A_398 : i32 to index
          %parallel_loop3A_448 = arith.constant 64 : index
          %parallel_loop3A_449 = tpu.vector_load %arg17[%parallel_loop3A_447, %parallel_loop3A_448] {strides = array<i32>} : memref<64x128xf32, #tpu.memory_space<vmem>>, vector<1x16xf32>,
          %parallel_loop3A_450 = vector.shape_cast %parallel_loop3A_449 : vector<1x16xf32> to vector<16xf32>
          %parallel_loop3A_451 = arith.constant 0.000000e+00 : f32
          %parallel_loop3A_452 = vector.broadcast %parallel_loop3A_451 : f32 to vector<16xf32>
          %parallel_loop3A_453 = arith.maximumf %parallel_loop3A_450, %parallel_loop3A_452 : vector<16xf32>
          %parallel_loop3A_454 = arith.index_cast %parallel_loop3A_398 : i32 to index
          %parallel_loop3A_455 = arith.constant 64 : index
          %parallel_loop3A_456 = tpu.vector_load %arg17[%parallel_loop3A_454, %parallel_loop3A_455] {strides = array<i32>} : memref<64x128xf32, #tpu.memory_space<vmem>>, vector<1x16xf32>,
          %parallel_loop3A_457 = vector.shape_cast %parallel_loop3A_456 : vector<1x16xf32> to vector<16xf32>
          %parallel_loop3A_458 = vector.shape_cast %parallel_loop3A_453 : vector<16xf32> to vector<1x16xf32>
          tpu.vector_store %arg17[%parallel_loop3A_454, %parallel_loop3A_455], %parallel_loop3A_458 {strides = array<i32>} : memref<64x128xf32, #tpu.memory_space<vmem>>, vector<1x16xf32>,
          %parallel_loop3A_459 = arith.index_cast %parallel_loop3A_398 : i32 to index
          %parallel_loop3A_460 = arith.constant 80 : index
          %parallel_loop3A_461 = tpu.vector_load %arg17[%parallel_loop3A_459, %parallel_loop3A_460] {strides = array<i32>} : memref<64x128xf32, #tpu.memory_space<vmem>>, vector<1x16xf32>,
          %parallel_loop3A_462 = vector.shape_cast %parallel_loop3A_461 : vector<1x16xf32> to vector<16xf32>
          %parallel_loop3A_463 = arith.constant 0.000000e+00 : f32
          %parallel_loop3A_464 = vector.broadcast %parallel_loop3A_463 : f32 to vector<16xf32>
          %parallel_loop3A_465 = arith.maximumf %parallel_loop3A_462, %parallel_loop3A_464 : vector<16xf32>
          %parallel_loop3A_466 = arith.index_cast %parallel_loop3A_398 : i32 to index
          %parallel_loop3A_467 = arith.constant 80 : index
          %parallel_loop3A_468 = tpu.vector_load %arg17[%parallel_loop3A_466, %parallel_loop3A_467] {strides = array<i32>} : memref<64x128xf32, #tpu.memory_space<vmem>>, vector<1x16xf32>,
          %parallel_loop3A_469 = vector.shape_cast %parallel_loop3A_468 : vector<1x16xf32> to vector<16xf32>
          %parallel_loop3A_470 = vector.shape_cast %parallel_loop3A_465 : vector<16xf32> to vector<1x16xf32>
          tpu.vector_store %arg17[%parallel_loop3A_466, %parallel_loop3A_467], %parallel_loop3A_470 {strides = array<i32>} : memref<64x128xf32, #tpu.memory_space<vmem>>, vector<1x16xf32>,
          %parallel_loop3A_471 = arith.index_cast %parallel_loop3A_398 : i32 to index
          %parallel_loop3A_472 = arith.constant 96 : index
          %parallel_loop3A_473 = tpu.vector_load %arg17[%parallel_loop3A_471, %parallel_loop3A_472] {strides = array<i32>} : memref<64x128xf32, #tpu.memory_space<vmem>>, vector<1x16xf32>,
          %parallel_loop3A_474 = vector.shape_cast %parallel_loop3A_473 : vector<1x16xf32> to vector<16xf32>
          %parallel_loop3A_475 = arith.constant 0.000000e+00 : f32
          %parallel_loop3A_476 = vector.broadcast %parallel_loop3A_475 : f32 to vector<16xf32>
          %parallel_loop3A_477 = arith.maximumf %parallel_loop3A_474, %parallel_loop3A_476 : vector<16xf32>
          %parallel_loop3A_478 = arith.index_cast %parallel_loop3A_398 : i32 to index
          %parallel_loop3A_479 = arith.constant 96 : index
          %parallel_loop3A_480 = tpu.vector_load %arg17[%parallel_loop3A_478, %parallel_loop3A_479] {strides = array<i32>} : memref<64x128xf32, #tpu.memory_space<vmem>>, vector<1x16xf32>,
          %parallel_loop3A_481 = vector.shape_cast %parallel_loop3A_480 : vector<1x16xf32> to vector<16xf32>
          %parallel_loop3A_482 = vector.shape_cast %parallel_loop3A_477 : vector<16xf32> to vector<1x16xf32>
          tpu.vector_store %arg17[%parallel_loop3A_478, %parallel_loop3A_479], %parallel_loop3A_482 {strides = array<i32>} : memref<64x128xf32, #tpu.memory_space<vmem>>, vector<1x16xf32>,
          %parallel_loop3A_483 = arith.index_cast %parallel_loop3A_398 : i32 to index
          %parallel_loop3A_484 = arith.constant 112 : index
          %parallel_loop3A_485 = tpu.vector_load %arg17[%parallel_loop3A_483, %parallel_loop3A_484] {strides = array<i32>} : memref<64x128xf32, #tpu.memory_space<vmem>>, vector<1x16xf32>,
          %parallel_loop3A_486 = vector.shape_cast %parallel_loop3A_485 : vector<1x16xf32> to vector<16xf32>
          %parallel_loop3A_487 = arith.constant 0.000000e+00 : f32
          %parallel_loop3A_488 = vector.broadcast %parallel_loop3A_487 : f32 to vector<16xf32>
          %parallel_loop3A_489 = arith.maximumf %parallel_loop3A_486, %parallel_loop3A_488 : vector<16xf32>
          %parallel_loop3A_490 = arith.index_cast %parallel_loop3A_398 : i32 to index
          %parallel_loop3A_491 = arith.constant 112 : index
          %parallel_loop3A_492 = tpu.vector_load %arg17[%parallel_loop3A_490, %parallel_loop3A_491] {strides = array<i32>} : memref<64x128xf32, #tpu.memory_space<vmem>>, vector<1x16xf32>,
          %parallel_loop3A_493 = vector.shape_cast %parallel_loop3A_492 : vector<1x16xf32> to vector<16xf32>
          %parallel_loop3A_494 = vector.shape_cast %parallel_loop3A_489 : vector<16xf32> to vector<1x16xf32>
          tpu.vector_store %arg17[%parallel_loop3A_490, %parallel_loop3A_491], %parallel_loop3A_494 {strides = array<i32>} : memref<64x128xf32, #tpu.memory_space<vmem>>, vector<1x16xf32>,
        } {sc.loop_unroll_factor = 4 : i64, sc.parallel_access}
        %dma_start3A = arith.constant 0 : i32
        %dma_start3A_396 = arith.constant 0 : i32
        %dma_start3A_397 = tpu.memref_slice %arg18[%dma_start3A, %dma_start3A_396] : memref<10000x128xf32, #tpu.memory_space<vmem_shared>> -> memref<10000x128xf32, #tpu.memory_space<vmem_shared>>
        tpu.enqueue_indirect_dma source(%arg17 : memref<64x128xf32, #tpu.memory_space<vmem>>) target(%dma_start3A_397 : memref<10000x128xf32, #tpu.memory_space<vmem_shared>>) offsets(%arg13 : memref<64xi32, #tpu.memory_space<vmem>>) semaphore(%arg28 : memref<!tpu.dma_semaphore, #tpu.memory_space<semaphore_mem>>) {add = true}
      } else {
      }
      %mul3A_202 = arith.constant 12 : i32
      %mul3A_203 = arith.muli %mul3A_202, %scan3A_111 : i32
      %add3A_204 = arith.constant 4 : i32
      %add3A_205 = arith.addi %mul3A_203, %add3A_204 : i32
      %ge3A_206 = arith.constant 2 : i32
      %ge3A_207 = arith.cmpi sge, %add3A_205, %ge3A_206 : i32
      %add3A_208 = arith.constant 2 : i32
      %add3A_209 = arith.addi %select_n3A, %add3A_208 : i32
      %lt3A_210 = arith.cmpi slt, %add3A_205, %add3A_209 : i32
      %and3A_211 = arith.andi %ge3A_207, %lt3A_210 : i1
      %convert_element_type3A_212 = arith.extui %and3A_211 : i1 to i32
      %cond3A_213 = arith.constant 0 : i32
      %cond3A_214 = arith.cmpi ne, %convert_element_type3A_212, %cond3A_213 : i32
      scf.if %cond3A_214 {
        %dma_wait3A = arith.constant 0 : i32
        %dma_wait3A_386 = arith.constant 0 : i32
        %dma_wait3A_387 = tpu.memref_slice %arg18[%dma_wait3A, %dma_wait3A_386] : memref<10000x128xf32, #tpu.memory_space<vmem_shared>> -> memref<10000x128xf32, #tpu.memory_space<vmem_shared>>
        tpu.wait_indirect_dma semaphore(%arg27 : memref<!tpu.dma_semaphore, #tpu.memory_space<semaphore_mem>>) src(%arg16 : memref<64x128xf32, #tpu.memory_space<vmem>>) dst(%dma_wait3A_387 : memref<10000x128xf32, #tpu.memory_space<vmem_shared>>)
      } else {
      }
      %add3A_215 = arith.constant 1 : i32
      %add3A_216 = arith.addi %add3A_205, %add3A_215 : i32
      %lt3A_217 = arith.cmpi slt, %add3A_216, %select_n3A : i32
      %convert_element_type3A_218 = arith.extui %lt3A_217 : i1 to i32
      %cond3A_219 = arith.constant 0 : i32
      %cond3A_220 = arith.cmpi ne, %convert_element_type3A_218, %cond3A_219 : i32
      scf.if %cond3A_220 {
        %dma_wait3A = arith.constant 0 : i32
        %dma_wait3A_386 = tpu.memref_slice %arg3[%dma_wait3A] : memref<320000xi32, #tpu.memory_space<hbm>> -> memref<64xi32, #tpu.memory_space<hbm>>
        %dma_wait3A_387 = arith.constant 0 : i32
        %dma_wait3A_388 = tpu.memref_slice %arg3[%dma_wait3A_387] : memref<320000xi32, #tpu.memory_space<hbm>> -> memref<64xi32, #tpu.memory_space<hbm>>
        tpu.wait_dma2 semaphore(%arg20 : memref<!tpu.dma_semaphore, #tpu.memory_space<semaphore_mem>>) src(%dma_wait3A_388 : memref<64xi32, #tpu.memory_space<hbm>>) dst(%arg9 : memref<64xi32, #tpu.memory_space<vmem>>)
        %dma_wait3A_389 = arith.constant 0 : i32
        %dma_wait3A_390 = tpu.memref_slice %arg4[%dma_wait3A_389] : memref<320000xi32, #tpu.memory_space<hbm>> -> memref<64xi32, #tpu.memory_space<hbm>>
        %dma_wait3A_391 = arith.constant 0 : i32
        %dma_wait3A_392 = tpu.memref_slice %arg4[%dma_wait3A_391] : memref<320000xi32, #tpu.memory_space<hbm>> -> memref<64xi32, #tpu.memory_space<hbm>>
        tpu.wait_dma2 semaphore(%arg20 : memref<!tpu.dma_semaphore, #tpu.memory_space<semaphore_mem>>) src(%dma_wait3A_392 : memref<64xi32, #tpu.memory_space<hbm>>) dst(%arg11 : memref<64xi32, #tpu.memory_space<vmem>>)
        %dma_wait3A_393 = arith.constant 0 : i32
        %dma_wait3A_394 = arith.constant 0 : i32
        %dma_wait3A_395 = tpu.memref_slice %arg5[%dma_wait3A_393, %dma_wait3A_394] : memref<320000x128xf32, #tpu.memory_space<hbm>> -> memref<64x128xf32, #tpu.memory_space<hbm>>
        %dma_wait3A_396 = arith.constant 0 : i32
        %dma_wait3A_397 = arith.constant 0 : i32
        %dma_wait3A_398 = tpu.memref_slice %arg5[%dma_wait3A_396, %dma_wait3A_397] : memref<320000x128xf32, #tpu.memory_space<hbm>> -> memref<64x128xf32, #tpu.memory_space<hbm>>
        tpu.wait_dma2 semaphore(%arg22 : memref<!tpu.dma_semaphore, #tpu.memory_space<semaphore_mem>>) src(%dma_wait3A_398 : memref<64x128xf32, #tpu.memory_space<hbm>>) dst(%arg15 : memref<64x128xf32, #tpu.memory_space<vmem>>)
        %dma_start3A = arith.constant 0 : i32
        %dma_start3A_399 = arith.constant 0 : i32
        %dma_start3A_400 = tpu.memref_slice %arg2[%dma_start3A, %dma_start3A_399] : memref<10000x128xf32, #tpu.memory_space<hbm>> -> memref<10000x128xf32, #tpu.memory_space<hbm>>
        tpu.enqueue_indirect_dma source(%dma_start3A_400 : memref<10000x128xf32, #tpu.memory_space<hbm>>) target(%arg15 : memref<64x128xf32, #tpu.memory_space<vmem>>) offsets(%arg9 : memref<64xi32, #tpu.memory_space<vmem>>) semaphore(%arg26 : memref<!tpu.dma_semaphore, #tpu.memory_space<semaphore_mem>>) {add = true}
      } else {
      }
      %lt3A_221 = arith.cmpi slt, %add3A_205, %select_n3A : i32
      %convert_element_type3A_222 = arith.extui %lt3A_221 : i1 to i32
      %cond3A_223 = arith.constant 0 : i32
      %cond3A_224 = arith.cmpi ne, %convert_element_type3A_222, %cond3A_223 : i32
      scf.if %cond3A_224 {
        %dma_wait3A = arith.constant 0 : i32
        %dma_wait3A_386 = arith.constant 0 : i32
        %dma_wait3A_387 = tpu.memref_slice %arg2[%dma_wait3A, %dma_wait3A_386] : memref<10000x128xf32, #tpu.memory_space<hbm>> -> memref<10000x128xf32, #tpu.memory_space<hbm>>
        tpu.wait_indirect_dma semaphore(%arg25 : memref<!tpu.dma_semaphore, #tpu.memory_space<semaphore_mem>>) src(%dma_wait3A_387 : memref<10000x128xf32, #tpu.memory_space<hbm>>) dst(%arg14 : memref<64x128xf32, #tpu.memory_space<vmem>>)
        %add3A_388 = arith.constant 2 : i32
        %add3A_389 = arith.addi %add3A_205, %add3A_388 : i32
        %lt3A_390 = arith.cmpi slt, %add3A_389, %select_n3A : i32
        %convert_element_type3A_391 = arith.extui %lt3A_390 : i1 to i32
        %cond3A_392 = arith.constant 0 : i32
        %cond3A_393 = arith.cmpi ne, %convert_element_type3A_391, %cond3A_392 : i32
        scf.if %cond3A_393 {
          %add3A_398 = arith.constant 2 : i32
          %add3A_399 = arith.addi %add3A_205, %add3A_398 : i32
          %mul3A_400 = arith.constant 32 : i32
          %mul3A_401 = arith.muli %add3A_399, %mul3A_400 : i32
          %add3A_402 = arith.addi %add3A, %mul3A_401 : i32
          %mul3A_403 = arith.constant 64 : i32
          %mul3A_404 = arith.muli %add3A_402, %mul3A_403 : i32
          %dma_start3A_405 = tpu.memref_slice %arg3[%mul3A_404] : memref<320000xi32, #tpu.memory_space<hbm>> -> memref<64xi32, #tpu.memory_space<hbm>>
          %dma_start3A_406 = tpu.memref_slice %arg3[%mul3A_404] : memref<320000xi32, #tpu.memory_space<hbm>> -> memref<64xi32, #tpu.memory_space<hbm>>
          tpu.enqueue_dma source(%dma_start3A_406 : memref<64xi32, #tpu.memory_space<hbm>>) target(%arg7 : memref<64xi32, #tpu.memory_space<vmem>>) target_semaphore(%arg19 : memref<!tpu.dma_semaphore, #tpu.memory_space<semaphore_mem>>)
          %dma_start3A_407 = tpu.memref_slice %arg4[%mul3A_404] : memref<320000xi32, #tpu.memory_space<hbm>> -> memref<64xi32, #tpu.memory_space<hbm>>
          %dma_start3A_408 = tpu.memref_slice %arg4[%mul3A_404] : memref<320000xi32, #tpu.memory_space<hbm>> -> memref<64xi32, #tpu.memory_space<hbm>>
          tpu.enqueue_dma source(%dma_start3A_408 : memref<64xi32, #tpu.memory_space<hbm>>) target(%arg12 : memref<64xi32, #tpu.memory_space<vmem>>) target_semaphore(%arg19 : memref<!tpu.dma_semaphore, #tpu.memory_space<semaphore_mem>>)
          %add3A_409 = arith.constant 2 : i32
          %add3A_410 = arith.addi %add3A_205, %add3A_409 : i32
          %mul3A_411 = arith.constant 32 : i32
          %mul3A_412 = arith.muli %add3A_410, %mul3A_411 : i32
          %add3A_413 = arith.addi %add3A, %mul3A_412 : i32
          %mul3A_414 = arith.constant 64 : i32
          %mul3A_415 = arith.muli %add3A_413, %mul3A_414 : i32
          %dma_start3A_416 = arith.constant 0 : i32
          %dma_start3A_417 = tpu.memref_slice %arg5[%mul3A_415, %dma_start3A_416] : memref<320000x128xf32, #tpu.memory_space<hbm>> -> memref<64x128xf32, #tpu.memory_space<hbm>>
          %dma_start3A_418 = arith.constant 0 : i32
          %dma_start3A_419 = tpu.memref_slice %arg5[%mul3A_415, %dma_start3A_418] : memref<320000x128xf32, #tpu.memory_space<hbm>> -> memref<64x128xf32, #tpu.memory_space<hbm>>
          tpu.enqueue_dma source(%dma_start3A_419 : memref<64x128xf32, #tpu.memory_space<hbm>>) target(%arg16 : memref<64x128xf32, #tpu.memory_space<vmem>>) target_semaphore(%arg23 : memref<!tpu.dma_semaphore, #tpu.memory_space<semaphore_mem>>)
        } else {
        }
        %parallel_loop3A = arith.constant 0 : i32
        %parallel_loop3A_394 = arith.constant 64 : i32
        %parallel_loop3A_395 = arith.constant 1 : i32
        scf.for %parallel_loop3A_398 = %parallel_loop3A to %parallel_loop3A_394 step %parallel_loop3A_395  : i32 {
          %parallel_loop3A_399 = arith.index_cast %parallel_loop3A_398 : i32 to index
          %parallel_loop3A_400 = arith.constant 0 : index
          %parallel_loop3A_401 = tpu.vector_load %arg14[%parallel_loop3A_399, %parallel_loop3A_400] {strides = array<i32>} : memref<64x128xf32, #tpu.memory_space<vmem>>, vector<1x16xf32>,
          %parallel_loop3A_402 = vector.shape_cast %parallel_loop3A_401 : vector<1x16xf32> to vector<16xf32>
          %parallel_loop3A_403 = arith.constant 0.000000e+00 : f32
          %parallel_loop3A_404 = vector.broadcast %parallel_loop3A_403 : f32 to vector<16xf32>
          %parallel_loop3A_405 = arith.maximumf %parallel_loop3A_402, %parallel_loop3A_404 : vector<16xf32>
          %parallel_loop3A_406 = arith.index_cast %parallel_loop3A_398 : i32 to index
          %parallel_loop3A_407 = arith.constant 0 : index
          %parallel_loop3A_408 = tpu.vector_load %arg14[%parallel_loop3A_406, %parallel_loop3A_407] {strides = array<i32>} : memref<64x128xf32, #tpu.memory_space<vmem>>, vector<1x16xf32>,
          %parallel_loop3A_409 = vector.shape_cast %parallel_loop3A_408 : vector<1x16xf32> to vector<16xf32>
          %parallel_loop3A_410 = vector.shape_cast %parallel_loop3A_405 : vector<16xf32> to vector<1x16xf32>
          tpu.vector_store %arg14[%parallel_loop3A_406, %parallel_loop3A_407], %parallel_loop3A_410 {strides = array<i32>} : memref<64x128xf32, #tpu.memory_space<vmem>>, vector<1x16xf32>,
          %parallel_loop3A_411 = arith.index_cast %parallel_loop3A_398 : i32 to index
          %parallel_loop3A_412 = arith.constant 16 : index
          %parallel_loop3A_413 = tpu.vector_load %arg14[%parallel_loop3A_411, %parallel_loop3A_412] {strides = array<i32>} : memref<64x128xf32, #tpu.memory_space<vmem>>, vector<1x16xf32>,
          %parallel_loop3A_414 = vector.shape_cast %parallel_loop3A_413 : vector<1x16xf32> to vector<16xf32>
          %parallel_loop3A_415 = arith.constant 0.000000e+00 : f32
          %parallel_loop3A_416 = vector.broadcast %parallel_loop3A_415 : f32 to vector<16xf32>
          %parallel_loop3A_417 = arith.maximumf %parallel_loop3A_414, %parallel_loop3A_416 : vector<16xf32>
          %parallel_loop3A_418 = arith.index_cast %parallel_loop3A_398 : i32 to index
          %parallel_loop3A_419 = arith.constant 16 : index
          %parallel_loop3A_420 = tpu.vector_load %arg14[%parallel_loop3A_418, %parallel_loop3A_419] {strides = array<i32>} : memref<64x128xf32, #tpu.memory_space<vmem>>, vector<1x16xf32>,
          %parallel_loop3A_421 = vector.shape_cast %parallel_loop3A_420 : vector<1x16xf32> to vector<16xf32>
          %parallel_loop3A_422 = vector.shape_cast %parallel_loop3A_417 : vector<16xf32> to vector<1x16xf32>
          tpu.vector_store %arg14[%parallel_loop3A_418, %parallel_loop3A_419], %parallel_loop3A_422 {strides = array<i32>} : memref<64x128xf32, #tpu.memory_space<vmem>>, vector<1x16xf32>,
          %parallel_loop3A_423 = arith.index_cast %parallel_loop3A_398 : i32 to index
          %parallel_loop3A_424 = arith.constant 32 : index
          %parallel_loop3A_425 = tpu.vector_load %arg14[%parallel_loop3A_423, %parallel_loop3A_424] {strides = array<i32>} : memref<64x128xf32, #tpu.memory_space<vmem>>, vector<1x16xf32>,
          %parallel_loop3A_426 = vector.shape_cast %parallel_loop3A_425 : vector<1x16xf32> to vector<16xf32>
          %parallel_loop3A_427 = arith.constant 0.000000e+00 : f32
          %parallel_loop3A_428 = vector.broadcast %parallel_loop3A_427 : f32 to vector<16xf32>
          %parallel_loop3A_429 = arith.maximumf %parallel_loop3A_426, %parallel_loop3A_428 : vector<16xf32>
          %parallel_loop3A_430 = arith.index_cast %parallel_loop3A_398 : i32 to index
          %parallel_loop3A_431 = arith.constant 32 : index
          %parallel_loop3A_432 = tpu.vector_load %arg14[%parallel_loop3A_430, %parallel_loop3A_431] {strides = array<i32>} : memref<64x128xf32, #tpu.memory_space<vmem>>, vector<1x16xf32>,
          %parallel_loop3A_433 = vector.shape_cast %parallel_loop3A_432 : vector<1x16xf32> to vector<16xf32>
          %parallel_loop3A_434 = vector.shape_cast %parallel_loop3A_429 : vector<16xf32> to vector<1x16xf32>
          tpu.vector_store %arg14[%parallel_loop3A_430, %parallel_loop3A_431], %parallel_loop3A_434 {strides = array<i32>} : memref<64x128xf32, #tpu.memory_space<vmem>>, vector<1x16xf32>,
          %parallel_loop3A_435 = arith.index_cast %parallel_loop3A_398 : i32 to index
          %parallel_loop3A_436 = arith.constant 48 : index
          %parallel_loop3A_437 = tpu.vector_load %arg14[%parallel_loop3A_435, %parallel_loop3A_436] {strides = array<i32>} : memref<64x128xf32, #tpu.memory_space<vmem>>, vector<1x16xf32>,
          %parallel_loop3A_438 = vector.shape_cast %parallel_loop3A_437 : vector<1x16xf32> to vector<16xf32>
          %parallel_loop3A_439 = arith.constant 0.000000e+00 : f32
          %parallel_loop3A_440 = vector.broadcast %parallel_loop3A_439 : f32 to vector<16xf32>
          %parallel_loop3A_441 = arith.maximumf %parallel_loop3A_438, %parallel_loop3A_440 : vector<16xf32>
          %parallel_loop3A_442 = arith.index_cast %parallel_loop3A_398 : i32 to index
          %parallel_loop3A_443 = arith.constant 48 : index
          %parallel_loop3A_444 = tpu.vector_load %arg14[%parallel_loop3A_442, %parallel_loop3A_443] {strides = array<i32>} : memref<64x128xf32, #tpu.memory_space<vmem>>, vector<1x16xf32>,
          %parallel_loop3A_445 = vector.shape_cast %parallel_loop3A_444 : vector<1x16xf32> to vector<16xf32>
          %parallel_loop3A_446 = vector.shape_cast %parallel_loop3A_441 : vector<16xf32> to vector<1x16xf32>
          tpu.vector_store %arg14[%parallel_loop3A_442, %parallel_loop3A_443], %parallel_loop3A_446 {strides = array<i32>} : memref<64x128xf32, #tpu.memory_space<vmem>>, vector<1x16xf32>,
          %parallel_loop3A_447 = arith.index_cast %parallel_loop3A_398 : i32 to index
          %parallel_loop3A_448 = arith.constant 64 : index
          %parallel_loop3A_449 = tpu.vector_load %arg14[%parallel_loop3A_447, %parallel_loop3A_448] {strides = array<i32>} : memref<64x128xf32, #tpu.memory_space<vmem>>, vector<1x16xf32>,
          %parallel_loop3A_450 = vector.shape_cast %parallel_loop3A_449 : vector<1x16xf32> to vector<16xf32>
          %parallel_loop3A_451 = arith.constant 0.000000e+00 : f32
          %parallel_loop3A_452 = vector.broadcast %parallel_loop3A_451 : f32 to vector<16xf32>
          %parallel_loop3A_453 = arith.maximumf %parallel_loop3A_450, %parallel_loop3A_452 : vector<16xf32>
          %parallel_loop3A_454 = arith.index_cast %parallel_loop3A_398 : i32 to index
          %parallel_loop3A_455 = arith.constant 64 : index
          %parallel_loop3A_456 = tpu.vector_load %arg14[%parallel_loop3A_454, %parallel_loop3A_455] {strides = array<i32>} : memref<64x128xf32, #tpu.memory_space<vmem>>, vector<1x16xf32>,
          %parallel_loop3A_457 = vector.shape_cast %parallel_loop3A_456 : vector<1x16xf32> to vector<16xf32>
          %parallel_loop3A_458 = vector.shape_cast %parallel_loop3A_453 : vector<16xf32> to vector<1x16xf32>
          tpu.vector_store %arg14[%parallel_loop3A_454, %parallel_loop3A_455], %parallel_loop3A_458 {strides = array<i32>} : memref<64x128xf32, #tpu.memory_space<vmem>>, vector<1x16xf32>,
          %parallel_loop3A_459 = arith.index_cast %parallel_loop3A_398 : i32 to index
          %parallel_loop3A_460 = arith.constant 80 : index
          %parallel_loop3A_461 = tpu.vector_load %arg14[%parallel_loop3A_459, %parallel_loop3A_460] {strides = array<i32>} : memref<64x128xf32, #tpu.memory_space<vmem>>, vector<1x16xf32>,
          %parallel_loop3A_462 = vector.shape_cast %parallel_loop3A_461 : vector<1x16xf32> to vector<16xf32>
          %parallel_loop3A_463 = arith.constant 0.000000e+00 : f32
          %parallel_loop3A_464 = vector.broadcast %parallel_loop3A_463 : f32 to vector<16xf32>
          %parallel_loop3A_465 = arith.maximumf %parallel_loop3A_462, %parallel_loop3A_464 : vector<16xf32>
          %parallel_loop3A_466 = arith.index_cast %parallel_loop3A_398 : i32 to index
          %parallel_loop3A_467 = arith.constant 80 : index
          %parallel_loop3A_468 = tpu.vector_load %arg14[%parallel_loop3A_466, %parallel_loop3A_467] {strides = array<i32>} : memref<64x128xf32, #tpu.memory_space<vmem>>, vector<1x16xf32>,
          %parallel_loop3A_469 = vector.shape_cast %parallel_loop3A_468 : vector<1x16xf32> to vector<16xf32>
          %parallel_loop3A_470 = vector.shape_cast %parallel_loop3A_465 : vector<16xf32> to vector<1x16xf32>
          tpu.vector_store %arg14[%parallel_loop3A_466, %parallel_loop3A_467], %parallel_loop3A_470 {strides = array<i32>} : memref<64x128xf32, #tpu.memory_space<vmem>>, vector<1x16xf32>,
          %parallel_loop3A_471 = arith.index_cast %parallel_loop3A_398 : i32 to index
          %parallel_loop3A_472 = arith.constant 96 : index
          %parallel_loop3A_473 = tpu.vector_load %arg14[%parallel_loop3A_471, %parallel_loop3A_472] {strides = array<i32>} : memref<64x128xf32, #tpu.memory_space<vmem>>, vector<1x16xf32>,
          %parallel_loop3A_474 = vector.shape_cast %parallel_loop3A_473 : vector<1x16xf32> to vector<16xf32>
          %parallel_loop3A_475 = arith.constant 0.000000e+00 : f32
          %parallel_loop3A_476 = vector.broadcast %parallel_loop3A_475 : f32 to vector<16xf32>
          %parallel_loop3A_477 = arith.maximumf %parallel_loop3A_474, %parallel_loop3A_476 : vector<16xf32>
          %parallel_loop3A_478 = arith.index_cast %parallel_loop3A_398 : i32 to index
          %parallel_loop3A_479 = arith.constant 96 : index
          %parallel_loop3A_480 = tpu.vector_load %arg14[%parallel_loop3A_478, %parallel_loop3A_479] {strides = array<i32>} : memref<64x128xf32, #tpu.memory_space<vmem>>, vector<1x16xf32>,
          %parallel_loop3A_481 = vector.shape_cast %parallel_loop3A_480 : vector<1x16xf32> to vector<16xf32>
          %parallel_loop3A_482 = vector.shape_cast %parallel_loop3A_477 : vector<16xf32> to vector<1x16xf32>
          tpu.vector_store %arg14[%parallel_loop3A_478, %parallel_loop3A_479], %parallel_loop3A_482 {strides = array<i32>} : memref<64x128xf32, #tpu.memory_space<vmem>>, vector<1x16xf32>,
          %parallel_loop3A_483 = arith.index_cast %parallel_loop3A_398 : i32 to index
          %parallel_loop3A_484 = arith.constant 112 : index
          %parallel_loop3A_485 = tpu.vector_load %arg14[%parallel_loop3A_483, %parallel_loop3A_484] {strides = array<i32>} : memref<64x128xf32, #tpu.memory_space<vmem>>, vector<1x16xf32>,
          %parallel_loop3A_486 = vector.shape_cast %parallel_loop3A_485 : vector<1x16xf32> to vector<16xf32>
          %parallel_loop3A_487 = arith.constant 0.000000e+00 : f32
          %parallel_loop3A_488 = vector.broadcast %parallel_loop3A_487 : f32 to vector<16xf32>
          %parallel_loop3A_489 = arith.maximumf %parallel_loop3A_486, %parallel_loop3A_488 : vector<16xf32>
          %parallel_loop3A_490 = arith.index_cast %parallel_loop3A_398 : i32 to index
          %parallel_loop3A_491 = arith.constant 112 : index
          %parallel_loop3A_492 = tpu.vector_load %arg14[%parallel_loop3A_490, %parallel_loop3A_491] {strides = array<i32>} : memref<64x128xf32, #tpu.memory_space<vmem>>, vector<1x16xf32>,
          %parallel_loop3A_493 = vector.shape_cast %parallel_loop3A_492 : vector<1x16xf32> to vector<16xf32>
          %parallel_loop3A_494 = vector.shape_cast %parallel_loop3A_489 : vector<16xf32> to vector<1x16xf32>
          tpu.vector_store %arg14[%parallel_loop3A_490, %parallel_loop3A_491], %parallel_loop3A_494 {strides = array<i32>} : memref<64x128xf32, #tpu.memory_space<vmem>>, vector<1x16xf32>,
        } {sc.loop_unroll_factor = 4 : i64, sc.parallel_access}
        %dma_start3A = arith.constant 0 : i32
        %dma_start3A_396 = arith.constant 0 : i32
        %dma_start3A_397 = tpu.memref_slice %arg18[%dma_start3A, %dma_start3A_396] : memref<10000x128xf32, #tpu.memory_space<vmem_shared>> -> memref<10000x128xf32, #tpu.memory_space<vmem_shared>>
        tpu.enqueue_indirect_dma source(%arg14 : memref<64x128xf32, #tpu.memory_space<vmem>>) target(%dma_start3A_397 : memref<10000x128xf32, #tpu.memory_space<vmem_shared>>) offsets(%arg10 : memref<64xi32, #tpu.memory_space<vmem>>) semaphore(%arg27 : memref<!tpu.dma_semaphore, #tpu.memory_space<semaphore_mem>>) {add = true}
      } else {
      }
      %mul3A_225 = arith.constant 12 : i32
      %mul3A_226 = arith.muli %mul3A_225, %scan3A_111 : i32
      %add3A_227 = arith.constant 5 : i32
      %add3A_228 = arith.addi %mul3A_226, %add3A_227 : i32
      %ge3A_229 = arith.constant 2 : i32
      %ge3A_230 = arith.cmpi sge, %add3A_228, %ge3A_229 : i32
      %add3A_231 = arith.constant 2 : i32
      %add3A_232 = arith.addi %select_n3A, %add3A_231 : i32
      %lt3A_233 = arith.cmpi slt, %add3A_228, %add3A_232 : i32
      %and3A_234 = arith.andi %ge3A_230, %lt3A_233 : i1
      %convert_element_type3A_235 = arith.extui %and3A_234 : i1 to i32
      %cond3A_236 = arith.constant 0 : i32
      %cond3A_237 = arith.cmpi ne, %convert_element_type3A_235, %cond3A_236 : i32
      scf.if %cond3A_237 {
        %dma_wait3A = arith.constant 0 : i32
        %dma_wait3A_386 = arith.constant 0 : i32
        %dma_wait3A_387 = tpu.memref_slice %arg18[%dma_wait3A, %dma_wait3A_386] : memref<10000x128xf32, #tpu.memory_space<vmem_shared>> -> memref<10000x128xf32, #tpu.memory_space<vmem_shared>>
        tpu.wait_indirect_dma semaphore(%arg28 : memref<!tpu.dma_semaphore, #tpu.memory_space<semaphore_mem>>) src(%arg17 : memref<64x128xf32, #tpu.memory_space<vmem>>) dst(%dma_wait3A_387 : memref<10000x128xf32, #tpu.memory_space<vmem_shared>>)
      } else {
      }
      %add3A_238 = arith.constant 1 : i32
      %add3A_239 = arith.addi %add3A_228, %add3A_238 : i32
      %lt3A_240 = arith.cmpi slt, %add3A_239, %select_n3A : i32
      %convert_element_type3A_241 = arith.extui %lt3A_240 : i1 to i32
      %cond3A_242 = arith.constant 0 : i32
      %cond3A_243 = arith.cmpi ne, %convert_element_type3A_241, %cond3A_242 : i32
      scf.if %cond3A_243 {
        %dma_wait3A = arith.constant 0 : i32
        %dma_wait3A_386 = tpu.memref_slice %arg3[%dma_wait3A] : memref<320000xi32, #tpu.memory_space<hbm>> -> memref<64xi32, #tpu.memory_space<hbm>>
        %dma_wait3A_387 = arith.constant 0 : i32
        %dma_wait3A_388 = tpu.memref_slice %arg3[%dma_wait3A_387] : memref<320000xi32, #tpu.memory_space<hbm>> -> memref<64xi32, #tpu.memory_space<hbm>>
        tpu.wait_dma2 semaphore(%arg19 : memref<!tpu.dma_semaphore, #tpu.memory_space<semaphore_mem>>) src(%dma_wait3A_388 : memref<64xi32, #tpu.memory_space<hbm>>) dst(%arg7 : memref<64xi32, #tpu.memory_space<vmem>>)
        %dma_wait3A_389 = arith.constant 0 : i32
        %dma_wait3A_390 = tpu.memref_slice %arg4[%dma_wait3A_389] : memref<320000xi32, #tpu.memory_space<hbm>> -> memref<64xi32, #tpu.memory_space<hbm>>
        %dma_wait3A_391 = arith.constant 0 : i32
        %dma_wait3A_392 = tpu.memref_slice %arg4[%dma_wait3A_391] : memref<320000xi32, #tpu.memory_space<hbm>> -> memref<64xi32, #tpu.memory_space<hbm>>
        tpu.wait_dma2 semaphore(%arg19 : memref<!tpu.dma_semaphore, #tpu.memory_space<semaphore_mem>>) src(%dma_wait3A_392 : memref<64xi32, #tpu.memory_space<hbm>>) dst(%arg12 : memref<64xi32, #tpu.memory_space<vmem>>)
        %dma_wait3A_393 = arith.constant 0 : i32
        %dma_wait3A_394 = arith.constant 0 : i32
        %dma_wait3A_395 = tpu.memref_slice %arg5[%dma_wait3A_393, %dma_wait3A_394] : memref<320000x128xf32, #tpu.memory_space<hbm>> -> memref<64x128xf32, #tpu.memory_space<hbm>>
        %dma_wait3A_396 = arith.constant 0 : i32
        %dma_wait3A_397 = arith.constant 0 : i32
        %dma_wait3A_398 = tpu.memref_slice %arg5[%dma_wait3A_396, %dma_wait3A_397] : memref<320000x128xf32, #tpu.memory_space<hbm>> -> memref<64x128xf32, #tpu.memory_space<hbm>>
        tpu.wait_dma2 semaphore(%arg23 : memref<!tpu.dma_semaphore, #tpu.memory_space<semaphore_mem>>) src(%dma_wait3A_398 : memref<64x128xf32, #tpu.memory_space<hbm>>) dst(%arg16 : memref<64x128xf32, #tpu.memory_space<vmem>>)
        %dma_start3A = arith.constant 0 : i32
        %dma_start3A_399 = arith.constant 0 : i32
        %dma_start3A_400 = tpu.memref_slice %arg2[%dma_start3A, %dma_start3A_399] : memref<10000x128xf32, #tpu.memory_space<hbm>> -> memref<10000x128xf32, #tpu.memory_space<hbm>>
        tpu.enqueue_indirect_dma source(%dma_start3A_400 : memref<10000x128xf32, #tpu.memory_space<hbm>>) target(%arg16 : memref<64x128xf32, #tpu.memory_space<vmem>>) offsets(%arg7 : memref<64xi32, #tpu.memory_space<vmem>>) semaphore(%arg25 : memref<!tpu.dma_semaphore, #tpu.memory_space<semaphore_mem>>) {add = true}
      } else {
      }
      %lt3A_244 = arith.cmpi slt, %add3A_228, %select_n3A : i32
      %convert_element_type3A_245 = arith.extui %lt3A_244 : i1 to i32
      %cond3A_246 = arith.constant 0 : i32
      %cond3A_247 = arith.cmpi ne, %convert_element_type3A_245, %cond3A_246 : i32
      scf.if %cond3A_247 {
        %dma_wait3A = arith.constant 0 : i32
        %dma_wait3A_386 = arith.constant 0 : i32
        %dma_wait3A_387 = tpu.memref_slice %arg2[%dma_wait3A, %dma_wait3A_386] : memref<10000x128xf32, #tpu.memory_space<hbm>> -> memref<10000x128xf32, #tpu.memory_space<hbm>>
        tpu.wait_indirect_dma semaphore(%arg26 : memref<!tpu.dma_semaphore, #tpu.memory_space<semaphore_mem>>) src(%dma_wait3A_387 : memref<10000x128xf32, #tpu.memory_space<hbm>>) dst(%arg15 : memref<64x128xf32, #tpu.memory_space<vmem>>)
        %add3A_388 = arith.constant 2 : i32
        %add3A_389 = arith.addi %add3A_228, %add3A_388 : i32
        %lt3A_390 = arith.cmpi slt, %add3A_389, %select_n3A : i32
        %convert_element_type3A_391 = arith.extui %lt3A_390 : i1 to i32
        %cond3A_392 = arith.constant 0 : i32
        %cond3A_393 = arith.cmpi ne, %convert_element_type3A_391, %cond3A_392 : i32
        scf.if %cond3A_393 {
          %add3A_398 = arith.constant 2 : i32
          %add3A_399 = arith.addi %add3A_228, %add3A_398 : i32
          %mul3A_400 = arith.constant 32 : i32
          %mul3A_401 = arith.muli %add3A_399, %mul3A_400 : i32
          %add3A_402 = arith.addi %add3A, %mul3A_401 : i32
          %mul3A_403 = arith.constant 64 : i32
          %mul3A_404 = arith.muli %add3A_402, %mul3A_403 : i32
          %dma_start3A_405 = tpu.memref_slice %arg3[%mul3A_404] : memref<320000xi32, #tpu.memory_space<hbm>> -> memref<64xi32, #tpu.memory_space<hbm>>
          %dma_start3A_406 = tpu.memref_slice %arg3[%mul3A_404] : memref<320000xi32, #tpu.memory_space<hbm>> -> memref<64xi32, #tpu.memory_space<hbm>>
          tpu.enqueue_dma source(%dma_start3A_406 : memref<64xi32, #tpu.memory_space<hbm>>) target(%arg8 : memref<64xi32, #tpu.memory_space<vmem>>) target_semaphore(%arg20 : memref<!tpu.dma_semaphore, #tpu.memory_space<semaphore_mem>>)
          %dma_start3A_407 = tpu.memref_slice %arg4[%mul3A_404] : memref<320000xi32, #tpu.memory_space<hbm>> -> memref<64xi32, #tpu.memory_space<hbm>>
          %dma_start3A_408 = tpu.memref_slice %arg4[%mul3A_404] : memref<320000xi32, #tpu.memory_space<hbm>> -> memref<64xi32, #tpu.memory_space<hbm>>
          tpu.enqueue_dma source(%dma_start3A_408 : memref<64xi32, #tpu.memory_space<hbm>>) target(%arg13 : memref<64xi32, #tpu.memory_space<vmem>>) target_semaphore(%arg20 : memref<!tpu.dma_semaphore, #tpu.memory_space<semaphore_mem>>)
          %add3A_409 = arith.constant 2 : i32
          %add3A_410 = arith.addi %add3A_228, %add3A_409 : i32
          %mul3A_411 = arith.constant 32 : i32
          %mul3A_412 = arith.muli %add3A_410, %mul3A_411 : i32
          %add3A_413 = arith.addi %add3A, %mul3A_412 : i32
          %mul3A_414 = arith.constant 64 : i32
          %mul3A_415 = arith.muli %add3A_413, %mul3A_414 : i32
          %dma_start3A_416 = arith.constant 0 : i32
          %dma_start3A_417 = tpu.memref_slice %arg5[%mul3A_415, %dma_start3A_416] : memref<320000x128xf32, #tpu.memory_space<hbm>> -> memref<64x128xf32, #tpu.memory_space<hbm>>
          %dma_start3A_418 = arith.constant 0 : i32
          %dma_start3A_419 = tpu.memref_slice %arg5[%mul3A_415, %dma_start3A_418] : memref<320000x128xf32, #tpu.memory_space<hbm>> -> memref<64x128xf32, #tpu.memory_space<hbm>>
          tpu.enqueue_dma source(%dma_start3A_419 : memref<64x128xf32, #tpu.memory_space<hbm>>) target(%arg17 : memref<64x128xf32, #tpu.memory_space<vmem>>) target_semaphore(%arg24 : memref<!tpu.dma_semaphore, #tpu.memory_space<semaphore_mem>>)
        } else {
        }
        %parallel_loop3A = arith.constant 0 : i32
        %parallel_loop3A_394 = arith.constant 64 : i32
        %parallel_loop3A_395 = arith.constant 1 : i32
        scf.for %parallel_loop3A_398 = %parallel_loop3A to %parallel_loop3A_394 step %parallel_loop3A_395  : i32 {
          %parallel_loop3A_399 = arith.index_cast %parallel_loop3A_398 : i32 to index
          %parallel_loop3A_400 = arith.constant 0 : index
          %parallel_loop3A_401 = tpu.vector_load %arg15[%parallel_loop3A_399, %parallel_loop3A_400] {strides = array<i32>} : memref<64x128xf32, #tpu.memory_space<vmem>>, vector<1x16xf32>,
          %parallel_loop3A_402 = vector.shape_cast %parallel_loop3A_401 : vector<1x16xf32> to vector<16xf32>
          %parallel_loop3A_403 = arith.constant 0.000000e+00 : f32
          %parallel_loop3A_404 = vector.broadcast %parallel_loop3A_403 : f32 to vector<16xf32>
          %parallel_loop3A_405 = arith.maximumf %parallel_loop3A_402, %parallel_loop3A_404 : vector<16xf32>
          %parallel_loop3A_406 = arith.index_cast %parallel_loop3A_398 : i32 to index
          %parallel_loop3A_407 = arith.constant 0 : index
          %parallel_loop3A_408 = tpu.vector_load %arg15[%parallel_loop3A_406, %parallel_loop3A_407] {strides = array<i32>} : memref<64x128xf32, #tpu.memory_space<vmem>>, vector<1x16xf32>,
          %parallel_loop3A_409 = vector.shape_cast %parallel_loop3A_408 : vector<1x16xf32> to vector<16xf32>
          %parallel_loop3A_410 = vector.shape_cast %parallel_loop3A_405 : vector<16xf32> to vector<1x16xf32>
          tpu.vector_store %arg15[%parallel_loop3A_406, %parallel_loop3A_407], %parallel_loop3A_410 {strides = array<i32>} : memref<64x128xf32, #tpu.memory_space<vmem>>, vector<1x16xf32>,
          %parallel_loop3A_411 = arith.index_cast %parallel_loop3A_398 : i32 to index
          %parallel_loop3A_412 = arith.constant 16 : index
          %parallel_loop3A_413 = tpu.vector_load %arg15[%parallel_loop3A_411, %parallel_loop3A_412] {strides = array<i32>} : memref<64x128xf32, #tpu.memory_space<vmem>>, vector<1x16xf32>,
          %parallel_loop3A_414 = vector.shape_cast %parallel_loop3A_413 : vector<1x16xf32> to vector<16xf32>
          %parallel_loop3A_415 = arith.constant 0.000000e+00 : f32
          %parallel_loop3A_416 = vector.broadcast %parallel_loop3A_415 : f32 to vector<16xf32>
          %parallel_loop3A_417 = arith.maximumf %parallel_loop3A_414, %parallel_loop3A_416 : vector<16xf32>
          %parallel_loop3A_418 = arith.index_cast %parallel_loop3A_398 : i32 to index
          %parallel_loop3A_419 = arith.constant 16 : index
          %parallel_loop3A_420 = tpu.vector_load %arg15[%parallel_loop3A_418, %parallel_loop3A_419] {strides = array<i32>} : memref<64x128xf32, #tpu.memory_space<vmem>>, vector<1x16xf32>,
          %parallel_loop3A_421 = vector.shape_cast %parallel_loop3A_420 : vector<1x16xf32> to vector<16xf32>
          %parallel_loop3A_422 = vector.shape_cast %parallel_loop3A_417 : vector<16xf32> to vector<1x16xf32>
          tpu.vector_store %arg15[%parallel_loop3A_418, %parallel_loop3A_419], %parallel_loop3A_422 {strides = array<i32>} : memref<64x128xf32, #tpu.memory_space<vmem>>, vector<1x16xf32>,
          %parallel_loop3A_423 = arith.index_cast %parallel_loop3A_398 : i32 to index
          %parallel_loop3A_424 = arith.constant 32 : index
          %parallel_loop3A_425 = tpu.vector_load %arg15[%parallel_loop3A_423, %parallel_loop3A_424] {strides = array<i32>} : memref<64x128xf32, #tpu.memory_space<vmem>>, vector<1x16xf32>,
          %parallel_loop3A_426 = vector.shape_cast %parallel_loop3A_425 : vector<1x16xf32> to vector<16xf32>
          %parallel_loop3A_427 = arith.constant 0.000000e+00 : f32
          %parallel_loop3A_428 = vector.broadcast %parallel_loop3A_427 : f32 to vector<16xf32>
          %parallel_loop3A_429 = arith.maximumf %parallel_loop3A_426, %parallel_loop3A_428 : vector<16xf32>
          %parallel_loop3A_430 = arith.index_cast %parallel_loop3A_398 : i32 to index
          %parallel_loop3A_431 = arith.constant 32 : index
          %parallel_loop3A_432 = tpu.vector_load %arg15[%parallel_loop3A_430, %parallel_loop3A_431] {strides = array<i32>} : memref<64x128xf32, #tpu.memory_space<vmem>>, vector<1x16xf32>,
          %parallel_loop3A_433 = vector.shape_cast %parallel_loop3A_432 : vector<1x16xf32> to vector<16xf32>
          %parallel_loop3A_434 = vector.shape_cast %parallel_loop3A_429 : vector<16xf32> to vector<1x16xf32>
          tpu.vector_store %arg15[%parallel_loop3A_430, %parallel_loop3A_431], %parallel_loop3A_434 {strides = array<i32>} : memref<64x128xf32, #tpu.memory_space<vmem>>, vector<1x16xf32>,
          %parallel_loop3A_435 = arith.index_cast %parallel_loop3A_398 : i32 to index
          %parallel_loop3A_436 = arith.constant 48 : index
          %parallel_loop3A_437 = tpu.vector_load %arg15[%parallel_loop3A_435, %parallel_loop3A_436] {strides = array<i32>} : memref<64x128xf32, #tpu.memory_space<vmem>>, vector<1x16xf32>,
          %parallel_loop3A_438 = vector.shape_cast %parallel_loop3A_437 : vector<1x16xf32> to vector<16xf32>
          %parallel_loop3A_439 = arith.constant 0.000000e+00 : f32
          %parallel_loop3A_440 = vector.broadcast %parallel_loop3A_439 : f32 to vector<16xf32>
          %parallel_loop3A_441 = arith.maximumf %parallel_loop3A_438, %parallel_loop3A_440 : vector<16xf32>
          %parallel_loop3A_442 = arith.index_cast %parallel_loop3A_398 : i32 to index
          %parallel_loop3A_443 = arith.constant 48 : index
          %parallel_loop3A_444 = tpu.vector_load %arg15[%parallel_loop3A_442, %parallel_loop3A_443] {strides = array<i32>} : memref<64x128xf32, #tpu.memory_space<vmem>>, vector<1x16xf32>,
          %parallel_loop3A_445 = vector.shape_cast %parallel_loop3A_444 : vector<1x16xf32> to vector<16xf32>
          %parallel_loop3A_446 = vector.shape_cast %parallel_loop3A_441 : vector<16xf32> to vector<1x16xf32>
          tpu.vector_store %arg15[%parallel_loop3A_442, %parallel_loop3A_443], %parallel_loop3A_446 {strides = array<i32>} : memref<64x128xf32, #tpu.memory_space<vmem>>, vector<1x16xf32>,
          %parallel_loop3A_447 = arith.index_cast %parallel_loop3A_398 : i32 to index
          %parallel_loop3A_448 = arith.constant 64 : index
          %parallel_loop3A_449 = tpu.vector_load %arg15[%parallel_loop3A_447, %parallel_loop3A_448] {strides = array<i32>} : memref<64x128xf32, #tpu.memory_space<vmem>>, vector<1x16xf32>,
          %parallel_loop3A_450 = vector.shape_cast %parallel_loop3A_449 : vector<1x16xf32> to vector<16xf32>
          %parallel_loop3A_451 = arith.constant 0.000000e+00 : f32
          %parallel_loop3A_452 = vector.broadcast %parallel_loop3A_451 : f32 to vector<16xf32>
          %parallel_loop3A_453 = arith.maximumf %parallel_loop3A_450, %parallel_loop3A_452 : vector<16xf32>
          %parallel_loop3A_454 = arith.index_cast %parallel_loop3A_398 : i32 to index
          %parallel_loop3A_455 = arith.constant 64 : index
          %parallel_loop3A_456 = tpu.vector_load %arg15[%parallel_loop3A_454, %parallel_loop3A_455] {strides = array<i32>} : memref<64x128xf32, #tpu.memory_space<vmem>>, vector<1x16xf32>,
          %parallel_loop3A_457 = vector.shape_cast %parallel_loop3A_456 : vector<1x16xf32> to vector<16xf32>
          %parallel_loop3A_458 = vector.shape_cast %parallel_loop3A_453 : vector<16xf32> to vector<1x16xf32>
          tpu.vector_store %arg15[%parallel_loop3A_454, %parallel_loop3A_455], %parallel_loop3A_458 {strides = array<i32>} : memref<64x128xf32, #tpu.memory_space<vmem>>, vector<1x16xf32>,
          %parallel_loop3A_459 = arith.index_cast %parallel_loop3A_398 : i32 to index
          %parallel_loop3A_460 = arith.constant 80 : index
          %parallel_loop3A_461 = tpu.vector_load %arg15[%parallel_loop3A_459, %parallel_loop3A_460] {strides = array<i32>} : memref<64x128xf32, #tpu.memory_space<vmem>>, vector<1x16xf32>,
          %parallel_loop3A_462 = vector.shape_cast %parallel_loop3A_461 : vector<1x16xf32> to vector<16xf32>
          %parallel_loop3A_463 = arith.constant 0.000000e+00 : f32
          %parallel_loop3A_464 = vector.broadcast %parallel_loop3A_463 : f32 to vector<16xf32>
          %parallel_loop3A_465 = arith.maximumf %parallel_loop3A_462, %parallel_loop3A_464 : vector<16xf32>
          %parallel_loop3A_466 = arith.index_cast %parallel_loop3A_398 : i32 to index
          %parallel_loop3A_467 = arith.constant 80 : index
          %parallel_loop3A_468 = tpu.vector_load %arg15[%parallel_loop3A_466, %parallel_loop3A_467] {strides = array<i32>} : memref<64x128xf32, #tpu.memory_space<vmem>>, vector<1x16xf32>,
          %parallel_loop3A_469 = vector.shape_cast %parallel_loop3A_468 : vector<1x16xf32> to vector<16xf32>
          %parallel_loop3A_470 = vector.shape_cast %parallel_loop3A_465 : vector<16xf32> to vector<1x16xf32>
          tpu.vector_store %arg15[%parallel_loop3A_466, %parallel_loop3A_467], %parallel_loop3A_470 {strides = array<i32>} : memref<64x128xf32, #tpu.memory_space<vmem>>, vector<1x16xf32>,
          %parallel_loop3A_471 = arith.index_cast %parallel_loop3A_398 : i32 to index
          %parallel_loop3A_472 = arith.constant 96 : index
          %parallel_loop3A_473 = tpu.vector_load %arg15[%parallel_loop3A_471, %parallel_loop3A_472] {strides = array<i32>} : memref<64x128xf32, #tpu.memory_space<vmem>>, vector<1x16xf32>,
          %parallel_loop3A_474 = vector.shape_cast %parallel_loop3A_473 : vector<1x16xf32> to vector<16xf32>
          %parallel_loop3A_475 = arith.constant 0.000000e+00 : f32
          %parallel_loop3A_476 = vector.broadcast %parallel_loop3A_475 : f32 to vector<16xf32>
          %parallel_loop3A_477 = arith.maximumf %parallel_loop3A_474, %parallel_loop3A_476 : vector<16xf32>
          %parallel_loop3A_478 = arith.index_cast %parallel_loop3A_398 : i32 to index
          %parallel_loop3A_479 = arith.constant 96 : index
          %parallel_loop3A_480 = tpu.vector_load %arg15[%parallel_loop3A_478, %parallel_loop3A_479] {strides = array<i32>} : memref<64x128xf32, #tpu.memory_space<vmem>>, vector<1x16xf32>,
          %parallel_loop3A_481 = vector.shape_cast %parallel_loop3A_480 : vector<1x16xf32> to vector<16xf32>
          %parallel_loop3A_482 = vector.shape_cast %parallel_loop3A_477 : vector<16xf32> to vector<1x16xf32>
          tpu.vector_store %arg15[%parallel_loop3A_478, %parallel_loop3A_479], %parallel_loop3A_482 {strides = array<i32>} : memref<64x128xf32, #tpu.memory_space<vmem>>, vector<1x16xf32>,
          %parallel_loop3A_483 = arith.index_cast %parallel_loop3A_398 : i32 to index
          %parallel_loop3A_484 = arith.constant 112 : index
          %parallel_loop3A_485 = tpu.vector_load %arg15[%parallel_loop3A_483, %parallel_loop3A_484] {strides = array<i32>} : memref<64x128xf32, #tpu.memory_space<vmem>>, vector<1x16xf32>,
          %parallel_loop3A_486 = vector.shape_cast %parallel_loop3A_485 : vector<1x16xf32> to vector<16xf32>
          %parallel_loop3A_487 = arith.constant 0.000000e+00 : f32
          %parallel_loop3A_488 = vector.broadcast %parallel_loop3A_487 : f32 to vector<16xf32>
          %parallel_loop3A_489 = arith.maximumf %parallel_loop3A_486, %parallel_loop3A_488 : vector<16xf32>
          %parallel_loop3A_490 = arith.index_cast %parallel_loop3A_398 : i32 to index
          %parallel_loop3A_491 = arith.constant 112 : index
          %parallel_loop3A_492 = tpu.vector_load %arg15[%parallel_loop3A_490, %parallel_loop3A_491] {strides = array<i32>} : memref<64x128xf32, #tpu.memory_space<vmem>>, vector<1x16xf32>,
          %parallel_loop3A_493 = vector.shape_cast %parallel_loop3A_492 : vector<1x16xf32> to vector<16xf32>
          %parallel_loop3A_494 = vector.shape_cast %parallel_loop3A_489 : vector<16xf32> to vector<1x16xf32>
          tpu.vector_store %arg15[%parallel_loop3A_490, %parallel_loop3A_491], %parallel_loop3A_494 {strides = array<i32>} : memref<64x128xf32, #tpu.memory_space<vmem>>, vector<1x16xf32>,
        } {sc.loop_unroll_factor = 4 : i64, sc.parallel_access}
        %dma_start3A = arith.constant 0 : i32
        %dma_start3A_396 = arith.constant 0 : i32
        %dma_start3A_397 = tpu.memref_slice %arg18[%dma_start3A, %dma_start3A_396] : memref<10000x128xf32, #tpu.memory_space<vmem_shared>> -> memref<10000x128xf32, #tpu.memory_space<vmem_shared>>
        tpu.enqueue_indirect_dma source(%arg15 : memref<64x128xf32, #tpu.memory_space<vmem>>) target(%dma_start3A_397 : memref<10000x128xf32, #tpu.memory_space<vmem_shared>>) offsets(%arg11 : memref<64xi32, #tpu.memory_space<vmem>>) semaphore(%arg28 : memref<!tpu.dma_semaphore, #tpu.memory_space<semaphore_mem>>) {add = true}
      } else {
      }
      %mul3A_248 = arith.constant 12 : i32
      %mul3A_249 = arith.muli %mul3A_248, %scan3A_111 : i32
      %add3A_250 = arith.constant 6 : i32
      %add3A_251 = arith.addi %mul3A_249, %add3A_250 : i32
      %ge3A_252 = arith.constant 2 : i32
      %ge3A_253 = arith.cmpi sge, %add3A_251, %ge3A_252 : i32
      %add3A_254 = arith.constant 2 : i32
      %add3A_255 = arith.addi %select_n3A, %add3A_254 : i32
      %lt3A_256 = arith.cmpi slt, %add3A_251, %add3A_255 : i32
      %and3A_257 = arith.andi %ge3A_253, %lt3A_256 : i1
      %convert_element_type3A_258 = arith.extui %and3A_257 : i1 to i32
      %cond3A_259 = arith.constant 0 : i32
      %cond3A_260 = arith.cmpi ne, %convert_element_type3A_258, %cond3A_259 : i32
      scf.if %cond3A_260 {
        %dma_wait3A = arith.constant 0 : i32
        %dma_wait3A_386 = arith.constant 0 : i32
        %dma_wait3A_387 = tpu.memref_slice %arg18[%dma_wait3A, %dma_wait3A_386] : memref<10000x128xf32, #tpu.memory_space<vmem_shared>> -> memref<10000x128xf32, #tpu.memory_space<vmem_shared>>
        tpu.wait_indirect_dma semaphore(%arg27 : memref<!tpu.dma_semaphore, #tpu.memory_space<semaphore_mem>>) src(%arg14 : memref<64x128xf32, #tpu.memory_space<vmem>>) dst(%dma_wait3A_387 : memref<10000x128xf32, #tpu.memory_space<vmem_shared>>)
      } else {
      }
      %add3A_261 = arith.constant 1 : i32
      %add3A_262 = arith.addi %add3A_251, %add3A_261 : i32
      %lt3A_263 = arith.cmpi slt, %add3A_262, %select_n3A : i32
      %convert_element_type3A_264 = arith.extui %lt3A_263 : i1 to i32
      %cond3A_265 = arith.constant 0 : i32
      %cond3A_266 = arith.cmpi ne, %convert_element_type3A_264, %cond3A_265 : i32
      scf.if %cond3A_266 {
        %dma_wait3A = arith.constant 0 : i32
        %dma_wait3A_386 = tpu.memref_slice %arg3[%dma_wait3A] : memref<320000xi32, #tpu.memory_space<hbm>> -> memref<64xi32, #tpu.memory_space<hbm>>
        %dma_wait3A_387 = arith.constant 0 : i32
        %dma_wait3A_388 = tpu.memref_slice %arg3[%dma_wait3A_387] : memref<320000xi32, #tpu.memory_space<hbm>> -> memref<64xi32, #tpu.memory_space<hbm>>
        tpu.wait_dma2 semaphore(%arg20 : memref<!tpu.dma_semaphore, #tpu.memory_space<semaphore_mem>>) src(%dma_wait3A_388 : memref<64xi32, #tpu.memory_space<hbm>>) dst(%arg8 : memref<64xi32, #tpu.memory_space<vmem>>)
        %dma_wait3A_389 = arith.constant 0 : i32
        %dma_wait3A_390 = tpu.memref_slice %arg4[%dma_wait3A_389] : memref<320000xi32, #tpu.memory_space<hbm>> -> memref<64xi32, #tpu.memory_space<hbm>>
        %dma_wait3A_391 = arith.constant 0 : i32
        %dma_wait3A_392 = tpu.memref_slice %arg4[%dma_wait3A_391] : memref<320000xi32, #tpu.memory_space<hbm>> -> memref<64xi32, #tpu.memory_space<hbm>>
        tpu.wait_dma2 semaphore(%arg20 : memref<!tpu.dma_semaphore, #tpu.memory_space<semaphore_mem>>) src(%dma_wait3A_392 : memref<64xi32, #tpu.memory_space<hbm>>) dst(%arg13 : memref<64xi32, #tpu.memory_space<vmem>>)
        %dma_wait3A_393 = arith.constant 0 : i32
        %dma_wait3A_394 = arith.constant 0 : i32
        %dma_wait3A_395 = tpu.memref_slice %arg5[%dma_wait3A_393, %dma_wait3A_394] : memref<320000x128xf32, #tpu.memory_space<hbm>> -> memref<64x128xf32, #tpu.memory_space<hbm>>
        %dma_wait3A_396 = arith.constant 0 : i32
        %dma_wait3A_397 = arith.constant 0 : i32
        %dma_wait3A_398 = tpu.memref_slice %arg5[%dma_wait3A_396, %dma_wait3A_397] : memref<320000x128xf32, #tpu.memory_space<hbm>> -> memref<64x128xf32, #tpu.memory_space<hbm>>
        tpu.wait_dma2 semaphore(%arg24 : memref<!tpu.dma_semaphore, #tpu.memory_space<semaphore_mem>>) src(%dma_wait3A_398 : memref<64x128xf32, #tpu.memory_space<hbm>>) dst(%arg17 : memref<64x128xf32, #tpu.memory_space<vmem>>)
        %dma_start3A = arith.constant 0 : i32
        %dma_start3A_399 = arith.constant 0 : i32
        %dma_start3A_400 = tpu.memref_slice %arg2[%dma_start3A, %dma_start3A_399] : memref<10000x128xf32, #tpu.memory_space<hbm>> -> memref<10000x128xf32, #tpu.memory_space<hbm>>
        tpu.enqueue_indirect_dma source(%dma_start3A_400 : memref<10000x128xf32, #tpu.memory_space<hbm>>) target(%arg17 : memref<64x128xf32, #tpu.memory_space<vmem>>) offsets(%arg8 : memref<64xi32, #tpu.memory_space<vmem>>) semaphore(%arg26 : memref<!tpu.dma_semaphore, #tpu.memory_space<semaphore_mem>>) {add = true}
      } else {
      }
      %lt3A_267 = arith.cmpi slt, %add3A_251, %select_n3A : i32
      %convert_element_type3A_268 = arith.extui %lt3A_267 : i1 to i32
      %cond3A_269 = arith.constant 0 : i32
      %cond3A_270 = arith.cmpi ne, %convert_element_type3A_268, %cond3A_269 : i32
      scf.if %cond3A_270 {
        %dma_wait3A = arith.constant 0 : i32
        %dma_wait3A_386 = arith.constant 0 : i32
        %dma_wait3A_387 = tpu.memref_slice %arg2[%dma_wait3A, %dma_wait3A_386] : memref<10000x128xf32, #tpu.memory_space<hbm>> -> memref<10000x128xf32, #tpu.memory_space<hbm>>
        tpu.wait_indirect_dma semaphore(%arg25 : memref<!tpu.dma_semaphore, #tpu.memory_space<semaphore_mem>>) src(%dma_wait3A_387 : memref<10000x128xf32, #tpu.memory_space<hbm>>) dst(%arg16 : memref<64x128xf32, #tpu.memory_space<vmem>>)
        %add3A_388 = arith.constant 2 : i32
        %add3A_389 = arith.addi %add3A_251, %add3A_388 : i32
        %lt3A_390 = arith.cmpi slt, %add3A_389, %select_n3A : i32
        %convert_element_type3A_391 = arith.extui %lt3A_390 : i1 to i32
        %cond3A_392 = arith.constant 0 : i32
        %cond3A_393 = arith.cmpi ne, %convert_element_type3A_391, %cond3A_392 : i32
        scf.if %cond3A_393 {
          %add3A_398 = arith.constant 2 : i32
          %add3A_399 = arith.addi %add3A_251, %add3A_398 : i32
          %mul3A_400 = arith.constant 32 : i32
          %mul3A_401 = arith.muli %add3A_399, %mul3A_400 : i32
          %add3A_402 = arith.addi %add3A, %mul3A_401 : i32
          %mul3A_403 = arith.constant 64 : i32
          %mul3A_404 = arith.muli %add3A_402, %mul3A_403 : i32
          %dma_start3A_405 = tpu.memref_slice %arg3[%mul3A_404] : memref<320000xi32, #tpu.memory_space<hbm>> -> memref<64xi32, #tpu.memory_space<hbm>>
          %dma_start3A_406 = tpu.memref_slice %arg3[%mul3A_404] : memref<320000xi32, #tpu.memory_space<hbm>> -> memref<64xi32, #tpu.memory_space<hbm>>
          tpu.enqueue_dma source(%dma_start3A_406 : memref<64xi32, #tpu.memory_space<hbm>>) target(%arg9 : memref<64xi32, #tpu.memory_space<vmem>>) target_semaphore(%arg19 : memref<!tpu.dma_semaphore, #tpu.memory_space<semaphore_mem>>)
          %dma_start3A_407 = tpu.memref_slice %arg4[%mul3A_404] : memref<320000xi32, #tpu.memory_space<hbm>> -> memref<64xi32, #tpu.memory_space<hbm>>
          %dma_start3A_408 = tpu.memref_slice %arg4[%mul3A_404] : memref<320000xi32, #tpu.memory_space<hbm>> -> memref<64xi32, #tpu.memory_space<hbm>>
          tpu.enqueue_dma source(%dma_start3A_408 : memref<64xi32, #tpu.memory_space<hbm>>) target(%arg10 : memref<64xi32, #tpu.memory_space<vmem>>) target_semaphore(%arg19 : memref<!tpu.dma_semaphore, #tpu.memory_space<semaphore_mem>>)
          %add3A_409 = arith.constant 2 : i32
          %add3A_410 = arith.addi %add3A_251, %add3A_409 : i32
          %mul3A_411 = arith.constant 32 : i32
          %mul3A_412 = arith.muli %add3A_410, %mul3A_411 : i32
          %add3A_413 = arith.addi %add3A, %mul3A_412 : i32
          %mul3A_414 = arith.constant 64 : i32
          %mul3A_415 = arith.muli %add3A_413, %mul3A_414 : i32
          %dma_start3A_416 = arith.constant 0 : i32
          %dma_start3A_417 = tpu.memref_slice %arg5[%mul3A_415, %dma_start3A_416] : memref<320000x128xf32, #tpu.memory_space<hbm>> -> memref<64x128xf32, #tpu.memory_space<hbm>>
          %dma_start3A_418 = arith.constant 0 : i32
          %dma_start3A_419 = tpu.memref_slice %arg5[%mul3A_415, %dma_start3A_418] : memref<320000x128xf32, #tpu.memory_space<hbm>> -> memref<64x128xf32, #tpu.memory_space<hbm>>
          tpu.enqueue_dma source(%dma_start3A_419 : memref<64x128xf32, #tpu.memory_space<hbm>>) target(%arg14 : memref<64x128xf32, #tpu.memory_space<vmem>>) target_semaphore(%arg21 : memref<!tpu.dma_semaphore, #tpu.memory_space<semaphore_mem>>)
        } else {
        }
        %parallel_loop3A = arith.constant 0 : i32
        %parallel_loop3A_394 = arith.constant 64 : i32
        %parallel_loop3A_395 = arith.constant 1 : i32
        scf.for %parallel_loop3A_398 = %parallel_loop3A to %parallel_loop3A_394 step %parallel_loop3A_395  : i32 {
          %parallel_loop3A_399 = arith.index_cast %parallel_loop3A_398 : i32 to index
          %parallel_loop3A_400 = arith.constant 0 : index
          %parallel_loop3A_401 = tpu.vector_load %arg16[%parallel_loop3A_399, %parallel_loop3A_400] {strides = array<i32>} : memref<64x128xf32, #tpu.memory_space<vmem>>, vector<1x16xf32>,
          %parallel_loop3A_402 = vector.shape_cast %parallel_loop3A_401 : vector<1x16xf32> to vector<16xf32>
          %parallel_loop3A_403 = arith.constant 0.000000e+00 : f32
          %parallel_loop3A_404 = vector.broadcast %parallel_loop3A_403 : f32 to vector<16xf32>
          %parallel_loop3A_405 = arith.maximumf %parallel_loop3A_402, %parallel_loop3A_404 : vector<16xf32>
          %parallel_loop3A_406 = arith.index_cast %parallel_loop3A_398 : i32 to index
          %parallel_loop3A_407 = arith.constant 0 : index
          %parallel_loop3A_408 = tpu.vector_load %arg16[%parallel_loop3A_406, %parallel_loop3A_407] {strides = array<i32>} : memref<64x128xf32, #tpu.memory_space<vmem>>, vector<1x16xf32>,
          %parallel_loop3A_409 = vector.shape_cast %parallel_loop3A_408 : vector<1x16xf32> to vector<16xf32>
          %parallel_loop3A_410 = vector.shape_cast %parallel_loop3A_405 : vector<16xf32> to vector<1x16xf32>
          tpu.vector_store %arg16[%parallel_loop3A_406, %parallel_loop3A_407], %parallel_loop3A_410 {strides = array<i32>} : memref<64x128xf32, #tpu.memory_space<vmem>>, vector<1x16xf32>,
          %parallel_loop3A_411 = arith.index_cast %parallel_loop3A_398 : i32 to index
          %parallel_loop3A_412 = arith.constant 16 : index
          %parallel_loop3A_413 = tpu.vector_load %arg16[%parallel_loop3A_411, %parallel_loop3A_412] {strides = array<i32>} : memref<64x128xf32, #tpu.memory_space<vmem>>, vector<1x16xf32>,
          %parallel_loop3A_414 = vector.shape_cast %parallel_loop3A_413 : vector<1x16xf32> to vector<16xf32>
          %parallel_loop3A_415 = arith.constant 0.000000e+00 : f32
          %parallel_loop3A_416 = vector.broadcast %parallel_loop3A_415 : f32 to vector<16xf32>
          %parallel_loop3A_417 = arith.maximumf %parallel_loop3A_414, %parallel_loop3A_416 : vector<16xf32>
          %parallel_loop3A_418 = arith.index_cast %parallel_loop3A_398 : i32 to index
          %parallel_loop3A_419 = arith.constant 16 : index
          %parallel_loop3A_420 = tpu.vector_load %arg16[%parallel_loop3A_418, %parallel_loop3A_419] {strides = array<i32>} : memref<64x128xf32, #tpu.memory_space<vmem>>, vector<1x16xf32>,
          %parallel_loop3A_421 = vector.shape_cast %parallel_loop3A_420 : vector<1x16xf32> to vector<16xf32>
          %parallel_loop3A_422 = vector.shape_cast %parallel_loop3A_417 : vector<16xf32> to vector<1x16xf32>
          tpu.vector_store %arg16[%parallel_loop3A_418, %parallel_loop3A_419], %parallel_loop3A_422 {strides = array<i32>} : memref<64x128xf32, #tpu.memory_space<vmem>>, vector<1x16xf32>,
          %parallel_loop3A_423 = arith.index_cast %parallel_loop3A_398 : i32 to index
          %parallel_loop3A_424 = arith.constant 32 : index
          %parallel_loop3A_425 = tpu.vector_load %arg16[%parallel_loop3A_423, %parallel_loop3A_424] {strides = array<i32>} : memref<64x128xf32, #tpu.memory_space<vmem>>, vector<1x16xf32>,
          %parallel_loop3A_426 = vector.shape_cast %parallel_loop3A_425 : vector<1x16xf32> to vector<16xf32>
          %parallel_loop3A_427 = arith.constant 0.000000e+00 : f32
          %parallel_loop3A_428 = vector.broadcast %parallel_loop3A_427 : f32 to vector<16xf32>
          %parallel_loop3A_429 = arith.maximumf %parallel_loop3A_426, %parallel_loop3A_428 : vector<16xf32>
          %parallel_loop3A_430 = arith.index_cast %parallel_loop3A_398 : i32 to index
          %parallel_loop3A_431 = arith.constant 32 : index
          %parallel_loop3A_432 = tpu.vector_load %arg16[%parallel_loop3A_430, %parallel_loop3A_431] {strides = array<i32>} : memref<64x128xf32, #tpu.memory_space<vmem>>, vector<1x16xf32>,
          %parallel_loop3A_433 = vector.shape_cast %parallel_loop3A_432 : vector<1x16xf32> to vector<16xf32>
          %parallel_loop3A_434 = vector.shape_cast %parallel_loop3A_429 : vector<16xf32> to vector<1x16xf32>
          tpu.vector_store %arg16[%parallel_loop3A_430, %parallel_loop3A_431], %parallel_loop3A_434 {strides = array<i32>} : memref<64x128xf32, #tpu.memory_space<vmem>>, vector<1x16xf32>,
          %parallel_loop3A_435 = arith.index_cast %parallel_loop3A_398 : i32 to index
          %parallel_loop3A_436 = arith.constant 48 : index
          %parallel_loop3A_437 = tpu.vector_load %arg16[%parallel_loop3A_435, %parallel_loop3A_436] {strides = array<i32>} : memref<64x128xf32, #tpu.memory_space<vmem>>, vector<1x16xf32>,
          %parallel_loop3A_438 = vector.shape_cast %parallel_loop3A_437 : vector<1x16xf32> to vector<16xf32>
          %parallel_loop3A_439 = arith.constant 0.000000e+00 : f32
          %parallel_loop3A_440 = vector.broadcast %parallel_loop3A_439 : f32 to vector<16xf32>
          %parallel_loop3A_441 = arith.maximumf %parallel_loop3A_438, %parallel_loop3A_440 : vector<16xf32>
          %parallel_loop3A_442 = arith.index_cast %parallel_loop3A_398 : i32 to index
          %parallel_loop3A_443 = arith.constant 48 : index
          %parallel_loop3A_444 = tpu.vector_load %arg16[%parallel_loop3A_442, %parallel_loop3A_443] {strides = array<i32>} : memref<64x128xf32, #tpu.memory_space<vmem>>, vector<1x16xf32>,
          %parallel_loop3A_445 = vector.shape_cast %parallel_loop3A_444 : vector<1x16xf32> to vector<16xf32>
          %parallel_loop3A_446 = vector.shape_cast %parallel_loop3A_441 : vector<16xf32> to vector<1x16xf32>
          tpu.vector_store %arg16[%parallel_loop3A_442, %parallel_loop3A_443], %parallel_loop3A_446 {strides = array<i32>} : memref<64x128xf32, #tpu.memory_space<vmem>>, vector<1x16xf32>,
          %parallel_loop3A_447 = arith.index_cast %parallel_loop3A_398 : i32 to index
          %parallel_loop3A_448 = arith.constant 64 : index
          %parallel_loop3A_449 = tpu.vector_load %arg16[%parallel_loop3A_447, %parallel_loop3A_448] {strides = array<i32>} : memref<64x128xf32, #tpu.memory_space<vmem>>, vector<1x16xf32>,
          %parallel_loop3A_450 = vector.shape_cast %parallel_loop3A_449 : vector<1x16xf32> to vector<16xf32>
          %parallel_loop3A_451 = arith.constant 0.000000e+00 : f32
          %parallel_loop3A_452 = vector.broadcast %parallel_loop3A_451 : f32 to vector<16xf32>
          %parallel_loop3A_453 = arith.maximumf %parallel_loop3A_450, %parallel_loop3A_452 : vector<16xf32>
          %parallel_loop3A_454 = arith.index_cast %parallel_loop3A_398 : i32 to index
          %parallel_loop3A_455 = arith.constant 64 : index
          %parallel_loop3A_456 = tpu.vector_load %arg16[%parallel_loop3A_454, %parallel_loop3A_455] {strides = array<i32>} : memref<64x128xf32, #tpu.memory_space<vmem>>, vector<1x16xf32>,
          %parallel_loop3A_457 = vector.shape_cast %parallel_loop3A_456 : vector<1x16xf32> to vector<16xf32>
          %parallel_loop3A_458 = vector.shape_cast %parallel_loop3A_453 : vector<16xf32> to vector<1x16xf32>
          tpu.vector_store %arg16[%parallel_loop3A_454, %parallel_loop3A_455], %parallel_loop3A_458 {strides = array<i32>} : memref<64x128xf32, #tpu.memory_space<vmem>>, vector<1x16xf32>,
          %parallel_loop3A_459 = arith.index_cast %parallel_loop3A_398 : i32 to index
          %parallel_loop3A_460 = arith.constant 80 : index
          %parallel_loop3A_461 = tpu.vector_load %arg16[%parallel_loop3A_459, %parallel_loop3A_460] {strides = array<i32>} : memref<64x128xf32, #tpu.memory_space<vmem>>, vector<1x16xf32>,
          %parallel_loop3A_462 = vector.shape_cast %parallel_loop3A_461 : vector<1x16xf32> to vector<16xf32>
          %parallel_loop3A_463 = arith.constant 0.000000e+00 : f32
          %parallel_loop3A_464 = vector.broadcast %parallel_loop3A_463 : f32 to vector<16xf32>
          %parallel_loop3A_465 = arith.maximumf %parallel_loop3A_462, %parallel_loop3A_464 : vector<16xf32>
          %parallel_loop3A_466 = arith.index_cast %parallel_loop3A_398 : i32 to index
          %parallel_loop3A_467 = arith.constant 80 : index
          %parallel_loop3A_468 = tpu.vector_load %arg16[%parallel_loop3A_466, %parallel_loop3A_467] {strides = array<i32>} : memref<64x128xf32, #tpu.memory_space<vmem>>, vector<1x16xf32>,
          %parallel_loop3A_469 = vector.shape_cast %parallel_loop3A_468 : vector<1x16xf32> to vector<16xf32>
          %parallel_loop3A_470 = vector.shape_cast %parallel_loop3A_465 : vector<16xf32> to vector<1x16xf32>
          tpu.vector_store %arg16[%parallel_loop3A_466, %parallel_loop3A_467], %parallel_loop3A_470 {strides = array<i32>} : memref<64x128xf32, #tpu.memory_space<vmem>>, vector<1x16xf32>,
          %parallel_loop3A_471 = arith.index_cast %parallel_loop3A_398 : i32 to index
          %parallel_loop3A_472 = arith.constant 96 : index
          %parallel_loop3A_473 = tpu.vector_load %arg16[%parallel_loop3A_471, %parallel_loop3A_472] {strides = array<i32>} : memref<64x128xf32, #tpu.memory_space<vmem>>, vector<1x16xf32>,
          %parallel_loop3A_474 = vector.shape_cast %parallel_loop3A_473 : vector<1x16xf32> to vector<16xf32>
          %parallel_loop3A_475 = arith.constant 0.000000e+00 : f32
          %parallel_loop3A_476 = vector.broadcast %parallel_loop3A_475 : f32 to vector<16xf32>
          %parallel_loop3A_477 = arith.maximumf %parallel_loop3A_474, %parallel_loop3A_476 : vector<16xf32>
          %parallel_loop3A_478 = arith.index_cast %parallel_loop3A_398 : i32 to index
          %parallel_loop3A_479 = arith.constant 96 : index
          %parallel_loop3A_480 = tpu.vector_load %arg16[%parallel_loop3A_478, %parallel_loop3A_479] {strides = array<i32>} : memref<64x128xf32, #tpu.memory_space<vmem>>, vector<1x16xf32>,
          %parallel_loop3A_481 = vector.shape_cast %parallel_loop3A_480 : vector<1x16xf32> to vector<16xf32>
          %parallel_loop3A_482 = vector.shape_cast %parallel_loop3A_477 : vector<16xf32> to vector<1x16xf32>
          tpu.vector_store %arg16[%parallel_loop3A_478, %parallel_loop3A_479], %parallel_loop3A_482 {strides = array<i32>} : memref<64x128xf32, #tpu.memory_space<vmem>>, vector<1x16xf32>,
          %parallel_loop3A_483 = arith.index_cast %parallel_loop3A_398 : i32 to index
          %parallel_loop3A_484 = arith.constant 112 : index
          %parallel_loop3A_485 = tpu.vector_load %arg16[%parallel_loop3A_483, %parallel_loop3A_484] {strides = array<i32>} : memref<64x128xf32, #tpu.memory_space<vmem>>, vector<1x16xf32>,
          %parallel_loop3A_486 = vector.shape_cast %parallel_loop3A_485 : vector<1x16xf32> to vector<16xf32>
          %parallel_loop3A_487 = arith.constant 0.000000e+00 : f32
          %parallel_loop3A_488 = vector.broadcast %parallel_loop3A_487 : f32 to vector<16xf32>
          %parallel_loop3A_489 = arith.maximumf %parallel_loop3A_486, %parallel_loop3A_488 : vector<16xf32>
          %parallel_loop3A_490 = arith.index_cast %parallel_loop3A_398 : i32 to index
          %parallel_loop3A_491 = arith.constant 112 : index
          %parallel_loop3A_492 = tpu.vector_load %arg16[%parallel_loop3A_490, %parallel_loop3A_491] {strides = array<i32>} : memref<64x128xf32, #tpu.memory_space<vmem>>, vector<1x16xf32>,
          %parallel_loop3A_493 = vector.shape_cast %parallel_loop3A_492 : vector<1x16xf32> to vector<16xf32>
          %parallel_loop3A_494 = vector.shape_cast %parallel_loop3A_489 : vector<16xf32> to vector<1x16xf32>
          tpu.vector_store %arg16[%parallel_loop3A_490, %parallel_loop3A_491], %parallel_loop3A_494 {strides = array<i32>} : memref<64x128xf32, #tpu.memory_space<vmem>>, vector<1x16xf32>,
        } {sc.loop_unroll_factor = 4 : i64, sc.parallel_access}
        %dma_start3A = arith.constant 0 : i32
        %dma_start3A_396 = arith.constant 0 : i32
        %dma_start3A_397 = tpu.memref_slice %arg18[%dma_start3A, %dma_start3A_396] : memref<10000x128xf32, #tpu.memory_space<vmem_shared>> -> memref<10000x128xf32, #tpu.memory_space<vmem_shared>>
        tpu.enqueue_indirect_dma source(%arg16 : memref<64x128xf32, #tpu.memory_space<vmem>>) target(%dma_start3A_397 : memref<10000x128xf32, #tpu.memory_space<vmem_shared>>) offsets(%arg12 : memref<64xi32, #tpu.memory_space<vmem>>) semaphore(%arg27 : memref<!tpu.dma_semaphore, #tpu.memory_space<semaphore_mem>>) {add = true}
      } else {
      }
      %mul3A_271 = arith.constant 12 : i32
      %mul3A_272 = arith.muli %mul3A_271, %scan3A_111 : i32
      %add3A_273 = arith.constant 7 : i32
      %add3A_274 = arith.addi %mul3A_272, %add3A_273 : i32
      %ge3A_275 = arith.constant 2 : i32
      %ge3A_276 = arith.cmpi sge, %add3A_274, %ge3A_275 : i32
      %add3A_277 = arith.constant 2 : i32
      %add3A_278 = arith.addi %select_n3A, %add3A_277 : i32
      %lt3A_279 = arith.cmpi slt, %add3A_274, %add3A_278 : i32
      %and3A_280 = arith.andi %ge3A_276, %lt3A_279 : i1
      %convert_element_type3A_281 = arith.extui %and3A_280 : i1 to i32
      %cond3A_282 = arith.constant 0 : i32
      %cond3A_283 = arith.cmpi ne, %convert_element_type3A_281, %cond3A_282 : i32
      scf.if %cond3A_283 {
        %dma_wait3A = arith.constant 0 : i32
        %dma_wait3A_386 = arith.constant 0 : i32
        %dma_wait3A_387 = tpu.memref_slice %arg18[%dma_wait3A, %dma_wait3A_386] : memref<10000x128xf32, #tpu.memory_space<vmem_shared>> -> memref<10000x128xf32, #tpu.memory_space<vmem_shared>>
        tpu.wait_indirect_dma semaphore(%arg28 : memref<!tpu.dma_semaphore, #tpu.memory_space<semaphore_mem>>) src(%arg15 : memref<64x128xf32, #tpu.memory_space<vmem>>) dst(%dma_wait3A_387 : memref<10000x128xf32, #tpu.memory_space<vmem_shared>>)
      } else {
      }
      %add3A_284 = arith.constant 1 : i32
      %add3A_285 = arith.addi %add3A_274, %add3A_284 : i32
      %lt3A_286 = arith.cmpi slt, %add3A_285, %select_n3A : i32
      %convert_element_type3A_287 = arith.extui %lt3A_286 : i1 to i32
      %cond3A_288 = arith.constant 0 : i32
      %cond3A_289 = arith.cmpi ne, %convert_element_type3A_287, %cond3A_288 : i32
      scf.if %cond3A_289 {
        %dma_wait3A = arith.constant 0 : i32
        %dma_wait3A_386 = tpu.memref_slice %arg3[%dma_wait3A] : memref<320000xi32, #tpu.memory_space<hbm>> -> memref<64xi32, #tpu.memory_space<hbm>>
        %dma_wait3A_387 = arith.constant 0 : i32
        %dma_wait3A_388 = tpu.memref_slice %arg3[%dma_wait3A_387] : memref<320000xi32, #tpu.memory_space<hbm>> -> memref<64xi32, #tpu.memory_space<hbm>>
        tpu.wait_dma2 semaphore(%arg19 : memref<!tpu.dma_semaphore, #tpu.memory_space<semaphore_mem>>) src(%dma_wait3A_388 : memref<64xi32, #tpu.memory_space<hbm>>) dst(%arg9 : memref<64xi32, #tpu.memory_space<vmem>>)
        %dma_wait3A_389 = arith.constant 0 : i32
        %dma_wait3A_390 = tpu.memref_slice %arg4[%dma_wait3A_389] : memref<320000xi32, #tpu.memory_space<hbm>> -> memref<64xi32, #tpu.memory_space<hbm>>
        %dma_wait3A_391 = arith.constant 0 : i32
        %dma_wait3A_392 = tpu.memref_slice %arg4[%dma_wait3A_391] : memref<320000xi32, #tpu.memory_space<hbm>> -> memref<64xi32, #tpu.memory_space<hbm>>
        tpu.wait_dma2 semaphore(%arg19 : memref<!tpu.dma_semaphore, #tpu.memory_space<semaphore_mem>>) src(%dma_wait3A_392 : memref<64xi32, #tpu.memory_space<hbm>>) dst(%arg10 : memref<64xi32, #tpu.memory_space<vmem>>)
        %dma_wait3A_393 = arith.constant 0 : i32
        %dma_wait3A_394 = arith.constant 0 : i32
        %dma_wait3A_395 = tpu.memref_slice %arg5[%dma_wait3A_393, %dma_wait3A_394] : memref<320000x128xf32, #tpu.memory_space<hbm>> -> memref<64x128xf32, #tpu.memory_space<hbm>>
        %dma_wait3A_396 = arith.constant 0 : i32
        %dma_wait3A_397 = arith.constant 0 : i32
        %dma_wait3A_398 = tpu.memref_slice %arg5[%dma_wait3A_396, %dma_wait3A_397] : memref<320000x128xf32, #tpu.memory_space<hbm>> -> memref<64x128xf32, #tpu.memory_space<hbm>>
        tpu.wait_dma2 semaphore(%arg21 : memref<!tpu.dma_semaphore, #tpu.memory_space<semaphore_mem>>) src(%dma_wait3A_398 : memref<64x128xf32, #tpu.memory_space<hbm>>) dst(%arg14 : memref<64x128xf32, #tpu.memory_space<vmem>>)
        %dma_start3A = arith.constant 0 : i32
        %dma_start3A_399 = arith.constant 0 : i32
        %dma_start3A_400 = tpu.memref_slice %arg2[%dma_start3A, %dma_start3A_399] : memref<10000x128xf32, #tpu.memory_space<hbm>> -> memref<10000x128xf32, #tpu.memory_space<hbm>>
        tpu.enqueue_indirect_dma source(%dma_start3A_400 : memref<10000x128xf32, #tpu.memory_space<hbm>>) target(%arg14 : memref<64x128xf32, #tpu.memory_space<vmem>>) offsets(%arg9 : memref<64xi32, #tpu.memory_space<vmem>>) semaphore(%arg25 : memref<!tpu.dma_semaphore, #tpu.memory_space<semaphore_mem>>) {add = true}
      } else {
      }
      %lt3A_290 = arith.cmpi slt, %add3A_274, %select_n3A : i32
      %convert_element_type3A_291 = arith.extui %lt3A_290 : i1 to i32
      %cond3A_292 = arith.constant 0 : i32
      %cond3A_293 = arith.cmpi ne, %convert_element_type3A_291, %cond3A_292 : i32
      scf.if %cond3A_293 {
        %dma_wait3A = arith.constant 0 : i32
        %dma_wait3A_386 = arith.constant 0 : i32
        %dma_wait3A_387 = tpu.memref_slice %arg2[%dma_wait3A, %dma_wait3A_386] : memref<10000x128xf32, #tpu.memory_space<hbm>> -> memref<10000x128xf32, #tpu.memory_space<hbm>>
        tpu.wait_indirect_dma semaphore(%arg26 : memref<!tpu.dma_semaphore, #tpu.memory_space<semaphore_mem>>) src(%dma_wait3A_387 : memref<10000x128xf32, #tpu.memory_space<hbm>>) dst(%arg17 : memref<64x128xf32, #tpu.memory_space<vmem>>)
        %add3A_388 = arith.constant 2 : i32
        %add3A_389 = arith.addi %add3A_274, %add3A_388 : i32
        %lt3A_390 = arith.cmpi slt, %add3A_389, %select_n3A : i32
        %convert_element_type3A_391 = arith.extui %lt3A_390 : i1 to i32
        %cond3A_392 = arith.constant 0 : i32
        %cond3A_393 = arith.cmpi ne, %convert_element_type3A_391, %cond3A_392 : i32
        scf.if %cond3A_393 {
          %add3A_398 = arith.constant 2 : i32
          %add3A_399 = arith.addi %add3A_274, %add3A_398 : i32
          %mul3A_400 = arith.constant 32 : i32
          %mul3A_401 = arith.muli %add3A_399, %mul3A_400 : i32
          %add3A_402 = arith.addi %add3A, %mul3A_401 : i32
          %mul3A_403 = arith.constant 64 : i32
          %mul3A_404 = arith.muli %add3A_402, %mul3A_403 : i32
          %dma_start3A_405 = tpu.memref_slice %arg3[%mul3A_404] : memref<320000xi32, #tpu.memory_space<hbm>> -> memref<64xi32, #tpu.memory_space<hbm>>
          %dma_start3A_406 = tpu.memref_slice %arg3[%mul3A_404] : memref<320000xi32, #tpu.memory_space<hbm>> -> memref<64xi32, #tpu.memory_space<hbm>>
          tpu.enqueue_dma source(%dma_start3A_406 : memref<64xi32, #tpu.memory_space<hbm>>) target(%arg7 : memref<64xi32, #tpu.memory_space<vmem>>) target_semaphore(%arg20 : memref<!tpu.dma_semaphore, #tpu.memory_space<semaphore_mem>>)
          %dma_start3A_407 = tpu.memref_slice %arg4[%mul3A_404] : memref<320000xi32, #tpu.memory_space<hbm>> -> memref<64xi32, #tpu.memory_space<hbm>>
          %dma_start3A_408 = tpu.memref_slice %arg4[%mul3A_404] : memref<320000xi32, #tpu.memory_space<hbm>> -> memref<64xi32, #tpu.memory_space<hbm>>
          tpu.enqueue_dma source(%dma_start3A_408 : memref<64xi32, #tpu.memory_space<hbm>>) target(%arg11 : memref<64xi32, #tpu.memory_space<vmem>>) target_semaphore(%arg20 : memref<!tpu.dma_semaphore, #tpu.memory_space<semaphore_mem>>)
          %add3A_409 = arith.constant 2 : i32
          %add3A_410 = arith.addi %add3A_274, %add3A_409 : i32
          %mul3A_411 = arith.constant 32 : i32
          %mul3A_412 = arith.muli %add3A_410, %mul3A_411 : i32
          %add3A_413 = arith.addi %add3A, %mul3A_412 : i32
          %mul3A_414 = arith.constant 64 : i32
          %mul3A_415 = arith.muli %add3A_413, %mul3A_414 : i32
          %dma_start3A_416 = arith.constant 0 : i32
          %dma_start3A_417 = tpu.memref_slice %arg5[%mul3A_415, %dma_start3A_416] : memref<320000x128xf32, #tpu.memory_space<hbm>> -> memref<64x128xf32, #tpu.memory_space<hbm>>
          %dma_start3A_418 = arith.constant 0 : i32
          %dma_start3A_419 = tpu.memref_slice %arg5[%mul3A_415, %dma_start3A_418] : memref<320000x128xf32, #tpu.memory_space<hbm>> -> memref<64x128xf32, #tpu.memory_space<hbm>>
          tpu.enqueue_dma source(%dma_start3A_419 : memref<64x128xf32, #tpu.memory_space<hbm>>) target(%arg15 : memref<64x128xf32, #tpu.memory_space<vmem>>) target_semaphore(%arg22 : memref<!tpu.dma_semaphore, #tpu.memory_space<semaphore_mem>>)
        } else {
        }
        %parallel_loop3A = arith.constant 0 : i32
        %parallel_loop3A_394 = arith.constant 64 : i32
        %parallel_loop3A_395 = arith.constant 1 : i32
        scf.for %parallel_loop3A_398 = %parallel_loop3A to %parallel_loop3A_394 step %parallel_loop3A_395  : i32 {
          %parallel_loop3A_399 = arith.index_cast %parallel_loop3A_398 : i32 to index
          %parallel_loop3A_400 = arith.constant 0 : index
          %parallel_loop3A_401 = tpu.vector_load %arg17[%parallel_loop3A_399, %parallel_loop3A_400] {strides = array<i32>} : memref<64x128xf32, #tpu.memory_space<vmem>>, vector<1x16xf32>,
          %parallel_loop3A_402 = vector.shape_cast %parallel_loop3A_401 : vector<1x16xf32> to vector<16xf32>
          %parallel_loop3A_403 = arith.constant 0.000000e+00 : f32
          %parallel_loop3A_404 = vector.broadcast %parallel_loop3A_403 : f32 to vector<16xf32>
          %parallel_loop3A_405 = arith.maximumf %parallel_loop3A_402, %parallel_loop3A_404 : vector<16xf32>
          %parallel_loop3A_406 = arith.index_cast %parallel_loop3A_398 : i32 to index
          %parallel_loop3A_407 = arith.constant 0 : index
          %parallel_loop3A_408 = tpu.vector_load %arg17[%parallel_loop3A_406, %parallel_loop3A_407] {strides = array<i32>} : memref<64x128xf32, #tpu.memory_space<vmem>>, vector<1x16xf32>,
          %parallel_loop3A_409 = vector.shape_cast %parallel_loop3A_408 : vector<1x16xf32> to vector<16xf32>
          %parallel_loop3A_410 = vector.shape_cast %parallel_loop3A_405 : vector<16xf32> to vector<1x16xf32>
          tpu.vector_store %arg17[%parallel_loop3A_406, %parallel_loop3A_407], %parallel_loop3A_410 {strides = array<i32>} : memref<64x128xf32, #tpu.memory_space<vmem>>, vector<1x16xf32>,
          %parallel_loop3A_411 = arith.index_cast %parallel_loop3A_398 : i32 to index
          %parallel_loop3A_412 = arith.constant 16 : index
          %parallel_loop3A_413 = tpu.vector_load %arg17[%parallel_loop3A_411, %parallel_loop3A_412] {strides = array<i32>} : memref<64x128xf32, #tpu.memory_space<vmem>>, vector<1x16xf32>,
          %parallel_loop3A_414 = vector.shape_cast %parallel_loop3A_413 : vector<1x16xf32> to vector<16xf32>
          %parallel_loop3A_415 = arith.constant 0.000000e+00 : f32
          %parallel_loop3A_416 = vector.broadcast %parallel_loop3A_415 : f32 to vector<16xf32>
          %parallel_loop3A_417 = arith.maximumf %parallel_loop3A_414, %parallel_loop3A_416 : vector<16xf32>
          %parallel_loop3A_418 = arith.index_cast %parallel_loop3A_398 : i32 to index
          %parallel_loop3A_419 = arith.constant 16 : index
          %parallel_loop3A_420 = tpu.vector_load %arg17[%parallel_loop3A_418, %parallel_loop3A_419] {strides = array<i32>} : memref<64x128xf32, #tpu.memory_space<vmem>>, vector<1x16xf32>,
          %parallel_loop3A_421 = vector.shape_cast %parallel_loop3A_420 : vector<1x16xf32> to vector<16xf32>
          %parallel_loop3A_422 = vector.shape_cast %parallel_loop3A_417 : vector<16xf32> to vector<1x16xf32>
          tpu.vector_store %arg17[%parallel_loop3A_418, %parallel_loop3A_419], %parallel_loop3A_422 {strides = array<i32>} : memref<64x128xf32, #tpu.memory_space<vmem>>, vector<1x16xf32>,
          %parallel_loop3A_423 = arith.index_cast %parallel_loop3A_398 : i32 to index
          %parallel_loop3A_424 = arith.constant 32 : index
          %parallel_loop3A_425 = tpu.vector_load %arg17[%parallel_loop3A_423, %parallel_loop3A_424] {strides = array<i32>} : memref<64x128xf32, #tpu.memory_space<vmem>>, vector<1x16xf32>,
          %parallel_loop3A_426 = vector.shape_cast %parallel_loop3A_425 : vector<1x16xf32> to vector<16xf32>
          %parallel_loop3A_427 = arith.constant 0.000000e+00 : f32
          %parallel_loop3A_428 = vector.broadcast %parallel_loop3A_427 : f32 to vector<16xf32>
          %parallel_loop3A_429 = arith.maximumf %parallel_loop3A_426, %parallel_loop3A_428 : vector<16xf32>
          %parallel_loop3A_430 = arith.index_cast %parallel_loop3A_398 : i32 to index
          %parallel_loop3A_431 = arith.constant 32 : index
          %parallel_loop3A_432 = tpu.vector_load %arg17[%parallel_loop3A_430, %parallel_loop3A_431] {strides = array<i32>} : memref<64x128xf32, #tpu.memory_space<vmem>>, vector<1x16xf32>,
          %parallel_loop3A_433 = vector.shape_cast %parallel_loop3A_432 : vector<1x16xf32> to vector<16xf32>
          %parallel_loop3A_434 = vector.shape_cast %parallel_loop3A_429 : vector<16xf32> to vector<1x16xf32>
          tpu.vector_store %arg17[%parallel_loop3A_430, %parallel_loop3A_431], %parallel_loop3A_434 {strides = array<i32>} : memref<64x128xf32, #tpu.memory_space<vmem>>, vector<1x16xf32>,
          %parallel_loop3A_435 = arith.index_cast %parallel_loop3A_398 : i32 to index
          %parallel_loop3A_436 = arith.constant 48 : index
          %parallel_loop3A_437 = tpu.vector_load %arg17[%parallel_loop3A_435, %parallel_loop3A_436] {strides = array<i32>} : memref<64x128xf32, #tpu.memory_space<vmem>>, vector<1x16xf32>,
          %parallel_loop3A_438 = vector.shape_cast %parallel_loop3A_437 : vector<1x16xf32> to vector<16xf32>
          %parallel_loop3A_439 = arith.constant 0.000000e+00 : f32
          %parallel_loop3A_440 = vector.broadcast %parallel_loop3A_439 : f32 to vector<16xf32>
          %parallel_loop3A_441 = arith.maximumf %parallel_loop3A_438, %parallel_loop3A_440 : vector<16xf32>
          %parallel_loop3A_442 = arith.index_cast %parallel_loop3A_398 : i32 to index
          %parallel_loop3A_443 = arith.constant 48 : index
          %parallel_loop3A_444 = tpu.vector_load %arg17[%parallel_loop3A_442, %parallel_loop3A_443] {strides = array<i32>} : memref<64x128xf32, #tpu.memory_space<vmem>>, vector<1x16xf32>,
          %parallel_loop3A_445 = vector.shape_cast %parallel_loop3A_444 : vector<1x16xf32> to vector<16xf32>
          %parallel_loop3A_446 = vector.shape_cast %parallel_loop3A_441 : vector<16xf32> to vector<1x16xf32>
          tpu.vector_store %arg17[%parallel_loop3A_442, %parallel_loop3A_443], %parallel_loop3A_446 {strides = array<i32>} : memref<64x128xf32, #tpu.memory_space<vmem>>, vector<1x16xf32>,
          %parallel_loop3A_447 = arith.index_cast %parallel_loop3A_398 : i32 to index
          %parallel_loop3A_448 = arith.constant 64 : index
          %parallel_loop3A_449 = tpu.vector_load %arg17[%parallel_loop3A_447, %parallel_loop3A_448] {strides = array<i32>} : memref<64x128xf32, #tpu.memory_space<vmem>>, vector<1x16xf32>,
          %parallel_loop3A_450 = vector.shape_cast %parallel_loop3A_449 : vector<1x16xf32> to vector<16xf32>
          %parallel_loop3A_451 = arith.constant 0.000000e+00 : f32
          %parallel_loop3A_452 = vector.broadcast %parallel_loop3A_451 : f32 to vector<16xf32>
          %parallel_loop3A_453 = arith.maximumf %parallel_loop3A_450, %parallel_loop3A_452 : vector<16xf32>
          %parallel_loop3A_454 = arith.index_cast %parallel_loop3A_398 : i32 to index
          %parallel_loop3A_455 = arith.constant 64 : index
          %parallel_loop3A_456 = tpu.vector_load %arg17[%parallel_loop3A_454, %parallel_loop3A_455] {strides = array<i32>} : memref<64x128xf32, #tpu.memory_space<vmem>>, vector<1x16xf32>,
          %parallel_loop3A_457 = vector.shape_cast %parallel_loop3A_456 : vector<1x16xf32> to vector<16xf32>
          %parallel_loop3A_458 = vector.shape_cast %parallel_loop3A_453 : vector<16xf32> to vector<1x16xf32>
          tpu.vector_store %arg17[%parallel_loop3A_454, %parallel_loop3A_455], %parallel_loop3A_458 {strides = array<i32>} : memref<64x128xf32, #tpu.memory_space<vmem>>, vector<1x16xf32>,
          %parallel_loop3A_459 = arith.index_cast %parallel_loop3A_398 : i32 to index
          %parallel_loop3A_460 = arith.constant 80 : index
          %parallel_loop3A_461 = tpu.vector_load %arg17[%parallel_loop3A_459, %parallel_loop3A_460] {strides = array<i32>} : memref<64x128xf32, #tpu.memory_space<vmem>>, vector<1x16xf32>,
          %parallel_loop3A_462 = vector.shape_cast %parallel_loop3A_461 : vector<1x16xf32> to vector<16xf32>
          %parallel_loop3A_463 = arith.constant 0.000000e+00 : f32
          %parallel_loop3A_464 = vector.broadcast %parallel_loop3A_463 : f32 to vector<16xf32>
          %parallel_loop3A_465 = arith.maximumf %parallel_loop3A_462, %parallel_loop3A_464 : vector<16xf32>
          %parallel_loop3A_466 = arith.index_cast %parallel_loop3A_398 : i32 to index
          %parallel_loop3A_467 = arith.constant 80 : index
          %parallel_loop3A_468 = tpu.vector_load %arg17[%parallel_loop3A_466, %parallel_loop3A_467] {strides = array<i32>} : memref<64x128xf32, #tpu.memory_space<vmem>>, vector<1x16xf32>,
          %parallel_loop3A_469 = vector.shape_cast %parallel_loop3A_468 : vector<1x16xf32> to vector<16xf32>
          %parallel_loop3A_470 = vector.shape_cast %parallel_loop3A_465 : vector<16xf32> to vector<1x16xf32>
          tpu.vector_store %arg17[%parallel_loop3A_466, %parallel_loop3A_467], %parallel_loop3A_470 {strides = array<i32>} : memref<64x128xf32, #tpu.memory_space<vmem>>, vector<1x16xf32>,
          %parallel_loop3A_471 = arith.index_cast %parallel_loop3A_398 : i32 to index
          %parallel_loop3A_472 = arith.constant 96 : index
          %parallel_loop3A_473 = tpu.vector_load %arg17[%parallel_loop3A_471, %parallel_loop3A_472] {strides = array<i32>} : memref<64x128xf32, #tpu.memory_space<vmem>>, vector<1x16xf32>,
          %parallel_loop3A_474 = vector.shape_cast %parallel_loop3A_473 : vector<1x16xf32> to vector<16xf32>
          %parallel_loop3A_475 = arith.constant 0.000000e+00 : f32
          %parallel_loop3A_476 = vector.broadcast %parallel_loop3A_475 : f32 to vector<16xf32>
          %parallel_loop3A_477 = arith.maximumf %parallel_loop3A_474, %parallel_loop3A_476 : vector<16xf32>
          %parallel_loop3A_478 = arith.index_cast %parallel_loop3A_398 : i32 to index
          %parallel_loop3A_479 = arith.constant 96 : index
          %parallel_loop3A_480 = tpu.vector_load %arg17[%parallel_loop3A_478, %parallel_loop3A_479] {strides = array<i32>} : memref<64x128xf32, #tpu.memory_space<vmem>>, vector<1x16xf32>,
          %parallel_loop3A_481 = vector.shape_cast %parallel_loop3A_480 : vector<1x16xf32> to vector<16xf32>
          %parallel_loop3A_482 = vector.shape_cast %parallel_loop3A_477 : vector<16xf32> to vector<1x16xf32>
          tpu.vector_store %arg17[%parallel_loop3A_478, %parallel_loop3A_479], %parallel_loop3A_482 {strides = array<i32>} : memref<64x128xf32, #tpu.memory_space<vmem>>, vector<1x16xf32>,
          %parallel_loop3A_483 = arith.index_cast %parallel_loop3A_398 : i32 to index
          %parallel_loop3A_484 = arith.constant 112 : index
          %parallel_loop3A_485 = tpu.vector_load %arg17[%parallel_loop3A_483, %parallel_loop3A_484] {strides = array<i32>} : memref<64x128xf32, #tpu.memory_space<vmem>>, vector<1x16xf32>,
          %parallel_loop3A_486 = vector.shape_cast %parallel_loop3A_485 : vector<1x16xf32> to vector<16xf32>
          %parallel_loop3A_487 = arith.constant 0.000000e+00 : f32
          %parallel_loop3A_488 = vector.broadcast %parallel_loop3A_487 : f32 to vector<16xf32>
          %parallel_loop3A_489 = arith.maximumf %parallel_loop3A_486, %parallel_loop3A_488 : vector<16xf32>
          %parallel_loop3A_490 = arith.index_cast %parallel_loop3A_398 : i32 to index
          %parallel_loop3A_491 = arith.constant 112 : index
          %parallel_loop3A_492 = tpu.vector_load %arg17[%parallel_loop3A_490, %parallel_loop3A_491] {strides = array<i32>} : memref<64x128xf32, #tpu.memory_space<vmem>>, vector<1x16xf32>,
          %parallel_loop3A_493 = vector.shape_cast %parallel_loop3A_492 : vector<1x16xf32> to vector<16xf32>
          %parallel_loop3A_494 = vector.shape_cast %parallel_loop3A_489 : vector<16xf32> to vector<1x16xf32>
          tpu.vector_store %arg17[%parallel_loop3A_490, %parallel_loop3A_491], %parallel_loop3A_494 {strides = array<i32>} : memref<64x128xf32, #tpu.memory_space<vmem>>, vector<1x16xf32>,
        } {sc.loop_unroll_factor = 4 : i64, sc.parallel_access}
        %dma_start3A = arith.constant 0 : i32
        %dma_start3A_396 = arith.constant 0 : i32
        %dma_start3A_397 = tpu.memref_slice %arg18[%dma_start3A, %dma_start3A_396] : memref<10000x128xf32, #tpu.memory_space<vmem_shared>> -> memref<10000x128xf32, #tpu.memory_space<vmem_shared>>
        tpu.enqueue_indirect_dma source(%arg17 : memref<64x128xf32, #tpu.memory_space<vmem>>) target(%dma_start3A_397 : memref<10000x128xf32, #tpu.memory_space<vmem_shared>>) offsets(%arg13 : memref<64xi32, #tpu.memory_space<vmem>>) semaphore(%arg28 : memref<!tpu.dma_semaphore, #tpu.memory_space<semaphore_mem>>) {add = true}
      } else {
      }
      %mul3A_294 = arith.constant 12 : i32
      %mul3A_295 = arith.muli %mul3A_294, %scan3A_111 : i32
      %add3A_296 = arith.constant 8 : i32
      %add3A_297 = arith.addi %mul3A_295, %add3A_296 : i32
      %ge3A_298 = arith.constant 2 : i32
      %ge3A_299 = arith.cmpi sge, %add3A_297, %ge3A_298 : i32
      %add3A_300 = arith.constant 2 : i32
      %add3A_301 = arith.addi %select_n3A, %add3A_300 : i32
      %lt3A_302 = arith.cmpi slt, %add3A_297, %add3A_301 : i32
      %and3A_303 = arith.andi %ge3A_299, %lt3A_302 : i1
      %convert_element_type3A_304 = arith.extui %and3A_303 : i1 to i32
      %cond3A_305 = arith.constant 0 : i32
      %cond3A_306 = arith.cmpi ne, %convert_element_type3A_304, %cond3A_305 : i32
      scf.if %cond3A_306 {
        %dma_wait3A = arith.constant 0 : i32
        %dma_wait3A_386 = arith.constant 0 : i32
        %dma_wait3A_387 = tpu.memref_slice %arg18[%dma_wait3A, %dma_wait3A_386] : memref<10000x128xf32, #tpu.memory_space<vmem_shared>> -> memref<10000x128xf32, #tpu.memory_space<vmem_shared>>
        tpu.wait_indirect_dma semaphore(%arg27 : memref<!tpu.dma_semaphore, #tpu.memory_space<semaphore_mem>>) src(%arg16 : memref<64x128xf32, #tpu.memory_space<vmem>>) dst(%dma_wait3A_387 : memref<10000x128xf32, #tpu.memory_space<vmem_shared>>)
      } else {
      }
      %add3A_307 = arith.constant 1 : i32
      %add3A_308 = arith.addi %add3A_297, %add3A_307 : i32
      %lt3A_309 = arith.cmpi slt, %add3A_308, %select_n3A : i32
      %convert_element_type3A_310 = arith.extui %lt3A_309 : i1 to i32
      %cond3A_311 = arith.constant 0 : i32
      %cond3A_312 = arith.cmpi ne, %convert_element_type3A_310, %cond3A_311 : i32
      scf.if %cond3A_312 {
        %dma_wait3A = arith.constant 0 : i32
        %dma_wait3A_386 = tpu.memref_slice %arg3[%dma_wait3A] : memref<320000xi32, #tpu.memory_space<hbm>> -> memref<64xi32, #tpu.memory_space<hbm>>
        %dma_wait3A_387 = arith.constant 0 : i32
        %dma_wait3A_388 = tpu.memref_slice %arg3[%dma_wait3A_387] : memref<320000xi32, #tpu.memory_space<hbm>> -> memref<64xi32, #tpu.memory_space<hbm>>
        tpu.wait_dma2 semaphore(%arg20 : memref<!tpu.dma_semaphore, #tpu.memory_space<semaphore_mem>>) src(%dma_wait3A_388 : memref<64xi32, #tpu.memory_space<hbm>>) dst(%arg7 : memref<64xi32, #tpu.memory_space<vmem>>)
        %dma_wait3A_389 = arith.constant 0 : i32
        %dma_wait3A_390 = tpu.memref_slice %arg4[%dma_wait3A_389] : memref<320000xi32, #tpu.memory_space<hbm>> -> memref<64xi32, #tpu.memory_space<hbm>>
        %dma_wait3A_391 = arith.constant 0 : i32
        %dma_wait3A_392 = tpu.memref_slice %arg4[%dma_wait3A_391] : memref<320000xi32, #tpu.memory_space<hbm>> -> memref<64xi32, #tpu.memory_space<hbm>>
        tpu.wait_dma2 semaphore(%arg20 : memref<!tpu.dma_semaphore, #tpu.memory_space<semaphore_mem>>) src(%dma_wait3A_392 : memref<64xi32, #tpu.memory_space<hbm>>) dst(%arg11 : memref<64xi32, #tpu.memory_space<vmem>>)
        %dma_wait3A_393 = arith.constant 0 : i32
        %dma_wait3A_394 = arith.constant 0 : i32
        %dma_wait3A_395 = tpu.memref_slice %arg5[%dma_wait3A_393, %dma_wait3A_394] : memref<320000x128xf32, #tpu.memory_space<hbm>> -> memref<64x128xf32, #tpu.memory_space<hbm>>
        %dma_wait3A_396 = arith.constant 0 : i32
        %dma_wait3A_397 = arith.constant 0 : i32
        %dma_wait3A_398 = tpu.memref_slice %arg5[%dma_wait3A_396, %dma_wait3A_397] : memref<320000x128xf32, #tpu.memory_space<hbm>> -> memref<64x128xf32, #tpu.memory_space<hbm>>
        tpu.wait_dma2 semaphore(%arg22 : memref<!tpu.dma_semaphore, #tpu.memory_space<semaphore_mem>>) src(%dma_wait3A_398 : memref<64x128xf32, #tpu.memory_space<hbm>>) dst(%arg15 : memref<64x128xf32, #tpu.memory_space<vmem>>)
        %dma_start3A = arith.constant 0 : i32
        %dma_start3A_399 = arith.constant 0 : i32
        %dma_start3A_400 = tpu.memref_slice %arg2[%dma_start3A, %dma_start3A_399] : memref<10000x128xf32, #tpu.memory_space<hbm>> -> memref<10000x128xf32, #tpu.memory_space<hbm>>
        tpu.enqueue_indirect_dma source(%dma_start3A_400 : memref<10000x128xf32, #tpu.memory_space<hbm>>) target(%arg15 : memref<64x128xf32, #tpu.memory_space<vmem>>) offsets(%arg7 : memref<64xi32, #tpu.memory_space<vmem>>) semaphore(%arg26 : memref<!tpu.dma_semaphore, #tpu.memory_space<semaphore_mem>>) {add = true}
      } else {
      }
      %lt3A_313 = arith.cmpi slt, %add3A_297, %select_n3A : i32
      %convert_element_type3A_314 = arith.extui %lt3A_313 : i1 to i32
      %cond3A_315 = arith.constant 0 : i32
      %cond3A_316 = arith.cmpi ne, %convert_element_type3A_314, %cond3A_315 : i32
      scf.if %cond3A_316 {
        %dma_wait3A = arith.constant 0 : i32
        %dma_wait3A_386 = arith.constant 0 : i32
        %dma_wait3A_387 = tpu.memref_slice %arg2[%dma_wait3A, %dma_wait3A_386] : memref<10000x128xf32, #tpu.memory_space<hbm>> -> memref<10000x128xf32, #tpu.memory_space<hbm>>
        tpu.wait_indirect_dma semaphore(%arg25 : memref<!tpu.dma_semaphore, #tpu.memory_space<semaphore_mem>>) src(%dma_wait3A_387 : memref<10000x128xf32, #tpu.memory_space<hbm>>) dst(%arg14 : memref<64x128xf32, #tpu.memory_space<vmem>>)
        %add3A_388 = arith.constant 2 : i32
        %add3A_389 = arith.addi %add3A_297, %add3A_388 : i32
        %lt3A_390 = arith.cmpi slt, %add3A_389, %select_n3A : i32
        %convert_element_type3A_391 = arith.extui %lt3A_390 : i1 to i32
        %cond3A_392 = arith.constant 0 : i32
        %cond3A_393 = arith.cmpi ne, %convert_element_type3A_391, %cond3A_392 : i32
        scf.if %cond3A_393 {
          %add3A_398 = arith.constant 2 : i32
          %add3A_399 = arith.addi %add3A_297, %add3A_398 : i32
          %mul3A_400 = arith.constant 32 : i32
          %mul3A_401 = arith.muli %add3A_399, %mul3A_400 : i32
          %add3A_402 = arith.addi %add3A, %mul3A_401 : i32
          %mul3A_403 = arith.constant 64 : i32
          %mul3A_404 = arith.muli %add3A_402, %mul3A_403 : i32
          %dma_start3A_405 = tpu.memref_slice %arg3[%mul3A_404] : memref<320000xi32, #tpu.memory_space<hbm>> -> memref<64xi32, #tpu.memory_space<hbm>>
          %dma_start3A_406 = tpu.memref_slice %arg3[%mul3A_404] : memref<320000xi32, #tpu.memory_space<hbm>> -> memref<64xi32, #tpu.memory_space<hbm>>
          tpu.enqueue_dma source(%dma_start3A_406 : memref<64xi32, #tpu.memory_space<hbm>>) target(%arg8 : memref<64xi32, #tpu.memory_space<vmem>>) target_semaphore(%arg19 : memref<!tpu.dma_semaphore, #tpu.memory_space<semaphore_mem>>)
          %dma_start3A_407 = tpu.memref_slice %arg4[%mul3A_404] : memref<320000xi32, #tpu.memory_space<hbm>> -> memref<64xi32, #tpu.memory_space<hbm>>
          %dma_start3A_408 = tpu.memref_slice %arg4[%mul3A_404] : memref<320000xi32, #tpu.memory_space<hbm>> -> memref<64xi32, #tpu.memory_space<hbm>>
          tpu.enqueue_dma source(%dma_start3A_408 : memref<64xi32, #tpu.memory_space<hbm>>) target(%arg12 : memref<64xi32, #tpu.memory_space<vmem>>) target_semaphore(%arg19 : memref<!tpu.dma_semaphore, #tpu.memory_space<semaphore_mem>>)
          %add3A_409 = arith.constant 2 : i32
          %add3A_410 = arith.addi %add3A_297, %add3A_409 : i32
          %mul3A_411 = arith.constant 32 : i32
          %mul3A_412 = arith.muli %add3A_410, %mul3A_411 : i32
          %add3A_413 = arith.addi %add3A, %mul3A_412 : i32
          %mul3A_414 = arith.constant 64 : i32
          %mul3A_415 = arith.muli %add3A_413, %mul3A_414 : i32
          %dma_start3A_416 = arith.constant 0 : i32
          %dma_start3A_417 = tpu.memref_slice %arg5[%mul3A_415, %dma_start3A_416] : memref<320000x128xf32, #tpu.memory_space<hbm>> -> memref<64x128xf32, #tpu.memory_space<hbm>>
          %dma_start3A_418 = arith.constant 0 : i32
          %dma_start3A_419 = tpu.memref_slice %arg5[%mul3A_415, %dma_start3A_418] : memref<320000x128xf32, #tpu.memory_space<hbm>> -> memref<64x128xf32, #tpu.memory_space<hbm>>
          tpu.enqueue_dma source(%dma_start3A_419 : memref<64x128xf32, #tpu.memory_space<hbm>>) target(%arg16 : memref<64x128xf32, #tpu.memory_space<vmem>>) target_semaphore(%arg23 : memref<!tpu.dma_semaphore, #tpu.memory_space<semaphore_mem>>)
        } else {
        }
        %parallel_loop3A = arith.constant 0 : i32
        %parallel_loop3A_394 = arith.constant 64 : i32
        %parallel_loop3A_395 = arith.constant 1 : i32
        scf.for %parallel_loop3A_398 = %parallel_loop3A to %parallel_loop3A_394 step %parallel_loop3A_395  : i32 {
          %parallel_loop3A_399 = arith.index_cast %parallel_loop3A_398 : i32 to index
          %parallel_loop3A_400 = arith.constant 0 : index
          %parallel_loop3A_401 = tpu.vector_load %arg14[%parallel_loop3A_399, %parallel_loop3A_400] {strides = array<i32>} : memref<64x128xf32, #tpu.memory_space<vmem>>, vector<1x16xf32>,
          %parallel_loop3A_402 = vector.shape_cast %parallel_loop3A_401 : vector<1x16xf32> to vector<16xf32>
          %parallel_loop3A_403 = arith.constant 0.000000e+00 : f32
          %parallel_loop3A_404 = vector.broadcast %parallel_loop3A_403 : f32 to vector<16xf32>
          %parallel_loop3A_405 = arith.maximumf %parallel_loop3A_402, %parallel_loop3A_404 : vector<16xf32>
          %parallel_loop3A_406 = arith.index_cast %parallel_loop3A_398 : i32 to index
          %parallel_loop3A_407 = arith.constant 0 : index
          %parallel_loop3A_408 = tpu.vector_load %arg14[%parallel_loop3A_406, %parallel_loop3A_407] {strides = array<i32>} : memref<64x128xf32, #tpu.memory_space<vmem>>, vector<1x16xf32>,
          %parallel_loop3A_409 = vector.shape_cast %parallel_loop3A_408 : vector<1x16xf32> to vector<16xf32>
          %parallel_loop3A_410 = vector.shape_cast %parallel_loop3A_405 : vector<16xf32> to vector<1x16xf32>
          tpu.vector_store %arg14[%parallel_loop3A_406, %parallel_loop3A_407], %parallel_loop3A_410 {strides = array<i32>} : memref<64x128xf32, #tpu.memory_space<vmem>>, vector<1x16xf32>,
          %parallel_loop3A_411 = arith.index_cast %parallel_loop3A_398 : i32 to index
          %parallel_loop3A_412 = arith.constant 16 : index
          %parallel_loop3A_413 = tpu.vector_load %arg14[%parallel_loop3A_411, %parallel_loop3A_412] {strides = array<i32>} : memref<64x128xf32, #tpu.memory_space<vmem>>, vector<1x16xf32>,
          %parallel_loop3A_414 = vector.shape_cast %parallel_loop3A_413 : vector<1x16xf32> to vector<16xf32>
          %parallel_loop3A_415 = arith.constant 0.000000e+00 : f32
          %parallel_loop3A_416 = vector.broadcast %parallel_loop3A_415 : f32 to vector<16xf32>
          %parallel_loop3A_417 = arith.maximumf %parallel_loop3A_414, %parallel_loop3A_416 : vector<16xf32>
          %parallel_loop3A_418 = arith.index_cast %parallel_loop3A_398 : i32 to index
          %parallel_loop3A_419 = arith.constant 16 : index
          %parallel_loop3A_420 = tpu.vector_load %arg14[%parallel_loop3A_418, %parallel_loop3A_419] {strides = array<i32>} : memref<64x128xf32, #tpu.memory_space<vmem>>, vector<1x16xf32>,
          %parallel_loop3A_421 = vector.shape_cast %parallel_loop3A_420 : vector<1x16xf32> to vector<16xf32>
          %parallel_loop3A_422 = vector.shape_cast %parallel_loop3A_417 : vector<16xf32> to vector<1x16xf32>
          tpu.vector_store %arg14[%parallel_loop3A_418, %parallel_loop3A_419], %parallel_loop3A_422 {strides = array<i32>} : memref<64x128xf32, #tpu.memory_space<vmem>>, vector<1x16xf32>,
          %parallel_loop3A_423 = arith.index_cast %parallel_loop3A_398 : i32 to index
          %parallel_loop3A_424 = arith.constant 32 : index
          %parallel_loop3A_425 = tpu.vector_load %arg14[%parallel_loop3A_423, %parallel_loop3A_424] {strides = array<i32>} : memref<64x128xf32, #tpu.memory_space<vmem>>, vector<1x16xf32>,
          %parallel_loop3A_426 = vector.shape_cast %parallel_loop3A_425 : vector<1x16xf32> to vector<16xf32>
          %parallel_loop3A_427 = arith.constant 0.000000e+00 : f32
          %parallel_loop3A_428 = vector.broadcast %parallel_loop3A_427 : f32 to vector<16xf32>
          %parallel_loop3A_429 = arith.maximumf %parallel_loop3A_426, %parallel_loop3A_428 : vector<16xf32>
          %parallel_loop3A_430 = arith.index_cast %parallel_loop3A_398 : i32 to index
          %parallel_loop3A_431 = arith.constant 32 : index
          %parallel_loop3A_432 = tpu.vector_load %arg14[%parallel_loop3A_430, %parallel_loop3A_431] {strides = array<i32>} : memref<64x128xf32, #tpu.memory_space<vmem>>, vector<1x16xf32>,
          %parallel_loop3A_433 = vector.shape_cast %parallel_loop3A_432 : vector<1x16xf32> to vector<16xf32>
          %parallel_loop3A_434 = vector.shape_cast %parallel_loop3A_429 : vector<16xf32> to vector<1x16xf32>
          tpu.vector_store %arg14[%parallel_loop3A_430, %parallel_loop3A_431], %parallel_loop3A_434 {strides = array<i32>} : memref<64x128xf32, #tpu.memory_space<vmem>>, vector<1x16xf32>,
          %parallel_loop3A_435 = arith.index_cast %parallel_loop3A_398 : i32 to index
          %parallel_loop3A_436 = arith.constant 48 : index
          %parallel_loop3A_437 = tpu.vector_load %arg14[%parallel_loop3A_435, %parallel_loop3A_436] {strides = array<i32>} : memref<64x128xf32, #tpu.memory_space<vmem>>, vector<1x16xf32>,
          %parallel_loop3A_438 = vector.shape_cast %parallel_loop3A_437 : vector<1x16xf32> to vector<16xf32>
          %parallel_loop3A_439 = arith.constant 0.000000e+00 : f32
          %parallel_loop3A_440 = vector.broadcast %parallel_loop3A_439 : f32 to vector<16xf32>
          %parallel_loop3A_441 = arith.maximumf %parallel_loop3A_438, %parallel_loop3A_440 : vector<16xf32>
          %parallel_loop3A_442 = arith.index_cast %parallel_loop3A_398 : i32 to index
          %parallel_loop3A_443 = arith.constant 48 : index
          %parallel_loop3A_444 = tpu.vector_load %arg14[%parallel_loop3A_442, %parallel_loop3A_443] {strides = array<i32>} : memref<64x128xf32, #tpu.memory_space<vmem>>, vector<1x16xf32>,
          %parallel_loop3A_445 = vector.shape_cast %parallel_loop3A_444 : vector<1x16xf32> to vector<16xf32>
          %parallel_loop3A_446 = vector.shape_cast %parallel_loop3A_441 : vector<16xf32> to vector<1x16xf32>
          tpu.vector_store %arg14[%parallel_loop3A_442, %parallel_loop3A_443], %parallel_loop3A_446 {strides = array<i32>} : memref<64x128xf32, #tpu.memory_space<vmem>>, vector<1x16xf32>,
          %parallel_loop3A_447 = arith.index_cast %parallel_loop3A_398 : i32 to index
          %parallel_loop3A_448 = arith.constant 64 : index
          %parallel_loop3A_449 = tpu.vector_load %arg14[%parallel_loop3A_447, %parallel_loop3A_448] {strides = array<i32>} : memref<64x128xf32, #tpu.memory_space<vmem>>, vector<1x16xf32>,
          %parallel_loop3A_450 = vector.shape_cast %parallel_loop3A_449 : vector<1x16xf32> to vector<16xf32>
          %parallel_loop3A_451 = arith.constant 0.000000e+00 : f32
          %parallel_loop3A_452 = vector.broadcast %parallel_loop3A_451 : f32 to vector<16xf32>
          %parallel_loop3A_453 = arith.maximumf %parallel_loop3A_450, %parallel_loop3A_452 : vector<16xf32>
          %parallel_loop3A_454 = arith.index_cast %parallel_loop3A_398 : i32 to index
          %parallel_loop3A_455 = arith.constant 64 : index
          %parallel_loop3A_456 = tpu.vector_load %arg14[%parallel_loop3A_454, %parallel_loop3A_455] {strides = array<i32>} : memref<64x128xf32, #tpu.memory_space<vmem>>, vector<1x16xf32>,
          %parallel_loop3A_457 = vector.shape_cast %parallel_loop3A_456 : vector<1x16xf32> to vector<16xf32>
          %parallel_loop3A_458 = vector.shape_cast %parallel_loop3A_453 : vector<16xf32> to vector<1x16xf32>
          tpu.vector_store %arg14[%parallel_loop3A_454, %parallel_loop3A_455], %parallel_loop3A_458 {strides = array<i32>} : memref<64x128xf32, #tpu.memory_space<vmem>>, vector<1x16xf32>,
          %parallel_loop3A_459 = arith.index_cast %parallel_loop3A_398 : i32 to index
          %parallel_loop3A_460 = arith.constant 80 : index
          %parallel_loop3A_461 = tpu.vector_load %arg14[%parallel_loop3A_459, %parallel_loop3A_460] {strides = array<i32>} : memref<64x128xf32, #tpu.memory_space<vmem>>, vector<1x16xf32>,
          %parallel_loop3A_462 = vector.shape_cast %parallel_loop3A_461 : vector<1x16xf32> to vector<16xf32>
          %parallel_loop3A_463 = arith.constant 0.000000e+00 : f32
          %parallel_loop3A_464 = vector.broadcast %parallel_loop3A_463 : f32 to vector<16xf32>
          %parallel_loop3A_465 = arith.maximumf %parallel_loop3A_462, %parallel_loop3A_464 : vector<16xf32>
          %parallel_loop3A_466 = arith.index_cast %parallel_loop3A_398 : i32 to index
          %parallel_loop3A_467 = arith.constant 80 : index
          %parallel_loop3A_468 = tpu.vector_load %arg14[%parallel_loop3A_466, %parallel_loop3A_467] {strides = array<i32>} : memref<64x128xf32, #tpu.memory_space<vmem>>, vector<1x16xf32>,
          %parallel_loop3A_469 = vector.shape_cast %parallel_loop3A_468 : vector<1x16xf32> to vector<16xf32>
          %parallel_loop3A_470 = vector.shape_cast %parallel_loop3A_465 : vector<16xf32> to vector<1x16xf32>
          tpu.vector_store %arg14[%parallel_loop3A_466, %parallel_loop3A_467], %parallel_loop3A_470 {strides = array<i32>} : memref<64x128xf32, #tpu.memory_space<vmem>>, vector<1x16xf32>,
          %parallel_loop3A_471 = arith.index_cast %parallel_loop3A_398 : i32 to index
          %parallel_loop3A_472 = arith.constant 96 : index
          %parallel_loop3A_473 = tpu.vector_load %arg14[%parallel_loop3A_471, %parallel_loop3A_472] {strides = array<i32>} : memref<64x128xf32, #tpu.memory_space<vmem>>, vector<1x16xf32>,
          %parallel_loop3A_474 = vector.shape_cast %parallel_loop3A_473 : vector<1x16xf32> to vector<16xf32>
          %parallel_loop3A_475 = arith.constant 0.000000e+00 : f32
          %parallel_loop3A_476 = vector.broadcast %parallel_loop3A_475 : f32 to vector<16xf32>
          %parallel_loop3A_477 = arith.maximumf %parallel_loop3A_474, %parallel_loop3A_476 : vector<16xf32>
          %parallel_loop3A_478 = arith.index_cast %parallel_loop3A_398 : i32 to index
          %parallel_loop3A_479 = arith.constant 96 : index
          %parallel_loop3A_480 = tpu.vector_load %arg14[%parallel_loop3A_478, %parallel_loop3A_479] {strides = array<i32>} : memref<64x128xf32, #tpu.memory_space<vmem>>, vector<1x16xf32>,
          %parallel_loop3A_481 = vector.shape_cast %parallel_loop3A_480 : vector<1x16xf32> to vector<16xf32>
          %parallel_loop3A_482 = vector.shape_cast %parallel_loop3A_477 : vector<16xf32> to vector<1x16xf32>
          tpu.vector_store %arg14[%parallel_loop3A_478, %parallel_loop3A_479], %parallel_loop3A_482 {strides = array<i32>} : memref<64x128xf32, #tpu.memory_space<vmem>>, vector<1x16xf32>,
          %parallel_loop3A_483 = arith.index_cast %parallel_loop3A_398 : i32 to index
          %parallel_loop3A_484 = arith.constant 112 : index
          %parallel_loop3A_485 = tpu.vector_load %arg14[%parallel_loop3A_483, %parallel_loop3A_484] {strides = array<i32>} : memref<64x128xf32, #tpu.memory_space<vmem>>, vector<1x16xf32>,
          %parallel_loop3A_486 = vector.shape_cast %parallel_loop3A_485 : vector<1x16xf32> to vector<16xf32>
          %parallel_loop3A_487 = arith.constant 0.000000e+00 : f32
          %parallel_loop3A_488 = vector.broadcast %parallel_loop3A_487 : f32 to vector<16xf32>
          %parallel_loop3A_489 = arith.maximumf %parallel_loop3A_486, %parallel_loop3A_488 : vector<16xf32>
          %parallel_loop3A_490 = arith.index_cast %parallel_loop3A_398 : i32 to index
          %parallel_loop3A_491 = arith.constant 112 : index
          %parallel_loop3A_492 = tpu.vector_load %arg14[%parallel_loop3A_490, %parallel_loop3A_491] {strides = array<i32>} : memref<64x128xf32, #tpu.memory_space<vmem>>, vector<1x16xf32>,
          %parallel_loop3A_493 = vector.shape_cast %parallel_loop3A_492 : vector<1x16xf32> to vector<16xf32>
          %parallel_loop3A_494 = vector.shape_cast %parallel_loop3A_489 : vector<16xf32> to vector<1x16xf32>
          tpu.vector_store %arg14[%parallel_loop3A_490, %parallel_loop3A_491], %parallel_loop3A_494 {strides = array<i32>} : memref<64x128xf32, #tpu.memory_space<vmem>>, vector<1x16xf32>,
        } {sc.loop_unroll_factor = 4 : i64, sc.parallel_access}
        %dma_start3A = arith.constant 0 : i32
        %dma_start3A_396 = arith.constant 0 : i32
        %dma_start3A_397 = tpu.memref_slice %arg18[%dma_start3A, %dma_start3A_396] : memref<10000x128xf32, #tpu.memory_space<vmem_shared>> -> memref<10000x128xf32, #tpu.memory_space<vmem_shared>>
        tpu.enqueue_indirect_dma source(%arg14 : memref<64x128xf32, #tpu.memory_space<vmem>>) target(%dma_start3A_397 : memref<10000x128xf32, #tpu.memory_space<vmem_shared>>) offsets(%arg10 : memref<64xi32, #tpu.memory_space<vmem>>) semaphore(%arg27 : memref<!tpu.dma_semaphore, #tpu.memory_space<semaphore_mem>>) {add = true}
      } else {
      }
      %mul3A_317 = arith.constant 12 : i32
      %mul3A_318 = arith.muli %mul3A_317, %scan3A_111 : i32
      %add3A_319 = arith.constant 9 : i32
      %add3A_320 = arith.addi %mul3A_318, %add3A_319 : i32
      %ge3A_321 = arith.constant 2 : i32
      %ge3A_322 = arith.cmpi sge, %add3A_320, %ge3A_321 : i32
      %add3A_323 = arith.constant 2 : i32
      %add3A_324 = arith.addi %select_n3A, %add3A_323 : i32
      %lt3A_325 = arith.cmpi slt, %add3A_320, %add3A_324 : i32
      %and3A_326 = arith.andi %ge3A_322, %lt3A_325 : i1
      %convert_element_type3A_327 = arith.extui %and3A_326 : i1 to i32
      %cond3A_328 = arith.constant 0 : i32
      %cond3A_329 = arith.cmpi ne, %convert_element_type3A_327, %cond3A_328 : i32
      scf.if %cond3A_329 {
        %dma_wait3A = arith.constant 0 : i32
        %dma_wait3A_386 = arith.constant 0 : i32
        %dma_wait3A_387 = tpu.memref_slice %arg18[%dma_wait3A, %dma_wait3A_386] : memref<10000x128xf32, #tpu.memory_space<vmem_shared>> -> memref<10000x128xf32, #tpu.memory_space<vmem_shared>>
        tpu.wait_indirect_dma semaphore(%arg28 : memref<!tpu.dma_semaphore, #tpu.memory_space<semaphore_mem>>) src(%arg17 : memref<64x128xf32, #tpu.memory_space<vmem>>) dst(%dma_wait3A_387 : memref<10000x128xf32, #tpu.memory_space<vmem_shared>>)
      } else {
      }
      %add3A_330 = arith.constant 1 : i32
      %add3A_331 = arith.addi %add3A_320, %add3A_330 : i32
      %lt3A_332 = arith.cmpi slt, %add3A_331, %select_n3A : i32
      %convert_element_type3A_333 = arith.extui %lt3A_332 : i1 to i32
      %cond3A_334 = arith.constant 0 : i32
      %cond3A_335 = arith.cmpi ne, %convert_element_type3A_333, %cond3A_334 : i32
      scf.if %cond3A_335 {
        %dma_wait3A = arith.constant 0 : i32
        %dma_wait3A_386 = tpu.memref_slice %arg3[%dma_wait3A] : memref<320000xi32, #tpu.memory_space<hbm>> -> memref<64xi32, #tpu.memory_space<hbm>>
        %dma_wait3A_387 = arith.constant 0 : i32
        %dma_wait3A_388 = tpu.memref_slice %arg3[%dma_wait3A_387] : memref<320000xi32, #tpu.memory_space<hbm>> -> memref<64xi32, #tpu.memory_space<hbm>>
        tpu.wait_dma2 semaphore(%arg19 : memref<!tpu.dma_semaphore, #tpu.memory_space<semaphore_mem>>) src(%dma_wait3A_388 : memref<64xi32, #tpu.memory_space<hbm>>) dst(%arg8 : memref<64xi32, #tpu.memory_space<vmem>>)
        %dma_wait3A_389 = arith.constant 0 : i32
        %dma_wait3A_390 = tpu.memref_slice %arg4[%dma_wait3A_389] : memref<320000xi32, #tpu.memory_space<hbm>> -> memref<64xi32, #tpu.memory_space<hbm>>
        %dma_wait3A_391 = arith.constant 0 : i32
        %dma_wait3A_392 = tpu.memref_slice %arg4[%dma_wait3A_391] : memref<320000xi32, #tpu.memory_space<hbm>> -> memref<64xi32, #tpu.memory_space<hbm>>
        tpu.wait_dma2 semaphore(%arg19 : memref<!tpu.dma_semaphore, #tpu.memory_space<semaphore_mem>>) src(%dma_wait3A_392 : memref<64xi32, #tpu.memory_space<hbm>>) dst(%arg12 : memref<64xi32, #tpu.memory_space<vmem>>)
        %dma_wait3A_393 = arith.constant 0 : i32
        %dma_wait3A_394 = arith.constant 0 : i32
        %dma_wait3A_395 = tpu.memref_slice %arg5[%dma_wait3A_393, %dma_wait3A_394] : memref<320000x128xf32, #tpu.memory_space<hbm>> -> memref<64x128xf32, #tpu.memory_space<hbm>>
        %dma_wait3A_396 = arith.constant 0 : i32
        %dma_wait3A_397 = arith.constant 0 : i32
        %dma_wait3A_398 = tpu.memref_slice %arg5[%dma_wait3A_396, %dma_wait3A_397] : memref<320000x128xf32, #tpu.memory_space<hbm>> -> memref<64x128xf32, #tpu.memory_space<hbm>>
        tpu.wait_dma2 semaphore(%arg23 : memref<!tpu.dma_semaphore, #tpu.memory_space<semaphore_mem>>) src(%dma_wait3A_398 : memref<64x128xf32, #tpu.memory_space<hbm>>) dst(%arg16 : memref<64x128xf32, #tpu.memory_space<vmem>>)
        %dma_start3A = arith.constant 0 : i32
        %dma_start3A_399 = arith.constant 0 : i32
        %dma_start3A_400 = tpu.memref_slice %arg2[%dma_start3A, %dma_start3A_399] : memref<10000x128xf32, #tpu.memory_space<hbm>> -> memref<10000x128xf32, #tpu.memory_space<hbm>>
        tpu.enqueue_indirect_dma source(%dma_start3A_400 : memref<10000x128xf32, #tpu.memory_space<hbm>>) target(%arg16 : memref<64x128xf32, #tpu.memory_space<vmem>>) offsets(%arg8 : memref<64xi32, #tpu.memory_space<vmem>>) semaphore(%arg25 : memref<!tpu.dma_semaphore, #tpu.memory_space<semaphore_mem>>) {add = true}
      } else {
      }
      %lt3A_336 = arith.cmpi slt, %add3A_320, %select_n3A : i32
      %convert_element_type3A_337 = arith.extui %lt3A_336 : i1 to i32
      %cond3A_338 = arith.constant 0 : i32
      %cond3A_339 = arith.cmpi ne, %convert_element_type3A_337, %cond3A_338 : i32
      scf.if %cond3A_339 {
        %dma_wait3A = arith.constant 0 : i32
        %dma_wait3A_386 = arith.constant 0 : i32
        %dma_wait3A_387 = tpu.memref_slice %arg2[%dma_wait3A, %dma_wait3A_386] : memref<10000x128xf32, #tpu.memory_space<hbm>> -> memref<10000x128xf32, #tpu.memory_space<hbm>>
        tpu.wait_indirect_dma semaphore(%arg26 : memref<!tpu.dma_semaphore, #tpu.memory_space<semaphore_mem>>) src(%dma_wait3A_387 : memref<10000x128xf32, #tpu.memory_space<hbm>>) dst(%arg15 : memref<64x128xf32, #tpu.memory_space<vmem>>)
        %add3A_388 = arith.constant 2 : i32
        %add3A_389 = arith.addi %add3A_320, %add3A_388 : i32
        %lt3A_390 = arith.cmpi slt, %add3A_389, %select_n3A : i32
        %convert_element_type3A_391 = arith.extui %lt3A_390 : i1 to i32
        %cond3A_392 = arith.constant 0 : i32
        %cond3A_393 = arith.cmpi ne, %convert_element_type3A_391, %cond3A_392 : i32
        scf.if %cond3A_393 {
          %add3A_398 = arith.constant 2 : i32
          %add3A_399 = arith.addi %add3A_320, %add3A_398 : i32
          %mul3A_400 = arith.constant 32 : i32
          %mul3A_401 = arith.muli %add3A_399, %mul3A_400 : i32
          %add3A_402 = arith.addi %add3A, %mul3A_401 : i32
          %mul3A_403 = arith.constant 64 : i32
          %mul3A_404 = arith.muli %add3A_402, %mul3A_403 : i32
          %dma_start3A_405 = tpu.memref_slice %arg3[%mul3A_404] : memref<320000xi32, #tpu.memory_space<hbm>> -> memref<64xi32, #tpu.memory_space<hbm>>
          %dma_start3A_406 = tpu.memref_slice %arg3[%mul3A_404] : memref<320000xi32, #tpu.memory_space<hbm>> -> memref<64xi32, #tpu.memory_space<hbm>>
          tpu.enqueue_dma source(%dma_start3A_406 : memref<64xi32, #tpu.memory_space<hbm>>) target(%arg9 : memref<64xi32, #tpu.memory_space<vmem>>) target_semaphore(%arg20 : memref<!tpu.dma_semaphore, #tpu.memory_space<semaphore_mem>>)
          %dma_start3A_407 = tpu.memref_slice %arg4[%mul3A_404] : memref<320000xi32, #tpu.memory_space<hbm>> -> memref<64xi32, #tpu.memory_space<hbm>>
          %dma_start3A_408 = tpu.memref_slice %arg4[%mul3A_404] : memref<320000xi32, #tpu.memory_space<hbm>> -> memref<64xi32, #tpu.memory_space<hbm>>
          tpu.enqueue_dma source(%dma_start3A_408 : memref<64xi32, #tpu.memory_space<hbm>>) target(%arg13 : memref<64xi32, #tpu.memory_space<vmem>>) target_semaphore(%arg20 : memref<!tpu.dma_semaphore, #tpu.memory_space<semaphore_mem>>)
          %add3A_409 = arith.constant 2 : i32
          %add3A_410 = arith.addi %add3A_320, %add3A_409 : i32
          %mul3A_411 = arith.constant 32 : i32
          %mul3A_412 = arith.muli %add3A_410, %mul3A_411 : i32
          %add3A_413 = arith.addi %add3A, %mul3A_412 : i32
          %mul3A_414 = arith.constant 64 : i32
          %mul3A_415 = arith.muli %add3A_413, %mul3A_414 : i32
          %dma_start3A_416 = arith.constant 0 : i32
          %dma_start3A_417 = tpu.memref_slice %arg5[%mul3A_415, %dma_start3A_416] : memref<320000x128xf32, #tpu.memory_space<hbm>> -> memref<64x128xf32, #tpu.memory_space<hbm>>
          %dma_start3A_418 = arith.constant 0 : i32
          %dma_start3A_419 = tpu.memref_slice %arg5[%mul3A_415, %dma_start3A_418] : memref<320000x128xf32, #tpu.memory_space<hbm>> -> memref<64x128xf32, #tpu.memory_space<hbm>>
          tpu.enqueue_dma source(%dma_start3A_419 : memref<64x128xf32, #tpu.memory_space<hbm>>) target(%arg17 : memref<64x128xf32, #tpu.memory_space<vmem>>) target_semaphore(%arg24 : memref<!tpu.dma_semaphore, #tpu.memory_space<semaphore_mem>>)
        } else {
        }
        %parallel_loop3A = arith.constant 0 : i32
        %parallel_loop3A_394 = arith.constant 64 : i32
        %parallel_loop3A_395 = arith.constant 1 : i32
        scf.for %parallel_loop3A_398 = %parallel_loop3A to %parallel_loop3A_394 step %parallel_loop3A_395  : i32 {
          %parallel_loop3A_399 = arith.index_cast %parallel_loop3A_398 : i32 to index
          %parallel_loop3A_400 = arith.constant 0 : index
          %parallel_loop3A_401 = tpu.vector_load %arg15[%parallel_loop3A_399, %parallel_loop3A_400] {strides = array<i32>} : memref<64x128xf32, #tpu.memory_space<vmem>>, vector<1x16xf32>,
          %parallel_loop3A_402 = vector.shape_cast %parallel_loop3A_401 : vector<1x16xf32> to vector<16xf32>
          %parallel_loop3A_403 = arith.constant 0.000000e+00 : f32
          %parallel_loop3A_404 = vector.broadcast %parallel_loop3A_403 : f32 to vector<16xf32>
          %parallel_loop3A_405 = arith.maximumf %parallel_loop3A_402, %parallel_loop3A_404 : vector<16xf32>
          %parallel_loop3A_406 = arith.index_cast %parallel_loop3A_398 : i32 to index
          %parallel_loop3A_407 = arith.constant 0 : index
          %parallel_loop3A_408 = tpu.vector_load %arg15[%parallel_loop3A_406, %parallel_loop3A_407] {strides = array<i32>} : memref<64x128xf32, #tpu.memory_space<vmem>>, vector<1x16xf32>,
          %parallel_loop3A_409 = vector.shape_cast %parallel_loop3A_408 : vector<1x16xf32> to vector<16xf32>
          %parallel_loop3A_410 = vector.shape_cast %parallel_loop3A_405 : vector<16xf32> to vector<1x16xf32>
          tpu.vector_store %arg15[%parallel_loop3A_406, %parallel_loop3A_407], %parallel_loop3A_410 {strides = array<i32>} : memref<64x128xf32, #tpu.memory_space<vmem>>, vector<1x16xf32>,
          %parallel_loop3A_411 = arith.index_cast %parallel_loop3A_398 : i32 to index
          %parallel_loop3A_412 = arith.constant 16 : index
          %parallel_loop3A_413 = tpu.vector_load %arg15[%parallel_loop3A_411, %parallel_loop3A_412] {strides = array<i32>} : memref<64x128xf32, #tpu.memory_space<vmem>>, vector<1x16xf32>,
          %parallel_loop3A_414 = vector.shape_cast %parallel_loop3A_413 : vector<1x16xf32> to vector<16xf32>
          %parallel_loop3A_415 = arith.constant 0.000000e+00 : f32
          %parallel_loop3A_416 = vector.broadcast %parallel_loop3A_415 : f32 to vector<16xf32>
          %parallel_loop3A_417 = arith.maximumf %parallel_loop3A_414, %parallel_loop3A_416 : vector<16xf32>
          %parallel_loop3A_418 = arith.index_cast %parallel_loop3A_398 : i32 to index
          %parallel_loop3A_419 = arith.constant 16 : index
          %parallel_loop3A_420 = tpu.vector_load %arg15[%parallel_loop3A_418, %parallel_loop3A_419] {strides = array<i32>} : memref<64x128xf32, #tpu.memory_space<vmem>>, vector<1x16xf32>,
          %parallel_loop3A_421 = vector.shape_cast %parallel_loop3A_420 : vector<1x16xf32> to vector<16xf32>
          %parallel_loop3A_422 = vector.shape_cast %parallel_loop3A_417 : vector<16xf32> to vector<1x16xf32>
          tpu.vector_store %arg15[%parallel_loop3A_418, %parallel_loop3A_419], %parallel_loop3A_422 {strides = array<i32>} : memref<64x128xf32, #tpu.memory_space<vmem>>, vector<1x16xf32>,
          %parallel_loop3A_423 = arith.index_cast %parallel_loop3A_398 : i32 to index
          %parallel_loop3A_424 = arith.constant 32 : index
          %parallel_loop3A_425 = tpu.vector_load %arg15[%parallel_loop3A_423, %parallel_loop3A_424] {strides = array<i32>} : memref<64x128xf32, #tpu.memory_space<vmem>>, vector<1x16xf32>,
          %parallel_loop3A_426 = vector.shape_cast %parallel_loop3A_425 : vector<1x16xf32> to vector<16xf32>
          %parallel_loop3A_427 = arith.constant 0.000000e+00 : f32
          %parallel_loop3A_428 = vector.broadcast %parallel_loop3A_427 : f32 to vector<16xf32>
          %parallel_loop3A_429 = arith.maximumf %parallel_loop3A_426, %parallel_loop3A_428 : vector<16xf32>
          %parallel_loop3A_430 = arith.index_cast %parallel_loop3A_398 : i32 to index
          %parallel_loop3A_431 = arith.constant 32 : index
          %parallel_loop3A_432 = tpu.vector_load %arg15[%parallel_loop3A_430, %parallel_loop3A_431] {strides = array<i32>} : memref<64x128xf32, #tpu.memory_space<vmem>>, vector<1x16xf32>,
          %parallel_loop3A_433 = vector.shape_cast %parallel_loop3A_432 : vector<1x16xf32> to vector<16xf32>
          %parallel_loop3A_434 = vector.shape_cast %parallel_loop3A_429 : vector<16xf32> to vector<1x16xf32>
          tpu.vector_store %arg15[%parallel_loop3A_430, %parallel_loop3A_431], %parallel_loop3A_434 {strides = array<i32>} : memref<64x128xf32, #tpu.memory_space<vmem>>, vector<1x16xf32>,
          %parallel_loop3A_435 = arith.index_cast %parallel_loop3A_398 : i32 to index
          %parallel_loop3A_436 = arith.constant 48 : index
          %parallel_loop3A_437 = tpu.vector_load %arg15[%parallel_loop3A_435, %parallel_loop3A_436] {strides = array<i32>} : memref<64x128xf32, #tpu.memory_space<vmem>>, vector<1x16xf32>,
          %parallel_loop3A_438 = vector.shape_cast %parallel_loop3A_437 : vector<1x16xf32> to vector<16xf32>
          %parallel_loop3A_439 = arith.constant 0.000000e+00 : f32
          %parallel_loop3A_440 = vector.broadcast %parallel_loop3A_439 : f32 to vector<16xf32>
          %parallel_loop3A_441 = arith.maximumf %parallel_loop3A_438, %parallel_loop3A_440 : vector<16xf32>
          %parallel_loop3A_442 = arith.index_cast %parallel_loop3A_398 : i32 to index
          %parallel_loop3A_443 = arith.constant 48 : index
          %parallel_loop3A_444 = tpu.vector_load %arg15[%parallel_loop3A_442, %parallel_loop3A_443] {strides = array<i32>} : memref<64x128xf32, #tpu.memory_space<vmem>>, vector<1x16xf32>,
          %parallel_loop3A_445 = vector.shape_cast %parallel_loop3A_444 : vector<1x16xf32> to vector<16xf32>
          %parallel_loop3A_446 = vector.shape_cast %parallel_loop3A_441 : vector<16xf32> to vector<1x16xf32>
          tpu.vector_store %arg15[%parallel_loop3A_442, %parallel_loop3A_443], %parallel_loop3A_446 {strides = array<i32>} : memref<64x128xf32, #tpu.memory_space<vmem>>, vector<1x16xf32>,
          %parallel_loop3A_447 = arith.index_cast %parallel_loop3A_398 : i32 to index
          %parallel_loop3A_448 = arith.constant 64 : index
          %parallel_loop3A_449 = tpu.vector_load %arg15[%parallel_loop3A_447, %parallel_loop3A_448] {strides = array<i32>} : memref<64x128xf32, #tpu.memory_space<vmem>>, vector<1x16xf32>,
          %parallel_loop3A_450 = vector.shape_cast %parallel_loop3A_449 : vector<1x16xf32> to vector<16xf32>
          %parallel_loop3A_451 = arith.constant 0.000000e+00 : f32
          %parallel_loop3A_452 = vector.broadcast %parallel_loop3A_451 : f32 to vector<16xf32>
          %parallel_loop3A_453 = arith.maximumf %parallel_loop3A_450, %parallel_loop3A_452 : vector<16xf32>
          %parallel_loop3A_454 = arith.index_cast %parallel_loop3A_398 : i32 to index
          %parallel_loop3A_455 = arith.constant 64 : index
          %parallel_loop3A_456 = tpu.vector_load %arg15[%parallel_loop3A_454, %parallel_loop3A_455] {strides = array<i32>} : memref<64x128xf32, #tpu.memory_space<vmem>>, vector<1x16xf32>,
          %parallel_loop3A_457 = vector.shape_cast %parallel_loop3A_456 : vector<1x16xf32> to vector<16xf32>
          %parallel_loop3A_458 = vector.shape_cast %parallel_loop3A_453 : vector<16xf32> to vector<1x16xf32>
          tpu.vector_store %arg15[%parallel_loop3A_454, %parallel_loop3A_455], %parallel_loop3A_458 {strides = array<i32>} : memref<64x128xf32, #tpu.memory_space<vmem>>, vector<1x16xf32>,
          %parallel_loop3A_459 = arith.index_cast %parallel_loop3A_398 : i32 to index
          %parallel_loop3A_460 = arith.constant 80 : index
          %parallel_loop3A_461 = tpu.vector_load %arg15[%parallel_loop3A_459, %parallel_loop3A_460] {strides = array<i32>} : memref<64x128xf32, #tpu.memory_space<vmem>>, vector<1x16xf32>,
          %parallel_loop3A_462 = vector.shape_cast %parallel_loop3A_461 : vector<1x16xf32> to vector<16xf32>
          %parallel_loop3A_463 = arith.constant 0.000000e+00 : f32
          %parallel_loop3A_464 = vector.broadcast %parallel_loop3A_463 : f32 to vector<16xf32>
          %parallel_loop3A_465 = arith.maximumf %parallel_loop3A_462, %parallel_loop3A_464 : vector<16xf32>
          %parallel_loop3A_466 = arith.index_cast %parallel_loop3A_398 : i32 to index
          %parallel_loop3A_467 = arith.constant 80 : index
          %parallel_loop3A_468 = tpu.vector_load %arg15[%parallel_loop3A_466, %parallel_loop3A_467] {strides = array<i32>} : memref<64x128xf32, #tpu.memory_space<vmem>>, vector<1x16xf32>,
          %parallel_loop3A_469 = vector.shape_cast %parallel_loop3A_468 : vector<1x16xf32> to vector<16xf32>
          %parallel_loop3A_470 = vector.shape_cast %parallel_loop3A_465 : vector<16xf32> to vector<1x16xf32>
          tpu.vector_store %arg15[%parallel_loop3A_466, %parallel_loop3A_467], %parallel_loop3A_470 {strides = array<i32>} : memref<64x128xf32, #tpu.memory_space<vmem>>, vector<1x16xf32>,
          %parallel_loop3A_471 = arith.index_cast %parallel_loop3A_398 : i32 to index
          %parallel_loop3A_472 = arith.constant 96 : index
          %parallel_loop3A_473 = tpu.vector_load %arg15[%parallel_loop3A_471, %parallel_loop3A_472] {strides = array<i32>} : memref<64x128xf32, #tpu.memory_space<vmem>>, vector<1x16xf32>,
          %parallel_loop3A_474 = vector.shape_cast %parallel_loop3A_473 : vector<1x16xf32> to vector<16xf32>
          %parallel_loop3A_475 = arith.constant 0.000000e+00 : f32
          %parallel_loop3A_476 = vector.broadcast %parallel_loop3A_475 : f32 to vector<16xf32>
          %parallel_loop3A_477 = arith.maximumf %parallel_loop3A_474, %parallel_loop3A_476 : vector<16xf32>
          %parallel_loop3A_478 = arith.index_cast %parallel_loop3A_398 : i32 to index
          %parallel_loop3A_479 = arith.constant 96 : index
          %parallel_loop3A_480 = tpu.vector_load %arg15[%parallel_loop3A_478, %parallel_loop3A_479] {strides = array<i32>} : memref<64x128xf32, #tpu.memory_space<vmem>>, vector<1x16xf32>,
          %parallel_loop3A_481 = vector.shape_cast %parallel_loop3A_480 : vector<1x16xf32> to vector<16xf32>
          %parallel_loop3A_482 = vector.shape_cast %parallel_loop3A_477 : vector<16xf32> to vector<1x16xf32>
          tpu.vector_store %arg15[%parallel_loop3A_478, %parallel_loop3A_479], %parallel_loop3A_482 {strides = array<i32>} : memref<64x128xf32, #tpu.memory_space<vmem>>, vector<1x16xf32>,
          %parallel_loop3A_483 = arith.index_cast %parallel_loop3A_398 : i32 to index
          %parallel_loop3A_484 = arith.constant 112 : index
          %parallel_loop3A_485 = tpu.vector_load %arg15[%parallel_loop3A_483, %parallel_loop3A_484] {strides = array<i32>} : memref<64x128xf32, #tpu.memory_space<vmem>>, vector<1x16xf32>,
          %parallel_loop3A_486 = vector.shape_cast %parallel_loop3A_485 : vector<1x16xf32> to vector<16xf32>
          %parallel_loop3A_487 = arith.constant 0.000000e+00 : f32
          %parallel_loop3A_488 = vector.broadcast %parallel_loop3A_487 : f32 to vector<16xf32>
          %parallel_loop3A_489 = arith.maximumf %parallel_loop3A_486, %parallel_loop3A_488 : vector<16xf32>
          %parallel_loop3A_490 = arith.index_cast %parallel_loop3A_398 : i32 to index
          %parallel_loop3A_491 = arith.constant 112 : index
          %parallel_loop3A_492 = tpu.vector_load %arg15[%parallel_loop3A_490, %parallel_loop3A_491] {strides = array<i32>} : memref<64x128xf32, #tpu.memory_space<vmem>>, vector<1x16xf32>,
          %parallel_loop3A_493 = vector.shape_cast %parallel_loop3A_492 : vector<1x16xf32> to vector<16xf32>
          %parallel_loop3A_494 = vector.shape_cast %parallel_loop3A_489 : vector<16xf32> to vector<1x16xf32>
          tpu.vector_store %arg15[%parallel_loop3A_490, %parallel_loop3A_491], %parallel_loop3A_494 {strides = array<i32>} : memref<64x128xf32, #tpu.memory_space<vmem>>, vector<1x16xf32>,
        } {sc.loop_unroll_factor = 4 : i64, sc.parallel_access}
        %dma_start3A = arith.constant 0 : i32
        %dma_start3A_396 = arith.constant 0 : i32
        %dma_start3A_397 = tpu.memref_slice %arg18[%dma_start3A, %dma_start3A_396] : memref<10000x128xf32, #tpu.memory_space<vmem_shared>> -> memref<10000x128xf32, #tpu.memory_space<vmem_shared>>
        tpu.enqueue_indirect_dma source(%arg15 : memref<64x128xf32, #tpu.memory_space<vmem>>) target(%dma_start3A_397 : memref<10000x128xf32, #tpu.memory_space<vmem_shared>>) offsets(%arg11 : memref<64xi32, #tpu.memory_space<vmem>>) semaphore(%arg28 : memref<!tpu.dma_semaphore, #tpu.memory_space<semaphore_mem>>) {add = true}
      } else {
      }
      %mul3A_340 = arith.constant 12 : i32
      %mul3A_341 = arith.muli %mul3A_340, %scan3A_111 : i32
      %add3A_342 = arith.constant 10 : i32
      %add3A_343 = arith.addi %mul3A_341, %add3A_342 : i32
      %ge3A_344 = arith.constant 2 : i32
      %ge3A_345 = arith.cmpi sge, %add3A_343, %ge3A_344 : i32
      %add3A_346 = arith.constant 2 : i32
      %add3A_347 = arith.addi %select_n3A, %add3A_346 : i32
      %lt3A_348 = arith.cmpi slt, %add3A_343, %add3A_347 : i32
      %and3A_349 = arith.andi %ge3A_345, %lt3A_348 : i1
      %convert_element_type3A_350 = arith.extui %and3A_349 : i1 to i32
      %cond3A_351 = arith.constant 0 : i32
      %cond3A_352 = arith.cmpi ne, %convert_element_type3A_350, %cond3A_351 : i32
      scf.if %cond3A_352 {
        %dma_wait3A = arith.constant 0 : i32
        %dma_wait3A_386 = arith.constant 0 : i32
        %dma_wait3A_387 = tpu.memref_slice %arg18[%dma_wait3A, %dma_wait3A_386] : memref<10000x128xf32, #tpu.memory_space<vmem_shared>> -> memref<10000x128xf32, #tpu.memory_space<vmem_shared>>
        tpu.wait_indirect_dma semaphore(%arg27 : memref<!tpu.dma_semaphore, #tpu.memory_space<semaphore_mem>>) src(%arg14 : memref<64x128xf32, #tpu.memory_space<vmem>>) dst(%dma_wait3A_387 : memref<10000x128xf32, #tpu.memory_space<vmem_shared>>)
      } else {
      }
      %add3A_353 = arith.constant 1 : i32
      %add3A_354 = arith.addi %add3A_343, %add3A_353 : i32
      %lt3A_355 = arith.cmpi slt, %add3A_354, %select_n3A : i32
      %convert_element_type3A_356 = arith.extui %lt3A_355 : i1 to i32
      %cond3A_357 = arith.constant 0 : i32
      %cond3A_358 = arith.cmpi ne, %convert_element_type3A_356, %cond3A_357 : i32
      scf.if %cond3A_358 {
        %dma_wait3A = arith.constant 0 : i32
        %dma_wait3A_386 = tpu.memref_slice %arg3[%dma_wait3A] : memref<320000xi32, #tpu.memory_space<hbm>> -> memref<64xi32, #tpu.memory_space<hbm>>
        %dma_wait3A_387 = arith.constant 0 : i32
        %dma_wait3A_388 = tpu.memref_slice %arg3[%dma_wait3A_387] : memref<320000xi32, #tpu.memory_space<hbm>> -> memref<64xi32, #tpu.memory_space<hbm>>
        tpu.wait_dma2 semaphore(%arg20 : memref<!tpu.dma_semaphore, #tpu.memory_space<semaphore_mem>>) src(%dma_wait3A_388 : memref<64xi32, #tpu.memory_space<hbm>>) dst(%arg9 : memref<64xi32, #tpu.memory_space<vmem>>)
        %dma_wait3A_389 = arith.constant 0 : i32
        %dma_wait3A_390 = tpu.memref_slice %arg4[%dma_wait3A_389] : memref<320000xi32, #tpu.memory_space<hbm>> -> memref<64xi32, #tpu.memory_space<hbm>>
        %dma_wait3A_391 = arith.constant 0 : i32
        %dma_wait3A_392 = tpu.memref_slice %arg4[%dma_wait3A_391] : memref<320000xi32, #tpu.memory_space<hbm>> -> memref<64xi32, #tpu.memory_space<hbm>>
        tpu.wait_dma2 semaphore(%arg20 : memref<!tpu.dma_semaphore, #tpu.memory_space<semaphore_mem>>) src(%dma_wait3A_392 : memref<64xi32, #tpu.memory_space<hbm>>) dst(%arg13 : memref<64xi32, #tpu.memory_space<vmem>>)
        %dma_wait3A_393 = arith.constant 0 : i32
        %dma_wait3A_394 = arith.constant 0 : i32
        %dma_wait3A_395 = tpu.memref_slice %arg5[%dma_wait3A_393, %dma_wait3A_394] : memref<320000x128xf32, #tpu.memory_space<hbm>> -> memref<64x128xf32, #tpu.memory_space<hbm>>
        %dma_wait3A_396 = arith.constant 0 : i32
        %dma_wait3A_397 = arith.constant 0 : i32
        %dma_wait3A_398 = tpu.memref_slice %arg5[%dma_wait3A_396, %dma_wait3A_397] : memref<320000x128xf32, #tpu.memory_space<hbm>> -> memref<64x128xf32, #tpu.memory_space<hbm>>
        tpu.wait_dma2 semaphore(%arg24 : memref<!tpu.dma_semaphore, #tpu.memory_space<semaphore_mem>>) src(%dma_wait3A_398 : memref<64x128xf32, #tpu.memory_space<hbm>>) dst(%arg17 : memref<64x128xf32, #tpu.memory_space<vmem>>)
        %dma_start3A = arith.constant 0 : i32
        %dma_start3A_399 = arith.constant 0 : i32
        %dma_start3A_400 = tpu.memref_slice %arg2[%dma_start3A, %dma_start3A_399] : memref<10000x128xf32, #tpu.memory_space<hbm>> -> memref<10000x128xf32, #tpu.memory_space<hbm>>
        tpu.enqueue_indirect_dma source(%dma_start3A_400 : memref<10000x128xf32, #tpu.memory_space<hbm>>) target(%arg17 : memref<64x128xf32, #tpu.memory_space<vmem>>) offsets(%arg9 : memref<64xi32, #tpu.memory_space<vmem>>) semaphore(%arg26 : memref<!tpu.dma_semaphore, #tpu.memory_space<semaphore_mem>>) {add = true}
      } else {
      }
      %lt3A_359 = arith.cmpi slt, %add3A_343, %select_n3A : i32
      %convert_element_type3A_360 = arith.extui %lt3A_359 : i1 to i32
      %cond3A_361 = arith.constant 0 : i32
      %cond3A_362 = arith.cmpi ne, %convert_element_type3A_360, %cond3A_361 : i32
      scf.if %cond3A_362 {
        %dma_wait3A = arith.constant 0 : i32
        %dma_wait3A_386 = arith.constant 0 : i32
        %dma_wait3A_387 = tpu.memref_slice %arg2[%dma_wait3A, %dma_wait3A_386] : memref<10000x128xf32, #tpu.memory_space<hbm>> -> memref<10000x128xf32, #tpu.memory_space<hbm>>
        tpu.wait_indirect_dma semaphore(%arg25 : memref<!tpu.dma_semaphore, #tpu.memory_space<semaphore_mem>>) src(%dma_wait3A_387 : memref<10000x128xf32, #tpu.memory_space<hbm>>) dst(%arg16 : memref<64x128xf32, #tpu.memory_space<vmem>>)
        %add3A_388 = arith.constant 2 : i32
        %add3A_389 = arith.addi %add3A_343, %add3A_388 : i32
        %lt3A_390 = arith.cmpi slt, %add3A_389, %select_n3A : i32
        %convert_element_type3A_391 = arith.extui %lt3A_390 : i1 to i32
        %cond3A_392 = arith.constant 0 : i32
        %cond3A_393 = arith.cmpi ne, %convert_element_type3A_391, %cond3A_392 : i32
        scf.if %cond3A_393 {
          %add3A_398 = arith.constant 2 : i32
          %add3A_399 = arith.addi %add3A_343, %add3A_398 : i32
          %mul3A_400 = arith.constant 32 : i32
          %mul3A_401 = arith.muli %add3A_399, %mul3A_400 : i32
          %add3A_402 = arith.addi %add3A, %mul3A_401 : i32
          %mul3A_403 = arith.constant 64 : i32
          %mul3A_404 = arith.muli %add3A_402, %mul3A_403 : i32
          %dma_start3A_405 = tpu.memref_slice %arg3[%mul3A_404] : memref<320000xi32, #tpu.memory_space<hbm>> -> memref<64xi32, #tpu.memory_space<hbm>>
          %dma_start3A_406 = tpu.memref_slice %arg3[%mul3A_404] : memref<320000xi32, #tpu.memory_space<hbm>> -> memref<64xi32, #tpu.memory_space<hbm>>
          tpu.enqueue_dma source(%dma_start3A_406 : memref<64xi32, #tpu.memory_space<hbm>>) target(%arg7 : memref<64xi32, #tpu.memory_space<vmem>>) target_semaphore(%arg19 : memref<!tpu.dma_semaphore, #tpu.memory_space<semaphore_mem>>)
          %dma_start3A_407 = tpu.memref_slice %arg4[%mul3A_404] : memref<320000xi32, #tpu.memory_space<hbm>> -> memref<64xi32, #tpu.memory_space<hbm>>
          %dma_start3A_408 = tpu.memref_slice %arg4[%mul3A_404] : memref<320000xi32, #tpu.memory_space<hbm>> -> memref<64xi32, #tpu.memory_space<hbm>>
          tpu.enqueue_dma source(%dma_start3A_408 : memref<64xi32, #tpu.memory_space<hbm>>) target(%arg10 : memref<64xi32, #tpu.memory_space<vmem>>) target_semaphore(%arg19 : memref<!tpu.dma_semaphore, #tpu.memory_space<semaphore_mem>>)
          %add3A_409 = arith.constant 2 : i32
          %add3A_410 = arith.addi %add3A_343, %add3A_409 : i32
          %mul3A_411 = arith.constant 32 : i32
          %mul3A_412 = arith.muli %add3A_410, %mul3A_411 : i32
          %add3A_413 = arith.addi %add3A, %mul3A_412 : i32
          %mul3A_414 = arith.constant 64 : i32
          %mul3A_415 = arith.muli %add3A_413, %mul3A_414 : i32
          %dma_start3A_416 = arith.constant 0 : i32
          %dma_start3A_417 = tpu.memref_slice %arg5[%mul3A_415, %dma_start3A_416] : memref<320000x128xf32, #tpu.memory_space<hbm>> -> memref<64x128xf32, #tpu.memory_space<hbm>>
          %dma_start3A_418 = arith.constant 0 : i32
          %dma_start3A_419 = tpu.memref_slice %arg5[%mul3A_415, %dma_start3A_418] : memref<320000x128xf32, #tpu.memory_space<hbm>> -> memref<64x128xf32, #tpu.memory_space<hbm>>
          tpu.enqueue_dma source(%dma_start3A_419 : memref<64x128xf32, #tpu.memory_space<hbm>>) target(%arg14 : memref<64x128xf32, #tpu.memory_space<vmem>>) target_semaphore(%arg21 : memref<!tpu.dma_semaphore, #tpu.memory_space<semaphore_mem>>)
        } else {
        }
        %parallel_loop3A = arith.constant 0 : i32
        %parallel_loop3A_394 = arith.constant 64 : i32
        %parallel_loop3A_395 = arith.constant 1 : i32
        scf.for %parallel_loop3A_398 = %parallel_loop3A to %parallel_loop3A_394 step %parallel_loop3A_395  : i32 {
          %parallel_loop3A_399 = arith.index_cast %parallel_loop3A_398 : i32 to index
          %parallel_loop3A_400 = arith.constant 0 : index
          %parallel_loop3A_401 = tpu.vector_load %arg16[%parallel_loop3A_399, %parallel_loop3A_400] {strides = array<i32>} : memref<64x128xf32, #tpu.memory_space<vmem>>, vector<1x16xf32>,
          %parallel_loop3A_402 = vector.shape_cast %parallel_loop3A_401 : vector<1x16xf32> to vector<16xf32>
          %parallel_loop3A_403 = arith.constant 0.000000e+00 : f32
          %parallel_loop3A_404 = vector.broadcast %parallel_loop3A_403 : f32 to vector<16xf32>
          %parallel_loop3A_405 = arith.maximumf %parallel_loop3A_402, %parallel_loop3A_404 : vector<16xf32>
          %parallel_loop3A_406 = arith.index_cast %parallel_loop3A_398 : i32 to index
          %parallel_loop3A_407 = arith.constant 0 : index
          %parallel_loop3A_408 = tpu.vector_load %arg16[%parallel_loop3A_406, %parallel_loop3A_407] {strides = array<i32>} : memref<64x128xf32, #tpu.memory_space<vmem>>, vector<1x16xf32>,
          %parallel_loop3A_409 = vector.shape_cast %parallel_loop3A_408 : vector<1x16xf32> to vector<16xf32>
          %parallel_loop3A_410 = vector.shape_cast %parallel_loop3A_405 : vector<16xf32> to vector<1x16xf32>
          tpu.vector_store %arg16[%parallel_loop3A_406, %parallel_loop3A_407], %parallel_loop3A_410 {strides = array<i32>} : memref<64x128xf32, #tpu.memory_space<vmem>>, vector<1x16xf32>,
          %parallel_loop3A_411 = arith.index_cast %parallel_loop3A_398 : i32 to index
          %parallel_loop3A_412 = arith.constant 16 : index
          %parallel_loop3A_413 = tpu.vector_load %arg16[%parallel_loop3A_411, %parallel_loop3A_412] {strides = array<i32>} : memref<64x128xf32, #tpu.memory_space<vmem>>, vector<1x16xf32>,
          %parallel_loop3A_414 = vector.shape_cast %parallel_loop3A_413 : vector<1x16xf32> to vector<16xf32>
          %parallel_loop3A_415 = arith.constant 0.000000e+00 : f32
          %parallel_loop3A_416 = vector.broadcast %parallel_loop3A_415 : f32 to vector<16xf32>
          %parallel_loop3A_417 = arith.maximumf %parallel_loop3A_414, %parallel_loop3A_416 : vector<16xf32>
          %parallel_loop3A_418 = arith.index_cast %parallel_loop3A_398 : i32 to index
          %parallel_loop3A_419 = arith.constant 16 : index
          %parallel_loop3A_420 = tpu.vector_load %arg16[%parallel_loop3A_418, %parallel_loop3A_419] {strides = array<i32>} : memref<64x128xf32, #tpu.memory_space<vmem>>, vector<1x16xf32>,
          %parallel_loop3A_421 = vector.shape_cast %parallel_loop3A_420 : vector<1x16xf32> to vector<16xf32>
          %parallel_loop3A_422 = vector.shape_cast %parallel_loop3A_417 : vector<16xf32> to vector<1x16xf32>
          tpu.vector_store %arg16[%parallel_loop3A_418, %parallel_loop3A_419], %parallel_loop3A_422 {strides = array<i32>} : memref<64x128xf32, #tpu.memory_space<vmem>>, vector<1x16xf32>,
          %parallel_loop3A_423 = arith.index_cast %parallel_loop3A_398 : i32 to index
          %parallel_loop3A_424 = arith.constant 32 : index
          %parallel_loop3A_425 = tpu.vector_load %arg16[%parallel_loop3A_423, %parallel_loop3A_424] {strides = array<i32>} : memref<64x128xf32, #tpu.memory_space<vmem>>, vector<1x16xf32>,
          %parallel_loop3A_426 = vector.shape_cast %parallel_loop3A_425 : vector<1x16xf32> to vector<16xf32>
          %parallel_loop3A_427 = arith.constant 0.000000e+00 : f32
          %parallel_loop3A_428 = vector.broadcast %parallel_loop3A_427 : f32 to vector<16xf32>
          %parallel_loop3A_429 = arith.maximumf %parallel_loop3A_426, %parallel_loop3A_428 : vector<16xf32>
          %parallel_loop3A_430 = arith.index_cast %parallel_loop3A_398 : i32 to index
          %parallel_loop3A_431 = arith.constant 32 : index
          %parallel_loop3A_432 = tpu.vector_load %arg16[%parallel_loop3A_430, %parallel_loop3A_431] {strides = array<i32>} : memref<64x128xf32, #tpu.memory_space<vmem>>, vector<1x16xf32>,
          %parallel_loop3A_433 = vector.shape_cast %parallel_loop3A_432 : vector<1x16xf32> to vector<16xf32>
          %parallel_loop3A_434 = vector.shape_cast %parallel_loop3A_429 : vector<16xf32> to vector<1x16xf32>
          tpu.vector_store %arg16[%parallel_loop3A_430, %parallel_loop3A_431], %parallel_loop3A_434 {strides = array<i32>} : memref<64x128xf32, #tpu.memory_space<vmem>>, vector<1x16xf32>,
          %parallel_loop3A_435 = arith.index_cast %parallel_loop3A_398 : i32 to index
          %parallel_loop3A_436 = arith.constant 48 : index
          %parallel_loop3A_437 = tpu.vector_load %arg16[%parallel_loop3A_435, %parallel_loop3A_436] {strides = array<i32>} : memref<64x128xf32, #tpu.memory_space<vmem>>, vector<1x16xf32>,
          %parallel_loop3A_438 = vector.shape_cast %parallel_loop3A_437 : vector<1x16xf32> to vector<16xf32>
          %parallel_loop3A_439 = arith.constant 0.000000e+00 : f32
          %parallel_loop3A_440 = vector.broadcast %parallel_loop3A_439 : f32 to vector<16xf32>
          %parallel_loop3A_441 = arith.maximumf %parallel_loop3A_438, %parallel_loop3A_440 : vector<16xf32>
          %parallel_loop3A_442 = arith.index_cast %parallel_loop3A_398 : i32 to index
          %parallel_loop3A_443 = arith.constant 48 : index
          %parallel_loop3A_444 = tpu.vector_load %arg16[%parallel_loop3A_442, %parallel_loop3A_443] {strides = array<i32>} : memref<64x128xf32, #tpu.memory_space<vmem>>, vector<1x16xf32>,
          %parallel_loop3A_445 = vector.shape_cast %parallel_loop3A_444 : vector<1x16xf32> to vector<16xf32>
          %parallel_loop3A_446 = vector.shape_cast %parallel_loop3A_441 : vector<16xf32> to vector<1x16xf32>
          tpu.vector_store %arg16[%parallel_loop3A_442, %parallel_loop3A_443], %parallel_loop3A_446 {strides = array<i32>} : memref<64x128xf32, #tpu.memory_space<vmem>>, vector<1x16xf32>,
          %parallel_loop3A_447 = arith.index_cast %parallel_loop3A_398 : i32 to index
          %parallel_loop3A_448 = arith.constant 64 : index
          %parallel_loop3A_449 = tpu.vector_load %arg16[%parallel_loop3A_447, %parallel_loop3A_448] {strides = array<i32>} : memref<64x128xf32, #tpu.memory_space<vmem>>, vector<1x16xf32>,
          %parallel_loop3A_450 = vector.shape_cast %parallel_loop3A_449 : vector<1x16xf32> to vector<16xf32>
          %parallel_loop3A_451 = arith.constant 0.000000e+00 : f32
          %parallel_loop3A_452 = vector.broadcast %parallel_loop3A_451 : f32 to vector<16xf32>
          %parallel_loop3A_453 = arith.maximumf %parallel_loop3A_450, %parallel_loop3A_452 : vector<16xf32>
          %parallel_loop3A_454 = arith.index_cast %parallel_loop3A_398 : i32 to index
          %parallel_loop3A_455 = arith.constant 64 : index
          %parallel_loop3A_456 = tpu.vector_load %arg16[%parallel_loop3A_454, %parallel_loop3A_455] {strides = array<i32>} : memref<64x128xf32, #tpu.memory_space<vmem>>, vector<1x16xf32>,
          %parallel_loop3A_457 = vector.shape_cast %parallel_loop3A_456 : vector<1x16xf32> to vector<16xf32>
          %parallel_loop3A_458 = vector.shape_cast %parallel_loop3A_453 : vector<16xf32> to vector<1x16xf32>
          tpu.vector_store %arg16[%parallel_loop3A_454, %parallel_loop3A_455], %parallel_loop3A_458 {strides = array<i32>} : memref<64x128xf32, #tpu.memory_space<vmem>>, vector<1x16xf32>,
          %parallel_loop3A_459 = arith.index_cast %parallel_loop3A_398 : i32 to index
          %parallel_loop3A_460 = arith.constant 80 : index
          %parallel_loop3A_461 = tpu.vector_load %arg16[%parallel_loop3A_459, %parallel_loop3A_460] {strides = array<i32>} : memref<64x128xf32, #tpu.memory_space<vmem>>, vector<1x16xf32>,
          %parallel_loop3A_462 = vector.shape_cast %parallel_loop3A_461 : vector<1x16xf32> to vector<16xf32>
          %parallel_loop3A_463 = arith.constant 0.000000e+00 : f32
          %parallel_loop3A_464 = vector.broadcast %parallel_loop3A_463 : f32 to vector<16xf32>
          %parallel_loop3A_465 = arith.maximumf %parallel_loop3A_462, %parallel_loop3A_464 : vector<16xf32>
          %parallel_loop3A_466 = arith.index_cast %parallel_loop3A_398 : i32 to index
          %parallel_loop3A_467 = arith.constant 80 : index
          %parallel_loop3A_468 = tpu.vector_load %arg16[%parallel_loop3A_466, %parallel_loop3A_467] {strides = array<i32>} : memref<64x128xf32, #tpu.memory_space<vmem>>, vector<1x16xf32>,
          %parallel_loop3A_469 = vector.shape_cast %parallel_loop3A_468 : vector<1x16xf32> to vector<16xf32>
          %parallel_loop3A_470 = vector.shape_cast %parallel_loop3A_465 : vector<16xf32> to vector<1x16xf32>
          tpu.vector_store %arg16[%parallel_loop3A_466, %parallel_loop3A_467], %parallel_loop3A_470 {strides = array<i32>} : memref<64x128xf32, #tpu.memory_space<vmem>>, vector<1x16xf32>,
          %parallel_loop3A_471 = arith.index_cast %parallel_loop3A_398 : i32 to index
          %parallel_loop3A_472 = arith.constant 96 : index
          %parallel_loop3A_473 = tpu.vector_load %arg16[%parallel_loop3A_471, %parallel_loop3A_472] {strides = array<i32>} : memref<64x128xf32, #tpu.memory_space<vmem>>, vector<1x16xf32>,
          %parallel_loop3A_474 = vector.shape_cast %parallel_loop3A_473 : vector<1x16xf32> to vector<16xf32>
          %parallel_loop3A_475 = arith.constant 0.000000e+00 : f32
          %parallel_loop3A_476 = vector.broadcast %parallel_loop3A_475 : f32 to vector<16xf32>
          %parallel_loop3A_477 = arith.maximumf %parallel_loop3A_474, %parallel_loop3A_476 : vector<16xf32>
          %parallel_loop3A_478 = arith.index_cast %parallel_loop3A_398 : i32 to index
          %parallel_loop3A_479 = arith.constant 96 : index
          %parallel_loop3A_480 = tpu.vector_load %arg16[%parallel_loop3A_478, %parallel_loop3A_479] {strides = array<i32>} : memref<64x128xf32, #tpu.memory_space<vmem>>, vector<1x16xf32>,
          %parallel_loop3A_481 = vector.shape_cast %parallel_loop3A_480 : vector<1x16xf32> to vector<16xf32>
          %parallel_loop3A_482 = vector.shape_cast %parallel_loop3A_477 : vector<16xf32> to vector<1x16xf32>
          tpu.vector_store %arg16[%parallel_loop3A_478, %parallel_loop3A_479], %parallel_loop3A_482 {strides = array<i32>} : memref<64x128xf32, #tpu.memory_space<vmem>>, vector<1x16xf32>,
          %parallel_loop3A_483 = arith.index_cast %parallel_loop3A_398 : i32 to index
          %parallel_loop3A_484 = arith.constant 112 : index
          %parallel_loop3A_485 = tpu.vector_load %arg16[%parallel_loop3A_483, %parallel_loop3A_484] {strides = array<i32>} : memref<64x128xf32, #tpu.memory_space<vmem>>, vector<1x16xf32>,
          %parallel_loop3A_486 = vector.shape_cast %parallel_loop3A_485 : vector<1x16xf32> to vector<16xf32>
          %parallel_loop3A_487 = arith.constant 0.000000e+00 : f32
          %parallel_loop3A_488 = vector.broadcast %parallel_loop3A_487 : f32 to vector<16xf32>
          %parallel_loop3A_489 = arith.maximumf %parallel_loop3A_486, %parallel_loop3A_488 : vector<16xf32>
          %parallel_loop3A_490 = arith.index_cast %parallel_loop3A_398 : i32 to index
          %parallel_loop3A_491 = arith.constant 112 : index
          %parallel_loop3A_492 = tpu.vector_load %arg16[%parallel_loop3A_490, %parallel_loop3A_491] {strides = array<i32>} : memref<64x128xf32, #tpu.memory_space<vmem>>, vector<1x16xf32>,
          %parallel_loop3A_493 = vector.shape_cast %parallel_loop3A_492 : vector<1x16xf32> to vector<16xf32>
          %parallel_loop3A_494 = vector.shape_cast %parallel_loop3A_489 : vector<16xf32> to vector<1x16xf32>
          tpu.vector_store %arg16[%parallel_loop3A_490, %parallel_loop3A_491], %parallel_loop3A_494 {strides = array<i32>} : memref<64x128xf32, #tpu.memory_space<vmem>>, vector<1x16xf32>,
        } {sc.loop_unroll_factor = 4 : i64, sc.parallel_access}
        %dma_start3A = arith.constant 0 : i32
        %dma_start3A_396 = arith.constant 0 : i32
        %dma_start3A_397 = tpu.memref_slice %arg18[%dma_start3A, %dma_start3A_396] : memref<10000x128xf32, #tpu.memory_space<vmem_shared>> -> memref<10000x128xf32, #tpu.memory_space<vmem_shared>>
        tpu.enqueue_indirect_dma source(%arg16 : memref<64x128xf32, #tpu.memory_space<vmem>>) target(%dma_start3A_397 : memref<10000x128xf32, #tpu.memory_space<vmem_shared>>) offsets(%arg12 : memref<64xi32, #tpu.memory_space<vmem>>) semaphore(%arg27 : memref<!tpu.dma_semaphore, #tpu.memory_space<semaphore_mem>>) {add = true}
      } else {
      }
      %mul3A_363 = arith.constant 12 : i32
      %mul3A_364 = arith.muli %mul3A_363, %scan3A_111 : i32
      %add3A_365 = arith.constant 11 : i32
      %add3A_366 = arith.addi %mul3A_364, %add3A_365 : i32
      %ge3A_367 = arith.constant 2 : i32
      %ge3A_368 = arith.cmpi sge, %add3A_366, %ge3A_367 : i32
      %add3A_369 = arith.constant 2 : i32
      %add3A_370 = arith.addi %select_n3A, %add3A_369 : i32
      %lt3A_371 = arith.cmpi slt, %add3A_366, %add3A_370 : i32
      %and3A_372 = arith.andi %ge3A_368, %lt3A_371 : i1
      %convert_element_type3A_373 = arith.extui %and3A_372 : i1 to i32
      %cond3A_374 = arith.constant 0 : i32
      %cond3A_375 = arith.cmpi ne, %convert_element_type3A_373, %cond3A_374 : i32
      scf.if %cond3A_375 {
        %dma_wait3A = arith.constant 0 : i32
        %dma_wait3A_386 = arith.constant 0 : i32
        %dma_wait3A_387 = tpu.memref_slice %arg18[%dma_wait3A, %dma_wait3A_386] : memref<10000x128xf32, #tpu.memory_space<vmem_shared>> -> memref<10000x128xf32, #tpu.memory_space<vmem_shared>>
        tpu.wait_indirect_dma semaphore(%arg28 : memref<!tpu.dma_semaphore, #tpu.memory_space<semaphore_mem>>) src(%arg15 : memref<64x128xf32, #tpu.memory_space<vmem>>) dst(%dma_wait3A_387 : memref<10000x128xf32, #tpu.memory_space<vmem_shared>>)
      } else {
      }
      %add3A_376 = arith.constant 1 : i32
      %add3A_377 = arith.addi %add3A_366, %add3A_376 : i32
      %lt3A_378 = arith.cmpi slt, %add3A_377, %select_n3A : i32
      %convert_element_type3A_379 = arith.extui %lt3A_378 : i1 to i32
      %cond3A_380 = arith.constant 0 : i32
      %cond3A_381 = arith.cmpi ne, %convert_element_type3A_379, %cond3A_380 : i32
      scf.if %cond3A_381 {
        %dma_wait3A = arith.constant 0 : i32
        %dma_wait3A_386 = tpu.memref_slice %arg3[%dma_wait3A] : memref<320000xi32, #tpu.memory_space<hbm>> -> memref<64xi32, #tpu.memory_space<hbm>>
        %dma_wait3A_387 = arith.constant 0 : i32
        %dma_wait3A_388 = tpu.memref_slice %arg3[%dma_wait3A_387] : memref<320000xi32, #tpu.memory_space<hbm>> -> memref<64xi32, #tpu.memory_space<hbm>>
        tpu.wait_dma2 semaphore(%arg19 : memref<!tpu.dma_semaphore, #tpu.memory_space<semaphore_mem>>) src(%dma_wait3A_388 : memref<64xi32, #tpu.memory_space<hbm>>) dst(%arg7 : memref<64xi32, #tpu.memory_space<vmem>>)
        %dma_wait3A_389 = arith.constant 0 : i32
        %dma_wait3A_390 = tpu.memref_slice %arg4[%dma_wait3A_389] : memref<320000xi32, #tpu.memory_space<hbm>> -> memref<64xi32, #tpu.memory_space<hbm>>
        %dma_wait3A_391 = arith.constant 0 : i32
        %dma_wait3A_392 = tpu.memref_slice %arg4[%dma_wait3A_391] : memref<320000xi32, #tpu.memory_space<hbm>> -> memref<64xi32, #tpu.memory_space<hbm>>
        tpu.wait_dma2 semaphore(%arg19 : memref<!tpu.dma_semaphore, #tpu.memory_space<semaphore_mem>>) src(%dma_wait3A_392 : memref<64xi32, #tpu.memory_space<hbm>>) dst(%arg10 : memref<64xi32, #tpu.memory_space<vmem>>)
        %dma_wait3A_393 = arith.constant 0 : i32
        %dma_wait3A_394 = arith.constant 0 : i32
        %dma_wait3A_395 = tpu.memref_slice %arg5[%dma_wait3A_393, %dma_wait3A_394] : memref<320000x128xf32, #tpu.memory_space<hbm>> -> memref<64x128xf32, #tpu.memory_space<hbm>>
        %dma_wait3A_396 = arith.constant 0 : i32
        %dma_wait3A_397 = arith.constant 0 : i32
        %dma_wait3A_398 = tpu.memref_slice %arg5[%dma_wait3A_396, %dma_wait3A_397] : memref<320000x128xf32, #tpu.memory_space<hbm>> -> memref<64x128xf32, #tpu.memory_space<hbm>>
        tpu.wait_dma2 semaphore(%arg21 : memref<!tpu.dma_semaphore, #tpu.memory_space<semaphore_mem>>) src(%dma_wait3A_398 : memref<64x128xf32, #tpu.memory_space<hbm>>) dst(%arg14 : memref<64x128xf32, #tpu.memory_space<vmem>>)
        %dma_start3A = arith.constant 0 : i32
        %dma_start3A_399 = arith.constant 0 : i32
        %dma_start3A_400 = tpu.memref_slice %arg2[%dma_start3A, %dma_start3A_399] : memref<10000x128xf32, #tpu.memory_space<hbm>> -> memref<10000x128xf32, #tpu.memory_space<hbm>>
        tpu.enqueue_indirect_dma source(%dma_start3A_400 : memref<10000x128xf32, #tpu.memory_space<hbm>>) target(%arg14 : memref<64x128xf32, #tpu.memory_space<vmem>>) offsets(%arg7 : memref<64xi32, #tpu.memory_space<vmem>>) semaphore(%arg25 : memref<!tpu.dma_semaphore, #tpu.memory_space<semaphore_mem>>) {add = true}
      } else {
      }
      %lt3A_382 = arith.cmpi slt, %add3A_366, %select_n3A : i32
      %convert_element_type3A_383 = arith.extui %lt3A_382 : i1 to i32
      %cond3A_384 = arith.constant 0 : i32
      %cond3A_385 = arith.cmpi ne, %convert_element_type3A_383, %cond3A_384 : i32
      scf.if %cond3A_385 {
        %dma_wait3A = arith.constant 0 : i32
        %dma_wait3A_386 = arith.constant 0 : i32
        %dma_wait3A_387 = tpu.memref_slice %arg2[%dma_wait3A, %dma_wait3A_386] : memref<10000x128xf32, #tpu.memory_space<hbm>> -> memref<10000x128xf32, #tpu.memory_space<hbm>>
        tpu.wait_indirect_dma semaphore(%arg26 : memref<!tpu.dma_semaphore, #tpu.memory_space<semaphore_mem>>) src(%dma_wait3A_387 : memref<10000x128xf32, #tpu.memory_space<hbm>>) dst(%arg17 : memref<64x128xf32, #tpu.memory_space<vmem>>)
        %add3A_388 = arith.constant 2 : i32
        %add3A_389 = arith.addi %add3A_366, %add3A_388 : i32
        %lt3A_390 = arith.cmpi slt, %add3A_389, %select_n3A : i32
        %convert_element_type3A_391 = arith.extui %lt3A_390 : i1 to i32
        %cond3A_392 = arith.constant 0 : i32
        %cond3A_393 = arith.cmpi ne, %convert_element_type3A_391, %cond3A_392 : i32
        scf.if %cond3A_393 {
          %add3A_398 = arith.constant 2 : i32
          %add3A_399 = arith.addi %add3A_366, %add3A_398 : i32
          %mul3A_400 = arith.constant 32 : i32
          %mul3A_401 = arith.muli %add3A_399, %mul3A_400 : i32
          %add3A_402 = arith.addi %add3A, %mul3A_401 : i32
          %mul3A_403 = arith.constant 64 : i32
          %mul3A_404 = arith.muli %add3A_402, %mul3A_403 : i32
          %dma_start3A_405 = tpu.memref_slice %arg3[%mul3A_404] : memref<320000xi32, #tpu.memory_space<hbm>> -> memref<64xi32, #tpu.memory_space<hbm>>
          %dma_start3A_406 = tpu.memref_slice %arg3[%mul3A_404] : memref<320000xi32, #tpu.memory_space<hbm>> -> memref<64xi32, #tpu.memory_space<hbm>>
          tpu.enqueue_dma source(%dma_start3A_406 : memref<64xi32, #tpu.memory_space<hbm>>) target(%arg8 : memref<64xi32, #tpu.memory_space<vmem>>) target_semaphore(%arg20 : memref<!tpu.dma_semaphore, #tpu.memory_space<semaphore_mem>>)
          %dma_start3A_407 = tpu.memref_slice %arg4[%mul3A_404] : memref<320000xi32, #tpu.memory_space<hbm>> -> memref<64xi32, #tpu.memory_space<hbm>>
          %dma_start3A_408 = tpu.memref_slice %arg4[%mul3A_404] : memref<320000xi32, #tpu.memory_space<hbm>> -> memref<64xi32, #tpu.memory_space<hbm>>
          tpu.enqueue_dma source(%dma_start3A_408 : memref<64xi32, #tpu.memory_space<hbm>>) target(%arg11 : memref<64xi32, #tpu.memory_space<vmem>>) target_semaphore(%arg20 : memref<!tpu.dma_semaphore, #tpu.memory_space<semaphore_mem>>)
          %add3A_409 = arith.constant 2 : i32
          %add3A_410 = arith.addi %add3A_366, %add3A_409 : i32
          %mul3A_411 = arith.constant 32 : i32
          %mul3A_412 = arith.muli %add3A_410, %mul3A_411 : i32
          %add3A_413 = arith.addi %add3A, %mul3A_412 : i32
          %mul3A_414 = arith.constant 64 : i32
          %mul3A_415 = arith.muli %add3A_413, %mul3A_414 : i32
          %dma_start3A_416 = arith.constant 0 : i32
          %dma_start3A_417 = tpu.memref_slice %arg5[%mul3A_415, %dma_start3A_416] : memref<320000x128xf32, #tpu.memory_space<hbm>> -> memref<64x128xf32, #tpu.memory_space<hbm>>
          %dma_start3A_418 = arith.constant 0 : i32
          %dma_start3A_419 = tpu.memref_slice %arg5[%mul3A_415, %dma_start3A_418] : memref<320000x128xf32, #tpu.memory_space<hbm>> -> memref<64x128xf32, #tpu.memory_space<hbm>>
          tpu.enqueue_dma source(%dma_start3A_419 : memref<64x128xf32, #tpu.memory_space<hbm>>) target(%arg15 : memref<64x128xf32, #tpu.memory_space<vmem>>) target_semaphore(%arg22 : memref<!tpu.dma_semaphore, #tpu.memory_space<semaphore_mem>>)
        } else {
        }
        %parallel_loop3A = arith.constant 0 : i32
        %parallel_loop3A_394 = arith.constant 64 : i32
        %parallel_loop3A_395 = arith.constant 1 : i32
        scf.for %parallel_loop3A_398 = %parallel_loop3A to %parallel_loop3A_394 step %parallel_loop3A_395  : i32 {
          %parallel_loop3A_399 = arith.index_cast %parallel_loop3A_398 : i32 to index
          %parallel_loop3A_400 = arith.constant 0 : index
          %parallel_loop3A_401 = tpu.vector_load %arg17[%parallel_loop3A_399, %parallel_loop3A_400] {strides = array<i32>} : memref<64x128xf32, #tpu.memory_space<vmem>>, vector<1x16xf32>,
          %parallel_loop3A_402 = vector.shape_cast %parallel_loop3A_401 : vector<1x16xf32> to vector<16xf32>
          %parallel_loop3A_403 = arith.constant 0.000000e+00 : f32
          %parallel_loop3A_404 = vector.broadcast %parallel_loop3A_403 : f32 to vector<16xf32>
          %parallel_loop3A_405 = arith.maximumf %parallel_loop3A_402, %parallel_loop3A_404 : vector<16xf32>
          %parallel_loop3A_406 = arith.index_cast %parallel_loop3A_398 : i32 to index
          %parallel_loop3A_407 = arith.constant 0 : index
          %parallel_loop3A_408 = tpu.vector_load %arg17[%parallel_loop3A_406, %parallel_loop3A_407] {strides = array<i32>} : memref<64x128xf32, #tpu.memory_space<vmem>>, vector<1x16xf32>,
          %parallel_loop3A_409 = vector.shape_cast %parallel_loop3A_408 : vector<1x16xf32> to vector<16xf32>
          %parallel_loop3A_410 = vector.shape_cast %parallel_loop3A_405 : vector<16xf32> to vector<1x16xf32>
          tpu.vector_store %arg17[%parallel_loop3A_406, %parallel_loop3A_407], %parallel_loop3A_410 {strides = array<i32>} : memref<64x128xf32, #tpu.memory_space<vmem>>, vector<1x16xf32>,
          %parallel_loop3A_411 = arith.index_cast %parallel_loop3A_398 : i32 to index
          %parallel_loop3A_412 = arith.constant 16 : index
          %parallel_loop3A_413 = tpu.vector_load %arg17[%parallel_loop3A_411, %parallel_loop3A_412] {strides = array<i32>} : memref<64x128xf32, #tpu.memory_space<vmem>>, vector<1x16xf32>,
          %parallel_loop3A_414 = vector.shape_cast %parallel_loop3A_413 : vector<1x16xf32> to vector<16xf32>
          %parallel_loop3A_415 = arith.constant 0.000000e+00 : f32
          %parallel_loop3A_416 = vector.broadcast %parallel_loop3A_415 : f32 to vector<16xf32>
          %parallel_loop3A_417 = arith.maximumf %parallel_loop3A_414, %parallel_loop3A_416 : vector<16xf32>
          %parallel_loop3A_418 = arith.index_cast %parallel_loop3A_398 : i32 to index
          %parallel_loop3A_419 = arith.constant 16 : index
          %parallel_loop3A_420 = tpu.vector_load %arg17[%parallel_loop3A_418, %parallel_loop3A_419] {strides = array<i32>} : memref<64x128xf32, #tpu.memory_space<vmem>>, vector<1x16xf32>,
          %parallel_loop3A_421 = vector.shape_cast %parallel_loop3A_420 : vector<1x16xf32> to vector<16xf32>
          %parallel_loop3A_422 = vector.shape_cast %parallel_loop3A_417 : vector<16xf32> to vector<1x16xf32>
          tpu.vector_store %arg17[%parallel_loop3A_418, %parallel_loop3A_419], %parallel_loop3A_422 {strides = array<i32>} : memref<64x128xf32, #tpu.memory_space<vmem>>, vector<1x16xf32>,
          %parallel_loop3A_423 = arith.index_cast %parallel_loop3A_398 : i32 to index
          %parallel_loop3A_424 = arith.constant 32 : index
          %parallel_loop3A_425 = tpu.vector_load %arg17[%parallel_loop3A_423, %parallel_loop3A_424] {strides = array<i32>} : memref<64x128xf32, #tpu.memory_space<vmem>>, vector<1x16xf32>,
          %parallel_loop3A_426 = vector.shape_cast %parallel_loop3A_425 : vector<1x16xf32> to vector<16xf32>
          %parallel_loop3A_427 = arith.constant 0.000000e+00 : f32
          %parallel_loop3A_428 = vector.broadcast %parallel_loop3A_427 : f32 to vector<16xf32>
          %parallel_loop3A_429 = arith.maximumf %parallel_loop3A_426, %parallel_loop3A_428 : vector<16xf32>
          %parallel_loop3A_430 = arith.index_cast %parallel_loop3A_398 : i32 to index
          %parallel_loop3A_431 = arith.constant 32 : index
          %parallel_loop3A_432 = tpu.vector_load %arg17[%parallel_loop3A_430, %parallel_loop3A_431] {strides = array<i32>} : memref<64x128xf32, #tpu.memory_space<vmem>>, vector<1x16xf32>,
          %parallel_loop3A_433 = vector.shape_cast %parallel_loop3A_432 : vector<1x16xf32> to vector<16xf32>
          %parallel_loop3A_434 = vector.shape_cast %parallel_loop3A_429 : vector<16xf32> to vector<1x16xf32>
          tpu.vector_store %arg17[%parallel_loop3A_430, %parallel_loop3A_431], %parallel_loop3A_434 {strides = array<i32>} : memref<64x128xf32, #tpu.memory_space<vmem>>, vector<1x16xf32>,
          %parallel_loop3A_435 = arith.index_cast %parallel_loop3A_398 : i32 to index
          %parallel_loop3A_436 = arith.constant 48 : index
          %parallel_loop3A_437 = tpu.vector_load %arg17[%parallel_loop3A_435, %parallel_loop3A_436] {strides = array<i32>} : memref<64x128xf32, #tpu.memory_space<vmem>>, vector<1x16xf32>,
          %parallel_loop3A_438 = vector.shape_cast %parallel_loop3A_437 : vector<1x16xf32> to vector<16xf32>
          %parallel_loop3A_439 = arith.constant 0.000000e+00 : f32
          %parallel_loop3A_440 = vector.broadcast %parallel_loop3A_439 : f32 to vector<16xf32>
          %parallel_loop3A_441 = arith.maximumf %parallel_loop3A_438, %parallel_loop3A_440 : vector<16xf32>
          %parallel_loop3A_442 = arith.index_cast %parallel_loop3A_398 : i32 to index
          %parallel_loop3A_443 = arith.constant 48 : index
          %parallel_loop3A_444 = tpu.vector_load %arg17[%parallel_loop3A_442, %parallel_loop3A_443] {strides = array<i32>} : memref<64x128xf32, #tpu.memory_space<vmem>>, vector<1x16xf32>,
          %parallel_loop3A_445 = vector.shape_cast %parallel_loop3A_444 : vector<1x16xf32> to vector<16xf32>
          %parallel_loop3A_446 = vector.shape_cast %parallel_loop3A_441 : vector<16xf32> to vector<1x16xf32>
          tpu.vector_store %arg17[%parallel_loop3A_442, %parallel_loop3A_443], %parallel_loop3A_446 {strides = array<i32>} : memref<64x128xf32, #tpu.memory_space<vmem>>, vector<1x16xf32>,
          %parallel_loop3A_447 = arith.index_cast %parallel_loop3A_398 : i32 to index
          %parallel_loop3A_448 = arith.constant 64 : index
          %parallel_loop3A_449 = tpu.vector_load %arg17[%parallel_loop3A_447, %parallel_loop3A_448] {strides = array<i32>} : memref<64x128xf32, #tpu.memory_space<vmem>>, vector<1x16xf32>,
          %parallel_loop3A_450 = vector.shape_cast %parallel_loop3A_449 : vector<1x16xf32> to vector<16xf32>
          %parallel_loop3A_451 = arith.constant 0.000000e+00 : f32
          %parallel_loop3A_452 = vector.broadcast %parallel_loop3A_451 : f32 to vector<16xf32>
          %parallel_loop3A_453 = arith.maximumf %parallel_loop3A_450, %parallel_loop3A_452 : vector<16xf32>
          %parallel_loop3A_454 = arith.index_cast %parallel_loop3A_398 : i32 to index
          %parallel_loop3A_455 = arith.constant 64 : index
          %parallel_loop3A_456 = tpu.vector_load %arg17[%parallel_loop3A_454, %parallel_loop3A_455] {strides = array<i32>} : memref<64x128xf32, #tpu.memory_space<vmem>>, vector<1x16xf32>,
          %parallel_loop3A_457 = vector.shape_cast %parallel_loop3A_456 : vector<1x16xf32> to vector<16xf32>
          %parallel_loop3A_458 = vector.shape_cast %parallel_loop3A_453 : vector<16xf32> to vector<1x16xf32>
          tpu.vector_store %arg17[%parallel_loop3A_454, %parallel_loop3A_455], %parallel_loop3A_458 {strides = array<i32>} : memref<64x128xf32, #tpu.memory_space<vmem>>, vector<1x16xf32>,
          %parallel_loop3A_459 = arith.index_cast %parallel_loop3A_398 : i32 to index
          %parallel_loop3A_460 = arith.constant 80 : index
          %parallel_loop3A_461 = tpu.vector_load %arg17[%parallel_loop3A_459, %parallel_loop3A_460] {strides = array<i32>} : memref<64x128xf32, #tpu.memory_space<vmem>>, vector<1x16xf32>,
          %parallel_loop3A_462 = vector.shape_cast %parallel_loop3A_461 : vector<1x16xf32> to vector<16xf32>
          %parallel_loop3A_463 = arith.constant 0.000000e+00 : f32
          %parallel_loop3A_464 = vector.broadcast %parallel_loop3A_463 : f32 to vector<16xf32>
          %parallel_loop3A_465 = arith.maximumf %parallel_loop3A_462, %parallel_loop3A_464 : vector<16xf32>
          %parallel_loop3A_466 = arith.index_cast %parallel_loop3A_398 : i32 to index
          %parallel_loop3A_467 = arith.constant 80 : index
          %parallel_loop3A_468 = tpu.vector_load %arg17[%parallel_loop3A_466, %parallel_loop3A_467] {strides = array<i32>} : memref<64x128xf32, #tpu.memory_space<vmem>>, vector<1x16xf32>,
          %parallel_loop3A_469 = vector.shape_cast %parallel_loop3A_468 : vector<1x16xf32> to vector<16xf32>
          %parallel_loop3A_470 = vector.shape_cast %parallel_loop3A_465 : vector<16xf32> to vector<1x16xf32>
          tpu.vector_store %arg17[%parallel_loop3A_466, %parallel_loop3A_467], %parallel_loop3A_470 {strides = array<i32>} : memref<64x128xf32, #tpu.memory_space<vmem>>, vector<1x16xf32>,
          %parallel_loop3A_471 = arith.index_cast %parallel_loop3A_398 : i32 to index
          %parallel_loop3A_472 = arith.constant 96 : index
          %parallel_loop3A_473 = tpu.vector_load %arg17[%parallel_loop3A_471, %parallel_loop3A_472] {strides = array<i32>} : memref<64x128xf32, #tpu.memory_space<vmem>>, vector<1x16xf32>,
          %parallel_loop3A_474 = vector.shape_cast %parallel_loop3A_473 : vector<1x16xf32> to vector<16xf32>
          %parallel_loop3A_475 = arith.constant 0.000000e+00 : f32
          %parallel_loop3A_476 = vector.broadcast %parallel_loop3A_475 : f32 to vector<16xf32>
          %parallel_loop3A_477 = arith.maximumf %parallel_loop3A_474, %parallel_loop3A_476 : vector<16xf32>
          %parallel_loop3A_478 = arith.index_cast %parallel_loop3A_398 : i32 to index
          %parallel_loop3A_479 = arith.constant 96 : index
          %parallel_loop3A_480 = tpu.vector_load %arg17[%parallel_loop3A_478, %parallel_loop3A_479] {strides = array<i32>} : memref<64x128xf32, #tpu.memory_space<vmem>>, vector<1x16xf32>,
          %parallel_loop3A_481 = vector.shape_cast %parallel_loop3A_480 : vector<1x16xf32> to vector<16xf32>
          %parallel_loop3A_482 = vector.shape_cast %parallel_loop3A_477 : vector<16xf32> to vector<1x16xf32>
          tpu.vector_store %arg17[%parallel_loop3A_478, %parallel_loop3A_479], %parallel_loop3A_482 {strides = array<i32>} : memref<64x128xf32, #tpu.memory_space<vmem>>, vector<1x16xf32>,
          %parallel_loop3A_483 = arith.index_cast %parallel_loop3A_398 : i32 to index
          %parallel_loop3A_484 = arith.constant 112 : index
          %parallel_loop3A_485 = tpu.vector_load %arg17[%parallel_loop3A_483, %parallel_loop3A_484] {strides = array<i32>} : memref<64x128xf32, #tpu.memory_space<vmem>>, vector<1x16xf32>,
          %parallel_loop3A_486 = vector.shape_cast %parallel_loop3A_485 : vector<1x16xf32> to vector<16xf32>
          %parallel_loop3A_487 = arith.constant 0.000000e+00 : f32
          %parallel_loop3A_488 = vector.broadcast %parallel_loop3A_487 : f32 to vector<16xf32>
          %parallel_loop3A_489 = arith.maximumf %parallel_loop3A_486, %parallel_loop3A_488 : vector<16xf32>
          %parallel_loop3A_490 = arith.index_cast %parallel_loop3A_398 : i32 to index
          %parallel_loop3A_491 = arith.constant 112 : index
          %parallel_loop3A_492 = tpu.vector_load %arg17[%parallel_loop3A_490, %parallel_loop3A_491] {strides = array<i32>} : memref<64x128xf32, #tpu.memory_space<vmem>>, vector<1x16xf32>,
          %parallel_loop3A_493 = vector.shape_cast %parallel_loop3A_492 : vector<1x16xf32> to vector<16xf32>
          %parallel_loop3A_494 = vector.shape_cast %parallel_loop3A_489 : vector<16xf32> to vector<1x16xf32>
          tpu.vector_store %arg17[%parallel_loop3A_490, %parallel_loop3A_491], %parallel_loop3A_494 {strides = array<i32>} : memref<64x128xf32, #tpu.memory_space<vmem>>, vector<1x16xf32>,
        } {sc.loop_unroll_factor = 4 : i64, sc.parallel_access}
        %dma_start3A = arith.constant 0 : i32
        %dma_start3A_396 = arith.constant 0 : i32
        %dma_start3A_397 = tpu.memref_slice %arg18[%dma_start3A, %dma_start3A_396] : memref<10000x128xf32, #tpu.memory_space<vmem_shared>> -> memref<10000x128xf32, #tpu.memory_space<vmem_shared>>
        tpu.enqueue_indirect_dma source(%arg17 : memref<64x128xf32, #tpu.memory_space<vmem>>) target(%dma_start3A_397 : memref<10000x128xf32, #tpu.memory_space<vmem_shared>>) offsets(%arg13 : memref<64xi32, #tpu.memory_space<vmem>>) semaphore(%arg28 : memref<!tpu.dma_semaphore, #tpu.memory_space<semaphore_mem>>) {add = true}
      } else {
      }
    }
    %scan3A_80 = arith.constant 14 : i32
    %barrier3A_81 = arith.constant 0 : index
    tpu.barrier barrier_id(%barrier3A_81)
    %mul3A_82 = arith.constant 624 : i32
    %mul3A_83 = arith.muli %arg1, %mul3A_82 : i32
    %add3A_84 = arith.constant 0 : i32
    %add3A_85 = arith.addi %mul3A_83, %add3A_84 : i32
    "tpu.region"() ({
      %run_scoped3A = tpu.sem_alloc : memref<!tpu.dma_semaphore, #tpu.memory_space<semaphore_mem>>
      %dma_start3A = arith.constant 0 : i32
      %dma_start3A_111 = tpu.memref_slice %arg6[%arg0, %add3A_85, %dma_start3A] : memref<2x10000x128xf32, #tpu.memory_space<hbm>> -> memref<1x104x128xf32, #tpu.memory_space<hbm>>
      %dma_start3A_112 = tpu.memref_squeeze %dma_start3A_111 : memref<1x104x128xf32, #tpu.memory_space<hbm>> -> memref<104x128xf32, #tpu.memory_space<hbm>>
      %dma_start3A_113 = arith.constant 0 : i32
      %dma_start3A_114 = tpu.memref_slice %arg18[%add3A_85, %dma_start3A_113] : memref<10000x128xf32, #tpu.memory_space<vmem_shared>> -> memref<104x128xf32, #tpu.memory_space<vmem_shared>>
      tpu.enqueue_dma source(%dma_start3A_114 : memref<104x128xf32, #tpu.memory_space<vmem_shared>>) target(%dma_start3A_112 : memref<104x128xf32, #tpu.memory_space<hbm>>) target_semaphore(%run_scoped3A : memref<!tpu.dma_semaphore, #tpu.memory_space<semaphore_mem>>)
      %dma_wait3A = arith.constant 0 : i32
      %dma_wait3A_115 = tpu.memref_slice %arg6[%arg0, %add3A_85, %dma_wait3A] : memref<2x10000x128xf32, #tpu.memory_space<hbm>> -> memref<1x104x128xf32, #tpu.memory_space<hbm>>
      %dma_wait3A_116 = tpu.memref_squeeze %dma_wait3A_115 : memref<1x104x128xf32, #tpu.memory_space<hbm>> -> memref<104x128xf32, #tpu.memory_space<hbm>>
      %dma_wait3A_117 = arith.constant 0 : i32
      %dma_wait3A_118 = tpu.memref_slice %arg18[%add3A_85, %dma_wait3A_117] : memref<10000x128xf32, #tpu.memory_space<vmem_shared>> -> memref<104x128xf32, #tpu.memory_space<vmem_shared>>
      tpu.wait_dma2 semaphore(%run_scoped3A : memref<!tpu.dma_semaphore, #tpu.memory_space<semaphore_mem>>) src(%dma_wait3A_118 : memref<104x128xf32, #tpu.memory_space<vmem_shared>>) dst(%dma_wait3A_116 : memref<104x128xf32, #tpu.memory_space<hbm>>)
      tpu.yield
    }) : () -> ()
    %mul3A_86 = arith.constant 624 : i32
    %mul3A_87 = arith.muli %arg1, %mul3A_86 : i32
    %add3A_88 = arith.constant 104 : i32
    %add3A_89 = arith.addi %mul3A_87, %add3A_88 : i32
    "tpu.region"() ({
      %run_scoped3A = tpu.sem_alloc : memref<!tpu.dma_semaphore, #tpu.memory_space<semaphore_mem>>
      %dma_start3A = arith.constant 0 : i32
      %dma_start3A_111 = tpu.memref_slice %arg6[%arg0, %add3A_89, %dma_start3A] : memref<2x10000x128xf32, #tpu.memory_space<hbm>> -> memref<1x104x128xf32, #tpu.memory_space<hbm>>
      %dma_start3A_112 = tpu.memref_squeeze %dma_start3A_111 : memref<1x104x128xf32, #tpu.memory_space<hbm>> -> memref<104x128xf32, #tpu.memory_space<hbm>>
      %dma_start3A_113 = arith.constant 0 : i32
      %dma_start3A_114 = tpu.memref_slice %arg18[%add3A_89, %dma_start3A_113] : memref<10000x128xf32, #tpu.memory_space<vmem_shared>> -> memref<104x128xf32, #tpu.memory_space<vmem_shared>>
      tpu.enqueue_dma source(%dma_start3A_114 : memref<104x128xf32, #tpu.memory_space<vmem_shared>>) target(%dma_start3A_112 : memref<104x128xf32, #tpu.memory_space<hbm>>) target_semaphore(%run_scoped3A : memref<!tpu.dma_semaphore, #tpu.memory_space<semaphore_mem>>)
      %dma_wait3A = arith.constant 0 : i32
      %dma_wait3A_115 = tpu.memref_slice %arg6[%arg0, %add3A_89, %dma_wait3A] : memref<2x10000x128xf32, #tpu.memory_space<hbm>> -> memref<1x104x128xf32, #tpu.memory_space<hbm>>
      %dma_wait3A_116 = tpu.memref_squeeze %dma_wait3A_115 : memref<1x104x128xf32, #tpu.memory_space<hbm>> -> memref<104x128xf32, #tpu.memory_space<hbm>>
      %dma_wait3A_117 = arith.constant 0 : i32
      %dma_wait3A_118 = tpu.memref_slice %arg18[%add3A_89, %dma_wait3A_117] : memref<10000x128xf32, #tpu.memory_space<vmem_shared>> -> memref<104x128xf32, #tpu.memory_space<vmem_shared>>
      tpu.wait_dma2 semaphore(%run_scoped3A : memref<!tpu.dma_semaphore, #tpu.memory_space<semaphore_mem>>) src(%dma_wait3A_118 : memref<104x128xf32, #tpu.memory_space<vmem_shared>>) dst(%dma_wait3A_116 : memref<104x128xf32, #tpu.memory_space<hbm>>)
      tpu.yield
    }) : () -> ()
    %mul3A_90 = arith.constant 624 : i32
    %mul3A_91 = arith.muli %arg1, %mul3A_90 : i32
    %add3A_92 = arith.constant 208 : i32
    %add3A_93 = arith.addi %mul3A_91, %add3A_92 : i32
    "tpu.region"() ({
      %run_scoped3A = tpu.sem_alloc : memref<!tpu.dma_semaphore, #tpu.memory_space<semaphore_mem>>
      %dma_start3A = arith.constant 0 : i32
      %dma_start3A_111 = tpu.memref_slice %arg6[%arg0, %add3A_93, %dma_start3A] : memref<2x10000x128xf32, #tpu.memory_space<hbm>> -> memref<1x104x128xf32, #tpu.memory_space<hbm>>
      %dma_start3A_112 = tpu.memref_squeeze %dma_start3A_111 : memref<1x104x128xf32, #tpu.memory_space<hbm>> -> memref<104x128xf32, #tpu.memory_space<hbm>>
      %dma_start3A_113 = arith.constant 0 : i32
      %dma_start3A_114 = tpu.memref_slice %arg18[%add3A_93, %dma_start3A_113] : memref<10000x128xf32, #tpu.memory_space<vmem_shared>> -> memref<104x128xf32, #tpu.memory_space<vmem_shared>>
      tpu.enqueue_dma source(%dma_start3A_114 : memref<104x128xf32, #tpu.memory_space<vmem_shared>>) target(%dma_start3A_112 : memref<104x128xf32, #tpu.memory_space<hbm>>) target_semaphore(%run_scoped3A : memref<!tpu.dma_semaphore, #tpu.memory_space<semaphore_mem>>)
      %dma_wait3A = arith.constant 0 : i32
      %dma_wait3A_115 = tpu.memref_slice %arg6[%arg0, %add3A_93, %dma_wait3A] : memref<2x10000x128xf32, #tpu.memory_space<hbm>> -> memref<1x104x128xf32, #tpu.memory_space<hbm>>
      %dma_wait3A_116 = tpu.memref_squeeze %dma_wait3A_115 : memref<1x104x128xf32, #tpu.memory_space<hbm>> -> memref<104x128xf32, #tpu.memory_space<hbm>>
      %dma_wait3A_117 = arith.constant 0 : i32
      %dma_wait3A_118 = tpu.memref_slice %arg18[%add3A_93, %dma_wait3A_117] : memref<10000x128xf32, #tpu.memory_space<vmem_shared>> -> memref<104x128xf32, #tpu.memory_space<vmem_shared>>
      tpu.wait_dma2 semaphore(%run_scoped3A : memref<!tpu.dma_semaphore, #tpu.memory_space<semaphore_mem>>) src(%dma_wait3A_118 : memref<104x128xf32, #tpu.memory_space<vmem_shared>>) dst(%dma_wait3A_116 : memref<104x128xf32, #tpu.memory_space<hbm>>)
      tpu.yield
    }) : () -> ()
    %mul3A_94 = arith.constant 624 : i32
    %mul3A_95 = arith.muli %arg1, %mul3A_94 : i32
    %add3A_96 = arith.constant 312 : i32
    %add3A_97 = arith.addi %mul3A_95, %add3A_96 : i32
    "tpu.region"() ({
      %run_scoped3A = tpu.sem_alloc : memref<!tpu.dma_semaphore, #tpu.memory_space<semaphore_mem>>
      %dma_start3A = arith.constant 0 : i32
      %dma_start3A_111 = tpu.memref_slice %arg6[%arg0, %add3A_97, %dma_start3A] : memref<2x10000x128xf32, #tpu.memory_space<hbm>> -> memref<1x104x128xf32, #tpu.memory_space<hbm>>
      %dma_start3A_112 = tpu.memref_squeeze %dma_start3A_111 : memref<1x104x128xf32, #tpu.memory_space<hbm>> -> memref<104x128xf32, #tpu.memory_space<hbm>>
      %dma_start3A_113 = arith.constant 0 : i32
      %dma_start3A_114 = tpu.memref_slice %arg18[%add3A_97, %dma_start3A_113] : memref<10000x128xf32, #tpu.memory_space<vmem_shared>> -> memref<104x128xf32, #tpu.memory_space<vmem_shared>>
      tpu.enqueue_dma source(%dma_start3A_114 : memref<104x128xf32, #tpu.memory_space<vmem_shared>>) target(%dma_start3A_112 : memref<104x128xf32, #tpu.memory_space<hbm>>) target_semaphore(%run_scoped3A : memref<!tpu.dma_semaphore, #tpu.memory_space<semaphore_mem>>)
      %dma_wait3A = arith.constant 0 : i32
      %dma_wait3A_115 = tpu.memref_slice %arg6[%arg0, %add3A_97, %dma_wait3A] : memref<2x10000x128xf32, #tpu.memory_space<hbm>> -> memref<1x104x128xf32, #tpu.memory_space<hbm>>
      %dma_wait3A_116 = tpu.memref_squeeze %dma_wait3A_115 : memref<1x104x128xf32, #tpu.memory_space<hbm>> -> memref<104x128xf32, #tpu.memory_space<hbm>>
      %dma_wait3A_117 = arith.constant 0 : i32
      %dma_wait3A_118 = tpu.memref_slice %arg18[%add3A_97, %dma_wait3A_117] : memref<10000x128xf32, #tpu.memory_space<vmem_shared>> -> memref<104x128xf32, #tpu.memory_space<vmem_shared>>
      tpu.wait_dma2 semaphore(%run_scoped3A : memref<!tpu.dma_semaphore, #tpu.memory_space<semaphore_mem>>) src(%dma_wait3A_118 : memref<104x128xf32, #tpu.memory_space<vmem_shared>>) dst(%dma_wait3A_116 : memref<104x128xf32, #tpu.memory_space<hbm>>)
      tpu.yield
    }) : () -> ()
    %mul3A_98 = arith.constant 624 : i32
    %mul3A_99 = arith.muli %arg1, %mul3A_98 : i32
    %add3A_100 = arith.constant 416 : i32
    %add3A_101 = arith.addi %mul3A_99, %add3A_100 : i32
    "tpu.region"() ({
      %run_scoped3A = tpu.sem_alloc : memref<!tpu.dma_semaphore, #tpu.memory_space<semaphore_mem>>
      %dma_start3A = arith.constant 0 : i32
      %dma_start3A_111 = tpu.memref_slice %arg6[%arg0, %add3A_101, %dma_start3A] : memref<2x10000x128xf32, #tpu.memory_space<hbm>> -> memref<1x104x128xf32, #tpu.memory_space<hbm>>
      %dma_start3A_112 = tpu.memref_squeeze %dma_start3A_111 : memref<1x104x128xf32, #tpu.memory_space<hbm>> -> memref<104x128xf32, #tpu.memory_space<hbm>>
      %dma_start3A_113 = arith.constant 0 : i32
      %dma_start3A_114 = tpu.memref_slice %arg18[%add3A_101, %dma_start3A_113] : memref<10000x128xf32, #tpu.memory_space<vmem_shared>> -> memref<104x128xf32, #tpu.memory_space<vmem_shared>>
      tpu.enqueue_dma source(%dma_start3A_114 : memref<104x128xf32, #tpu.memory_space<vmem_shared>>) target(%dma_start3A_112 : memref<104x128xf32, #tpu.memory_space<hbm>>) target_semaphore(%run_scoped3A : memref<!tpu.dma_semaphore, #tpu.memory_space<semaphore_mem>>)
      %dma_wait3A = arith.constant 0 : i32
      %dma_wait3A_115 = tpu.memref_slice %arg6[%arg0, %add3A_101, %dma_wait3A] : memref<2x10000x128xf32, #tpu.memory_space<hbm>> -> memref<1x104x128xf32, #tpu.memory_space<hbm>>
      %dma_wait3A_116 = tpu.memref_squeeze %dma_wait3A_115 : memref<1x104x128xf32, #tpu.memory_space<hbm>> -> memref<104x128xf32, #tpu.memory_space<hbm>>
      %dma_wait3A_117 = arith.constant 0 : i32
      %dma_wait3A_118 = tpu.memref_slice %arg18[%add3A_101, %dma_wait3A_117] : memref<10000x128xf32, #tpu.memory_space<vmem_shared>> -> memref<104x128xf32, #tpu.memory_space<vmem_shared>>
      tpu.wait_dma2 semaphore(%run_scoped3A : memref<!tpu.dma_semaphore, #tpu.memory_space<semaphore_mem>>) src(%dma_wait3A_118 : memref<104x128xf32, #tpu.memory_space<vmem_shared>>) dst(%dma_wait3A_116 : memref<104x128xf32, #tpu.memory_space<hbm>>)
      tpu.yield
    }) : () -> ()
    %mul3A_102 = arith.constant 624 : i32
    %mul3A_103 = arith.muli %arg1, %mul3A_102 : i32
    %add3A_104 = arith.constant 520 : i32
    %add3A_105 = arith.addi %mul3A_103, %add3A_104 : i32
    "tpu.region"() ({
      %run_scoped3A = tpu.sem_alloc : memref<!tpu.dma_semaphore, #tpu.memory_space<semaphore_mem>>
      %dma_start3A = arith.constant 0 : i32
      %dma_start3A_111 = tpu.memref_slice %arg6[%arg0, %add3A_105, %dma_start3A] : memref<2x10000x128xf32, #tpu.memory_space<hbm>> -> memref<1x104x128xf32, #tpu.memory_space<hbm>>
      %dma_start3A_112 = tpu.memref_squeeze %dma_start3A_111 : memref<1x104x128xf32, #tpu.memory_space<hbm>> -> memref<104x128xf32, #tpu.memory_space<hbm>>
      %dma_start3A_113 = arith.constant 0 : i32
      %dma_start3A_114 = tpu.memref_slice %arg18[%add3A_105, %dma_start3A_113] : memref<10000x128xf32, #tpu.memory_space<vmem_shared>> -> memref<104x128xf32, #tpu.memory_space<vmem_shared>>
      tpu.enqueue_dma source(%dma_start3A_114 : memref<104x128xf32, #tpu.memory_space<vmem_shared>>) target(%dma_start3A_112 : memref<104x128xf32, #tpu.memory_space<hbm>>) target_semaphore(%run_scoped3A : memref<!tpu.dma_semaphore, #tpu.memory_space<semaphore_mem>>)
      %dma_wait3A = arith.constant 0 : i32
      %dma_wait3A_115 = tpu.memref_slice %arg6[%arg0, %add3A_105, %dma_wait3A] : memref<2x10000x128xf32, #tpu.memory_space<hbm>> -> memref<1x104x128xf32, #tpu.memory_space<hbm>>
      %dma_wait3A_116 = tpu.memref_squeeze %dma_wait3A_115 : memref<1x104x128xf32, #tpu.memory_space<hbm>> -> memref<104x128xf32, #tpu.memory_space<hbm>>
      %dma_wait3A_117 = arith.constant 0 : i32
      %dma_wait3A_118 = tpu.memref_slice %arg18[%add3A_105, %dma_wait3A_117] : memref<10000x128xf32, #tpu.memory_space<vmem_shared>> -> memref<104x128xf32, #tpu.memory_space<vmem_shared>>
      tpu.wait_dma2 semaphore(%run_scoped3A : memref<!tpu.dma_semaphore, #tpu.memory_space<semaphore_mem>>) src(%dma_wait3A_118 : memref<104x128xf32, #tpu.memory_space<vmem_shared>>) dst(%dma_wait3A_116 : memref<104x128xf32, #tpu.memory_space<hbm>>)
      tpu.yield
    }) : () -> ()
    %eq3A_106 = arith.constant 15 : i32
    %eq3A_107 = arith.cmpi eq, %arg1, %eq3A_106 : i32
    %convert_element_type3A_108 = arith.extui %eq3A_107 : i1 to i32
    %cond3A_109 = arith.constant 0 : i32
    %cond3A_110 = arith.cmpi ne, %convert_element_type3A_108, %cond3A_109 : i32
    scf.if %cond3A_110 {
      "tpu.region"() ({
        %run_scoped3A = tpu.sem_alloc : memref<!tpu.dma_semaphore, #tpu.memory_space<semaphore_mem>>
        %dma_start3A = arith.constant 9984 : i32
        %dma_start3A_111 = arith.constant 0 : i32
        %dma_start3A_112 = tpu.memref_slice %arg6[%arg0, %dma_start3A, %dma_start3A_111] : memref<2x10000x128xf32, #tpu.memory_space<hbm>> -> memref<1x16x128xf32, #tpu.memory_space<hbm>>
        %dma_start3A_113 = tpu.memref_squeeze %dma_start3A_112 : memref<1x16x128xf32, #tpu.memory_space<hbm>> -> memref<16x128xf32, #tpu.memory_space<hbm>>
        %dma_start3A_114 = arith.constant 9984 : i32
        %dma_start3A_115 = arith.constant 0 : i32
        %dma_start3A_116 = tpu.memref_slice %arg18[%dma_start3A_114, %dma_start3A_115] : memref<10000x128xf32, #tpu.memory_space<vmem_shared>> -> memref<16x128xf32, #tpu.memory_space<vmem_shared>>
        tpu.enqueue_dma source(%dma_start3A_116 : memref<16x128xf32, #tpu.memory_space<vmem_shared>>) target(%dma_start3A_113 : memref<16x128xf32, #tpu.memory_space<hbm>>) target_semaphore(%run_scoped3A : memref<!tpu.dma_semaphore, #tpu.memory_space<semaphore_mem>>)
        %dma_wait3A = arith.constant 9984 : i32
        %dma_wait3A_117 = arith.constant 0 : i32
        %dma_wait3A_118 = tpu.memref_slice %arg6[%arg0, %dma_wait3A, %dma_wait3A_117] : memref<2x10000x128xf32, #tpu.memory_space<hbm>> -> memref<1x16x128xf32, #tpu.memory_space<hbm>>
        %dma_wait3A_119 = tpu.memref_squeeze %dma_wait3A_118 : memref<1x16x128xf32, #tpu.memory_space<hbm>> -> memref<16x128xf32, #tpu.memory_space<hbm>>
        %dma_wait3A_120 = arith.constant 9984 : i32
        %dma_wait3A_121 = arith.constant 0 : i32
        %dma_wait3A_122 = tpu.memref_slice %arg18[%dma_wait3A_120, %dma_wait3A_121] : memref<10000x128xf32, #tpu.memory_space<vmem_shared>> -> memref<16x128xf32, #tpu.memory_space<vmem_shared>>
        tpu.wait_dma2 semaphore(%run_scoped3A : memref<!tpu.dma_semaphore, #tpu.memory_space<semaphore_mem>>) src(%dma_wait3A_122 : memref<16x128xf32, #tpu.memory_space<vmem_shared>>) dst(%dma_wait3A_119 : memref<16x128xf32, #tpu.memory_space<hbm>>)
        tpu.yield
      }) : () -> ()
    } else {
    }
    return
  }
}

module attributes {stable_mosaic.version = 14 : i64} {
  func.func @_tc_mlp(%arg0: memref<10000x128xf32, #tpu.memory_space<vmem>>, %arg1: memref<2x10000x128xf32, #tpu.memory_space<vmem>>, %arg2: memref<128x128xf32, #tpu.memory_space<vmem>>, %arg3: memref<1x128xf32, #tpu.memory_space<vmem>>, %arg4: memref<1x128xf32, #tpu.memory_space<vmem>>, %arg5: memref<1x128xf32, #tpu.memory_space<vmem>>, %arg6: memref<128x128xf32, #tpu.memory_space<vmem>>, %arg7: memref<1x128xf32, #tpu.memory_space<vmem>>, %arg8: memref<1xf32, #tpu.memory_space<smem>>, %arg9: memref<1x128xf32, #tpu.memory_space<vmem>>, %arg10: memref<1x128xf32, #tpu.memory_space<vmem>>, %arg11: memref<10000x128xf32, #tpu.memory_space<vmem>>) attributes {dimension_semantics = [], scalar_prefetch = 0 : i64, scratch_operands = 0 : i64, tpu.core_type = #tpu.core_type<tc>} {
    %get3A = arith.constant 0 : index
    %get3A_0 = arith.constant 0 : index
    %get3A_1 = vector.load %arg0[%get3A, %get3A_0] : memref<10000x128xf32, #tpu.memory_space<vmem>>, vector<10000x128xf32>
    %get3A_2 = arith.constant 0 : index
    %get3A_3 = arith.constant 0 : index
    %get3A_4 = arith.constant 0 : index
    %get3A_5 = vector.load %arg1[%get3A_2, %get3A_3, %get3A_4] : memref<2x10000x128xf32, #tpu.memory_space<vmem>>, vector<1x10000x128xf32>
    %get3A_6 = vector.shape_cast %get3A_5 : vector<1x10000x128xf32> to vector<10000x128xf32>
    %get3A_7 = arith.constant 1 : index
    %get3A_8 = arith.constant 0 : index
    %get3A_9 = arith.constant 0 : index
    %get3A_10 = vector.load %arg1[%get3A_7, %get3A_8, %get3A_9] : memref<2x10000x128xf32, #tpu.memory_space<vmem>>, vector<1x10000x128xf32>
    %get3A_11 = vector.shape_cast %get3A_10 : vector<1x10000x128xf32> to vector<10000x128xf32>
    %add3A = arith.addf %get3A_6, %get3A_11 : vector<10000x128xf32>
    %get3A_12 = arith.constant 0 : index
    %get3A_13 = memref.load %arg8[%get3A_12] : memref<1xf32, #tpu.memory_space<smem>>
    %add3A_14 = arith.constant 1.000000e+00 : f32
    %add3A_15 = arith.addf %add3A_14, %get3A_13 : f32
    %mul3A = vector.broadcast %add3A_15 : f32 to vector<10000x128xf32>
    %mul3A_16 = arith.mulf %mul3A, %get3A_1 : vector<10000x128xf32>
    %add3A_17 = arith.addf %mul3A_16, %add3A : vector<10000x128xf32>
    %get3A_18 = arith.constant 0 : index
    %get3A_19 = arith.constant 0 : index
    %get3A_20 = vector.load %arg2[%get3A_18, %get3A_19] : memref<128x128xf32, #tpu.memory_space<vmem>>, vector<128x128xf32>
    %dot_general3A = arith.constant dense<0.000000e+00> : vector<10000x128xf32>
    %dot_general3A_21 = tpu.matmul %add3A_17, %get3A_20, %dot_general3A {dimension_numbers = #tpu.dot_dimension_numbers<[1], [0], [0], [1], [0, 0, 1, 1], [], []>, transpose_lhs_hint = false} : vector<10000x128xf32>, vector<128x128xf32>, vector<10000x128xf32> -> vector<10000x128xf32>
    %get3A_22 = arith.constant 0 : index
    %get3A_23 = arith.constant 0 : index
    %get3A_24 = vector.load %arg3[%get3A_22, %get3A_23] : memref<1x128xf32, #tpu.memory_space<vmem>>, vector<1x128xf32>
    %add3A_25 = vector.broadcast %get3A_24 : vector<1x128xf32> to vector<10000x128xf32>
    %add3A_26 = arith.addf %dot_general3A_21, %add3A_25 : vector<10000x128xf32>
    %reduce_sum3A = arith.constant dense<0.000000e+00> : vector<128xf32>
    %reduce_sum3A_27 = vector.multi_reduction <add>, %add3A_26, %reduce_sum3A [0] : vector<10000x128xf32> to vector<128xf32>
    %broadcast_in_dim3A = vector.shape_cast %reduce_sum3A_27 : vector<128xf32> to vector<1x128xf32>
    %div3A = arith.constant 1.000000e+04 : f32
    %div3A_28 = vector.broadcast %div3A : f32 to vector<1x128xf32>
    %div3A_29 = arith.divf %broadcast_in_dim3A, %div3A_28 : vector<1x128xf32>
    %sub3A = vector.broadcast %div3A_29 : vector<1x128xf32> to vector<10000x128xf32>
    %sub3A_30 = arith.subf %add3A_26, %sub3A : vector<10000x128xf32>
    %mul3A_31 = arith.mulf %sub3A_30, %sub3A_30 : vector<10000x128xf32>
    %reduce_sum3A_32 = arith.constant dense<0.000000e+00> : vector<128xf32>
    %reduce_sum3A_33 = vector.multi_reduction <add>, %mul3A_31, %reduce_sum3A_32 [0] : vector<10000x128xf32> to vector<128xf32>
    %broadcast_in_dim3A_34 = vector.shape_cast %reduce_sum3A_33 : vector<128xf32> to vector<1x128xf32>
    %div3A_35 = arith.constant 1.000000e+04 : f32
    %div3A_36 = vector.broadcast %div3A_35 : f32 to vector<1x128xf32>
    %div3A_37 = arith.divf %broadcast_in_dim3A_34, %div3A_36 : vector<1x128xf32>
    %get3A_38 = arith.constant 0 : index
    %get3A_39 = arith.constant 0 : index
    %get3A_40 = vector.load %arg4[%get3A_38, %get3A_39] : memref<1x128xf32, #tpu.memory_space<vmem>>, vector<1x128xf32>
    %mul3A_41 = vector.broadcast %get3A_40 : vector<1x128xf32> to vector<10000x128xf32>
    %mul3A_42 = arith.mulf %mul3A_41, %sub3A_30 : vector<10000x128xf32>
    %add3A_43 = arith.constant 9.99999974E-6 : f32
    %add3A_44 = vector.broadcast %add3A_43 : f32 to vector<1x128xf32>
    %add3A_45 = arith.addf %div3A_37, %add3A_44 : vector<1x128xf32>
    %rsqrt3A = math.rsqrt %add3A_45 : vector<1x128xf32>
    %mul3A_46 = vector.broadcast %rsqrt3A : vector<1x128xf32> to vector<10000x128xf32>
    %mul3A_47 = arith.mulf %mul3A_42, %mul3A_46 : vector<10000x128xf32>
    %get3A_48 = arith.constant 0 : index
    %get3A_49 = arith.constant 0 : index
    %get3A_50 = vector.load %arg5[%get3A_48, %get3A_49] : memref<1x128xf32, #tpu.memory_space<vmem>>, vector<1x128xf32>
    %add3A_51 = vector.broadcast %get3A_50 : vector<1x128xf32> to vector<10000x128xf32>
    %add3A_52 = arith.addf %mul3A_47, %add3A_51 : vector<10000x128xf32>
    %max3A = arith.constant 0.000000e+00 : f32
    %max3A_53 = vector.broadcast %max3A : f32 to vector<10000x128xf32>
    %max3A_54 = arith.maximumf %add3A_52, %max3A_53 : vector<10000x128xf32>
    %get3A_55 = arith.constant 0 : index
    %get3A_56 = arith.constant 0 : index
    %get3A_57 = vector.load %arg6[%get3A_55, %get3A_56] : memref<128x128xf32, #tpu.memory_space<vmem>>, vector<128x128xf32>
    %dot_general3A_58 = arith.constant dense<0.000000e+00> : vector<10000x128xf32>
    %dot_general3A_59 = tpu.matmul %max3A_54, %get3A_57, %dot_general3A_58 {dimension_numbers = #tpu.dot_dimension_numbers<[1], [0], [0], [1], [0, 0, 1, 1], [], []>, transpose_lhs_hint = false} : vector<10000x128xf32>, vector<128x128xf32>, vector<10000x128xf32> -> vector<10000x128xf32>
    %add3A_60 = arith.addf %get3A_1, %dot_general3A_59 : vector<10000x128xf32>
    %get3A_61 = arith.constant 0 : index
    %get3A_62 = arith.constant 0 : index
    %get3A_63 = vector.load %arg7[%get3A_61, %get3A_62] : memref<1x128xf32, #tpu.memory_space<vmem>>, vector<1x128xf32>
    %add3A_64 = vector.broadcast %get3A_63 : vector<1x128xf32> to vector<10000x128xf32>
    %add3A_65 = arith.addf %add3A_60, %add3A_64 : vector<10000x128xf32>
    %reduce_sum3A_66 = arith.constant dense<0.000000e+00> : vector<128xf32>
    %reduce_sum3A_67 = vector.multi_reduction <add>, %add3A_65, %reduce_sum3A_66 [0] : vector<10000x128xf32> to vector<128xf32>
    %broadcast_in_dim3A_68 = vector.shape_cast %reduce_sum3A_67 : vector<128xf32> to vector<1x128xf32>
    %div3A_69 = arith.constant 1.000000e+04 : f32
    %div3A_70 = vector.broadcast %div3A_69 : f32 to vector<1x128xf32>
    %div3A_71 = arith.divf %broadcast_in_dim3A_68, %div3A_70 : vector<1x128xf32>
    %sub3A_72 = vector.broadcast %div3A_71 : vector<1x128xf32> to vector<10000x128xf32>
    %sub3A_73 = arith.subf %add3A_65, %sub3A_72 : vector<10000x128xf32>
    %mul3A_74 = arith.mulf %sub3A_73, %sub3A_73 : vector<10000x128xf32>
    %reduce_sum3A_75 = arith.constant dense<0.000000e+00> : vector<128xf32>
    %reduce_sum3A_76 = vector.multi_reduction <add>, %mul3A_74, %reduce_sum3A_75 [0] : vector<10000x128xf32> to vector<128xf32>
    %broadcast_in_dim3A_77 = vector.shape_cast %reduce_sum3A_76 : vector<128xf32> to vector<1x128xf32>
    %div3A_78 = arith.constant 1.000000e+04 : f32
    %div3A_79 = vector.broadcast %div3A_78 : f32 to vector<1x128xf32>
    %div3A_80 = arith.divf %broadcast_in_dim3A_77, %div3A_79 : vector<1x128xf32>
    %get3A_81 = arith.constant 0 : index
    %get3A_82 = arith.constant 0 : index
    %get3A_83 = vector.load %arg9[%get3A_81, %get3A_82] : memref<1x128xf32, #tpu.memory_space<vmem>>, vector<1x128xf32>
    %mul3A_84 = vector.broadcast %get3A_83 : vector<1x128xf32> to vector<10000x128xf32>
    %mul3A_85 = arith.mulf %mul3A_84, %sub3A_73 : vector<10000x128xf32>
    %add3A_86 = arith.constant 9.99999974E-6 : f32
    %add3A_87 = vector.broadcast %add3A_86 : f32 to vector<1x128xf32>
    %add3A_88 = arith.addf %div3A_80, %add3A_87 : vector<1x128xf32>
    %rsqrt3A_89 = math.rsqrt %add3A_88 : vector<1x128xf32>
    %mul3A_90 = vector.broadcast %rsqrt3A_89 : vector<1x128xf32> to vector<10000x128xf32>
    %mul3A_91 = arith.mulf %mul3A_85, %mul3A_90 : vector<10000x128xf32>
    %get3A_92 = arith.constant 0 : index
    %get3A_93 = arith.constant 0 : index
    %get3A_94 = vector.load %arg10[%get3A_92, %get3A_93] : memref<1x128xf32, #tpu.memory_space<vmem>>, vector<1x128xf32>
    %add3A_95 = vector.broadcast %get3A_94 : vector<1x128xf32> to vector<10000x128xf32>
    %add3A_96 = arith.addf %mul3A_91, %add3A_95 : vector<10000x128xf32>
    %max3A_97 = arith.constant 0.000000e+00 : f32
    %max3A_98 = vector.broadcast %max3A_97 : f32 to vector<10000x128xf32>
    %max3A_99 = arith.maximumf %add3A_96, %max3A_98 : vector<10000x128xf32>
    %swap3A = arith.constant 0 : index
    %swap3A_100 = arith.constant 0 : index
    %swap3A_101 = vector.load %arg11[%swap3A, %swap3A_100] : memref<10000x128xf32, #tpu.memory_space<vmem>>, vector<10000x128xf32>
    tpu.vector_store %arg11[%swap3A, %swap3A_100], %max3A_99 {strides = array<i32>} : memref<10000x128xf32, #tpu.memory_space<vmem>>, vector<10000x128xf32>,
    return
  }
}

</mosaic_0001>

<sc_bundles>
// kernel: kernel.4.cloned.1.call-start
scs
__scs_entry_jumppad:
0x0: {  	(pc) =	sbr.rel $0x88, $3  }
0x1: {  	(tag) =	ssettag $0x0;
	lr =	simm.s32 $0x1  }
0x2: {  	[smem:$0x3F95] =	sst lr;
	_ =	strace $0xD0000000  }
0x3: {  	_ = 	snop  }
0x4: {  	_ = 	snop  }
0x5: {  	_ = 	snop  }
0x6: {  	_ = 	snop  }
0x7: {  	_ = 	snop  }
__scs_overlays_trampoline_lowered:
0x8: {  	[smem:$0x3FA4] =	sst s0  }
0x9: {  	[smem:$0x3FA5] =	sst s1  }
0xa: {  	[smem:$0x3FA6] =	sst s2  }
0xb: {  	[smem:$0x3FA7] =	sst s3  }
0xc: {  	[smem:$0x3FA8] =	sst s4  }
0xd: {  	[smem:$0x3FA9] =	sst s5  }
0xe: {  	[smem:$0x3FAA] =	sst s6  }
0xf: {  	[smem:$0x3FAB] =	sst s7  }
0x10: {  	[smem:$0x3FAC] =	sst s8  }
0x11: {  	[smem:$0x3FAD] =	sst s9;
	s0 =	simm.s32 @!p0 $0x0  }
0x12: {  	s1 =	sld [smem:$0x3F93];
	s0 =	simm.s32 @p0 $0x1  }
0x13: {  	[smem:$0x3FAE] =	sst s0;
	s0 =	simm.s32 @!p1 $0x0  }
0x14: {  	s2 =	sld [smem:$0x3F92];
	s0 =	simm.s32 @p1 $0x1  }
0x15: {  	[smem:$0x3FAF] =	sst s0;
	s0 =	simm.s32 @!p2 $0x0  }
0x16: {  	s3 =	sld [smem:$0x3FDB];
	s0 =	simm.s32 @p2 $0x1  }
0x17: {  	s4 =	simm.s32 $0x1BF5;
	[smem:$0x3FB1] =	sst s0  }
0x18: {  	s0 =	sld [smem:$0x3F94];
	_ =	swait.ge [sflag:s4], $0x0  }
0x19: {  	s7 =	sld [smem:$0x3F95]  }
0x1a: {  	s8 =	sadd.s32 $0xFFFFE003, lr  }
0x1b: {  	s9 =	sadd.s32 $0xFFFFFEF7, lr;
	s5 =	simm.s32 $0xFFFFFFFF;
	p2 =	slt.u32 s8, $0xFFFFF086  }
0x1c: {  	p1 =	slt.u32 s9, $0xF7A;
	s5 =	simm.s32 @!p2 $0x0  }
0x1d: {  	s5 =	simm.s32 @p1 $0x1;
	p0 =	seq.s32 s7, s2  }
0x1e: {  	s7 =	smul.u32 @!p0 $0xF7A, s2;
	p2 =	seq.s32 @!p0 s5, $0x0  }
0x1f: {  	s9 =	smul.u32 $0xF7A, s1;
	s8 =	simm.s32 @!p0 $0x1BF5;
	p2 =	por !p2, p0  }
0x20: {  	[sflag:s8] =	ssyncset.s32 @!p0 $0xFFFFF086;
	s6 =	sadd.s32 @!p0 s3, s7;
	s7 =	simm.s32 @!p0 $0x108  }
0x21: {  	s3 =	sadd.s32 s3, s9;
	s6 =	sadd.s32 @!p0 $0x88, s6;
	s7 =	simm.s32 @p2 $0x1082  }
0x22: {  	[simem:s7], [sflag:s8] =	dma.local @!p0 [hbm:s6], $0xF7A  }
0x23: {  	s9 =	sor.u32 $0xD0000000, s2;
	s6 =	simm.s32 $0x108;
	_ =	swait.ge @!p0 [sflag:s8], $0x0  }
0x24: {  	s3 =	sadd.s32 $0x88, s3;
	s6 =	simm.s32 @!p1 $0x1082;
	[sflag:s4] =	ssyncset.s32 $0xFFFFF086  }
0x25: {  	[simem:s6], [sflag:s4] =	dma.local [hbm:s3], $0xF7A  }
0x26: {  	[smem:$0x3F95] =	sst s1;
	(tag) =	ssettag s2;
	_ =	strace s9  }
0x27: {  	s1 =	sld [smem:$0x3FA5]  }
0x28: {  	s2 =	sld [smem:$0x3FA6]  }
0x29: {  	s4 =	sld [smem:$0x3FA8]  }
0x2a: {  	p0 =	seq.s32 s5, $0x0;
	s5 =	sld [smem:$0x3FA9]  }
0x2b: {  	s6 =	sld [smem:$0x3FAA]  }
0x2c: {  	s7 =	sld [smem:$0x3FAB]  }
0x2d: {  	s3 =	simm.s32 $0x108;
	s8 =	sld [smem:$0x3FAC]  }
0x2e: {  	s3 =	simm.s32 @!p0 $0x1082;
	s9 =	sld [smem:$0x3FAD]  }
0x2f: {  	lr =	sadd.s32 s0, s3;
	s0 =	sld [smem:$0x3FA4]  }
0x30: {  	s3 =	sld [smem:$0x3FA7]  }
0x31: {  	[smem:$0x3FB0] =	sst s10  }
0x32: {  	s10 =	sld [smem:$0x3FAE];
	_ =	sdelay $0x3  }
0x33: {  	p0 =	seq.s32 s10, $0x1;
	s10 =	sld [smem:$0x3FB0];
	_ =	sdelay $0x3  }
0x34: {  	[smem:$0x3FB0] =	sst s10  }
0x35: {  	s10 =	sld [smem:$0x3FAF];
	_ =	sdelay $0x3  }
0x36: {  	p1 =	seq.s32 s10, $0x1;
	s10 =	sld [smem:$0x3FB0];
	_ =	sdelay $0x3  }
0x37: {  	[smem:$0x3FB0] =	sst s10  }
0x38: {  	s10 =	sld [smem:$0x3FB1]  }
0x39: {  	_ = 	snop;
	(pc) =	sbr.ind lr, $3  }
0x3a: {  	_ = 	snop  }
0x3b: {  	_ = 	snop  }
0x3c: {  	p2 =	seq.s32 s10, $0x1;
	s10 =	sld [smem:$0x3FB0]  }
0x3d: {  	_ =	shalt  }
0x3e: {  	_ =	shalt  }
0x3f: {  	_ =	shalt  }
0x40: {  	_ =	shalt  }
0x41: {  	_ =	shalt  }
0x42: {  	_ =	shalt  }
0x43: {  	_ =	shalt  }
0x44: {  	_ =	shalt  }
0x45: {  	_ =	shalt  }
0x46: {  	_ =	shalt  }
0x47: {  	_ =	shalt  }
0x48: {  	_ =	shalt  }
0x49: {  	_ =	shalt  }
0x4a: {  	_ =	shalt  }
0x4b: {  	_ =	shalt  }
0x4c: {  	_ =	shalt  }
0x4d: {  	_ =	shalt  }
0x4e: {  	_ =	shalt  }
0x4f: {  	_ =	shalt  }
0x50: {  	_ =	shalt  }
0x51: {  	_ =	shalt  }
0x52: {  	_ =	shalt  }
0x53: {  	_ =	shalt  }
0x54: {  	_ =	shalt  }
0x55: {  	_ =	shalt  }
0x56: {  	_ =	shalt  }
0x57: {  	_ =	shalt  }
0x58: {  	_ =	shalt  }
0x59: {  	_ =	shalt  }
0x5a: {  	_ =	shalt  }
0x5b: {  	_ =	shalt  }
0x5c: {  	_ =	shalt  }
0x5d: {  	_ =	shalt  }
0x5e: {  	_ =	shalt  }
0x5f: {  	_ =	shalt  }
0x60: {  	_ =	shalt  }
0x61: {  	_ =	shalt  }
0x62: {  	_ =	shalt  }
0x63: {  	_ =	shalt  }
0x64: {  	_ =	shalt  }
0x65: {  	_ =	shalt  }
0x66: {  	_ =	shalt  }
0x67: {  	_ =	shalt  }
0x68: {  	_ =	shalt  }
0x69: {  	_ =	shalt  }
0x6a: {  	_ =	shalt  }
0x6b: {  	_ =	shalt  }
0x6c: {  	_ =	shalt  }
0x6d: {  	_ =	shalt  }
0x6e: {  	_ =	shalt  }
0x6f: {  	_ =	shalt  }
0x70: {  	_ =	shalt  }
0x71: {  	_ =	shalt  }
0x72: {  	_ =	shalt  }
0x73: {  	_ =	shalt  }
0x74: {  	_ =	shalt  }
0x75: {  	_ =	shalt  }
0x76: {  	_ =	shalt  }
0x77: {  	_ =	shalt  }
0x78: {  	_ =	shalt  }
0x79: {  	_ =	shalt  }
0x7a: {  	_ =	shalt  }
0x7b: {  	_ =	shalt  }
0x7c: {  	_ =	shalt  }
0x7d: {  	_ =	shalt  }
0x7e: {  	_ =	shalt  }
0x7f: {  	_ =	shalt  }
0x80: {  	_ =	shalt  }
0x81: {  	_ =	shalt  }
0x82: {  	_ =	shalt  }
0x83: {  	_ =	shalt  }
0x84: {  	_ =	shalt  }
0x85: {  	_ =	shalt  }
0x86: {  	_ =	shalt  }
0x87: {  	_ =	shalt  }
.Lfunc_end0:
.L_simem_size_0:
called_computation_lowered:
.L_overlay_start_0:
0x88: {  	s2 =	sld [smem:$0x3FD9]  }
0x89: {  	s3 =	sld [smem:$0x3FFE];
	_ =	sdelay $0x1  }
0x8a: {  	s1 =	srdreg.scid  }
0x8b: {  	s0 =	sand.u32 $0x1, s1  }
0x8c: {  	s17 =	sshll.u32 s0, $0xA;
	s2 =	sadd.s32 s3, s2  }
0x8d: {  	s2 =	sadd.s32 s2, s17  }
0x8e: {  	[smem:$0x3FBC] =	sst s2  }
0x8f: {  	_ = 	snop  }
0x90: {  	s2 =	sld [smem:$0x3FC9]  }
0x91: {  	s18 =	sld [smem:$0x3FC7]  }
0x92: {  	s4 =	sld [smem:$0x3FD0];
	(tm) =	ssettm $0x1  }
0x93: {  	s5 =	sld [smem:$0x3FFB];
	_ =	sdelay $0x3  }
0x94: {  	_ =	strace s5  }
0x95: {  	s5 =	sld [smem:$0x3FFC];
	_ =	sdelay $0x3  }
0x96: {  	_ =	strace s5  }
0x97: {  	s5 =	sld [smem:$0x3FFD];
	_ =	sdelay $0x3  }
0x98: {  	_ =	strace s5  }
0x99: {  	_ =	strace $0x8FFFFFFF  }
0x9a: {  	s19 =	sld [smem:$0x3FDB];
	_ =	sdelay $0x1  }
0x9b: {  	s6 =	simm.s32 $_scs_section_size  }
0x9c: {  	s7 =	simm.s32 $_size__tile_overlayer_lowered;
	s8 =	simm.s32 $_tile_overlayer_lowered  }
0x9d: {  	s22 =	simm.s32 $0x1BFF;
	s21 =	sshll.u32 s8, $0x1;
	s5 =	sadd.s32 s6, s19  }
0x9e: {  	s9 =	simm.s32 $0x0;
	s20 =	sshll.u32 s7, $0x1;
	s7 =	sadd.s32 s21, s5  }
0x9f: {  	[timem:s9], [sflag:s22] =	dma.local [hbm:s7], s20  }
0xa0: {  	_ =	swait.ge [sflag:s22], s20  }
0xa1: {  	s6 =	ssub.s32 $0x0, s20;
	[sflag:s22] =	ssyncset.done $0x0  }
0xa2: {  	[sflag:s22] =	ssyncadd.s32 s6;
	_ =	sdelay $0x1  }
0xa3: {  	s23 =	simm.s32 $0x1B8B  }
0xa4: {  	_ =	swait.ge [sflag:s23], $0x1  }
0xa5: {  	[sflag:s23] =	ssyncset.done $0x0  }
0xa6: {  	s25 =	simm.s32 $0x1B8E;
	s24 =	sld [smem:$0x3FFE];
	[sflag:s23] =	ssyncadd.s32 $0xFFFFFFFF  }
0xa7: {  	s26 =	simm.s32 $execute0_lowered;
	[smem:$0x3FD2] =	sst s25  }
0xa8: {  	s7 =	sshll.u32 s26, $0x1;
	_ =	strace $0x80000046;
	[dreg:$0x1] =	wrdreg $0xFFFFFFFF  }
0xa9: {  	s28 =	simm.s32 $_size_execute0_lowered;
	s5 =	sadd.s32 s5, s7;
	[dreg:$0x0] =	wrdreg $0x0  }
0xaa: {  	s7 =	sshll.u32 s28, $0x1;
	[dreg:$0x2] =	wrdreg s5  }
0xab: {  	[dreg:$0x3] =	wrdreg s7  }
0xac: {  	[dreg:$0x4] =	wrdreg $0xC0  }
0xad: {  	_ =	task [dreg:s9], $0x5FFFF  }
0xae: {  	[dreg:$0x1] =	wrdreg $0xFFFFFFFF  }
0xaf: {  	[dreg:$0x0] =	wrdreg $0x60  }
0xb0: {  	[dreg:$0x2] =	wrdreg s2  }
0xb1: {  	[dreg:$0x3] =	wrdreg s24  }
0xb2: {  	[dreg:$0x4] =	wrdreg s4  }
0xb3: {  	[dreg:$0x5] =	wrdreg s18  }
0xb4: {  	[dreg:$0x6] =	wrdreg $0x83800  }
0xb5: {  	[dreg:$0x7] =	wrdreg $0x9  }
0xb6: {  	_ =	task.clear_ibuf [dreg:s9], $0x8FFFF;
	_ =	strace $0x90000046  }
0xb7: {  	s29 =	simm.s32 $0x9;
	_ =	strace $0x80000048  }
0xb8: {  	_ =	swait.ge [sflag:s29], $0x1  }
0xb9: {  	[sflag:s29] =	ssyncadd.s32 $0xFFFFFFFF  }
0xba: {  	_ =	strace $0x90000048  }
0xbb: {  	_ =	sfence  }
0xbc: {  	s30 =	sld [smem:$0x0];
	_ =	sdelay $0x2  }
0xbd: {  	s31 =	sshll.u32 s1, $0xD;
	s1 =	sshrl.u32 s1, $0x2  }
0xbe: {  	s3 =	sand.u32 $0x4000, s31;
	s1 =	sadd.s32 s1, s30  }
0xbf: {  	s0 =	sor.u32 s3, s0;
	s1 =	sshll.u32 s1, $0x11  }
0xc0: {  	s0 =	sor.u32 s1, s0  }
0xc1: {  	s0 =	sadd.s32 $0x8F2B, s0  }
0xc2: {  	[sflag:s0] =	ssyncadd.remote.s32 $0x1  }
0xc3: {  	_ =	sfence.sel $0xFFFF  }
0xc4: {  	[dreg:$0x0] =	wrdreg $0xFFFFFFFF;
	(pc) =	sbr.abs _section_cstart, $3  }
0xc5: {  	[dreg:$0x1] =	wrdreg $0xFFFFFFFF  }
0xc6: {  	_ =	task.clear_ibuf [dreg:s9], $0x2FFFF;
	_ =	strace $0x9FFFFFFF  }
0xc7: {  	(tm) =	ssettm $0x7FFFFFFF  }
tec
execute0_lowered:
.L_overlay_start_1:
0x0: {  	(tag) =	ssettag $0x1  }
0x1: {  	s1 =	rddreg [dreg:$0x0]  }
0x2: {  	s0 =	rddreg [dreg:$0x1]  }
0x3: {  	s2 =	rddreg [dreg:$0x2]  }
0x4: {  	s3 =	rddreg [dreg:$0x3]  }
0x5: {  	s4 =	rddreg [dreg:$0x4]  }
0x6: {  	s21 =	simm.s32 $0x0;
	s6 =	srdreg.scid;
	s5 =	stileid.u32  }
0x7: {  	s29 =	simm.s32 $0x2380;
	s31 =	simm.s32 $0x40;
	[smem:$0x7FF] =	sst s21  }
0x8: {  	s6 =	sand.u32 $0x1, s6;
	s7 =	sadd.s32 $0x1000, s0;
	s10 =	smul.u32 $0x4E000, s5  }
0x9: {  	s0 =	sadd.s32 $0xAE00, s0;
	s20 =	sshll.u32 s5, $0x1;
	s23 =	smul.u32 $0x13800, s5  }
0xa: {  	p0 =	slt.u32 s5, $0x4;
	_ =	strace $0x80000047;
	s8 =	ssub.s32 $0x2, s6  }
0xb: {  	s11 =	smul.u32 $0x138800, s6;
	s6 =	sor.u32 s6, s20;
	s9 =	sshrl.u32 s8, $0x1  }
0xc: {  	s22 =	sshrl.u32 s10, $0x2;
	s12 =	sshll.u32 s6, $0x3;
	s14 =	sadd.s32 $0x3400, s23  }
0xd: {  	s15 =	sadd.s32 $0x6800, s23;
	s17 =	sadd.s32 $0x9C00, s23;
	s28 =	sadd.s32 $0xD000, s23  }
0xe: {  	s10 =	sadd.s32 $0x10400, s23;
	s8 =	ssub.s32 s8, s9;
	s19 =	sadd.s32 s22, s4  }
0xf: {  	s9 =	simm.s32 $0x9D;
	s13 =	sadd.s32 s23, s11;
	s24 =	sadd.s32 s11, s14  }
0x10: {  	s16 =	sadd.s32 s11, s15;
	s26 =	sadd.s32 s11, s17;
	s20 =	sadd.s32 s7, s12  }
0x11: {  	s30 =	sadd.s32 s11, s28;
	s22 =	sadd.s32 s2, s12;
	[dreg:$0xe] =	wrdreg s20  }
0x12: {  	s18 =	sadd.s32 s11, s10;
	s23 =	sor.u32 $0x100, s12;
	[dreg:$0xf] =	wrdreg s22  }
0x13: {  	s10 =	sadd.s32 s10, s4;
	s12 =	sadd.s32 s7, s23;
	[dreg:$0x7] =	wrdreg s19  }
0x14: {  	s13 =	sshrl.u32 s13, $0x3;
	s22 =	sadd.s32 $0x8000, s19;
	[dreg:$0x10] =	wrdreg s12  }
0x15: {  	s16 =	sshrl.u32 s16, $0x3;
	s13 =	sadd.s32 s0, s13;
	[dreg:$0x1d] =	wrdreg s22  }
0x16: {  	s18 =	sshrl.u32 s18, $0x3;
	s25 =	sadd.s32 s0, s16;
	[dreg:$0x8] =	wrdreg s13  }
0x17: {  	s18 =	sadd.s32 s0, s18;
	s16 =	sadd.s32 $0x4000, s19;
	[dreg:$0xa] =	wrdreg s25  }
0x18: {  	s13 =	sshrl.u32 s24, $0x3;
	[dreg:$0xd] =	wrdreg s18;
	s18 =	sshll.u32 s6, $0x6  }
0x19: {  	s24 =	sadd.s32 s14, s4;
	s14 =	sshrl.u32 s10, $0x3;
	[dreg:$0x1b] =	wrdreg s16  }
0x1a: {  	s25 =	sadd.s32 s15, s4;
	s15 =	sadd.s32 $0x2000, s19;
	[dreg:$0x19] =	wrdreg s14  }
0x1b: {  	s6 =	sshll.u32 s6, $0xA;
	s13 =	sadd.s32 s0, s13;
	[dreg:$0x1a] =	wrdreg s15  }
0x1c: {  	s11 =	sshrl.u32 s11, $0x3;
	s20 =	sadd.s32 s3, s6;
	[dreg:$0x9] =	wrdreg s13  }
0x1d: {  	s15 =	sadd.s32 $0x138000, s4;
	s13 =	sshrl.u32 s26, $0x3;
	[dreg:$0x12] =	wrdreg s20  }
0x1e: {  	s26 =	sadd.s32 s17, s4;
	s17 =	sadd.s32 $0x6000, s19;
	[smem:$0x7FD] =	sst s15  }
0x1f: {  	s28 =	sadd.s32 s28, s4;
	s13 =	sadd.s32 s0, s13;
	[dreg:$0x1c] =	wrdreg s17  }
0x20: {  	s9 =	simm.s32 @!p0 $0x9C;
	s12 =	sshrl.u32 s26, $0x3;
	[dreg:$0xb] =	wrdreg s13  }
0x21: {  	p0 =	sne.s32 s5, $0xF;
	s26 =	sadd.s32 $0x10000, s19;
	[dreg:$0x17] =	wrdreg s12  }
0x22: {  	s13 =	sshrl.u32 s30, $0x3;
	s30 =	smax.u32 s8, $0x1;
	[smem:$0x7FA] =	sst s26  }
0x23: {  	s22 =	sadd.s32 $0xFFFFFFFF, s9;
	s8 =	sshrl.u32 s24, $0x3;
	[dreg:$0x14] =	wrdreg s30  }
0x24: {  	s16 =	simm.s32 $0xB;
	s24 =	sadd.s32 $0xC000, s19;
	[dreg:$0x15] =	wrdreg s8  }
0x25: {  	s10 =	simm.s32 $0x280;
	s13 =	sadd.s32 s0, s13;
	[dreg:$0x1f] =	wrdreg s24  }
0x26: {  	s0 =	sadd.s32 s0, s11;
	s11 =	sadd.s32 s2, s23;
	[dreg:$0xc] =	wrdreg s13  }
0x27: {  	s6 =	simm.s32 $0x8;
	s23 =	sadd.s32 $0xA000, s19;
	[dreg:$0x11] =	wrdreg s11  }
0x28: {  	s17 =	sor.u32 $0x2, s9;
	s30 =	sadd.s32 $0x8000, s20;
	[dreg:$0x1e] =	wrdreg s23  }
0x29: {  	s26 =	simm.s32 $0x200;
	s0 =	sadd.s32 $0x27000, s0;
	[smem:$0x7FC] =	sst s30  }
0x2a: {  	s12 =	simm.s32 $0x300;
	s11 =	sshrl.u32 s25, $0x3;
	[dreg:$0x13] =	wrdreg s0  }
.Ltmp0:
0x2b: {  	s13 =	sshrl.u32 s28, $0x3;
	[dreg:$0x16] =	wrdreg s11;
	(pc) =	sbr.rel .LBB2_1-.Ltmp0, $4  }
0x2c: {  	s20 =	sadd.s32 $0xFFFFFFF4, s9;
	s25 =	sadd.s32 $0xE000, s19;
	[dreg:$0x18] =	wrdreg s13  }
0x2d: {  	s28 =	sadd.s32 $0x12000, s19;
	s19 =	sadd.s32 $0xFFFFFFFE, s9;
	[smem:$0x7F9] =	sst s25  }
0x2e: {  	s23 =	simm.s32 $0x380;
	[smem:$0x7FB] =	sst s28;
	s25 =	simm.s32 $0x180  }
0x2f: {  	v0 =	vimm.f32 $0.0e+00;
	s0 =	simm.s32 $0x7;
	s11 =	simm.s32 $0x4380;
	s13 =	simm.s32 $0x6380  }
.LBB2_53:
0x30: {  	s5 =	stileid.u32;
	[bflag:$0x0] =	sbarrier.arrive $0xFFFF  }
0x31: {  	s16 =	simm.s32 $0xB;
	s5 =	sshll.u32 s5, $0x6;
	s8 =	rddreg [dreg:$0x7]  }
0x32: {  	s14 =	rddreg [dreg:$0x8];
	s5 =	sor.u32 $0x1C0B, s5;
	s8 =	sshrl.u32 s8, $0x3  }
0x33: {  	[hbm:s14], [sflag:s5] =	dma.local [spmem:s8], $0x680  }
0x34: {  	_ =	swait.ge [sflag:s16], $0x680  }
0x35: {  	[sflag:s16] =	ssyncset.done $0x0;
	s14 =	rddreg [dreg:$0x9]  }
0x36: {  	s15 =	rddreg [dreg:$0x15];
	[sflag:s16] =	ssyncadd.s32 $0xFFFFF980  }
0x37: {  	[hbm:s14], [sflag:s5] =	dma.local [spmem:s15], $0x680  }
0x38: {  	_ =	swait.ge [sflag:s16], $0x680  }
0x39: {  	[sflag:s16] =	ssyncset.done $0x0;
	s21 =	rddreg [dreg:$0xa]  }
0x3a: {  	s24 =	rddreg [dreg:$0x16];
	[sflag:s16] =	ssyncadd.s32 $0xFFFFF980  }
0x3b: {  	[hbm:s21], [sflag:s5] =	dma.local [spmem:s24], $0x680  }
0x3c: {  	_ =	swait.ge [sflag:s16], $0x680  }
0x3d: {  	[sflag:s16] =	ssyncset.done $0x0;
	s28 =	rddreg [dreg:$0xb]  }
0x3e: {  	s30 =	rddreg [dreg:$0x17];
	[sflag:s16] =	ssyncadd.s32 $0xFFFFF980  }
0x3f: {  	[hbm:s28], [sflag:s5] =	dma.local [spmem:s30], $0x680  }
0x40: {  	_ =	swait.ge [sflag:s16], $0x680  }
0x41: {  	[sflag:s16] =	ssyncset.done $0x0;
	s15 =	rddreg [dreg:$0xc]  }
0x42: {  	s21 =	rddreg [dreg:$0x18];
	[sflag:s16] =	ssyncadd.s32 $0xFFFFF980  }
0x43: {  	[hbm:s15], [sflag:s5] =	dma.local [spmem:s21], $0x680  }
0x44: {  	_ =	swait.ge [sflag:s16], $0x680  }
0x45: {  	[sflag:s16] =	ssyncset.done $0x0;
	s24 =	rddreg [dreg:$0xd]  }
0x46: {  	s28 =	rddreg [dreg:$0x19];
	[sflag:s16] =	ssyncadd.s32 $0xFFFFF980  }
0x47: {  	[hbm:s24], [sflag:s5] =	dma.local [spmem:s28], $0x680  }
0x48: {  	_ =	swait.ge [sflag:s16], $0x680  }
0x49: {  	s15 =	sld [smem:$0x7FD];
	_ =	sdelay $0x1  }
0x4a: {  	[sflag:s16] =	ssyncset.done $0x0  }
0x4b: {  	s14 =	rddreg [dreg:$0x13];
	[sflag:s16] =	ssyncadd.s32 $0xFFFFF980;
	s8 =	sshrl.u32 @!p0 s15, $0x3  }
0x4c: {  	[hbm:s14], [sflag:s5] =	dma.local @!p0 [spmem:s8], $0x100  }
0x4d: {  	s5 =	simm.s32 @!p0 $0xB  }
0x4e: {  	_ =	swait.ge @!p0 [sflag:s5], $0x100  }
0x4f: {  	s21 =	rddreg [dreg:$0x6]  }
0x50: {  	s30 =	rddreg [dreg:$0x14];
	s21 =	sadd.s32 $0x1, s21  }
0x51: {  	p1 =	sne.s32 s21, s30  }
.Ltmp1:
0x52: {  	_ = 	snop;
	(pc) =	sbr.rel @!p1 .LBB2_54-.Ltmp1, $3  }
0x53: {  	_ =	sdelay $0x1  }
0x54: {  	[sflag:s5] =	ssyncset.done @!p0 $0x0  }
0x55: {  	[sflag:s5] =	ssyncadd.s32 @!p0 $0xFFFFFF00  }
.LBB2_1:
0x56: {  	[dreg:$0x6] =	wrdreg s21;
	s8 =	simm.s32 $0x0;
	s14 =	simm.s32 $0x200  }
.LBB2_2:
0x57: {  	p1 =	sne.s32 s14, $0x7E00;
	[tilespmem:s8+$0x3F0] =	vst v0  }
0x58: {  	[tilespmem:s8+$0x380] =	vst v0  }
0x59: {  	[tilespmem:s8+$0x390] =	vst v0  }
.Ltmp2:
0x5a: {  	[tilespmem:s8+$0x3A0] =	vst v0;
	(pc) =	sbr.rel @p1 .LBB2_2-.Ltmp2, $4  }
0x5b: {  	[tilespmem:s8+$0x3B0] =	vst v0  }
0x5c: {  	[tilespmem:s8+$0x3C0] =	vst v0  }
0x5d: {  	[tilespmem:s8+$0x3D0] =	vst v0  }
0x5e: {  	[tilespmem:s8+$0x3E0] =	vst v0;
	s8 =	sshra.s32 s14, $0x2;
	s14 =	sadd.s32 $0x200, s14  }
0x5f: {  	[tilespmem:s8+$0x3F0] =	vst v0  }
0x60: {  	[tilespmem:s8+$0x380] =	vst v0  }
0x61: {  	[tilespmem:s8+$0x390] =	vst v0  }
0x62: {  	[tilespmem:s8+$0x3A0] =	vst v0  }
0x63: {  	[tilespmem:s8+$0x3B0] =	vst v0  }
0x64: {  	[tilespmem:s8+$0x3C0] =	vst v0  }
0x65: {  	[tilespmem:s8+$0x3D0] =	vst v0  }
0x66: {  	[tilespmem:s8+$0x3E0] =	vst v0;
	s5 =	rddreg [dreg:$0x7]  }
0x67: {  	[spmem:s5] =	stream.linear.scatter [tilespmem:s23], [sflag:$0xB], $0x2000, $0x38;
	[tilespmem:$0x1BC00] =	vst v63  }
0x68: {  	_ =	swait.ge [sflag:s16], $0x2000  }
0x69: {  	[sflag:s16] =	ssyncset.done $0x0  }
0x6a: {  	s14 =	rddreg [dreg:$0x1a];
	[sflag:s16] =	ssyncadd.s32 $0xFFFFE000  }
0x6b: {  	[spmem:s14] =	stream.linear.scatter [tilespmem:s23], [sflag:$0xB], $0x2000, $0x38;
	[tilespmem:$0x1BC00] =	vst v63  }
0x6c: {  	_ =	swait.ge [sflag:s16], $0x2000  }
0x6d: {  	[sflag:s16] =	ssyncset.done $0x0  }
0x6e: {  	s21 =	rddreg [dreg:$0x1b];
	[sflag:s16] =	ssyncadd.s32 $0xFFFFE000  }
0x6f: {  	[spmem:s21] =	stream.linear.scatter [tilespmem:s23], [sflag:$0xB], $0x2000, $0x38;
	[tilespmem:$0x1BC00] =	vst v63  }
0x70: {  	_ =	swait.ge [sflag:s16], $0x2000  }
0x71: {  	[sflag:s16] =	ssyncset.done $0x0  }
0x72: {  	s24 =	rddreg [dreg:$0x1c];
	[sflag:s16] =	ssyncadd.s32 $0xFFFFE000  }
0x73: {  	[spmem:s24] =	stream.linear.scatter [tilespmem:s23], [sflag:$0xB], $0x2000, $0x38;
	[tilespmem:$0x1BC00] =	vst v63  }
0x74: {  	_ =	swait.ge [sflag:s16], $0x2000  }
0x75: {  	[sflag:s16] =	ssyncset.done $0x0  }
0x76: {  	s28 =	rddreg [dreg:$0x1d];
	[sflag:s16] =	ssyncadd.s32 $0xFFFFE000  }
0x77: {  	[spmem:s28] =	stream.linear.scatter [tilespmem:s23], [sflag:$0xB], $0x2000, $0x38;
	[tilespmem:$0x1BC00] =	vst v63  }
0x78: {  	_ =	swait.ge [sflag:s16], $0x2000  }
0x79: {  	[sflag:s16] =	ssyncset.done $0x0  }
0x7a: {  	s30 =	rddreg [dreg:$0x1e];
	[sflag:s16] =	ssyncadd.s32 $0xFFFFE000  }
0x7b: {  	[spmem:s30] =	stream.linear.scatter [tilespmem:s23], [sflag:$0xB], $0x2000, $0x38;
	[tilespmem:$0x1BC00] =	vst v63  }
0x7c: {  	_ =	swait.ge [sflag:s16], $0x2000  }
0x7d: {  	[sflag:s16] =	ssyncset.done $0x0  }
0x7e: {  	s8 =	rddreg [dreg:$0x1f];
	[sflag:s16] =	ssyncadd.s32 $0xFFFFE000  }
0x7f: {  	[spmem:s8] =	stream.linear.scatter [tilespmem:s23], [sflag:$0xB], $0x2000, $0x38;
	[tilespmem:$0x1BC00] =	vst v63  }
0x80: {  	_ =	swait.ge [sflag:s16], $0x2000  }
0x81: {  	s14 =	sld [smem:$0x7F9]  }
0x82: {  	[sflag:s16] =	ssyncset.done $0x0  }
0x83: {  	[sflag:s16] =	ssyncadd.s32 $0xFFFFE000  }
0x84: {  	[spmem:s14] =	stream.linear.scatter [tilespmem:s23], [sflag:$0xB], $0x2000, $0x38;
	[tilespmem:$0x1BC00] =	vst v63  }
0x85: {  	_ =	swait.ge [sflag:s16], $0x2000  }
0x86: {  	s21 =	sld [smem:$0x7FA]  }
0x87: {  	[sflag:s16] =	ssyncset.done $0x0  }
0x88: {  	[sflag:s16] =	ssyncadd.s32 $0xFFFFE000  }
0x89: {  	[spmem:s21] =	stream.linear.scatter [tilespmem:s23], [sflag:$0xB], $0x2000, $0x38;
	[tilespmem:$0x1BC00] =	vst v63  }
0x8a: {  	_ =	swait.ge [sflag:s16], $0x2000  }
0x8b: {  	s24 =	sld [smem:$0x7FB]  }
0x8c: {  	[sflag:s16] =	ssyncset.done $0x0  }
0x8d: {  	[sflag:s16] =	ssyncadd.s32 $0xFFFFE000  }
0x8e: {  	[spmem:s24] =	stream.linear.scatter [tilespmem:s23], [sflag:$0xB], $0x1800, $0x38;
	[tilespmem:$0x1BC00] =	vst v63  }
0x8f: {  	_ =	swait.ge [sflag:s16], $0x1800  }
0x90: {  	[sflag:s16] =	ssyncset.done $0x0  }
0x91: {  	s8 =	simm.s32 @!p0 $0x380;
	[sflag:s16] =	ssyncadd.s32 $0xFFFFE800  }
0x92: {  	[spmem:s15] =	stream.linear.scatter @!p0 [tilespmem:s8], [sflag:$0xB], $0x800, $0x38;
	[tilespmem:$0x1BC00] =	vst v63  }
0x93: {  	s8 =	simm.s32 @!p0 $0xB  }
0x94: {  	_ =	swait.ge @!p0 [sflag:s8], $0x800  }
0x95: {  	[sflag:s8] =	ssyncset.done @!p0 $0x0  }
0x96: {  	[sflag:s8] =	ssyncadd.s32 @!p0 $0xFFFFF800  }
0x97: {  	[bflag:$0x0] =	sbarrier.arrive $0xFFFF  }
0x98: {  	s14 =	simm.s32 $0x0;
	s28 =	rddreg [dreg:$0xe]  }
0x99: {  	[tilespmem:s14], [sflag:$0x1] =	stream.linear.gather [hbm4b:s28+s14], $0x40, $0x38;
	[tilespmem:$0x1BC00] =	vst v63  }
0x9a: {  	s30 =	rddreg [dreg:$0xf]  }
0x9b: {  	[tilespmem:s25], [sflag:$0x1] =	stream.linear.gather [hbm4b:s30+s14], $0x40, $0x38;
	[tilespmem:$0x1BC00] =	vst v63  }
0x9c: {  	s15 =	simm.s32 $0x80;
	s8 =	rddreg [dreg:$0x10]  }
0x9d: {  	[tilespmem:s15], [sflag:$0x2] =	stream.linear.gather [hbm4b:s8+s14], $0x40, $0x38;
	[tilespmem:$0x1BC00] =	vst v63  }
0x9e: {  	s21 =	simm.s32 $0x1;
	s16 =	rddreg [dreg:$0x11]  }
0x9f: {  	[tilespmem:s26], [sflag:$0x2] =	stream.linear.gather [hbm4b:s16+s14], $0x40, $0x38;
	[tilespmem:$0x1BC00] =	vst v63  }
0xa0: {  	_ =	swait.ge [sflag:s21], $0x40  }
0xa1: {  	[sflag:s21] =	ssyncset.done $0x0  }
0xa2: {  	[sflag:s21] =	ssyncadd.s32 $0xFFFFFFC0  }
0xa3: {  	_ =	swait.ge [sflag:s21], $0x40  }
0xa4: {  	[sflag:s21] =	ssyncset.done $0x0;
	s24 =	rddreg [dreg:$0x12]  }
0xa5: {  	s28 =	sld [smem:$0x7FC];
	[sflag:s21] =	ssyncadd.s32 $0xFFFFFFC0  }
0xa6: {  	[tilespmem:s23], [sflag:$0x3] =	stream.linear.gather [hbm4b:s24+s14], $0x2000, $0x38;
	[tilespmem:$0x1BC00] =	vst v63  }
0xa7: {  	_ = 	snop  }
0xa8: {  	[tilespmem:s29], [sflag:$0x4] =	stream.linear.gather [hbm4b:s28+s14], $0x2000, $0x38;
	[tilespmem:$0x1BC00] =	vst v63  }
.Ltmp3:
0xa9: {  	s30 =	simm.s32 $0x3;
	(pc) =	sbr.rel .LBB2_4-.Ltmp3, $4  }
0xaa: {  	_ =	swait.ge [sflag:s30], $0x2000  }
0xab: {  	[sflag:s30] =	ssyncset.done $0x0  }
0xac: {  	[sflag:s30] =	ssyncadd.s32 $0xFFFFE000  }
0xad: {  	[tilespmem:s23], [sflag:$0x7] =	stream.indirect.gather.add.f32 [hbm:s1], $0x80, s14, s31, $0xb8;
	[tilespmem:$0x1BC00] =	vst v63  }
.LBB2_52:
0xae: {  	s14 =	sadd.s32 $0x1, s14  }
0xaf: {  	p1 =	sne.s32 s14, $0xE  }
.Ltmp4:
0xb0: {  	_ = 	snop;
	(pc) =	sbr.rel @!p1 .LBB2_53-.Ltmp4, $1  }
0xb1: {  	_ =	sdelay $0x3  }
.LBB2_4:
0xb2: {  	p2 =	seq.s32 s14, $0x0  }
0xb3: {  	s16 =	smul.u32 $0xC, s14;
	s8 =	simm.s32 @!p2 $0x9  }
0xb4: {  	_ =	swait.ge @!p2 [sflag:s8], $0x2000  }
0xb5: {  	p3 =	sge.u32 s16, s22;
	[sflag:s8] =	ssyncset.done @!p2 $0x0  }
0xb6: {  	[sflag:s8] =	ssyncadd.s32 @!p2 $0xFFFFE000;
	s8 =	simm.s32 @!p3 $0x2  }
0xb7: {  	_ =	swait.ge @!p3 [sflag:s8], $0x40  }
0xb8: {  	[sflag:s8] =	ssyncset.done @!p3 $0x0  }
0xb9: {  	[sflag:s8] =	ssyncadd.s32 @!p3 $0xFFFFFFC0  }
0xba: {  	_ =	swait.ge @!p3 [sflag:s8], $0x40  }
0xbb: {  	p1 =	sge.u32 s16, s9;
	[sflag:s8] =	ssyncset.done @!p3 $0x0  }
.Ltmp5:
0xbc: {  	[sflag:s8] =	ssyncadd.s32 @!p3 $0xFFFFFFC0;
	s8 =	simm.s32 @!p3 $0x4;
	(pc) =	sbr.rel @p1 .LBB2_8-.Ltmp5, $4  }
0xbd: {  	_ =	swait.ge @!p3 [sflag:s8], $0x2000  }
0xbe: {  	s15 =	simm.s32 @!p3 $0x80;
	[sflag:s8] =	ssyncset.done @!p3 $0x0  }
0xbf: {  	s21 =	simm.s32 @!p3 $0x2380;
	[sflag:s8] =	ssyncadd.s32 @!p3 $0xFFFFE000;
	s8 =	simm.s32 @!p3 $0x40  }
0xc0: {  	[tilespmem:s21], [sflag:$0x8] =	stream.indirect.gather.add.f32 @!p3 [hbm:s1], $0x80, s15, s8, $0xb8;
	[tilespmem:$0x1BC00] =	vst v63  }
0xc1: {  	s8 =	sor.u32 $0x2, s16  }
0xc2: {  	p4 =	sge.u32 s8, s9  }
0xc3: {  	_ =	swait.ge [sflag:s0], $0x2000;
	s8 =	sshll.u32 @!p4 s8, $0xB  }
0xc4: {  	[sflag:s0] =	ssyncset.done $0x0;
	s8 =	sor.u32 @!p4 s18, s8  }
0xc5: {  	[sflag:s0] =	ssyncadd.s32 $0xFFFFE000;
	s15 =	sshrl.u32 @!p4 s8, $0x3  }
0xc6: {  	s28 =	simm.s32 @!p4 $0x0;
	s30 =	simm.s32 @!p4 $0x100;
	s21 =	sadd.s32 @!p4 s7, s15  }
0xc7: {  	[tilespmem:s30], [sflag:$0x1] =	stream.linear.gather @!p4 [hbm4b:s21+s28], $0x40, $0x38;
	[tilespmem:$0x1BC00] =	vst v63  }
0xc8: {  	s8 =	sshll.u32 @!p4 s8, $0x4;
	s15 =	sadd.s32 @!p4 s2, s15;
	s21 =	simm.s32 @!p4 $0x280  }
0xc9: {  	[tilespmem:s21], [sflag:$0x1] =	stream.linear.gather @!p4 [hbm4b:s15+s28], $0x40, $0x38;
	[tilespmem:$0x1BC00] =	vst v63  }
0xca: {  	s8 =	sadd.s32 @!p4 s3, s8;
	s15 =	simm.s32 @!p4 $0x4380  }
0xcb: {  	[tilespmem:s15], [sflag:$0x5] =	stream.linear.gather @!p4 [hbm4b:s8+s28], $0x2000, $0x38;
	[tilespmem:$0x1BC00] =	vst v63  }
0xcc: {  	s15 =	simm.s32 $0x480  }
0xcd: {  	v1 =	vld [tilespmem:s15+$0xFFFFFF10]  }
0xce: {  	v7 =	vld [tilespmem:s15+$0xF0]  }
0xcf: {  	v2 =	vld [tilespmem:s15+$0xFFFFFF20]  }
0xd0: {  	v8 =	vld [tilespmem:s15+$0xFFFFFF80]  }
0xd1: {  	v3 =	vld [tilespmem:s15+$0xFFFFFF30]  }
0xd2: {  	v9 =	vld [tilespmem:s15+$0xFFFFFF90];
	v1 =	vmax.f32 v1, $0.0e+00  }
0xd3: {  	v4 =	vld [tilespmem:s15+$0xFFFFFF40];
	v7 =	vmax.f32 v7, $0.0e+00;
	[tilespmem:s15+$0xFFFFFF10] =	vst v1  }
0xd4: {  	v5 =	vld [tilespmem:s15+$0xFFFFFF50];
	v2 =	vmax.f32 v2, $0.0e+00;
	[tilespmem:s15+$0xF0] =	vst v7  }
0xd5: {  	v6 =	vld [tilespmem:s15+$0xFFFFFF60];
	[tilespmem:s15+$0xFFFFFF20] =	vst v2;
	v2 =	vmax.f32 v8, $0.0e+00  }
0xd6: {  	v1 =	vld [tilespmem:s15+$0xFFFFFF70];
	[tilespmem:s15+$0xFFFFFF80] =	vst v2;
	v2 =	vmax.f32 v3, $0.0e+00  }
0xd7: {  	v10 =	vld [tilespmem:s15+$0xFFFFFFA0];
	[tilespmem:s15+$0xFFFFFF30] =	vst v2;
	v2 =	vmax.f32 v9, $0.0e+00  }
0xd8: {  	v11 =	vld [tilespmem:s15+$0xFFFFFFB0];
	[tilespmem:s15+$0xFFFFFF90] =	vst v2;
	v2 =	vmax.f32 v4, $0.0e+00  }
0xd9: {  	v7 =	vld [tilespmem:s15+$0xFFFFFFC0];
	[tilespmem:s15+$0xFFFFFF40] =	vst v2;
	v2 =	vmax.f32 v5, $0.0e+00  }
0xda: {  	v5 =	vld [tilespmem:s15+$0x0];
	[tilespmem:s15+$0xFFFFFF50] =	vst v2;
	v2 =	vmax.f32 v6, $0.0e+00  }
0xdb: {  	v8 =	vld [tilespmem:s15+$0xFFFFFFD0];
	v1 =	vmax.f32 v1, $0.0e+00;
	[tilespmem:s15+$0xFFFFFF60] =	vst v2  }
0xdc: {  	v2 =	vld [tilespmem:s15+$0x10];
	[tilespmem:s15+$0xFFFFFF70] =	vst v1;
	v1 =	vmax.f32 v10, $0.0e+00  }
0xdd: {  	v3 =	vld [tilespmem:s15+$0xFFFFFFE0];
	[tilespmem:s15+$0xFFFFFFA0] =	vst v1;
	v1 =	vmax.f32 v11, $0.0e+00  }
0xde: {  	v4 =	vld [tilespmem:s15+$0xFFFFFFF0];
	[tilespmem:s15+$0xFFFFFFB0] =	vst v1;
	v1 =	vmax.f32 v7, $0.0e+00  }
0xdf: {  	v6 =	vld [tilespmem:s15+$0x20];
	[tilespmem:s15+$0xFFFFFFC0] =	vst v1;
	v1 =	vmax.f32 v5, $0.0e+00  }
0xe0: {  	v5 =	vld [tilespmem:s15+$0x50];
	[tilespmem:s15+$0x0] =	vst v1;
	v1 =	vmax.f32 v8, $0.0e+00  }
0xe1: {  	v63 =	vld [tilespmem:s15+$0x30];
	[tilespmem:s15+$0xFFFFFFD0] =	vst v1;
	v1 =	vmax.f32 v2, $0.0e+00  }
0xe2: {  	v7 =	vld [tilespmem:s15+$0x40];
	[tilespmem:s15+$0x10] =	vst v1;
	v1 =	vmax.f32 v3, $0.0e+00  }
0xe3: {  	v2 =	vld [tilespmem:s15+$0x60];
	[tilespmem:s15+$0xFFFFFFE0] =	vst v1;
	v1 =	vmax.f32 v4, $0.0e+00  }
0xe4: {  	v3 =	vld [tilespmem:s15+$0x80];
	[tilespmem:s15+$0xFFFFFFF0] =	vst v1;
	v1 =	vmax.f32 v6, $0.0e+00  }
0xe5: {  	v4 =	vld [tilespmem:s15+$0x70];
	v5 =	vmax.f32 v5, $0.0e+00;
	[tilespmem:s15+$0x20] =	vst v1  }
0xe6: {  	v6 =	vld [tilespmem:s15+$0x90];
	v1 =	vmax.f32 v63, $0.0e+00;
	[tilespmem:s15+$0x50] =	vst v5  }
0xe7: {  	[tilespmem:s15+$0x30] =	vst v1;
	v1 =	vmax.f32 v7, $0.0e+00;
	v7 =	vld [tilespmem:s15+$0xA0]  }
0xe8: {  	v5 =	vmax.f32 v2, $0.0e+00;
	[tilespmem:s15+$0x40] =	vst v1;
	v1 =	vld [tilespmem:s15+$0xB0]  }
0xe9: {  	v2 =	vld [tilespmem:s15+$0xC0];
	[tilespmem:s15+$0x60] =	vst v5;
	v5 =	vmax.f32 v3, $0.0e+00  }
0xea: {  	v3 =	vld [tilespmem:s15+$0xD0];
	v4 =	vmax.f32 v4, $0.0e+00;
	[tilespmem:s15+$0x80] =	vst v5  }
0xeb: {  	[tilespmem:s15+$0x70] =	vst v4;
	v6 =	vmax.f32 v6, $0.0e+00;
	v4 =	vld [tilespmem:s15+$0xE0]  }
0xec: {  	s21 =	simm.s32 $0x0;
	s8 =	simm.s32 $0x680;
	v5 =	vld [tilespmem:s15+$0xFFFFFF00];
	[tilespmem:s15+$0x90] =	vst v6;
	v6 =	vmax.f32 v7, $0.0e+00  }
.LBB2_6:
0xed: {  	v7 =	vld [tilespmem:s8+$0xF0];
	s21 =	sadd.s32 $0x4, s21;
	[tilespmem:s15+$0xA0] =	vst v6;
	v1 =	vmax.f32 v1, $0.0e+00  }
0xee: {  	v6 =	vld [tilespmem:s8+$0xFFFFFF10];
	p4 =	slt.u32 s21, $0x3C;
	[tilespmem:s15+$0xB0] =	vst v1;
	v1 =	vmax.f32 v2, $0.0e+00  }
0xef: {  	v2 =	vld [tilespmem:s8+$0xFFFFFF20];
	[tilespmem:s15+$0xC0] =	vst v1;
	v1 =	vmax.f32 v3, $0.0e+00  }
0xf0: {  	v3 =	vld [tilespmem:s8+$0xFFFFFF30];
	[tilespmem:s15+$0xD0] =	vst v1;
	v1 =	vmax.f32 v4, $0.0e+00  }
0xf1: {  	v4 =	vld [tilespmem:s8+$0xFFFFFF40];
	v5 =	vmax.f32 v5, $0.0e+00;
	[tilespmem:s15+$0xE0] =	vst v1  }
0xf2: {  	v1 =	vld [tilespmem:s8+$0xFFFFFF50];
	v7 =	vmax.f32 v7, $0.0e+00;
	[tilespmem:s15+$0xFFFFFF00] =	vst v5;
	s15 =	smov.u32 s8  }
0xf3: {  	v5 =	vmax.f32 v6, $0.0e+00;
	v6 =	vld [tilespmem:s8+$0xFFFFFF60];
	[tilespmem:s8+$0xF0] =	vst v7  }
0xf4: {  	[tilespmem:s8+$0xFFFFFF10] =	vst v5;
	v2 =	vmax.f32 v2, $0.0e+00;
	v5 =	vld [tilespmem:s8+$0xFFFFFF70]  }
0xf5: {  	[tilespmem:s8+$0xFFFFFF20] =	vst v2;
	v2 =	vmax.f32 v3, $0.0e+00;
	v3 =	vld [tilespmem:s8+$0xFFFFFF80]  }
0xf6: {  	[tilespmem:s8+$0xFFFFFF30] =	vst v2;
	v2 =	vmax.f32 v4, $0.0e+00;
	v4 =	vld [tilespmem:s8+$0xFFFFFF90]  }
0xf7: {  	[tilespmem:s8+$0xFFFFFF40] =	vst v2;
	v1 =	vmax.f32 v1, $0.0e+00;
	v2 =	vld [tilespmem:s8+$0xFFFFFFA0]  }
0xf8: {  	[tilespmem:s8+$0xFFFFFF50] =	vst v1;
	v1 =	vmax.f32 v6, $0.0e+00;
	v6 =	vld [tilespmem:s8+$0xFFFFFFB0]  }
0xf9: {  	[tilespmem:s8+$0xFFFFFF60] =	vst v1;
	v1 =	vmax.f32 v5, $0.0e+00;
	v5 =	vld [tilespmem:s8+$0xFFFFFFC0]  }
0xfa: {  	[tilespmem:s8+$0xFFFFFF70] =	vst v1;
	v1 =	vmax.f32 v3, $0.0e+00;
	v3 =	vld [tilespmem:s8+$0xFFFFFFD0]  }
0xfb: {  	[tilespmem:s8+$0xFFFFFF80] =	vst v1;
	v1 =	vmax.f32 v4, $0.0e+00;
	v4 =	vld [tilespmem:s8+$0xFFFFFFE0]  }
0xfc: {  	[tilespmem:s8+$0xFFFFFF90] =	vst v1;
	v1 =	vmax.f32 v2, $0.0e+00;
	v2 =	vld [tilespmem:s8+$0xFFFFFFF0]  }
0xfd: {  	[tilespmem:s8+$0xFFFFFFA0] =	vst v1;
	v1 =	vmax.f32 v6, $0.0e+00;
	v6 =	vld [tilespmem:s8+$0x0]  }
0xfe: {  	[tilespmem:s8+$0xFFFFFFB0] =	vst v1;
	v1 =	vmax.f32 v5, $0.0e+00;
	v5 =	vld [tilespmem:s8+$0x10]  }
0xff: {  	[tilespmem:s8+$0xFFFFFFC0] =	vst v1;
	v1 =	vmax.f32 v3, $0.0e+00;
	v3 =	vld [tilespmem:s8+$0x20]  }
0x100: {  	[tilespmem:s8+$0xFFFFFFD0] =	vst v1;
	v1 =	vmax.f32 v4, $0.0e+00;
	v4 =	vld [tilespmem:s8+$0x30]  }
0x101: {  	[tilespmem:s8+$0xFFFFFFE0] =	vst v1;
	v1 =	vmax.f32 v2, $0.0e+00;
	v2 =	vld [tilespmem:s8+$0x40]  }
0x102: {  	[tilespmem:s8+$0xFFFFFFF0] =	vst v1;
	v1 =	vmax.f32 v6, $0.0e+00;
	v6 =	vld [tilespmem:s8+$0x50]  }
0x103: {  	[tilespmem:s8+$0x0] =	vst v1;
	v1 =	vmax.f32 v5, $0.0e+00;
	v5 =	vld [tilespmem:s8+$0x60]  }
0x104: {  	[tilespmem:s8+$0x10] =	vst v1;
	v1 =	vmax.f32 v3, $0.0e+00;
	v3 =	vld [tilespmem:s8+$0x70]  }
0x105: {  	[tilespmem:s8+$0x20] =	vst v1;
	v1 =	vmax.f32 v4, $0.0e+00;
	v4 =	vld [tilespmem:s8+$0x80]  }
0x106: {  	[tilespmem:s8+$0x30] =	vst v1;
	v1 =	vmax.f32 v2, $0.0e+00;
	v7 =	vld [tilespmem:s8+$0x90]  }
0x107: {  	[tilespmem:s8+$0x40] =	vst v1;
	v1 =	vmax.f32 v6, $0.0e+00;
	v6 =	vld [tilespmem:s8+$0xA0]  }
.Ltmp6:
0x108: {  	[tilespmem:s8+$0x50] =	vst v1;
	v2 =	vmax.f32 v5, $0.0e+00;
	v1 =	vld [tilespmem:s8+$0xB0];
	(pc) =	sbr.rel @p4 .LBB2_6-.Ltmp6, $4  }
0x109: {  	[tilespmem:s8+$0x60] =	vst v2;
	v3 =	vmax.f32 v3, $0.0e+00;
	v2 =	vld [tilespmem:s8+$0xC0]  }
0x10a: {  	[tilespmem:s8+$0x70] =	vst v3;
	v4 =	vmax.f32 v4, $0.0e+00;
	v3 =	vld [tilespmem:s8+$0xD0]  }
0x10b: {  	[tilespmem:s8+$0x80] =	vst v4;
	v7 =	vmax.f32 v7, $0.0e+00;
	v4 =	vld [tilespmem:s8+$0xE0]  }
0x10c: {  	s8 =	sadd.s32 $0x200, s8;
	v5 =	vld [tilespmem:s15+$0xFFFFFF00];
	[tilespmem:s15+$0x90] =	vst v7;
	v6 =	vmax.f32 v6, $0.0e+00  }
0x10d: {  	[tilespmem:s15+$0xA0] =	vst v6;
	v1 =	vmax.f32 v1, $0.0e+00  }
0x10e: {  	[tilespmem:s15+$0xB0] =	vst v1;
	v1 =	vmax.f32 v2, $0.0e+00  }
0x10f: {  	[tilespmem:s15+$0xC0] =	vst v1;
	v1 =	vmax.f32 v3, $0.0e+00  }
0x110: {  	[tilespmem:s15+$0xD0] =	vst v1;
	v1 =	vmax.f32 v4, $0.0e+00  }
0x111: {  	v2 =	vmax.f32 v5, $0.0e+00;
	[tilespmem:s15+$0xE0] =	vst v1  }
0x112: {  	[tilespmem:s15+$0xFFFFFF00] =	vst v2  }
0x113: {  	[spmem:s4] =	stream.indirect.scatter.add.f32 [tilespmem:s23], [sflag:$0x9], $0x80, s25, s31, $0xb8;
	[tilespmem:$0x1BC00] =	vst v63  }
.LBB2_8:
0x114: {  	s8 =	simm.s32 @!p2 $0xA  }
0x115: {  	_ =	swait.ge @!p2 [sflag:s8], $0x2000  }
0x116: {  	p4 =	sge.u32 s16, s19;
	[sflag:s8] =	ssyncset.done @!p2 $0x0  }
0x117: {  	[sflag:s8] =	ssyncadd.s32 @!p2 $0xFFFFE000;
	s8 =	simm.s32 @!p4 $0x1  }
0x118: {  	_ =	swait.ge @!p4 [sflag:s8], $0x40  }
0x119: {  	[sflag:s8] =	ssyncset.done @!p4 $0x0  }
0x11a: {  	[sflag:s8] =	ssyncadd.s32 @!p4 $0xFFFFFFC0  }
0x11b: {  	_ =	swait.ge @!p4 [sflag:s8], $0x40  }
0x11c: {  	[sflag:s8] =	ssyncset.done @!p4 $0x0  }
0x11d: {  	[sflag:s8] =	ssyncadd.s32 @!p4 $0xFFFFFFC0;
	s8 =	simm.s32 @!p4 $0x5  }
0x11e: {  	_ =	swait.ge @!p4 [sflag:s8], $0x2000  }
.Ltmp7:
0x11f: {  	s15 =	simm.s32 @!p4 $0x100;
	[sflag:s8] =	ssyncset.done @!p4 $0x0;
	(pc) =	sbr.rel @p3 .LBB2_12-.Ltmp7, $4  }
0x120: {  	s21 =	simm.s32 @!p4 $0x4380;
	[sflag:s8] =	ssyncadd.s32 @!p4 $0xFFFFE000;
	s8 =	simm.s32 @!p4 $0x40  }
0x121: {  	[tilespmem:s21], [sflag:$0x7] =	stream.indirect.gather.add.f32 @!p4 [hbm:s1], $0x80, s15, s8, $0xb8;
	[tilespmem:$0x1BC00] =	vst v63  }
0x122: {  	s15 =	sor.u32 $0x3, s16  }
0x123: {  	p2 =	sge.u32 s15, s9  }
0x124: {  	s8 =	sshll.u32 @!p2 s15, $0xB  }
0x125: {  	_ =	swait.ge [sflag:s6], $0x2000;
	s8 =	sor.u32 @!p2 s18, s8  }
0x126: {  	[sflag:s6] =	ssyncset.done $0x0;
	s21 =	sshrl.u32 @!p2 s8, $0x3  }
0x127: {  	s30 =	simm.s32 @!p2 $0x0;
	[sflag:s6] =	ssyncadd.s32 $0xFFFFE000;
	s28 =	sadd.s32 @!p2 s7, s21  }
0x128: {  	[tilespmem:s30], [sflag:$0x2] =	stream.linear.gather @!p2 [hbm4b:s28+s30], $0x40, $0x38;
	[tilespmem:$0x1BC00] =	vst v63  }
0x129: {  	s8 =	sshll.u32 @!p2 s8, $0x4;
	s21 =	sadd.s32 @!p2 s2, s21;
	s28 =	simm.s32 @!p2 $0x300  }
0x12a: {  	[tilespmem:s28], [sflag:$0x2] =	stream.linear.gather @!p2 [hbm4b:s21+s30], $0x40, $0x38;
	[tilespmem:$0x1BC00] =	vst v63  }
0x12b: {  	s8 =	sadd.s32 @!p2 s3, s8;
	s21 =	simm.s32 @!p2 $0x6380  }
0x12c: {  	[tilespmem:s21], [sflag:$0x6] =	stream.linear.gather @!p2 [hbm4b:s8+s30], $0x2000, $0x38;
	[tilespmem:$0x1BC00] =	vst v63  }
0x12d: {  	s21 =	simm.s32 $0x2480  }
0x12e: {  	v1 =	vld [tilespmem:s21+$0xFFFFFF10]  }
0x12f: {  	v7 =	vld [tilespmem:s21+$0xF0]  }
0x130: {  	v2 =	vld [tilespmem:s21+$0xFFFFFF20]  }
0x131: {  	v8 =	vld [tilespmem:s21+$0xFFFFFF80]  }
0x132: {  	v3 =	vld [tilespmem:s21+$0xFFFFFF30]  }
0x133: {  	v9 =	vld [tilespmem:s21+$0xFFFFFF90];
	v1 =	vmax.f32 v1, $0.0e+00  }
0x134: {  	v4 =	vld [tilespmem:s21+$0xFFFFFF40];
	v7 =	vmax.f32 v7, $0.0e+00;
	[tilespmem:s21+$0xFFFFFF10] =	vst v1  }
0x135: {  	v5 =	vld [tilespmem:s21+$0xFFFFFF50];
	v2 =	vmax.f32 v2, $0.0e+00;
	[tilespmem:s21+$0xF0] =	vst v7  }
0x136: {  	v6 =	vld [tilespmem:s21+$0xFFFFFF60];
	[tilespmem:s21+$0xFFFFFF20] =	vst v2;
	v2 =	vmax.f32 v8, $0.0e+00  }
0x137: {  	v1 =	vld [tilespmem:s21+$0xFFFFFF70];
	[tilespmem:s21+$0xFFFFFF80] =	vst v2;
	v2 =	vmax.f32 v3, $0.0e+00  }
0x138: {  	v10 =	vld [tilespmem:s21+$0xFFFFFFA0];
	[tilespmem:s21+$0xFFFFFF30] =	vst v2;
	v2 =	vmax.f32 v9, $0.0e+00  }
0x139: {  	v11 =	vld [tilespmem:s21+$0xFFFFFFB0];
	[tilespmem:s21+$0xFFFFFF90] =	vst v2;
	v2 =	vmax.f32 v4, $0.0e+00  }
0x13a: {  	v7 =	vld [tilespmem:s21+$0xFFFFFFC0];
	[tilespmem:s21+$0xFFFFFF40] =	vst v2;
	v2 =	vmax.f32 v5, $0.0e+00  }
0x13b: {  	v5 =	vld [tilespmem:s21+$0x0];
	[tilespmem:s21+$0xFFFFFF50] =	vst v2;
	v2 =	vmax.f32 v6, $0.0e+00  }
0x13c: {  	v8 =	vld [tilespmem:s21+$0xFFFFFFD0];
	v1 =	vmax.f32 v1, $0.0e+00;
	[tilespmem:s21+$0xFFFFFF60] =	vst v2  }
0x13d: {  	v2 =	vld [tilespmem:s21+$0x10];
	[tilespmem:s21+$0xFFFFFF70] =	vst v1;
	v1 =	vmax.f32 v10, $0.0e+00  }
0x13e: {  	v3 =	vld [tilespmem:s21+$0xFFFFFFE0];
	[tilespmem:s21+$0xFFFFFFA0] =	vst v1;
	v1 =	vmax.f32 v11, $0.0e+00  }
0x13f: {  	v4 =	vld [tilespmem:s21+$0xFFFFFFF0];
	[tilespmem:s21+$0xFFFFFFB0] =	vst v1;
	v1 =	vmax.f32 v7, $0.0e+00  }
0x140: {  	v6 =	vld [tilespmem:s21+$0x20];
	[tilespmem:s21+$0xFFFFFFC0] =	vst v1;
	v1 =	vmax.f32 v5, $0.0e+00  }
0x141: {  	v5 =	vld [tilespmem:s21+$0x50];
	[tilespmem:s21+$0x0] =	vst v1;
	v1 =	vmax.f32 v8, $0.0e+00  }
0x142: {  	v63 =	vld [tilespmem:s21+$0x30];
	[tilespmem:s21+$0xFFFFFFD0] =	vst v1;
	v1 =	vmax.f32 v2, $0.0e+00  }
0x143: {  	v7 =	vld [tilespmem:s21+$0x40];
	[tilespmem:s21+$0x10] =	vst v1;
	v1 =	vmax.f32 v3, $0.0e+00  }
0x144: {  	v2 =	vld [tilespmem:s21+$0x60];
	[tilespmem:s21+$0xFFFFFFE0] =	vst v1;
	v1 =	vmax.f32 v4, $0.0e+00  }
0x145: {  	v3 =	vld [tilespmem:s21+$0x80];
	[tilespmem:s21+$0xFFFFFFF0] =	vst v1;
	v1 =	vmax.f32 v6, $0.0e+00  }
0x146: {  	v4 =	vld [tilespmem:s21+$0x70];
	v5 =	vmax.f32 v5, $0.0e+00;
	[tilespmem:s21+$0x20] =	vst v1  }
0x147: {  	v6 =	vld [tilespmem:s21+$0x90];
	v1 =	vmax.f32 v63, $0.0e+00;
	[tilespmem:s21+$0x50] =	vst v5  }
0x148: {  	[tilespmem:s21+$0x30] =	vst v1;
	v1 =	vmax.f32 v7, $0.0e+00;
	v7 =	vld [tilespmem:s21+$0xA0]  }
0x149: {  	v5 =	vmax.f32 v2, $0.0e+00;
	[tilespmem:s21+$0x40] =	vst v1;
	v1 =	vld [tilespmem:s21+$0xB0]  }
0x14a: {  	v2 =	vld [tilespmem:s21+$0xC0];
	[tilespmem:s21+$0x60] =	vst v5;
	v5 =	vmax.f32 v3, $0.0e+00  }
0x14b: {  	v3 =	vld [tilespmem:s21+$0xD0];
	v4 =	vmax.f32 v4, $0.0e+00;
	[tilespmem:s21+$0x80] =	vst v5  }
0x14c: {  	[tilespmem:s21+$0x70] =	vst v4;
	v6 =	vmax.f32 v6, $0.0e+00;
	v4 =	vld [tilespmem:s21+$0xE0]  }
0x14d: {  	s30 =	simm.s32 $0x0;
	s8 =	simm.s32 $0x2680;
	v5 =	vld [tilespmem:s21+$0xFFFFFF00];
	[tilespmem:s21+$0x90] =	vst v6;
	v6 =	vmax.f32 v7, $0.0e+00  }
.LBB2_10:
0x14e: {  	v7 =	vld [tilespmem:s8+$0xF0];
	s30 =	sadd.s32 $0x4, s30;
	[tilespmem:s21+$0xA0] =	vst v6;
	v1 =	vmax.f32 v1, $0.0e+00  }
0x14f: {  	v6 =	vld [tilespmem:s8+$0xFFFFFF10];
	p3 =	slt.u32 s30, $0x3C;
	[tilespmem:s21+$0xB0] =	vst v1;
	v1 =	vmax.f32 v2, $0.0e+00  }
0x150: {  	v2 =	vld [tilespmem:s8+$0xFFFFFF20];
	[tilespmem:s21+$0xC0] =	vst v1;
	v1 =	vmax.f32 v3, $0.0e+00  }
0x151: {  	v3 =	vld [tilespmem:s8+$0xFFFFFF30];
	[tilespmem:s21+$0xD0] =	vst v1;
	v1 =	vmax.f32 v4, $0.0e+00  }
0x152: {  	v4 =	vld [tilespmem:s8+$0xFFFFFF40];
	v5 =	vmax.f32 v5, $0.0e+00;
	[tilespmem:s21+$0xE0] =	vst v1  }
0x153: {  	v1 =	vld [tilespmem:s8+$0xFFFFFF50];
	v7 =	vmax.f32 v7, $0.0e+00;
	[tilespmem:s21+$0xFFFFFF00] =	vst v5;
	s21 =	smov.u32 s8  }
0x154: {  	v5 =	vmax.f32 v6, $0.0e+00;
	v6 =	vld [tilespmem:s8+$0xFFFFFF60];
	[tilespmem:s8+$0xF0] =	vst v7  }
0x155: {  	[tilespmem:s8+$0xFFFFFF10] =	vst v5;
	v2 =	vmax.f32 v2, $0.0e+00;
	v5 =	vld [tilespmem:s8+$0xFFFFFF70]  }
0x156: {  	[tilespmem:s8+$0xFFFFFF20] =	vst v2;
	v2 =	vmax.f32 v3, $0.0e+00;
	v3 =	vld [tilespmem:s8+$0xFFFFFF80]  }
0x157: {  	[tilespmem:s8+$0xFFFFFF30] =	vst v2;
	v2 =	vmax.f32 v4, $0.0e+00;
	v4 =	vld [tilespmem:s8+$0xFFFFFF90]  }
0x158: {  	[tilespmem:s8+$0xFFFFFF40] =	vst v2;
	v1 =	vmax.f32 v1, $0.0e+00;
	v2 =	vld [tilespmem:s8+$0xFFFFFFA0]  }
0x159: {  	[tilespmem:s8+$0xFFFFFF50] =	vst v1;
	v1 =	vmax.f32 v6, $0.0e+00;
	v6 =	vld [tilespmem:s8+$0xFFFFFFB0]  }
0x15a: {  	[tilespmem:s8+$0xFFFFFF60] =	vst v1;
	v1 =	vmax.f32 v5, $0.0e+00;
	v5 =	vld [tilespmem:s8+$0xFFFFFFC0]  }
0x15b: {  	[tilespmem:s8+$0xFFFFFF70] =	vst v1;
	v1 =	vmax.f32 v3, $0.0e+00;
	v3 =	vld [tilespmem:s8+$0xFFFFFFD0]  }
0x15c: {  	[tilespmem:s8+$0xFFFFFF80] =	vst v1;
	v1 =	vmax.f32 v4, $0.0e+00;
	v4 =	vld [tilespmem:s8+$0xFFFFFFE0]  }
0x15d: {  	[tilespmem:s8+$0xFFFFFF90] =	vst v1;
	v1 =	vmax.f32 v2, $0.0e+00;
	v2 =	vld [tilespmem:s8+$0xFFFFFFF0]  }
0x15e: {  	[tilespmem:s8+$0xFFFFFFA0] =	vst v1;
	v1 =	vmax.f32 v6, $0.0e+00;
	v6 =	vld [tilespmem:s8+$0x0]  }
0x15f: {  	[tilespmem:s8+$0xFFFFFFB0] =	vst v1;
	v1 =	vmax.f32 v5, $0.0e+00;
	v5 =	vld [tilespmem:s8+$0x10]  }
0x160: {  	[tilespmem:s8+$0xFFFFFFC0] =	vst v1;
	v1 =	vmax.f32 v3, $0.0e+00;
	v3 =	vld [tilespmem:s8+$0x20]  }
0x161: {  	[tilespmem:s8+$0xFFFFFFD0] =	vst v1;
	v1 =	vmax.f32 v4, $0.0e+00;
	v4 =	vld [tilespmem:s8+$0x30]  }
0x162: {  	[tilespmem:s8+$0xFFFFFFE0] =	vst v1;
	v1 =	vmax.f32 v2, $0.0e+00;
	v2 =	vld [tilespmem:s8+$0x40]  }
0x163: {  	[tilespmem:s8+$0xFFFFFFF0] =	vst v1;
	v1 =	vmax.f32 v6, $0.0e+00;
	v6 =	vld [tilespmem:s8+$0x50]  }
0x164: {  	[tilespmem:s8+$0x0] =	vst v1;
	v1 =	vmax.f32 v5, $0.0e+00;
	v5 =	vld [tilespmem:s8+$0x60]  }
0x165: {  	[tilespmem:s8+$0x10] =	vst v1;
	v1 =	vmax.f32 v3, $0.0e+00;
	v3 =	vld [tilespmem:s8+$0x70]  }
0x166: {  	[tilespmem:s8+$0x20] =	vst v1;
	v1 =	vmax.f32 v4, $0.0e+00;
	v4 =	vld [tilespmem:s8+$0x80]  }
0x167: {  	[tilespmem:s8+$0x30] =	vst v1;
	v1 =	vmax.f32 v2, $0.0e+00;
	v7 =	vld [tilespmem:s8+$0x90]  }
0x168: {  	[tilespmem:s8+$0x40] =	vst v1;
	v1 =	vmax.f32 v6, $0.0e+00;
	v6 =	vld [tilespmem:s8+$0xA0]  }
.Ltmp8:
0x169: {  	[tilespmem:s8+$0x50] =	vst v1;
	v2 =	vmax.f32 v5, $0.0e+00;
	v1 =	vld [tilespmem:s8+$0xB0];
	(pc) =	sbr.rel @p3 .LBB2_10-.Ltmp8, $4  }
0x16a: {  	[tilespmem:s8+$0x60] =	vst v2;
	v3 =	vmax.f32 v3, $0.0e+00;
	v2 =	vld [tilespmem:s8+$0xC0]  }
0x16b: {  	[tilespmem:s8+$0x70] =	vst v3;
	v4 =	vmax.f32 v4, $0.0e+00;
	v3 =	vld [tilespmem:s8+$0xD0]  }
0x16c: {  	[tilespmem:s8+$0x80] =	vst v4;
	v7 =	vmax.f32 v7, $0.0e+00;
	v4 =	vld [tilespmem:s8+$0xE0]  }
0x16d: {  	s8 =	sadd.s32 $0x200, s8;
	v5 =	vld [tilespmem:s21+$0xFFFFFF00];
	[tilespmem:s21+$0x90] =	vst v7;
	v6 =	vmax.f32 v6, $0.0e+00  }
0x16e: {  	[tilespmem:s21+$0xA0] =	vst v6;
	v1 =	vmax.f32 v1, $0.0e+00  }
0x16f: {  	[tilespmem:s21+$0xB0] =	vst v1;
	v1 =	vmax.f32 v2, $0.0e+00  }
0x170: {  	[tilespmem:s21+$0xC0] =	vst v1;
	v1 =	vmax.f32 v3, $0.0e+00  }
0x171: {  	[tilespmem:s21+$0xD0] =	vst v1;
	v1 =	vmax.f32 v4, $0.0e+00  }
0x172: {  	v2 =	vmax.f32 v5, $0.0e+00;
	[tilespmem:s21+$0xE0] =	vst v1  }
0x173: {  	[tilespmem:s21+$0xFFFFFF00] =	vst v2  }
0x174: {  	[spmem:s4] =	stream.indirect.scatter.add.f32 [tilespmem:s29], [sflag:$0xA], $0x80, s26, s31, $0xb8;
	[tilespmem:$0x1BC00] =	vst v63  }
.LBB2_12:
0x175: {  	s8 =	simm.s32 @!p1 $0x9  }
0x176: {  	_ =	swait.ge @!p1 [sflag:s8], $0x2000  }
0x177: {  	[sflag:s8] =	ssyncset.done @!p1 $0x0  }
0x178: {  	[sflag:s8] =	ssyncadd.s32 @!p1 $0xFFFFE000;
	s8 =	simm.s32 @!p2 $0x2  }
0x179: {  	_ =	swait.ge @!p2 [sflag:s8], $0x40  }
0x17a: {  	[sflag:s8] =	ssyncset.done @!p2 $0x0  }
0x17b: {  	[sflag:s8] =	ssyncadd.s32 @!p2 $0xFFFFFFC0  }
0x17c: {  	_ =	swait.ge @!p2 [sflag:s8], $0x40  }
0x17d: {  	[sflag:s8] =	ssyncset.done @!p2 $0x0  }
0x17e: {  	[sflag:s8] =	ssyncadd.s32 @!p2 $0xFFFFFFC0;
	s8 =	simm.s32 @!p2 $0x6  }
0x17f: {  	_ =	swait.ge @!p2 [sflag:s8], $0x2000  }
.Ltmp9:
0x180: {  	s21 =	simm.s32 @!p2 $0x0;
	[sflag:s8] =	ssyncset.done @!p2 $0x0;
	(pc) =	sbr.rel @p4 .LBB2_16-.Ltmp9, $4  }
0x181: {  	s28 =	simm.s32 @!p2 $0x6380;
	[sflag:s8] =	ssyncadd.s32 @!p2 $0xFFFFE000;
	s8 =	simm.s32 @!p2 $0x40  }
0x182: {  	[tilespmem:s28], [sflag:$0x8] =	stream.indirect.gather.add.f32 @!p2 [hbm:s1], $0x80, s21, s8, $0xb8;
	[tilespmem:$0x1BC00] =	vst v63  }
0x183: {  	s21 =	sadd.s32 $0x4, s16  }
0x184: {  	p1 =	sge.u32 s21, s9  }
0x185: {  	s8 =	sshll.u32 @!p1 s21, $0xB  }
0x186: {  	_ =	swait.ge [sflag:s0], $0x2000;
	s8 =	sor.u32 @!p1 s18, s8  }
0x187: {  	s5 =	simm.s32 @!p1 $0x0;
	[sflag:s0] =	ssyncset.done $0x0;
	s28 =	sshrl.u32 @!p1 s8, $0x3  }
0x188: {  	s24 =	simm.s32 @!p1 $0x80;
	[sflag:s0] =	ssyncadd.s32 $0xFFFFE000;
	s30 =	sadd.s32 @!p1 s7, s28  }
0x189: {  	[tilespmem:s24], [sflag:$0x1] =	stream.linear.gather @!p1 [hbm4b:s30+s5], $0x40, $0x38;
	[tilespmem:$0x1BC00] =	vst v63  }
0x18a: {  	s8 =	sshll.u32 @!p1 s8, $0x4;
	s24 =	sadd.s32 @!p1 s2, s28;
	s28 =	simm.s32 @!p1 $0x180  }
0x18b: {  	[tilespmem:s28], [sflag:$0x1] =	stream.linear.gather @!p1 [hbm4b:s24+s5], $0x40, $0x38;
	[tilespmem:$0x1BC00] =	vst v63  }
0x18c: {  	s8 =	sadd.s32 @!p1 s3, s8;
	s30 =	simm.s32 $0x4480;
	s24 =	simm.s32 @!p1 $0x380  }
0x18d: {  	[tilespmem:s24], [sflag:$0x3] =	stream.linear.gather @!p1 [hbm4b:s8+s5], $0x2000, $0x38;
	[tilespmem:$0x1BC00] =	vst v63  }
0x18e: {  	v1 =	vld [tilespmem:s30+$0xFFFFFF10]  }
0x18f: {  	v7 =	vld [tilespmem:s30+$0xF0]  }
0x190: {  	v2 =	vld [tilespmem:s30+$0xFFFFFF20]  }
0x191: {  	v8 =	vld [tilespmem:s30+$0xFFFFFF80]  }
0x192: {  	v3 =	vld [tilespmem:s30+$0xFFFFFF30]  }
0x193: {  	v9 =	vld [tilespmem:s30+$0xFFFFFF90];
	v1 =	vmax.f32 v1, $0.0e+00  }
0x194: {  	v4 =	vld [tilespmem:s30+$0xFFFFFF40];
	v7 =	vmax.f32 v7, $0.0e+00;
	[tilespmem:s30+$0xFFFFFF10] =	vst v1  }
0x195: {  	v5 =	vld [tilespmem:s30+$0xFFFFFF50];
	v2 =	vmax.f32 v2, $0.0e+00;
	[tilespmem:s30+$0xF0] =	vst v7  }
0x196: {  	v6 =	vld [tilespmem:s30+$0xFFFFFF60];
	[tilespmem:s30+$0xFFFFFF20] =	vst v2;
	v2 =	vmax.f32 v8, $0.0e+00  }
0x197: {  	v1 =	vld [tilespmem:s30+$0xFFFFFF70];
	[tilespmem:s30+$0xFFFFFF80] =	vst v2;
	v2 =	vmax.f32 v3, $0.0e+00  }
0x198: {  	v10 =	vld [tilespmem:s30+$0xFFFFFFA0];
	[tilespmem:s30+$0xFFFFFF30] =	vst v2;
	v2 =	vmax.f32 v9, $0.0e+00  }
0x199: {  	v11 =	vld [tilespmem:s30+$0xFFFFFFB0];
	[tilespmem:s30+$0xFFFFFF90] =	vst v2;
	v2 =	vmax.f32 v4, $0.0e+00  }
0x19a: {  	v7 =	vld [tilespmem:s30+$0xFFFFFFC0];
	[tilespmem:s30+$0xFFFFFF40] =	vst v2;
	v2 =	vmax.f32 v5, $0.0e+00  }
0x19b: {  	v5 =	vld [tilespmem:s30+$0x0];
	[tilespmem:s30+$0xFFFFFF50] =	vst v2;
	v2 =	vmax.f32 v6, $0.0e+00  }
0x19c: {  	v8 =	vld [tilespmem:s30+$0xFFFFFFD0];
	v1 =	vmax.f32 v1, $0.0e+00;
	[tilespmem:s30+$0xFFFFFF60] =	vst v2  }
0x19d: {  	v2 =	vld [tilespmem:s30+$0x10];
	[tilespmem:s30+$0xFFFFFF70] =	vst v1;
	v1 =	vmax.f32 v10, $0.0e+00  }
0x19e: {  	v3 =	vld [tilespmem:s30+$0xFFFFFFE0];
	[tilespmem:s30+$0xFFFFFFA0] =	vst v1;
	v1 =	vmax.f32 v11, $0.0e+00  }
0x19f: {  	v4 =	vld [tilespmem:s30+$0xFFFFFFF0];
	[tilespmem:s30+$0xFFFFFFB0] =	vst v1;
	v1 =	vmax.f32 v7, $0.0e+00  }
0x1a0: {  	v6 =	vld [tilespmem:s30+$0x20];
	[tilespmem:s30+$0xFFFFFFC0] =	vst v1;
	v1 =	vmax.f32 v5, $0.0e+00  }
0x1a1: {  	v5 =	vld [tilespmem:s30+$0x50];
	[tilespmem:s30+$0x0] =	vst v1;
	v1 =	vmax.f32 v8, $0.0e+00  }
0x1a2: {  	v63 =	vld [tilespmem:s30+$0x30];
	[tilespmem:s30+$0xFFFFFFD0] =	vst v1;
	v1 =	vmax.f32 v2, $0.0e+00  }
0x1a3: {  	v7 =	vld [tilespmem:s30+$0x40];
	[tilespmem:s30+$0x10] =	vst v1;
	v1 =	vmax.f32 v3, $0.0e+00  }
0x1a4: {  	v2 =	vld [tilespmem:s30+$0x60];
	[tilespmem:s30+$0xFFFFFFE0] =	vst v1;
	v1 =	vmax.f32 v4, $0.0e+00  }
0x1a5: {  	v3 =	vld [tilespmem:s30+$0x80];
	[tilespmem:s30+$0xFFFFFFF0] =	vst v1;
	v1 =	vmax.f32 v6, $0.0e+00  }
0x1a6: {  	v4 =	vld [tilespmem:s30+$0x70];
	v5 =	vmax.f32 v5, $0.0e+00;
	[tilespmem:s30+$0x20] =	vst v1  }
0x1a7: {  	v6 =	vld [tilespmem:s30+$0x90];
	v1 =	vmax.f32 v63, $0.0e+00;
	[tilespmem:s30+$0x50] =	vst v5  }
0x1a8: {  	[tilespmem:s30+$0x30] =	vst v1;
	v1 =	vmax.f32 v7, $0.0e+00;
	v7 =	vld [tilespmem:s30+$0xA0]  }
0x1a9: {  	v5 =	vmax.f32 v2, $0.0e+00;
	[tilespmem:s30+$0x40] =	vst v1;
	v1 =	vld [tilespmem:s30+$0xB0]  }
0x1aa: {  	v2 =	vld [tilespmem:s30+$0xC0];
	[tilespmem:s30+$0x60] =	vst v5;
	v5 =	vmax.f32 v3, $0.0e+00  }
0x1ab: {  	v3 =	vld [tilespmem:s30+$0xD0];
	v4 =	vmax.f32 v4, $0.0e+00;
	[tilespmem:s30+$0x80] =	vst v5  }
0x1ac: {  	[tilespmem:s30+$0x70] =	vst v4;
	v6 =	vmax.f32 v6, $0.0e+00;
	v4 =	vld [tilespmem:s30+$0xE0]  }
0x1ad: {  	s28 =	simm.s32 $0x4680;
	s8 =	simm.s32 $0x0;
	v5 =	vld [tilespmem:s30+$0xFFFFFF00];
	[tilespmem:s30+$0x90] =	vst v6;
	v6 =	vmax.f32 v7, $0.0e+00  }
.LBB2_14:
0x1ae: {  	v7 =	vld [tilespmem:s28+$0xF0];
	s8 =	sadd.s32 $0x4, s8;
	[tilespmem:s30+$0xA0] =	vst v6;
	v1 =	vmax.f32 v1, $0.0e+00  }
0x1af: {  	v6 =	vld [tilespmem:s28+$0xFFFFFF10];
	p3 =	slt.u32 s8, $0x3C;
	[tilespmem:s30+$0xB0] =	vst v1;
	v1 =	vmax.f32 v2, $0.0e+00  }
0x1b0: {  	v2 =	vld [tilespmem:s28+$0xFFFFFF20];
	[tilespmem:s30+$0xC0] =	vst v1;
	v1 =	vmax.f32 v3, $0.0e+00  }
0x1b1: {  	v3 =	vld [tilespmem:s28+$0xFFFFFF30];
	[tilespmem:s30+$0xD0] =	vst v1;
	v1 =	vmax.f32 v4, $0.0e+00  }
0x1b2: {  	v4 =	vld [tilespmem:s28+$0xFFFFFF40];
	v5 =	vmax.f32 v5, $0.0e+00;
	[tilespmem:s30+$0xE0] =	vst v1  }
0x1b3: {  	v1 =	vld [tilespmem:s28+$0xFFFFFF50];
	v7 =	vmax.f32 v7, $0.0e+00;
	[tilespmem:s30+$0xFFFFFF00] =	vst v5;
	s30 =	smov.u32 s28  }
0x1b4: {  	v5 =	vmax.f32 v6, $0.0e+00;
	v6 =	vld [tilespmem:s28+$0xFFFFFF60];
	[tilespmem:s28+$0xF0] =	vst v7  }
0x1b5: {  	[tilespmem:s28+$0xFFFFFF10] =	vst v5;
	v2 =	vmax.f32 v2, $0.0e+00;
	v5 =	vld [tilespmem:s28+$0xFFFFFF70]  }
0x1b6: {  	[tilespmem:s28+$0xFFFFFF20] =	vst v2;
	v2 =	vmax.f32 v3, $0.0e+00;
	v3 =	vld [tilespmem:s28+$0xFFFFFF80]  }
0x1b7: {  	[tilespmem:s28+$0xFFFFFF30] =	vst v2;
	v2 =	vmax.f32 v4, $0.0e+00;
	v4 =	vld [tilespmem:s28+$0xFFFFFF90]  }
0x1b8: {  	[tilespmem:s28+$0xFFFFFF40] =	vst v2;
	v1 =	vmax.f32 v1, $0.0e+00;
	v2 =	vld [tilespmem:s28+$0xFFFFFFA0]  }
0x1b9: {  	[tilespmem:s28+$0xFFFFFF50] =	vst v1;
	v1 =	vmax.f32 v6, $0.0e+00;
	v6 =	vld [tilespmem:s28+$0xFFFFFFB0]  }
0x1ba: {  	[tilespmem:s28+$0xFFFFFF60] =	vst v1;
	v1 =	vmax.f32 v5, $0.0e+00;
	v5 =	vld [tilespmem:s28+$0xFFFFFFC0]  }
0x1bb: {  	[tilespmem:s28+$0xFFFFFF70] =	vst v1;
	v1 =	vmax.f32 v3, $0.0e+00;
	v3 =	vld [tilespmem:s28+$0xFFFFFFD0]  }
0x1bc: {  	[tilespmem:s28+$0xFFFFFF80] =	vst v1;
	v1 =	vmax.f32 v4, $0.0e+00;
	v4 =	vld [tilespmem:s28+$0xFFFFFFE0]  }
0x1bd: {  	[tilespmem:s28+$0xFFFFFF90] =	vst v1;
	v1 =	vmax.f32 v2, $0.0e+00;
	v2 =	vld [tilespmem:s28+$0xFFFFFFF0]  }
0x1be: {  	[tilespmem:s28+$0xFFFFFFA0] =	vst v1;
	v1 =	vmax.f32 v6, $0.0e+00;
	v6 =	vld [tilespmem:s28+$0x0]  }
0x1bf: {  	[tilespmem:s28+$0xFFFFFFB0] =	vst v1;
	v1 =	vmax.f32 v5, $0.0e+00;
	v5 =	vld [tilespmem:s28+$0x10]  }
0x1c0: {  	[tilespmem:s28+$0xFFFFFFC0] =	vst v1;
	v1 =	vmax.f32 v3, $0.0e+00;
	v3 =	vld [tilespmem:s28+$0x20]  }
0x1c1: {  	[tilespmem:s28+$0xFFFFFFD0] =	vst v1;
	v1 =	vmax.f32 v4, $0.0e+00;
	v4 =	vld [tilespmem:s28+$0x30]  }
0x1c2: {  	[tilespmem:s28+$0xFFFFFFE0] =	vst v1;
	v1 =	vmax.f32 v2, $0.0e+00;
	v2 =	vld [tilespmem:s28+$0x40]  }
0x1c3: {  	[tilespmem:s28+$0xFFFFFFF0] =	vst v1;
	v1 =	vmax.f32 v6, $0.0e+00;
	v6 =	vld [tilespmem:s28+$0x50]  }
0x1c4: {  	[tilespmem:s28+$0x0] =	vst v1;
	v1 =	vmax.f32 v5, $0.0e+00;
	v5 =	vld [tilespmem:s28+$0x60]  }
0x1c5: {  	[tilespmem:s28+$0x10] =	vst v1;
	v1 =	vmax.f32 v3, $0.0e+00;
	v3 =	vld [tilespmem:s28+$0x70]  }
0x1c6: {  	[tilespmem:s28+$0x20] =	vst v1;
	v1 =	vmax.f32 v4, $0.0e+00;
	v4 =	vld [tilespmem:s28+$0x80]  }
0x1c7: {  	[tilespmem:s28+$0x30] =	vst v1;
	v1 =	vmax.f32 v2, $0.0e+00;
	v7 =	vld [tilespmem:s28+$0x90]  }
0x1c8: {  	[tilespmem:s28+$0x40] =	vst v1;
	v1 =	vmax.f32 v6, $0.0e+00;
	v6 =	vld [tilespmem:s28+$0xA0]  }
.Ltmp10:
0x1c9: {  	[tilespmem:s28+$0x50] =	vst v1;
	v2 =	vmax.f32 v5, $0.0e+00;
	v1 =	vld [tilespmem:s28+$0xB0];
	(pc) =	sbr.rel @p3 .LBB2_14-.Ltmp10, $4  }
0x1ca: {  	[tilespmem:s28+$0x60] =	vst v2;
	v3 =	vmax.f32 v3, $0.0e+00;
	v2 =	vld [tilespmem:s28+$0xC0]  }
0x1cb: {  	[tilespmem:s28+$0x70] =	vst v3;
	v4 =	vmax.f32 v4, $0.0e+00;
	v3 =	vld [tilespmem:s28+$0xD0]  }
0x1cc: {  	[tilespmem:s28+$0x80] =	vst v4;
	v7 =	vmax.f32 v7, $0.0e+00;
	v4 =	vld [tilespmem:s28+$0xE0]  }
0x1cd: {  	s28 =	sadd.s32 $0x200, s28;
	v5 =	vld [tilespmem:s30+$0xFFFFFF00];
	[tilespmem:s30+$0x90] =	vst v7;
	v6 =	vmax.f32 v6, $0.0e+00  }
0x1ce: {  	[tilespmem:s30+$0xA0] =	vst v6;
	v1 =	vmax.f32 v1, $0.0e+00  }
0x1cf: {  	[tilespmem:s30+$0xB0] =	vst v1;
	v1 =	vmax.f32 v2, $0.0e+00  }
0x1d0: {  	[tilespmem:s30+$0xC0] =	vst v1;
	v1 =	vmax.f32 v3, $0.0e+00  }
0x1d1: {  	[tilespmem:s30+$0xD0] =	vst v1;
	v1 =	vmax.f32 v4, $0.0e+00  }
0x1d2: {  	v2 =	vmax.f32 v5, $0.0e+00;
	[tilespmem:s30+$0xE0] =	vst v1  }
0x1d3: {  	[tilespmem:s30+$0xFFFFFF00] =	vst v2  }
0x1d4: {  	[spmem:s4] =	stream.indirect.scatter.add.f32 [tilespmem:s11], [sflag:$0x9], $0x80, s10, s31, $0xb8;
	[tilespmem:$0x1BC00] =	vst v63  }
.LBB2_16:
0x1d5: {  	p3 =	sge.u32 s15, s17  }
0x1d6: {  	s5 =	simm.s32 @!p3 $0xA  }
0x1d7: {  	_ =	swait.ge @!p3 [sflag:s5], $0x2000  }
0x1d8: {  	[sflag:s5] =	ssyncset.done @!p3 $0x0  }
0x1d9: {  	[sflag:s5] =	ssyncadd.s32 @!p3 $0xFFFFE000;
	s5 =	simm.s32 @!p1 $0x1  }
0x1da: {  	_ =	swait.ge @!p1 [sflag:s5], $0x40  }
0x1db: {  	[sflag:s5] =	ssyncset.done @!p1 $0x0  }
0x1dc: {  	[sflag:s5] =	ssyncadd.s32 @!p1 $0xFFFFFFC0  }
0x1dd: {  	_ =	swait.ge @!p1 [sflag:s5], $0x40  }
0x1de: {  	[sflag:s5] =	ssyncset.done @!p1 $0x0  }
.Ltmp11:
0x1df: {  	[sflag:s5] =	ssyncadd.s32 @!p1 $0xFFFFFFC0;
	s5 =	simm.s32 @!p1 $0x3;
	(pc) =	sbr.rel @p2 .LBB2_20-.Ltmp11, $4  }
0x1e0: {  	s8 =	simm.s32 @!p1 $0x80;
	_ =	swait.ge @!p1 [sflag:s5], $0x2000  }
0x1e1: {  	s15 =	simm.s32 @!p1 $0x380;
	s30 =	sadd.s32 $0x5, s16;
	[sflag:s5] =	ssyncset.done @!p1 $0x0  }
0x1e2: {  	p3 =	sge.u32 s30, s9;
	[sflag:s5] =	ssyncadd.s32 @!p1 $0xFFFFE000;
	s5 =	simm.s32 @!p1 $0x40  }
0x1e3: {  	[tilespmem:s15], [sflag:$0x7] =	stream.indirect.gather.add.f32 @!p1 [hbm:s1], $0x80, s8, s5, $0xb8;
	[tilespmem:$0x1BC00] =	vst v63  }
0x1e4: {  	s5 =	sshll.u32 @!p3 s30, $0xB  }
0x1e5: {  	_ =	swait.ge [sflag:s6], $0x2000;
	s5 =	sor.u32 @!p3 s18, s5  }
0x1e6: {  	s24 =	simm.s32 @!p3 $0x0;
	[sflag:s6] =	ssyncset.done $0x0;
	s8 =	sshrl.u32 @!p3 s5, $0x3  }
0x1e7: {  	s28 =	simm.s32 @!p3 $0x100;
	[sflag:s6] =	ssyncadd.s32 $0xFFFFE000;
	s15 =	sadd.s32 @!p3 s7, s8  }
0x1e8: {  	[tilespmem:s28], [sflag:$0x2] =	stream.linear.gather @!p3 [hbm4b:s15+s24], $0x40, $0x38;
	[tilespmem:$0x1BC00] =	vst v63  }
0x1e9: {  	s5 =	sshll.u32 @!p3 s5, $0x4;
	s8 =	sadd.s32 @!p3 s2, s8;
	s15 =	simm.s32 @!p3 $0x200  }
0x1ea: {  	[tilespmem:s15], [sflag:$0x2] =	stream.linear.gather @!p3 [hbm4b:s8+s24], $0x40, $0x38;
	[tilespmem:$0x1BC00] =	vst v63  }
0x1eb: {  	s5 =	sadd.s32 @!p3 s3, s5;
	s8 =	simm.s32 @!p3 $0x2380;
	s15 =	simm.s32 $0x6480  }
0x1ec: {  	[tilespmem:s8], [sflag:$0x4] =	stream.linear.gather @!p3 [hbm4b:s5+s24], $0x2000, $0x38;
	[tilespmem:$0x1BC00] =	vst v63  }
0x1ed: {  	v1 =	vld [tilespmem:s15+$0xFFFFFF10]  }
0x1ee: {  	v7 =	vld [tilespmem:s15+$0xF0]  }
0x1ef: {  	v2 =	vld [tilespmem:s15+$0xFFFFFF20]  }
0x1f0: {  	v8 =	vld [tilespmem:s15+$0xFFFFFF80]  }
0x1f1: {  	v3 =	vld [tilespmem:s15+$0xFFFFFF30]  }
0x1f2: {  	v9 =	vld [tilespmem:s15+$0xFFFFFF90];
	v1 =	vmax.f32 v1, $0.0e+00  }
0x1f3: {  	v4 =	vld [tilespmem:s15+$0xFFFFFF40];
	v7 =	vmax.f32 v7, $0.0e+00;
	[tilespmem:s15+$0xFFFFFF10] =	vst v1  }
0x1f4: {  	v5 =	vld [tilespmem:s15+$0xFFFFFF50];
	v2 =	vmax.f32 v2, $0.0e+00;
	[tilespmem:s15+$0xF0] =	vst v7  }
0x1f5: {  	v6 =	vld [tilespmem:s15+$0xFFFFFF60];
	[tilespmem:s15+$0xFFFFFF20] =	vst v2;
	v2 =	vmax.f32 v8, $0.0e+00  }
0x1f6: {  	v1 =	vld [tilespmem:s15+$0xFFFFFF70];
	[tilespmem:s15+$0xFFFFFF80] =	vst v2;
	v2 =	vmax.f32 v3, $0.0e+00  }
0x1f7: {  	v10 =	vld [tilespmem:s15+$0xFFFFFFA0];
	[tilespmem:s15+$0xFFFFFF30] =	vst v2;
	v2 =	vmax.f32 v9, $0.0e+00  }
0x1f8: {  	v11 =	vld [tilespmem:s15+$0xFFFFFFB0];
	[tilespmem:s15+$0xFFFFFF90] =	vst v2;
	v2 =	vmax.f32 v4, $0.0e+00  }
0x1f9: {  	v7 =	vld [tilespmem:s15+$0xFFFFFFC0];
	[tilespmem:s15+$0xFFFFFF40] =	vst v2;
	v2 =	vmax.f32 v5, $0.0e+00  }
0x1fa: {  	v5 =	vld [tilespmem:s15+$0x0];
	[tilespmem:s15+$0xFFFFFF50] =	vst v2;
	v2 =	vmax.f32 v6, $0.0e+00  }
0x1fb: {  	v8 =	vld [tilespmem:s15+$0xFFFFFFD0];
	v1 =	vmax.f32 v1, $0.0e+00;
	[tilespmem:s15+$0xFFFFFF60] =	vst v2  }
0x1fc: {  	v2 =	vld [tilespmem:s15+$0x10];
	[tilespmem:s15+$0xFFFFFF70] =	vst v1;
	v1 =	vmax.f32 v10, $0.0e+00  }
0x1fd: {  	v3 =	vld [tilespmem:s15+$0xFFFFFFE0];
	[tilespmem:s15+$0xFFFFFFA0] =	vst v1;
	v1 =	vmax.f32 v11, $0.0e+00  }
0x1fe: {  	v4 =	vld [tilespmem:s15+$0xFFFFFFF0];
	[tilespmem:s15+$0xFFFFFFB0] =	vst v1;
	v1 =	vmax.f32 v7, $0.0e+00  }
0x1ff: {  	v6 =	vld [tilespmem:s15+$0x20];
	[tilespmem:s15+$0xFFFFFFC0] =	vst v1;
	v1 =	vmax.f32 v5, $0.0e+00  }
0x200: {  	v5 =	vld [tilespmem:s15+$0x50];
	[tilespmem:s15+$0x0] =	vst v1;
	v1 =	vmax.f32 v8, $0.0e+00  }
0x201: {  	v63 =	vld [tilespmem:s15+$0x30];
	[tilespmem:s15+$0xFFFFFFD0] =	vst v1;
	v1 =	vmax.f32 v2, $0.0e+00  }
0x202: {  	v7 =	vld [tilespmem:s15+$0x40];
	[tilespmem:s15+$0x10] =	vst v1;
	v1 =	vmax.f32 v3, $0.0e+00  }
0x203: {  	v2 =	vld [tilespmem:s15+$0x60];
	[tilespmem:s15+$0xFFFFFFE0] =	vst v1;
	v1 =	vmax.f32 v4, $0.0e+00  }
0x204: {  	v3 =	vld [tilespmem:s15+$0x80];
	[tilespmem:s15+$0xFFFFFFF0] =	vst v1;
	v1 =	vmax.f32 v6, $0.0e+00  }
0x205: {  	v4 =	vld [tilespmem:s15+$0x70];
	v5 =	vmax.f32 v5, $0.0e+00;
	[tilespmem:s15+$0x20] =	vst v1  }
0x206: {  	v6 =	vld [tilespmem:s15+$0x90];
	v1 =	vmax.f32 v63, $0.0e+00;
	[tilespmem:s15+$0x50] =	vst v5  }
0x207: {  	[tilespmem:s15+$0x30] =	vst v1;
	v1 =	vmax.f32 v7, $0.0e+00;
	v7 =	vld [tilespmem:s15+$0xA0]  }
0x208: {  	v5 =	vmax.f32 v2, $0.0e+00;
	[tilespmem:s15+$0x40] =	vst v1;
	v1 =	vld [tilespmem:s15+$0xB0]  }
0x209: {  	v2 =	vld [tilespmem:s15+$0xC0];
	[tilespmem:s15+$0x60] =	vst v5;
	v5 =	vmax.f32 v3, $0.0e+00  }
0x20a: {  	v3 =	vld [tilespmem:s15+$0xD0];
	v4 =	vmax.f32 v4, $0.0e+00;
	[tilespmem:s15+$0x80] =	vst v5  }
0x20b: {  	[tilespmem:s15+$0x70] =	vst v4;
	v6 =	vmax.f32 v6, $0.0e+00;
	v4 =	vld [tilespmem:s15+$0xE0]  }
0x20c: {  	s28 =	simm.s32 $0x6680;
	s8 =	simm.s32 $0x0;
	v5 =	vld [tilespmem:s15+$0xFFFFFF00];
	[tilespmem:s15+$0x90] =	vst v6;
	v6 =	vmax.f32 v7, $0.0e+00  }
.LBB2_18:
0x20d: {  	v7 =	vld [tilespmem:s28+$0xF0];
	s8 =	sadd.s32 $0x4, s8;
	[tilespmem:s15+$0xA0] =	vst v6;
	v1 =	vmax.f32 v1, $0.0e+00  }
0x20e: {  	v6 =	vld [tilespmem:s28+$0xFFFFFF10];
	p2 =	slt.u32 s8, $0x3C;
	[tilespmem:s15+$0xB0] =	vst v1;
	v1 =	vmax.f32 v2, $0.0e+00  }
0x20f: {  	v2 =	vld [tilespmem:s28+$0xFFFFFF20];
	[tilespmem:s15+$0xC0] =	vst v1;
	v1 =	vmax.f32 v3, $0.0e+00  }
0x210: {  	v3 =	vld [tilespmem:s28+$0xFFFFFF30];
	[tilespmem:s15+$0xD0] =	vst v1;
	v1 =	vmax.f32 v4, $0.0e+00  }
0x211: {  	v4 =	vld [tilespmem:s28+$0xFFFFFF40];
	v5 =	vmax.f32 v5, $0.0e+00;
	[tilespmem:s15+$0xE0] =	vst v1  }
0x212: {  	v1 =	vld [tilespmem:s28+$0xFFFFFF50];
	v7 =	vmax.f32 v7, $0.0e+00;
	[tilespmem:s15+$0xFFFFFF00] =	vst v5;
	s15 =	smov.u32 s28  }
0x213: {  	v5 =	vmax.f32 v6, $0.0e+00;
	v6 =	vld [tilespmem:s28+$0xFFFFFF60];
	[tilespmem:s28+$0xF0] =	vst v7  }
0x214: {  	[tilespmem:s28+$0xFFFFFF10] =	vst v5;
	v2 =	vmax.f32 v2, $0.0e+00;
	v5 =	vld [tilespmem:s28+$0xFFFFFF70]  }
0x215: {  	[tilespmem:s28+$0xFFFFFF20] =	vst v2;
	v2 =	vmax.f32 v3, $0.0e+00;
	v3 =	vld [tilespmem:s28+$0xFFFFFF80]  }
0x216: {  	[tilespmem:s28+$0xFFFFFF30] =	vst v2;
	v2 =	vmax.f32 v4, $0.0e+00;
	v4 =	vld [tilespmem:s28+$0xFFFFFF90]  }
0x217: {  	[tilespmem:s28+$0xFFFFFF40] =	vst v2;
	v1 =	vmax.f32 v1, $0.0e+00;
	v2 =	vld [tilespmem:s28+$0xFFFFFFA0]  }
0x218: {  	[tilespmem:s28+$0xFFFFFF50] =	vst v1;
	v1 =	vmax.f32 v6, $0.0e+00;
	v6 =	vld [tilespmem:s28+$0xFFFFFFB0]  }
0x219: {  	[tilespmem:s28+$0xFFFFFF60] =	vst v1;
	v1 =	vmax.f32 v5, $0.0e+00;
	v5 =	vld [tilespmem:s28+$0xFFFFFFC0]  }
0x21a: {  	[tilespmem:s28+$0xFFFFFF70] =	vst v1;
	v1 =	vmax.f32 v3, $0.0e+00;
	v3 =	vld [tilespmem:s28+$0xFFFFFFD0]  }
0x21b: {  	[tilespmem:s28+$0xFFFFFF80] =	vst v1;
	v1 =	vmax.f32 v4, $0.0e+00;
	v4 =	vld [tilespmem:s28+$0xFFFFFFE0]  }
0x21c: {  	[tilespmem:s28+$0xFFFFFF90] =	vst v1;
	v1 =	vmax.f32 v2, $0.0e+00;
	v2 =	vld [tilespmem:s28+$0xFFFFFFF0]  }
0x21d: {  	[tilespmem:s28+$0xFFFFFFA0] =	vst v1;
	v1 =	vmax.f32 v6, $0.0e+00;
	v6 =	vld [tilespmem:s28+$0x0]  }
0x21e: {  	[tilespmem:s28+$0xFFFFFFB0] =	vst v1;
	v1 =	vmax.f32 v5, $0.0e+00;
	v5 =	vld [tilespmem:s28+$0x10]  }
0x21f: {  	[tilespmem:s28+$0xFFFFFFC0] =	vst v1;
	v1 =	vmax.f32 v3, $0.0e+00;
	v3 =	vld [tilespmem:s28+$0x20]  }
0x220: {  	[tilespmem:s28+$0xFFFFFFD0] =	vst v1;
	v1 =	vmax.f32 v4, $0.0e+00;
	v4 =	vld [tilespmem:s28+$0x30]  }
0x221: {  	[tilespmem:s28+$0xFFFFFFE0] =	vst v1;
	v1 =	vmax.f32 v2, $0.0e+00;
	v2 =	vld [tilespmem:s28+$0x40]  }
0x222: {  	[tilespmem:s28+$0xFFFFFFF0] =	vst v1;
	v1 =	vmax.f32 v6, $0.0e+00;
	v6 =	vld [tilespmem:s28+$0x50]  }
0x223: {  	[tilespmem:s28+$0x0] =	vst v1;
	v1 =	vmax.f32 v5, $0.0e+00;
	v5 =	vld [tilespmem:s28+$0x60]  }
0x224: {  	[tilespmem:s28+$0x10] =	vst v1;
	v1 =	vmax.f32 v3, $0.0e+00;
	v3 =	vld [tilespmem:s28+$0x70]  }
0x225: {  	[tilespmem:s28+$0x20] =	vst v1;
	v1 =	vmax.f32 v4, $0.0e+00;
	v4 =	vld [tilespmem:s28+$0x80]  }
0x226: {  	[tilespmem:s28+$0x30] =	vst v1;
	v1 =	vmax.f32 v2, $0.0e+00;
	v7 =	vld [tilespmem:s28+$0x90]  }
0x227: {  	[tilespmem:s28+$0x40] =	vst v1;
	v1 =	vmax.f32 v6, $0.0e+00;
	v6 =	vld [tilespmem:s28+$0xA0]  }
.Ltmp12:
0x228: {  	[tilespmem:s28+$0x50] =	vst v1;
	v2 =	vmax.f32 v5, $0.0e+00;
	v1 =	vld [tilespmem:s28+$0xB0];
	(pc) =	sbr.rel @p2 .LBB2_18-.Ltmp12, $4  }
0x229: {  	[tilespmem:s28+$0x60] =	vst v2;
	v3 =	vmax.f32 v3, $0.0e+00;
	v2 =	vld [tilespmem:s28+$0xC0]  }
0x22a: {  	[tilespmem:s28+$0x70] =	vst v3;
	v4 =	vmax.f32 v4, $0.0e+00;
	v3 =	vld [tilespmem:s28+$0xD0]  }
0x22b: {  	[tilespmem:s28+$0x80] =	vst v4;
	v7 =	vmax.f32 v7, $0.0e+00;
	v4 =	vld [tilespmem:s28+$0xE0]  }
0x22c: {  	s28 =	sadd.s32 $0x200, s28;
	v5 =	vld [tilespmem:s15+$0xFFFFFF00];
	[tilespmem:s15+$0x90] =	vst v7;
	v6 =	vmax.f32 v6, $0.0e+00  }
0x22d: {  	[tilespmem:s15+$0xA0] =	vst v6;
	v1 =	vmax.f32 v1, $0.0e+00  }
0x22e: {  	[tilespmem:s15+$0xB0] =	vst v1;
	v1 =	vmax.f32 v2, $0.0e+00  }
0x22f: {  	[tilespmem:s15+$0xC0] =	vst v1;
	v1 =	vmax.f32 v3, $0.0e+00  }
0x230: {  	[tilespmem:s15+$0xD0] =	vst v1;
	v1 =	vmax.f32 v4, $0.0e+00  }
0x231: {  	v2 =	vmax.f32 v5, $0.0e+00;
	[tilespmem:s15+$0xE0] =	vst v1  }
0x232: {  	[tilespmem:s15+$0xFFFFFF00] =	vst v2  }
0x233: {  	[spmem:s4] =	stream.indirect.scatter.add.f32 [tilespmem:s13], [sflag:$0xA], $0x80, s12, s31, $0xb8;
	[tilespmem:$0x1BC00] =	vst v63  }
.LBB2_20:
0x234: {  	p2 =	sge.u32 s21, s17  }
0x235: {  	s5 =	simm.s32 @!p2 $0x9  }
0x236: {  	_ =	swait.ge @!p2 [sflag:s5], $0x2000  }
0x237: {  	[sflag:s5] =	ssyncset.done @!p2 $0x0  }
0x238: {  	[sflag:s5] =	ssyncadd.s32 @!p2 $0xFFFFE000;
	s5 =	simm.s32 @!p3 $0x2  }
0x239: {  	_ =	swait.ge @!p3 [sflag:s5], $0x40  }
0x23a: {  	[sflag:s5] =	ssyncset.done @!p3 $0x0  }
0x23b: {  	[sflag:s5] =	ssyncadd.s32 @!p3 $0xFFFFFFC0  }
0x23c: {  	_ =	swait.ge @!p3 [sflag:s5], $0x40  }
0x23d: {  	[sflag:s5] =	ssyncset.done @!p3 $0x0  }
0x23e: {  	[sflag:s5] =	ssyncadd.s32 @!p3 $0xFFFFFFC0;
	s5 =	simm.s32 @!p3 $0x4  }
0x23f: {  	_ =	swait.ge @!p3 [sflag:s5], $0x2000  }
.Ltmp13:
0x240: {  	s8 =	simm.s32 @!p3 $0x100;
	[sflag:s5] =	ssyncset.done @!p3 $0x0;
	(pc) =	sbr.rel @p1 .LBB2_24-.Ltmp13, $4  }
0x241: {  	s15 =	simm.s32 @!p3 $0x2380;
	[sflag:s5] =	ssyncadd.s32 @!p3 $0xFFFFE000;
	s5 =	simm.s32 @!p3 $0x40  }
0x242: {  	[tilespmem:s15], [sflag:$0x8] =	stream.indirect.gather.add.f32 @!p3 [hbm:s1], $0x80, s8, s5, $0xb8;
	[tilespmem:$0x1BC00] =	vst v63  }
0x243: {  	s15 =	sadd.s32 $0x6, s16  }
0x244: {  	p2 =	sge.u32 s15, s9  }
0x245: {  	s5 =	sshll.u32 @!p2 s15, $0xB  }
0x246: {  	_ =	swait.ge [sflag:s0], $0x2000;
	s5 =	sor.u32 @!p2 s18, s5  }
0x247: {  	[sflag:s0] =	ssyncset.done $0x0;
	s8 =	sshrl.u32 @!p2 s5, $0x3  }
0x248: {  	s24 =	simm.s32 @!p2 $0x0;
	[sflag:s0] =	ssyncadd.s32 $0xFFFFE000;
	s21 =	sadd.s32 @!p2 s7, s8  }
0x249: {  	[tilespmem:s24], [sflag:$0x1] =	stream.linear.gather @!p2 [hbm4b:s21+s24], $0x40, $0x38;
	[tilespmem:$0x1BC00] =	vst v63  }
0x24a: {  	s5 =	sshll.u32 @!p2 s5, $0x4;
	s8 =	sadd.s32 @!p2 s2, s8;
	s21 =	simm.s32 @!p2 $0x280  }
0x24b: {  	[tilespmem:s21], [sflag:$0x1] =	stream.linear.gather @!p2 [hbm4b:s8+s24], $0x40, $0x38;
	[tilespmem:$0x1BC00] =	vst v63  }
0x24c: {  	s5 =	sadd.s32 @!p2 s3, s5;
	s8 =	simm.s32 @!p2 $0x4380;
	s21 =	simm.s32 $0x480  }
0x24d: {  	[tilespmem:s8], [sflag:$0x5] =	stream.linear.gather @!p2 [hbm4b:s5+s24], $0x2000, $0x38;
	[tilespmem:$0x1BC00] =	vst v63  }
0x24e: {  	v1 =	vld [tilespmem:s21+$0xFFFFFF10]  }
0x24f: {  	v7 =	vld [tilespmem:s21+$0xF0]  }
0x250: {  	v2 =	vld [tilespmem:s21+$0xFFFFFF20]  }
0x251: {  	v8 =	vld [tilespmem:s21+$0xFFFFFF80]  }
0x252: {  	v3 =	vld [tilespmem:s21+$0xFFFFFF30]  }
0x253: {  	v9 =	vld [tilespmem:s21+$0xFFFFFF90];
	v1 =	vmax.f32 v1, $0.0e+00  }
0x254: {  	v4 =	vld [tilespmem:s21+$0xFFFFFF40];
	v7 =	vmax.f32 v7, $0.0e+00;
	[tilespmem:s21+$0xFFFFFF10] =	vst v1  }
0x255: {  	v5 =	vld [tilespmem:s21+$0xFFFFFF50];
	v2 =	vmax.f32 v2, $0.0e+00;
	[tilespmem:s21+$0xF0] =	vst v7  }
0x256: {  	v6 =	vld [tilespmem:s21+$0xFFFFFF60];
	[tilespmem:s21+$0xFFFFFF20] =	vst v2;
	v2 =	vmax.f32 v8, $0.0e+00  }
0x257: {  	v1 =	vld [tilespmem:s21+$0xFFFFFF70];
	[tilespmem:s21+$0xFFFFFF80] =	vst v2;
	v2 =	vmax.f32 v3, $0.0e+00  }
0x258: {  	v10 =	vld [tilespmem:s21+$0xFFFFFFA0];
	[tilespmem:s21+$0xFFFFFF30] =	vst v2;
	v2 =	vmax.f32 v9, $0.0e+00  }
0x259: {  	v11 =	vld [tilespmem:s21+$0xFFFFFFB0];
	[tilespmem:s21+$0xFFFFFF90] =	vst v2;
	v2 =	vmax.f32 v4, $0.0e+00  }
0x25a: {  	v7 =	vld [tilespmem:s21+$0xFFFFFFC0];
	[tilespmem:s21+$0xFFFFFF40] =	vst v2;
	v2 =	vmax.f32 v5, $0.0e+00  }
0x25b: {  	v5 =	vld [tilespmem:s21+$0x0];
	[tilespmem:s21+$0xFFFFFF50] =	vst v2;
	v2 =	vmax.f32 v6, $0.0e+00  }
0x25c: {  	v8 =	vld [tilespmem:s21+$0xFFFFFFD0];
	v1 =	vmax.f32 v1, $0.0e+00;
	[tilespmem:s21+$0xFFFFFF60] =	vst v2  }
0x25d: {  	v2 =	vld [tilespmem:s21+$0x10];
	[tilespmem:s21+$0xFFFFFF70] =	vst v1;
	v1 =	vmax.f32 v10, $0.0e+00  }
0x25e: {  	v3 =	vld [tilespmem:s21+$0xFFFFFFE0];
	[tilespmem:s21+$0xFFFFFFA0] =	vst v1;
	v1 =	vmax.f32 v11, $0.0e+00  }
0x25f: {  	v4 =	vld [tilespmem:s21+$0xFFFFFFF0];
	[tilespmem:s21+$0xFFFFFFB0] =	vst v1;
	v1 =	vmax.f32 v7, $0.0e+00  }
0x260: {  	v6 =	vld [tilespmem:s21+$0x20];
	[tilespmem:s21+$0xFFFFFFC0] =	vst v1;
	v1 =	vmax.f32 v5, $0.0e+00  }
0x261: {  	v5 =	vld [tilespmem:s21+$0x50];
	[tilespmem:s21+$0x0] =	vst v1;
	v1 =	vmax.f32 v8, $0.0e+00  }
0x262: {  	v63 =	vld [tilespmem:s21+$0x30];
	[tilespmem:s21+$0xFFFFFFD0] =	vst v1;
	v1 =	vmax.f32 v2, $0.0e+00  }
0x263: {  	v7 =	vld [tilespmem:s21+$0x40];
	[tilespmem:s21+$0x10] =	vst v1;
	v1 =	vmax.f32 v3, $0.0e+00  }
0x264: {  	v2 =	vld [tilespmem:s21+$0x60];
	[tilespmem:s21+$0xFFFFFFE0] =	vst v1;
	v1 =	vmax.f32 v4, $0.0e+00  }
0x265: {  	v3 =	vld [tilespmem:s21+$0x80];
	[tilespmem:s21+$0xFFFFFFF0] =	vst v1;
	v1 =	vmax.f32 v6, $0.0e+00  }
0x266: {  	v4 =	vld [tilespmem:s21+$0x70];
	v5 =	vmax.f32 v5, $0.0e+00;
	[tilespmem:s21+$0x20] =	vst v1  }
0x267: {  	v6 =	vld [tilespmem:s21+$0x90];
	v1 =	vmax.f32 v63, $0.0e+00;
	[tilespmem:s21+$0x50] =	vst v5  }
0x268: {  	[tilespmem:s21+$0x30] =	vst v1;
	v1 =	vmax.f32 v7, $0.0e+00;
	v7 =	vld [tilespmem:s21+$0xA0]  }
0x269: {  	v5 =	vmax.f32 v2, $0.0e+00;
	[tilespmem:s21+$0x40] =	vst v1;
	v1 =	vld [tilespmem:s21+$0xB0]  }
0x26a: {  	v2 =	vld [tilespmem:s21+$0xC0];
	[tilespmem:s21+$0x60] =	vst v5;
	v5 =	vmax.f32 v3, $0.0e+00  }
0x26b: {  	v3 =	vld [tilespmem:s21+$0xD0];
	v4 =	vmax.f32 v4, $0.0e+00;
	[tilespmem:s21+$0x80] =	vst v5  }
0x26c: {  	[tilespmem:s21+$0x70] =	vst v4;
	v6 =	vmax.f32 v6, $0.0e+00;
	v4 =	vld [tilespmem:s21+$0xE0]  }
0x26d: {  	s28 =	simm.s32 $0x680;
	s8 =	simm.s32 $0x0;
	v5 =	vld [tilespmem:s21+$0xFFFFFF00];
	[tilespmem:s21+$0x90] =	vst v6;
	v6 =	vmax.f32 v7, $0.0e+00  }
.LBB2_22:
0x26e: {  	v7 =	vld [tilespmem:s28+$0xF0];
	s8 =	sadd.s32 $0x4, s8;
	[tilespmem:s21+$0xA0] =	vst v6;
	v1 =	vmax.f32 v1, $0.0e+00  }
0x26f: {  	v6 =	vld [tilespmem:s28+$0xFFFFFF10];
	p1 =	slt.u32 s8, $0x3C;
	[tilespmem:s21+$0xB0] =	vst v1;
	v1 =	vmax.f32 v2, $0.0e+00  }
0x270: {  	v2 =	vld [tilespmem:s28+$0xFFFFFF20];
	[tilespmem:s21+$0xC0] =	vst v1;
	v1 =	vmax.f32 v3, $0.0e+00  }
0x271: {  	v3 =	vld [tilespmem:s28+$0xFFFFFF30];
	[tilespmem:s21+$0xD0] =	vst v1;
	v1 =	vmax.f32 v4, $0.0e+00  }
0x272: {  	v4 =	vld [tilespmem:s28+$0xFFFFFF40];
	v5 =	vmax.f32 v5, $0.0e+00;
	[tilespmem:s21+$0xE0] =	vst v1  }
0x273: {  	v1 =	vld [tilespmem:s28+$0xFFFFFF50];
	v7 =	vmax.f32 v7, $0.0e+00;
	[tilespmem:s21+$0xFFFFFF00] =	vst v5;
	s21 =	smov.u32 s28  }
0x274: {  	v5 =	vmax.f32 v6, $0.0e+00;
	v6 =	vld [tilespmem:s28+$0xFFFFFF60];
	[tilespmem:s28+$0xF0] =	vst v7  }
0x275: {  	[tilespmem:s28+$0xFFFFFF10] =	vst v5;
	v2 =	vmax.f32 v2, $0.0e+00;
	v5 =	vld [tilespmem:s28+$0xFFFFFF70]  }
0x276: {  	[tilespmem:s28+$0xFFFFFF20] =	vst v2;
	v2 =	vmax.f32 v3, $0.0e+00;
	v3 =	vld [tilespmem:s28+$0xFFFFFF80]  }
0x277: {  	[tilespmem:s28+$0xFFFFFF30] =	vst v2;
	v2 =	vmax.f32 v4, $0.0e+00;
	v4 =	vld [tilespmem:s28+$0xFFFFFF90]  }
0x278: {  	[tilespmem:s28+$0xFFFFFF40] =	vst v2;
	v1 =	vmax.f32 v1, $0.0e+00;
	v2 =	vld [tilespmem:s28+$0xFFFFFFA0]  }
0x279: {  	[tilespmem:s28+$0xFFFFFF50] =	vst v1;
	v1 =	vmax.f32 v6, $0.0e+00;
	v6 =	vld [tilespmem:s28+$0xFFFFFFB0]  }
0x27a: {  	[tilespmem:s28+$0xFFFFFF60] =	vst v1;
	v1 =	vmax.f32 v5, $0.0e+00;
	v5 =	vld [tilespmem:s28+$0xFFFFFFC0]  }
0x27b: {  	[tilespmem:s28+$0xFFFFFF70] =	vst v1;
	v1 =	vmax.f32 v3, $0.0e+00;
	v3 =	vld [tilespmem:s28+$0xFFFFFFD0]  }
0x27c: {  	[tilespmem:s28+$0xFFFFFF80] =	vst v1;
	v1 =	vmax.f32 v4, $0.0e+00;
	v4 =	vld [tilespmem:s28+$0xFFFFFFE0]  }
0x27d: {  	[tilespmem:s28+$0xFFFFFF90] =	vst v1;
	v1 =	vmax.f32 v2, $0.0e+00;
	v2 =	vld [tilespmem:s28+$0xFFFFFFF0]  }
0x27e: {  	[tilespmem:s28+$0xFFFFFFA0] =	vst v1;
	v1 =	vmax.f32 v6, $0.0e+00;
	v6 =	vld [tilespmem:s28+$0x0]  }
0x27f: {  	[tilespmem:s28+$0xFFFFFFB0] =	vst v1;
	v1 =	vmax.f32 v5, $0.0e+00;
	v5 =	vld [tilespmem:s28+$0x10]  }
0x280: {  	[tilespmem:s28+$0xFFFFFFC0] =	vst v1;
	v1 =	vmax.f32 v3, $0.0e+00;
	v3 =	vld [tilespmem:s28+$0x20]  }
0x281: {  	[tilespmem:s28+$0xFFFFFFD0] =	vst v1;
	v1 =	vmax.f32 v4, $0.0e+00;
	v4 =	vld [tilespmem:s28+$0x30]  }
0x282: {  	[tilespmem:s28+$0xFFFFFFE0] =	vst v1;
	v1 =	vmax.f32 v2, $0.0e+00;
	v2 =	vld [tilespmem:s28+$0x40]  }
0x283: {  	[tilespmem:s28+$0xFFFFFFF0] =	vst v1;
	v1 =	vmax.f32 v6, $0.0e+00;
	v6 =	vld [tilespmem:s28+$0x50]  }
0x284: {  	[tilespmem:s28+$0x0] =	vst v1;
	v1 =	vmax.f32 v5, $0.0e+00;
	v5 =	vld [tilespmem:s28+$0x60]  }
0x285: {  	[tilespmem:s28+$0x10] =	vst v1;
	v1 =	vmax.f32 v3, $0.0e+00;
	v3 =	vld [tilespmem:s28+$0x70]  }
0x286: {  	[tilespmem:s28+$0x20] =	vst v1;
	v1 =	vmax.f32 v4, $0.0e+00;
	v4 =	vld [tilespmem:s28+$0x80]  }
0x287: {  	[tilespmem:s28+$0x30] =	vst v1;
	v1 =	vmax.f32 v2, $0.0e+00;
	v7 =	vld [tilespmem:s28+$0x90]  }
0x288: {  	[tilespmem:s28+$0x40] =	vst v1;
	v1 =	vmax.f32 v6, $0.0e+00;
	v6 =	vld [tilespmem:s28+$0xA0]  }
.Ltmp14:
0x289: {  	[tilespmem:s28+$0x50] =	vst v1;
	v2 =	vmax.f32 v5, $0.0e+00;
	v1 =	vld [tilespmem:s28+$0xB0];
	(pc) =	sbr.rel @p1 .LBB2_22-.Ltmp14, $4  }
0x28a: {  	[tilespmem:s28+$0x60] =	vst v2;
	v3 =	vmax.f32 v3, $0.0e+00;
	v2 =	vld [tilespmem:s28+$0xC0]  }
0x28b: {  	[tilespmem:s28+$0x70] =	vst v3;
	v4 =	vmax.f32 v4, $0.0e+00;
	v3 =	vld [tilespmem:s28+$0xD0]  }
0x28c: {  	[tilespmem:s28+$0x80] =	vst v4;
	v7 =	vmax.f32 v7, $0.0e+00;
	v4 =	vld [tilespmem:s28+$0xE0]  }
0x28d: {  	s28 =	sadd.s32 $0x200, s28;
	v5 =	vld [tilespmem:s21+$0xFFFFFF00];
	[tilespmem:s21+$0x90] =	vst v7;
	v6 =	vmax.f32 v6, $0.0e+00  }
0x28e: {  	[tilespmem:s21+$0xA0] =	vst v6;
	v1 =	vmax.f32 v1, $0.0e+00  }
0x28f: {  	[tilespmem:s21+$0xB0] =	vst v1;
	v1 =	vmax.f32 v2, $0.0e+00  }
0x290: {  	[tilespmem:s21+$0xC0] =	vst v1;
	v1 =	vmax.f32 v3, $0.0e+00  }
0x291: {  	[tilespmem:s21+$0xD0] =	vst v1;
	v1 =	vmax.f32 v4, $0.0e+00  }
0x292: {  	v2 =	vmax.f32 v5, $0.0e+00;
	[tilespmem:s21+$0xE0] =	vst v1  }
0x293: {  	[tilespmem:s21+$0xFFFFFF00] =	vst v2  }
0x294: {  	[spmem:s4] =	stream.indirect.scatter.add.f32 [tilespmem:s23], [sflag:$0x9], $0x80, s25, s31, $0xb8;
	[tilespmem:$0x1BC00] =	vst v63  }
.LBB2_24:
0x295: {  	p1 =	sge.u32 s30, s17  }
0x296: {  	s5 =	simm.s32 @!p1 $0xA  }
0x297: {  	_ =	swait.ge @!p1 [sflag:s5], $0x2000  }
0x298: {  	[sflag:s5] =	ssyncset.done @!p1 $0x0  }
0x299: {  	[sflag:s5] =	ssyncadd.s32 @!p1 $0xFFFFE000;
	s5 =	simm.s32 @!p2 $0x1  }
0x29a: {  	_ =	swait.ge @!p2 [sflag:s5], $0x40  }
0x29b: {  	[sflag:s5] =	ssyncset.done @!p2 $0x0  }
0x29c: {  	[sflag:s5] =	ssyncadd.s32 @!p2 $0xFFFFFFC0  }
0x29d: {  	_ =	swait.ge @!p2 [sflag:s5], $0x40  }
0x29e: {  	[sflag:s5] =	ssyncset.done @!p2 $0x0  }
0x29f: {  	[sflag:s5] =	ssyncadd.s32 @!p2 $0xFFFFFFC0;
	s5 =	simm.s32 @!p2 $0x5  }
0x2a0: {  	_ =	swait.ge @!p2 [sflag:s5], $0x2000  }
.Ltmp15:
0x2a1: {  	s8 =	simm.s32 @!p2 $0x0;
	[sflag:s5] =	ssyncset.done @!p2 $0x0;
	(pc) =	sbr.rel @p3 .LBB2_28-.Ltmp15, $4  }
0x2a2: {  	s21 =	simm.s32 @!p2 $0x4380;
	[sflag:s5] =	ssyncadd.s32 @!p2 $0xFFFFE000;
	s5 =	simm.s32 @!p2 $0x40  }
0x2a3: {  	[tilespmem:s21], [sflag:$0x7] =	stream.indirect.gather.add.f32 @!p2 [hbm:s1], $0x80, s8, s5, $0xb8;
	[tilespmem:$0x1BC00] =	vst v63  }
0x2a4: {  	s21 =	sadd.s32 $0x7, s16  }
0x2a5: {  	p1 =	sge.u32 s21, s9  }
0x2a6: {  	s5 =	sshll.u32 @!p1 s21, $0xB  }
0x2a7: {  	_ =	swait.ge [sflag:s6], $0x2000;
	s5 =	sor.u32 @!p1 s18, s5  }
0x2a8: {  	s28 =	simm.s32 @!p1 $0x0;
	[sflag:s6] =	ssyncset.done $0x0;
	s8 =	sshrl.u32 @!p1 s5, $0x3  }
0x2a9: {  	s30 =	simm.s32 @!p1 $0x80;
	[sflag:s6] =	ssyncadd.s32 $0xFFFFE000;
	s24 =	sadd.s32 @!p1 s7, s8  }
0x2aa: {  	[tilespmem:s30], [sflag:$0x2] =	stream.linear.gather @!p1 [hbm4b:s24+s28], $0x40, $0x38;
	[tilespmem:$0x1BC00] =	vst v63  }
0x2ab: {  	s5 =	sshll.u32 @!p1 s5, $0x4;
	s8 =	sadd.s32 @!p1 s2, s8;
	s24 =	simm.s32 @!p1 $0x300  }
0x2ac: {  	[tilespmem:s24], [sflag:$0x2] =	stream.linear.gather @!p1 [hbm4b:s8+s28], $0x40, $0x38;
	[tilespmem:$0x1BC00] =	vst v63  }
0x2ad: {  	s5 =	sadd.s32 @!p1 s3, s5;
	s30 =	simm.s32 $0x2480;
	s8 =	simm.s32 @!p1 $0x6380  }
0x2ae: {  	[tilespmem:s8], [sflag:$0x6] =	stream.linear.gather @!p1 [hbm4b:s5+s28], $0x2000, $0x38;
	[tilespmem:$0x1BC00] =	vst v63  }
0x2af: {  	v1 =	vld [tilespmem:s30+$0xFFFFFF10]  }
0x2b0: {  	v7 =	vld [tilespmem:s30+$0xF0]  }
0x2b1: {  	v2 =	vld [tilespmem:s30+$0xFFFFFF20]  }
0x2b2: {  	v8 =	vld [tilespmem:s30+$0xFFFFFF80]  }
0x2b3: {  	v3 =	vld [tilespmem:s30+$0xFFFFFF30]  }
0x2b4: {  	v9 =	vld [tilespmem:s30+$0xFFFFFF90];
	v1 =	vmax.f32 v1, $0.0e+00  }
0x2b5: {  	v4 =	vld [tilespmem:s30+$0xFFFFFF40];
	v7 =	vmax.f32 v7, $0.0e+00;
	[tilespmem:s30+$0xFFFFFF10] =	vst v1  }
0x2b6: {  	v5 =	vld [tilespmem:s30+$0xFFFFFF50];
	v2 =	vmax.f32 v2, $0.0e+00;
	[tilespmem:s30+$0xF0] =	vst v7  }
0x2b7: {  	v6 =	vld [tilespmem:s30+$0xFFFFFF60];
	[tilespmem:s30+$0xFFFFFF20] =	vst v2;
	v2 =	vmax.f32 v8, $0.0e+00  }
0x2b8: {  	v1 =	vld [tilespmem:s30+$0xFFFFFF70];
	[tilespmem:s30+$0xFFFFFF80] =	vst v2;
	v2 =	vmax.f32 v3, $0.0e+00  }
0x2b9: {  	v10 =	vld [tilespmem:s30+$0xFFFFFFA0];
	[tilespmem:s30+$0xFFFFFF30] =	vst v2;
	v2 =	vmax.f32 v9, $0.0e+00  }
0x2ba: {  	v11 =	vld [tilespmem:s30+$0xFFFFFFB0];
	[tilespmem:s30+$0xFFFFFF90] =	vst v2;
	v2 =	vmax.f32 v4, $0.0e+00  }
0x2bb: {  	v7 =	vld [tilespmem:s30+$0xFFFFFFC0];
	[tilespmem:s30+$0xFFFFFF40] =	vst v2;
	v2 =	vmax.f32 v5, $0.0e+00  }
0x2bc: {  	v5 =	vld [tilespmem:s30+$0x0];
	[tilespmem:s30+$0xFFFFFF50] =	vst v2;
	v2 =	vmax.f32 v6, $0.0e+00  }
0x2bd: {  	v8 =	vld [tilespmem:s30+$0xFFFFFFD0];
	v1 =	vmax.f32 v1, $0.0e+00;
	[tilespmem:s30+$0xFFFFFF60] =	vst v2  }
0x2be: {  	v2 =	vld [tilespmem:s30+$0x10];
	[tilespmem:s30+$0xFFFFFF70] =	vst v1;
	v1 =	vmax.f32 v10, $0.0e+00  }
0x2bf: {  	v3 =	vld [tilespmem:s30+$0xFFFFFFE0];
	[tilespmem:s30+$0xFFFFFFA0] =	vst v1;
	v1 =	vmax.f32 v11, $0.0e+00  }
0x2c0: {  	v4 =	vld [tilespmem:s30+$0xFFFFFFF0];
	[tilespmem:s30+$0xFFFFFFB0] =	vst v1;
	v1 =	vmax.f32 v7, $0.0e+00  }
0x2c1: {  	v6 =	vld [tilespmem:s30+$0x20];
	[tilespmem:s30+$0xFFFFFFC0] =	vst v1;
	v1 =	vmax.f32 v5, $0.0e+00  }
0x2c2: {  	v5 =	vld [tilespmem:s30+$0x50];
	[tilespmem:s30+$0x0] =	vst v1;
	v1 =	vmax.f32 v8, $0.0e+00  }
0x2c3: {  	v63 =	vld [tilespmem:s30+$0x30];
	[tilespmem:s30+$0xFFFFFFD0] =	vst v1;
	v1 =	vmax.f32 v2, $0.0e+00  }
0x2c4: {  	v7 =	vld [tilespmem:s30+$0x40];
	[tilespmem:s30+$0x10] =	vst v1;
	v1 =	vmax.f32 v3, $0.0e+00  }
0x2c5: {  	v2 =	vld [tilespmem:s30+$0x60];
	[tilespmem:s30+$0xFFFFFFE0] =	vst v1;
	v1 =	vmax.f32 v4, $0.0e+00  }
0x2c6: {  	v3 =	vld [tilespmem:s30+$0x80];
	[tilespmem:s30+$0xFFFFFFF0] =	vst v1;
	v1 =	vmax.f32 v6, $0.0e+00  }
0x2c7: {  	v4 =	vld [tilespmem:s30+$0x70];
	v5 =	vmax.f32 v5, $0.0e+00;
	[tilespmem:s30+$0x20] =	vst v1  }
0x2c8: {  	v6 =	vld [tilespmem:s30+$0x90];
	v1 =	vmax.f32 v63, $0.0e+00;
	[tilespmem:s30+$0x50] =	vst v5  }
0x2c9: {  	[tilespmem:s30+$0x30] =	vst v1;
	v1 =	vmax.f32 v7, $0.0e+00;
	v7 =	vld [tilespmem:s30+$0xA0]  }
0x2ca: {  	v5 =	vmax.f32 v2, $0.0e+00;
	[tilespmem:s30+$0x40] =	vst v1;
	v1 =	vld [tilespmem:s30+$0xB0]  }
0x2cb: {  	v2 =	vld [tilespmem:s30+$0xC0];
	[tilespmem:s30+$0x60] =	vst v5;
	v5 =	vmax.f32 v3, $0.0e+00  }
0x2cc: {  	v3 =	vld [tilespmem:s30+$0xD0];
	v4 =	vmax.f32 v4, $0.0e+00;
	[tilespmem:s30+$0x80] =	vst v5  }
0x2cd: {  	[tilespmem:s30+$0x70] =	vst v4;
	v6 =	vmax.f32 v6, $0.0e+00;
	v4 =	vld [tilespmem:s30+$0xE0]  }
0x2ce: {  	s8 =	simm.s32 $0x0;
	s28 =	simm.s32 $0x2680;
	v5 =	vld [tilespmem:s30+$0xFFFFFF00];
	[tilespmem:s30+$0x90] =	vst v6;
	v6 =	vmax.f32 v7, $0.0e+00  }
.LBB2_26:
0x2cf: {  	v7 =	vld [tilespmem:s28+$0xF0];
	s8 =	sadd.s32 $0x4, s8;
	[tilespmem:s30+$0xA0] =	vst v6;
	v1 =	vmax.f32 v1, $0.0e+00  }
0x2d0: {  	v6 =	vld [tilespmem:s28+$0xFFFFFF10];
	p3 =	slt.u32 s8, $0x3C;
	[tilespmem:s30+$0xB0] =	vst v1;
	v1 =	vmax.f32 v2, $0.0e+00  }
0x2d1: {  	v2 =	vld [tilespmem:s28+$0xFFFFFF20];
	[tilespmem:s30+$0xC0] =	vst v1;
	v1 =	vmax.f32 v3, $0.0e+00  }
0x2d2: {  	v3 =	vld [tilespmem:s28+$0xFFFFFF30];
	[tilespmem:s30+$0xD0] =	vst v1;
	v1 =	vmax.f32 v4, $0.0e+00  }
0x2d3: {  	v4 =	vld [tilespmem:s28+$0xFFFFFF40];
	v5 =	vmax.f32 v5, $0.0e+00;
	[tilespmem:s30+$0xE0] =	vst v1  }
0x2d4: {  	v1 =	vld [tilespmem:s28+$0xFFFFFF50];
	v7 =	vmax.f32 v7, $0.0e+00;
	[tilespmem:s30+$0xFFFFFF00] =	vst v5;
	s30 =	smov.u32 s28  }
0x2d5: {  	v5 =	vmax.f32 v6, $0.0e+00;
	v6 =	vld [tilespmem:s28+$0xFFFFFF60];
	[tilespmem:s28+$0xF0] =	vst v7  }
0x2d6: {  	[tilespmem:s28+$0xFFFFFF10] =	vst v5;
	v2 =	vmax.f32 v2, $0.0e+00;
	v5 =	vld [tilespmem:s28+$0xFFFFFF70]  }
0x2d7: {  	[tilespmem:s28+$0xFFFFFF20] =	vst v2;
	v2 =	vmax.f32 v3, $0.0e+00;
	v3 =	vld [tilespmem:s28+$0xFFFFFF80]  }
0x2d8: {  	[tilespmem:s28+$0xFFFFFF30] =	vst v2;
	v2 =	vmax.f32 v4, $0.0e+00;
	v4 =	vld [tilespmem:s28+$0xFFFFFF90]  }
0x2d9: {  	[tilespmem:s28+$0xFFFFFF40] =	vst v2;
	v1 =	vmax.f32 v1, $0.0e+00;
	v2 =	vld [tilespmem:s28+$0xFFFFFFA0]  }
0x2da: {  	[tilespmem:s28+$0xFFFFFF50] =	vst v1;
	v1 =	vmax.f32 v6, $0.0e+00;
	v6 =	vld [tilespmem:s28+$0xFFFFFFB0]  }
0x2db: {  	[tilespmem:s28+$0xFFFFFF60] =	vst v1;
	v1 =	vmax.f32 v5, $0.0e+00;
	v5 =	vld [tilespmem:s28+$0xFFFFFFC0]  }
0x2dc: {  	[tilespmem:s28+$0xFFFFFF70] =	vst v1;
	v1 =	vmax.f32 v3, $0.0e+00;
	v3 =	vld [tilespmem:s28+$0xFFFFFFD0]  }
0x2dd: {  	[tilespmem:s28+$0xFFFFFF80] =	vst v1;
	v1 =	vmax.f32 v4, $0.0e+00;
	v4 =	vld [tilespmem:s28+$0xFFFFFFE0]  }
0x2de: {  	[tilespmem:s28+$0xFFFFFF90] =	vst v1;
	v1 =	vmax.f32 v2, $0.0e+00;
	v2 =	vld [tilespmem:s28+$0xFFFFFFF0]  }
0x2df: {  	[tilespmem:s28+$0xFFFFFFA0] =	vst v1;
	v1 =	vmax.f32 v6, $0.0e+00;
	v6 =	vld [tilespmem:s28+$0x0]  }
0x2e0: {  	[tilespmem:s28+$0xFFFFFFB0] =	vst v1;
	v1 =	vmax.f32 v5, $0.0e+00;
	v5 =	vld [tilespmem:s28+$0x10]  }
0x2e1: {  	[tilespmem:s28+$0xFFFFFFC0] =	vst v1;
	v1 =	vmax.f32 v3, $0.0e+00;
	v3 =	vld [tilespmem:s28+$0x20]  }
0x2e2: {  	[tilespmem:s28+$0xFFFFFFD0] =	vst v1;
	v1 =	vmax.f32 v4, $0.0e+00;
	v4 =	vld [tilespmem:s28+$0x30]  }
0x2e3: {  	[tilespmem:s28+$0xFFFFFFE0] =	vst v1;
	v1 =	vmax.f32 v2, $0.0e+00;
	v2 =	vld [tilespmem:s28+$0x40]  }
0x2e4: {  	[tilespmem:s28+$0xFFFFFFF0] =	vst v1;
	v1 =	vmax.f32 v6, $0.0e+00;
	v6 =	vld [tilespmem:s28+$0x50]  }
0x2e5: {  	[tilespmem:s28+$0x0] =	vst v1;
	v1 =	vmax.f32 v5, $0.0e+00;
	v5 =	vld [tilespmem:s28+$0x60]  }
0x2e6: {  	[tilespmem:s28+$0x10] =	vst v1;
	v1 =	vmax.f32 v3, $0.0e+00;
	v3 =	vld [tilespmem:s28+$0x70]  }
0x2e7: {  	[tilespmem:s28+$0x20] =	vst v1;
	v1 =	vmax.f32 v4, $0.0e+00;
	v4 =	vld [tilespmem:s28+$0x80]  }
0x2e8: {  	[tilespmem:s28+$0x30] =	vst v1;
	v1 =	vmax.f32 v2, $0.0e+00;
	v7 =	vld [tilespmem:s28+$0x90]  }
0x2e9: {  	[tilespmem:s28+$0x40] =	vst v1;
	v1 =	vmax.f32 v6, $0.0e+00;
	v6 =	vld [tilespmem:s28+$0xA0]  }
.Ltmp16:
0x2ea: {  	[tilespmem:s28+$0x50] =	vst v1;
	v2 =	vmax.f32 v5, $0.0e+00;
	v1 =	vld [tilespmem:s28+$0xB0];
	(pc) =	sbr.rel @p3 .LBB2_26-.Ltmp16, $4  }
0x2eb: {  	[tilespmem:s28+$0x60] =	vst v2;
	v3 =	vmax.f32 v3, $0.0e+00;
	v2 =	vld [tilespmem:s28+$0xC0]  }
0x2ec: {  	[tilespmem:s28+$0x70] =	vst v3;
	v4 =	vmax.f32 v4, $0.0e+00;
	v3 =	vld [tilespmem:s28+$0xD0]  }
0x2ed: {  	[tilespmem:s28+$0x80] =	vst v4;
	v7 =	vmax.f32 v7, $0.0e+00;
	v4 =	vld [tilespmem:s28+$0xE0]  }
0x2ee: {  	s28 =	sadd.s32 $0x200, s28;
	v5 =	vld [tilespmem:s30+$0xFFFFFF00];
	[tilespmem:s30+$0x90] =	vst v7;
	v6 =	vmax.f32 v6, $0.0e+00  }
0x2ef: {  	[tilespmem:s30+$0xA0] =	vst v6;
	v1 =	vmax.f32 v1, $0.0e+00  }
0x2f0: {  	[tilespmem:s30+$0xB0] =	vst v1;
	v1 =	vmax.f32 v2, $0.0e+00  }
0x2f1: {  	[tilespmem:s30+$0xC0] =	vst v1;
	v1 =	vmax.f32 v3, $0.0e+00  }
0x2f2: {  	[tilespmem:s30+$0xD0] =	vst v1;
	v1 =	vmax.f32 v4, $0.0e+00  }
0x2f3: {  	v2 =	vmax.f32 v5, $0.0e+00;
	[tilespmem:s30+$0xE0] =	vst v1  }
0x2f4: {  	[tilespmem:s30+$0xFFFFFF00] =	vst v2  }
0x2f5: {  	[spmem:s4] =	stream.indirect.scatter.add.f32 [tilespmem:s29], [sflag:$0xA], $0x80, s26, s31, $0xb8;
	[tilespmem:$0x1BC00] =	vst v63  }
.LBB2_28:
0x2f6: {  	p3 =	sge.u32 s15, s17  }
0x2f7: {  	s5 =	simm.s32 @!p3 $0x9  }
0x2f8: {  	_ =	swait.ge @!p3 [sflag:s5], $0x2000  }
0x2f9: {  	[sflag:s5] =	ssyncset.done @!p3 $0x0  }
0x2fa: {  	[sflag:s5] =	ssyncadd.s32 @!p3 $0xFFFFE000;
	s5 =	simm.s32 @!p1 $0x2  }
0x2fb: {  	_ =	swait.ge @!p1 [sflag:s5], $0x40  }
0x2fc: {  	[sflag:s5] =	ssyncset.done @!p1 $0x0  }
0x2fd: {  	[sflag:s5] =	ssyncadd.s32 @!p1 $0xFFFFFFC0  }
0x2fe: {  	_ =	swait.ge @!p1 [sflag:s5], $0x40  }
0x2ff: {  	[sflag:s5] =	ssyncset.done @!p1 $0x0  }
0x300: {  	[sflag:s5] =	ssyncadd.s32 @!p1 $0xFFFFFFC0;
	s5 =	simm.s32 @!p1 $0x6  }
0x301: {  	_ =	swait.ge @!p1 [sflag:s5], $0x2000  }
.Ltmp17:
0x302: {  	s8 =	simm.s32 @!p1 $0x80;
	[sflag:s5] =	ssyncset.done @!p1 $0x0;
	(pc) =	sbr.rel @p2 .LBB2_32-.Ltmp17, $4  }
0x303: {  	s15 =	simm.s32 @!p1 $0x6380;
	[sflag:s5] =	ssyncadd.s32 @!p1 $0xFFFFE000;
	s5 =	simm.s32 @!p1 $0x40  }
0x304: {  	[tilespmem:s15], [sflag:$0x8] =	stream.indirect.gather.add.f32 @!p1 [hbm:s1], $0x80, s8, s5, $0xb8;
	[tilespmem:$0x1BC00] =	vst v63  }
0x305: {  	s15 =	sadd.s32 $0x8, s16  }
0x306: {  	p3 =	sge.u32 s15, s9  }
0x307: {  	s5 =	sshll.u32 @!p3 s15, $0xB  }
0x308: {  	_ =	swait.ge [sflag:s0], $0x2000;
	s5 =	sor.u32 @!p3 s18, s5  }
0x309: {  	s28 =	simm.s32 @!p3 $0x0;
	[sflag:s0] =	ssyncset.done $0x0;
	s8 =	sshrl.u32 @!p3 s5, $0x3  }
0x30a: {  	s30 =	simm.s32 @!p3 $0x100;
	[sflag:s0] =	ssyncadd.s32 $0xFFFFE000;
	s24 =	sadd.s32 @!p3 s7, s8  }
0x30b: {  	[tilespmem:s30], [sflag:$0x1] =	stream.linear.gather @!p3 [hbm4b:s24+s28], $0x40, $0x38;
	[tilespmem:$0x1BC00] =	vst v63  }
0x30c: {  	s5 =	sshll.u32 @!p3 s5, $0x4;
	s8 =	sadd.s32 @!p3 s2, s8;
	s24 =	simm.s32 @!p3 $0x180  }
0x30d: {  	[tilespmem:s24], [sflag:$0x1] =	stream.linear.gather @!p3 [hbm4b:s8+s28], $0x40, $0x38;
	[tilespmem:$0x1BC00] =	vst v63  }
0x30e: {  	s5 =	sadd.s32 @!p3 s3, s5;
	s30 =	simm.s32 $0x4480;
	s8 =	simm.s32 @!p3 $0x380  }
0x30f: {  	[tilespmem:s8], [sflag:$0x3] =	stream.linear.gather @!p3 [hbm4b:s5+s28], $0x2000, $0x38;
	[tilespmem:$0x1BC00] =	vst v63  }
0x310: {  	v1 =	vld [tilespmem:s30+$0xFFFFFF10]  }
0x311: {  	v7 =	vld [tilespmem:s30+$0xF0]  }
0x312: {  	v2 =	vld [tilespmem:s30+$0xFFFFFF20]  }
0x313: {  	v8 =	vld [tilespmem:s30+$0xFFFFFF80]  }
0x314: {  	v3 =	vld [tilespmem:s30+$0xFFFFFF30]  }
0x315: {  	v9 =	vld [tilespmem:s30+$0xFFFFFF90];
	v1 =	vmax.f32 v1, $0.0e+00  }
0x316: {  	v4 =	vld [tilespmem:s30+$0xFFFFFF40];
	v7 =	vmax.f32 v7, $0.0e+00;
	[tilespmem:s30+$0xFFFFFF10] =	vst v1  }
0x317: {  	v5 =	vld [tilespmem:s30+$0xFFFFFF50];
	v2 =	vmax.f32 v2, $0.0e+00;
	[tilespmem:s30+$0xF0] =	vst v7  }
0x318: {  	v6 =	vld [tilespmem:s30+$0xFFFFFF60];
	[tilespmem:s30+$0xFFFFFF20] =	vst v2;
	v2 =	vmax.f32 v8, $0.0e+00  }
0x319: {  	v1 =	vld [tilespmem:s30+$0xFFFFFF70];
	[tilespmem:s30+$0xFFFFFF80] =	vst v2;
	v2 =	vmax.f32 v3, $0.0e+00  }
0x31a: {  	v10 =	vld [tilespmem:s30+$0xFFFFFFA0];
	[tilespmem:s30+$0xFFFFFF30] =	vst v2;
	v2 =	vmax.f32 v9, $0.0e+00  }
0x31b: {  	v11 =	vld [tilespmem:s30+$0xFFFFFFB0];
	[tilespmem:s30+$0xFFFFFF90] =	vst v2;
	v2 =	vmax.f32 v4, $0.0e+00  }
0x31c: {  	v7 =	vld [tilespmem:s30+$0xFFFFFFC0];
	[tilespmem:s30+$0xFFFFFF40] =	vst v2;
	v2 =	vmax.f32 v5, $0.0e+00  }
0x31d: {  	v5 =	vld [tilespmem:s30+$0x0];
	[tilespmem:s30+$0xFFFFFF50] =	vst v2;
	v2 =	vmax.f32 v6, $0.0e+00  }
0x31e: {  	v8 =	vld [tilespmem:s30+$0xFFFFFFD0];
	v1 =	vmax.f32 v1, $0.0e+00;
	[tilespmem:s30+$0xFFFFFF60] =	vst v2  }
0x31f: {  	v2 =	vld [tilespmem:s30+$0x10];
	[tilespmem:s30+$0xFFFFFF70] =	vst v1;
	v1 =	vmax.f32 v10, $0.0e+00  }
0x320: {  	v3 =	vld [tilespmem:s30+$0xFFFFFFE0];
	[tilespmem:s30+$0xFFFFFFA0] =	vst v1;
	v1 =	vmax.f32 v11, $0.0e+00  }
0x321: {  	v4 =	vld [tilespmem:s30+$0xFFFFFFF0];
	[tilespmem:s30+$0xFFFFFFB0] =	vst v1;
	v1 =	vmax.f32 v7, $0.0e+00  }
0x322: {  	v6 =	vld [tilespmem:s30+$0x20];
	[tilespmem:s30+$0xFFFFFFC0] =	vst v1;
	v1 =	vmax.f32 v5, $0.0e+00  }
0x323: {  	v5 =	vld [tilespmem:s30+$0x50];
	[tilespmem:s30+$0x0] =	vst v1;
	v1 =	vmax.f32 v8, $0.0e+00  }
0x324: {  	v63 =	vld [tilespmem:s30+$0x30];
	[tilespmem:s30+$0xFFFFFFD0] =	vst v1;
	v1 =	vmax.f32 v2, $0.0e+00  }
0x325: {  	v7 =	vld [tilespmem:s30+$0x40];
	[tilespmem:s30+$0x10] =	vst v1;
	v1 =	vmax.f32 v3, $0.0e+00  }
0x326: {  	v2 =	vld [tilespmem:s30+$0x60];
	[tilespmem:s30+$0xFFFFFFE0] =	vst v1;
	v1 =	vmax.f32 v4, $0.0e+00  }
0x327: {  	v3 =	vld [tilespmem:s30+$0x80];
	[tilespmem:s30+$0xFFFFFFF0] =	vst v1;
	v1 =	vmax.f32 v6, $0.0e+00  }
0x328: {  	v4 =	vld [tilespmem:s30+$0x70];
	v5 =	vmax.f32 v5, $0.0e+00;
	[tilespmem:s30+$0x20] =	vst v1  }
0x329: {  	v6 =	vld [tilespmem:s30+$0x90];
	v1 =	vmax.f32 v63, $0.0e+00;
	[tilespmem:s30+$0x50] =	vst v5  }
0x32a: {  	[tilespmem:s30+$0x30] =	vst v1;
	v1 =	vmax.f32 v7, $0.0e+00;
	v7 =	vld [tilespmem:s30+$0xA0]  }
0x32b: {  	v5 =	vmax.f32 v2, $0.0e+00;
	[tilespmem:s30+$0x40] =	vst v1;
	v1 =	vld [tilespmem:s30+$0xB0]  }
0x32c: {  	v2 =	vld [tilespmem:s30+$0xC0];
	[tilespmem:s30+$0x60] =	vst v5;
	v5 =	vmax.f32 v3, $0.0e+00  }
0x32d: {  	v3 =	vld [tilespmem:s30+$0xD0];
	v4 =	vmax.f32 v4, $0.0e+00;
	[tilespmem:s30+$0x80] =	vst v5  }
0x32e: {  	[tilespmem:s30+$0x70] =	vst v4;
	v6 =	vmax.f32 v6, $0.0e+00;
	v4 =	vld [tilespmem:s30+$0xE0]  }
0x32f: {  	s8 =	simm.s32 $0x0;
	s28 =	simm.s32 $0x4680;
	v5 =	vld [tilespmem:s30+$0xFFFFFF00];
	[tilespmem:s30+$0x90] =	vst v6;
	v6 =	vmax.f32 v7, $0.0e+00  }
.LBB2_30:
0x330: {  	v7 =	vld [tilespmem:s28+$0xF0];
	s8 =	sadd.s32 $0x4, s8;
	[tilespmem:s30+$0xA0] =	vst v6;
	v1 =	vmax.f32 v1, $0.0e+00  }
0x331: {  	v6 =	vld [tilespmem:s28+$0xFFFFFF10];
	p2 =	slt.u32 s8, $0x3C;
	[tilespmem:s30+$0xB0] =	vst v1;
	v1 =	vmax.f32 v2, $0.0e+00  }
0x332: {  	v2 =	vld [tilespmem:s28+$0xFFFFFF20];
	[tilespmem:s30+$0xC0] =	vst v1;
	v1 =	vmax.f32 v3, $0.0e+00  }
0x333: {  	v3 =	vld [tilespmem:s28+$0xFFFFFF30];
	[tilespmem:s30+$0xD0] =	vst v1;
	v1 =	vmax.f32 v4, $0.0e+00  }
0x334: {  	v4 =	vld [tilespmem:s28+$0xFFFFFF40];
	v5 =	vmax.f32 v5, $0.0e+00;
	[tilespmem:s30+$0xE0] =	vst v1  }
0x335: {  	v1 =	vld [tilespmem:s28+$0xFFFFFF50];
	v7 =	vmax.f32 v7, $0.0e+00;
	[tilespmem:s30+$0xFFFFFF00] =	vst v5;
	s30 =	smov.u32 s28  }
0x336: {  	v5 =	vmax.f32 v6, $0.0e+00;
	v6 =	vld [tilespmem:s28+$0xFFFFFF60];
	[tilespmem:s28+$0xF0] =	vst v7  }
0x337: {  	[tilespmem:s28+$0xFFFFFF10] =	vst v5;
	v2 =	vmax.f32 v2, $0.0e+00;
	v5 =	vld [tilespmem:s28+$0xFFFFFF70]  }
0x338: {  	[tilespmem:s28+$0xFFFFFF20] =	vst v2;
	v2 =	vmax.f32 v3, $0.0e+00;
	v3 =	vld [tilespmem:s28+$0xFFFFFF80]  }
0x339: {  	[tilespmem:s28+$0xFFFFFF30] =	vst v2;
	v2 =	vmax.f32 v4, $0.0e+00;
	v4 =	vld [tilespmem:s28+$0xFFFFFF90]  }
0x33a: {  	[tilespmem:s28+$0xFFFFFF40] =	vst v2;
	v1 =	vmax.f32 v1, $0.0e+00;
	v2 =	vld [tilespmem:s28+$0xFFFFFFA0]  }
0x33b: {  	[tilespmem:s28+$0xFFFFFF50] =	vst v1;
	v1 =	vmax.f32 v6, $0.0e+00;
	v6 =	vld [tilespmem:s28+$0xFFFFFFB0]  }
0x33c: {  	[tilespmem:s28+$0xFFFFFF60] =	vst v1;
	v1 =	vmax.f32 v5, $0.0e+00;
	v5 =	vld [tilespmem:s28+$0xFFFFFFC0]  }
0x33d: {  	[tilespmem:s28+$0xFFFFFF70] =	vst v1;
	v1 =	vmax.f32 v3, $0.0e+00;
	v3 =	vld [tilespmem:s28+$0xFFFFFFD0]  }
0x33e: {  	[tilespmem:s28+$0xFFFFFF80] =	vst v1;
	v1 =	vmax.f32 v4, $0.0e+00;
	v4 =	vld [tilespmem:s28+$0xFFFFFFE0]  }
0x33f: {  	[tilespmem:s28+$0xFFFFFF90] =	vst v1;
	v1 =	vmax.f32 v2, $0.0e+00;
	v2 =	vld [tilespmem:s28+$0xFFFFFFF0]  }
0x340: {  	[tilespmem:s28+$0xFFFFFFA0] =	vst v1;
	v1 =	vmax.f32 v6, $0.0e+00;
	v6 =	vld [tilespmem:s28+$0x0]  }
0x341: {  	[tilespmem:s28+$0xFFFFFFB0] =	vst v1;
	v1 =	vmax.f32 v5, $0.0e+00;
	v5 =	vld [tilespmem:s28+$0x10]  }
0x342: {  	[tilespmem:s28+$0xFFFFFFC0] =	vst v1;
	v1 =	vmax.f32 v3, $0.0e+00;
	v3 =	vld [tilespmem:s28+$0x20]  }
0x343: {  	[tilespmem:s28+$0xFFFFFFD0] =	vst v1;
	v1 =	vmax.f32 v4, $0.0e+00;
	v4 =	vld [tilespmem:s28+$0x30]  }
0x344: {  	[tilespmem:s28+$0xFFFFFFE0] =	vst v1;
	v1 =	vmax.f32 v2, $0.0e+00;
	v2 =	vld [tilespmem:s28+$0x40]  }
0x345: {  	[tilespmem:s28+$0xFFFFFFF0] =	vst v1;
	v1 =	vmax.f32 v6, $0.0e+00;
	v6 =	vld [tilespmem:s28+$0x50]  }
0x346: {  	[tilespmem:s28+$0x0] =	vst v1;
	v1 =	vmax.f32 v5, $0.0e+00;
	v5 =	vld [tilespmem:s28+$0x60]  }
0x347: {  	[tilespmem:s28+$0x10] =	vst v1;
	v1 =	vmax.f32 v3, $0.0e+00;
	v3 =	vld [tilespmem:s28+$0x70]  }
0x348: {  	[tilespmem:s28+$0x20] =	vst v1;
	v1 =	vmax.f32 v4, $0.0e+00;
	v4 =	vld [tilespmem:s28+$0x80]  }
0x349: {  	[tilespmem:s28+$0x30] =	vst v1;
	v1 =	vmax.f32 v2, $0.0e+00;
	v7 =	vld [tilespmem:s28+$0x90]  }
0x34a: {  	[tilespmem:s28+$0x40] =	vst v1;
	v1 =	vmax.f32 v6, $0.0e+00;
	v6 =	vld [tilespmem:s28+$0xA0]  }
.Ltmp18:
0x34b: {  	[tilespmem:s28+$0x50] =	vst v1;
	v2 =	vmax.f32 v5, $0.0e+00;
	v1 =	vld [tilespmem:s28+$0xB0];
	(pc) =	sbr.rel @p2 .LBB2_30-.Ltmp18, $4  }
0x34c: {  	[tilespmem:s28+$0x60] =	vst v2;
	v3 =	vmax.f32 v3, $0.0e+00;
	v2 =	vld [tilespmem:s28+$0xC0]  }
0x34d: {  	[tilespmem:s28+$0x70] =	vst v3;
	v4 =	vmax.f32 v4, $0.0e+00;
	v3 =	vld [tilespmem:s28+$0xD0]  }
0x34e: {  	[tilespmem:s28+$0x80] =	vst v4;
	v7 =	vmax.f32 v7, $0.0e+00;
	v4 =	vld [tilespmem:s28+$0xE0]  }
0x34f: {  	s28 =	sadd.s32 $0x200, s28;
	v5 =	vld [tilespmem:s30+$0xFFFFFF00];
	[tilespmem:s30+$0x90] =	vst v7;
	v6 =	vmax.f32 v6, $0.0e+00  }
0x350: {  	[tilespmem:s30+$0xA0] =	vst v6;
	v1 =	vmax.f32 v1, $0.0e+00  }
0x351: {  	[tilespmem:s30+$0xB0] =	vst v1;
	v1 =	vmax.f32 v2, $0.0e+00  }
0x352: {  	[tilespmem:s30+$0xC0] =	vst v1;
	v1 =	vmax.f32 v3, $0.0e+00  }
0x353: {  	[tilespmem:s30+$0xD0] =	vst v1;
	v1 =	vmax.f32 v4, $0.0e+00  }
0x354: {  	v2 =	vmax.f32 v5, $0.0e+00;
	[tilespmem:s30+$0xE0] =	vst v1  }
0x355: {  	[tilespmem:s30+$0xFFFFFF00] =	vst v2  }
0x356: {  	[spmem:s4] =	stream.indirect.scatter.add.f32 [tilespmem:s11], [sflag:$0x9], $0x80, s10, s31, $0xb8;
	[tilespmem:$0x1BC00] =	vst v63  }
.LBB2_32:
0x357: {  	p2 =	sge.u32 s21, s17  }
0x358: {  	s5 =	simm.s32 @!p2 $0xA  }
0x359: {  	_ =	swait.ge @!p2 [sflag:s5], $0x2000  }
0x35a: {  	[sflag:s5] =	ssyncset.done @!p2 $0x0  }
0x35b: {  	[sflag:s5] =	ssyncadd.s32 @!p2 $0xFFFFE000;
	s5 =	simm.s32 @!p3 $0x1  }
0x35c: {  	_ =	swait.ge @!p3 [sflag:s5], $0x40  }
0x35d: {  	[sflag:s5] =	ssyncset.done @!p3 $0x0  }
0x35e: {  	[sflag:s5] =	ssyncadd.s32 @!p3 $0xFFFFFFC0  }
0x35f: {  	_ =	swait.ge @!p3 [sflag:s5], $0x40  }
0x360: {  	[sflag:s5] =	ssyncset.done @!p3 $0x0  }
.Ltmp19:
0x361: {  	[sflag:s5] =	ssyncadd.s32 @!p3 $0xFFFFFFC0;
	s5 =	simm.s32 @!p3 $0x3;
	(pc) =	sbr.rel @p1 .LBB2_36-.Ltmp19, $4  }
0x362: {  	s8 =	simm.s32 @!p3 $0x100;
	_ =	swait.ge @!p3 [sflag:s5], $0x2000  }
0x363: {  	s21 =	simm.s32 @!p3 $0x380;
	s30 =	sadd.s32 $0x9, s16;
	[sflag:s5] =	ssyncset.done @!p3 $0x0  }
0x364: {  	p2 =	sge.u32 s30, s9;
	[sflag:s5] =	ssyncadd.s32 @!p3 $0xFFFFE000;
	s5 =	simm.s32 @!p3 $0x40  }
0x365: {  	[tilespmem:s21], [sflag:$0x7] =	stream.indirect.gather.add.f32 @!p3 [hbm:s1], $0x80, s8, s5, $0xb8;
	[tilespmem:$0x1BC00] =	vst v63  }
0x366: {  	s5 =	sshll.u32 @!p2 s30, $0xB  }
0x367: {  	_ =	swait.ge [sflag:s6], $0x2000;
	s5 =	sor.u32 @!p2 s18, s5  }
0x368: {  	[sflag:s6] =	ssyncset.done $0x0;
	s8 =	sshrl.u32 @!p2 s5, $0x3  }
0x369: {  	s24 =	simm.s32 @!p2 $0x0;
	[sflag:s6] =	ssyncadd.s32 $0xFFFFE000;
	s21 =	sadd.s32 @!p2 s7, s8  }
0x36a: {  	[tilespmem:s24], [sflag:$0x2] =	stream.linear.gather @!p2 [hbm4b:s21+s24], $0x40, $0x38;
	[tilespmem:$0x1BC00] =	vst v63  }
0x36b: {  	s5 =	sshll.u32 @!p2 s5, $0x4;
	s8 =	sadd.s32 @!p2 s2, s8;
	s21 =	simm.s32 @!p2 $0x200  }
0x36c: {  	[tilespmem:s21], [sflag:$0x2] =	stream.linear.gather @!p2 [hbm4b:s8+s24], $0x40, $0x38;
	[tilespmem:$0x1BC00] =	vst v63  }
0x36d: {  	s5 =	sadd.s32 @!p2 s3, s5;
	s8 =	simm.s32 @!p2 $0x2380;
	s21 =	simm.s32 $0x6480  }
0x36e: {  	[tilespmem:s8], [sflag:$0x4] =	stream.linear.gather @!p2 [hbm4b:s5+s24], $0x2000, $0x38;
	[tilespmem:$0x1BC00] =	vst v63  }
0x36f: {  	v1 =	vld [tilespmem:s21+$0xFFFFFF10]  }
0x370: {  	v7 =	vld [tilespmem:s21+$0xF0]  }
0x371: {  	v2 =	vld [tilespmem:s21+$0xFFFFFF20]  }
0x372: {  	v8 =	vld [tilespmem:s21+$0xFFFFFF80]  }
0x373: {  	v3 =	vld [tilespmem:s21+$0xFFFFFF30]  }
0x374: {  	v9 =	vld [tilespmem:s21+$0xFFFFFF90];
	v1 =	vmax.f32 v1, $0.0e+00  }
0x375: {  	v4 =	vld [tilespmem:s21+$0xFFFFFF40];
	v7 =	vmax.f32 v7, $0.0e+00;
	[tilespmem:s21+$0xFFFFFF10] =	vst v1  }
0x376: {  	v5 =	vld [tilespmem:s21+$0xFFFFFF50];
	v2 =	vmax.f32 v2, $0.0e+00;
	[tilespmem:s21+$0xF0] =	vst v7  }
0x377: {  	v6 =	vld [tilespmem:s21+$0xFFFFFF60];
	[tilespmem:s21+$0xFFFFFF20] =	vst v2;
	v2 =	vmax.f32 v8, $0.0e+00  }
0x378: {  	v1 =	vld [tilespmem:s21+$0xFFFFFF70];
	[tilespmem:s21+$0xFFFFFF80] =	vst v2;
	v2 =	vmax.f32 v3, $0.0e+00  }
0x379: {  	v10 =	vld [tilespmem:s21+$0xFFFFFFA0];
	[tilespmem:s21+$0xFFFFFF30] =	vst v2;
	v2 =	vmax.f32 v9, $0.0e+00  }
0x37a: {  	v11 =	vld [tilespmem:s21+$0xFFFFFFB0];
	[tilespmem:s21+$0xFFFFFF90] =	vst v2;
	v2 =	vmax.f32 v4, $0.0e+00  }
0x37b: {  	v7 =	vld [tilespmem:s21+$0xFFFFFFC0];
	[tilespmem:s21+$0xFFFFFF40] =	vst v2;
	v2 =	vmax.f32 v5, $0.0e+00  }
0x37c: {  	v5 =	vld [tilespmem:s21+$0x0];
	[tilespmem:s21+$0xFFFFFF50] =	vst v2;
	v2 =	vmax.f32 v6, $0.0e+00  }
0x37d: {  	v8 =	vld [tilespmem:s21+$0xFFFFFFD0];
	v1 =	vmax.f32 v1, $0.0e+00;
	[tilespmem:s21+$0xFFFFFF60] =	vst v2  }
0x37e: {  	v2 =	vld [tilespmem:s21+$0x10];
	[tilespmem:s21+$0xFFFFFF70] =	vst v1;
	v1 =	vmax.f32 v10, $0.0e+00  }
0x37f: {  	v3 =	vld [tilespmem:s21+$0xFFFFFFE0];
	[tilespmem:s21+$0xFFFFFFA0] =	vst v1;
	v1 =	vmax.f32 v11, $0.0e+00  }
0x380: {  	v4 =	vld [tilespmem:s21+$0xFFFFFFF0];
	[tilespmem:s21+$0xFFFFFFB0] =	vst v1;
	v1 =	vmax.f32 v7, $0.0e+00  }
0x381: {  	v6 =	vld [tilespmem:s21+$0x20];
	[tilespmem:s21+$0xFFFFFFC0] =	vst v1;
	v1 =	vmax.f32 v5, $0.0e+00  }
0x382: {  	v5 =	vld [tilespmem:s21+$0x50];
	[tilespmem:s21+$0x0] =	vst v1;
	v1 =	vmax.f32 v8, $0.0e+00  }
0x383: {  	v63 =	vld [tilespmem:s21+$0x30];
	[tilespmem:s21+$0xFFFFFFD0] =	vst v1;
	v1 =	vmax.f32 v2, $0.0e+00  }
0x384: {  	v7 =	vld [tilespmem:s21+$0x40];
	[tilespmem:s21+$0x10] =	vst v1;
	v1 =	vmax.f32 v3, $0.0e+00  }
0x385: {  	v2 =	vld [tilespmem:s21+$0x60];
	[tilespmem:s21+$0xFFFFFFE0] =	vst v1;
	v1 =	vmax.f32 v4, $0.0e+00  }
0x386: {  	v3 =	vld [tilespmem:s21+$0x80];
	[tilespmem:s21+$0xFFFFFFF0] =	vst v1;
	v1 =	vmax.f32 v6, $0.0e+00  }
0x387: {  	v4 =	vld [tilespmem:s21+$0x70];
	v5 =	vmax.f32 v5, $0.0e+00;
	[tilespmem:s21+$0x20] =	vst v1  }
0x388: {  	v6 =	vld [tilespmem:s21+$0x90];
	v1 =	vmax.f32 v63, $0.0e+00;
	[tilespmem:s21+$0x50] =	vst v5  }
0x389: {  	[tilespmem:s21+$0x30] =	vst v1;
	v1 =	vmax.f32 v7, $0.0e+00;
	v7 =	vld [tilespmem:s21+$0xA0]  }
0x38a: {  	v5 =	vmax.f32 v2, $0.0e+00;
	[tilespmem:s21+$0x40] =	vst v1;
	v1 =	vld [tilespmem:s21+$0xB0]  }
0x38b: {  	v2 =	vld [tilespmem:s21+$0xC0];
	[tilespmem:s21+$0x60] =	vst v5;
	v5 =	vmax.f32 v3, $0.0e+00  }
0x38c: {  	v3 =	vld [tilespmem:s21+$0xD0];
	v4 =	vmax.f32 v4, $0.0e+00;
	[tilespmem:s21+$0x80] =	vst v5  }
0x38d: {  	[tilespmem:s21+$0x70] =	vst v4;
	v6 =	vmax.f32 v6, $0.0e+00;
	v4 =	vld [tilespmem:s21+$0xE0]  }
0x38e: {  	s28 =	simm.s32 $0x6680;
	s8 =	simm.s32 $0x0;
	v5 =	vld [tilespmem:s21+$0xFFFFFF00];
	[tilespmem:s21+$0x90] =	vst v6;
	v6 =	vmax.f32 v7, $0.0e+00  }
.LBB2_34:
0x38f: {  	v7 =	vld [tilespmem:s28+$0xF0];
	s8 =	sadd.s32 $0x4, s8;
	[tilespmem:s21+$0xA0] =	vst v6;
	v1 =	vmax.f32 v1, $0.0e+00  }
0x390: {  	v6 =	vld [tilespmem:s28+$0xFFFFFF10];
	p1 =	slt.u32 s8, $0x3C;
	[tilespmem:s21+$0xB0] =	vst v1;
	v1 =	vmax.f32 v2, $0.0e+00  }
0x391: {  	v2 =	vld [tilespmem:s28+$0xFFFFFF20];
	[tilespmem:s21+$0xC0] =	vst v1;
	v1 =	vmax.f32 v3, $0.0e+00  }
0x392: {  	v3 =	vld [tilespmem:s28+$0xFFFFFF30];
	[tilespmem:s21+$0xD0] =	vst v1;
	v1 =	vmax.f32 v4, $0.0e+00  }
0x393: {  	v4 =	vld [tilespmem:s28+$0xFFFFFF40];
	v5 =	vmax.f32 v5, $0.0e+00;
	[tilespmem:s21+$0xE0] =	vst v1  }
0x394: {  	v1 =	vld [tilespmem:s28+$0xFFFFFF50];
	v7 =	vmax.f32 v7, $0.0e+00;
	[tilespmem:s21+$0xFFFFFF00] =	vst v5;
	s21 =	smov.u32 s28  }
0x395: {  	v5 =	vmax.f32 v6, $0.0e+00;
	v6 =	vld [tilespmem:s28+$0xFFFFFF60];
	[tilespmem:s28+$0xF0] =	vst v7  }
0x396: {  	[tilespmem:s28+$0xFFFFFF10] =	vst v5;
	v2 =	vmax.f32 v2, $0.0e+00;
	v5 =	vld [tilespmem:s28+$0xFFFFFF70]  }
0x397: {  	[tilespmem:s28+$0xFFFFFF20] =	vst v2;
	v2 =	vmax.f32 v3, $0.0e+00;
	v3 =	vld [tilespmem:s28+$0xFFFFFF80]  }
0x398: {  	[tilespmem:s28+$0xFFFFFF30] =	vst v2;
	v2 =	vmax.f32 v4, $0.0e+00;
	v4 =	vld [tilespmem:s28+$0xFFFFFF90]  }
0x399: {  	[tilespmem:s28+$0xFFFFFF40] =	vst v2;
	v1 =	vmax.f32 v1, $0.0e+00;
	v2 =	vld [tilespmem:s28+$0xFFFFFFA0]  }
0x39a: {  	[tilespmem:s28+$0xFFFFFF50] =	vst v1;
	v1 =	vmax.f32 v6, $0.0e+00;
	v6 =	vld [tilespmem:s28+$0xFFFFFFB0]  }
0x39b: {  	[tilespmem:s28+$0xFFFFFF60] =	vst v1;
	v1 =	vmax.f32 v5, $0.0e+00;
	v5 =	vld [tilespmem:s28+$0xFFFFFFC0]  }
0x39c: {  	[tilespmem:s28+$0xFFFFFF70] =	vst v1;
	v1 =	vmax.f32 v3, $0.0e+00;
	v3 =	vld [tilespmem:s28+$0xFFFFFFD0]  }
0x39d: {  	[tilespmem:s28+$0xFFFFFF80] =	vst v1;
	v1 =	vmax.f32 v4, $0.0e+00;
	v4 =	vld [tilespmem:s28+$0xFFFFFFE0]  }
0x39e: {  	[tilespmem:s28+$0xFFFFFF90] =	vst v1;
	v1 =	vmax.f32 v2, $0.0e+00;
	v2 =	vld [tilespmem:s28+$0xFFFFFFF0]  }
0x39f: {  	[tilespmem:s28+$0xFFFFFFA0] =	vst v1;
	v1 =	vmax.f32 v6, $0.0e+00;
	v6 =	vld [tilespmem:s28+$0x0]  }
0x3a0: {  	[tilespmem:s28+$0xFFFFFFB0] =	vst v1;
	v1 =	vmax.f32 v5, $0.0e+00;
	v5 =	vld [tilespmem:s28+$0x10]  }
0x3a1: {  	[tilespmem:s28+$0xFFFFFFC0] =	vst v1;
	v1 =	vmax.f32 v3, $0.0e+00;
	v3 =	vld [tilespmem:s28+$0x20]  }
0x3a2: {  	[tilespmem:s28+$0xFFFFFFD0] =	vst v1;
	v1 =	vmax.f32 v4, $0.0e+00;
	v4 =	vld [tilespmem:s28+$0x30]  }
0x3a3: {  	[tilespmem:s28+$0xFFFFFFE0] =	vst v1;
	v1 =	vmax.f32 v2, $0.0e+00;
	v2 =	vld [tilespmem:s28+$0x40]  }
0x3a4: {  	[tilespmem:s28+$0xFFFFFFF0] =	vst v1;
	v1 =	vmax.f32 v6, $0.0e+00;
	v6 =	vld [tilespmem:s28+$0x50]  }
0x3a5: {  	[tilespmem:s28+$0x0] =	vst v1;
	v1 =	vmax.f32 v5, $0.0e+00;
	v5 =	vld [tilespmem:s28+$0x60]  }
0x3a6: {  	[tilespmem:s28+$0x10] =	vst v1;
	v1 =	vmax.f32 v3, $0.0e+00;
	v3 =	vld [tilespmem:s28+$0x70]  }
0x3a7: {  	[tilespmem:s28+$0x20] =	vst v1;
	v1 =	vmax.f32 v4, $0.0e+00;
	v4 =	vld [tilespmem:s28+$0x80]  }
0x3a8: {  	[tilespmem:s28+$0x30] =	vst v1;
	v1 =	vmax.f32 v2, $0.0e+00;
	v7 =	vld [tilespmem:s28+$0x90]  }
0x3a9: {  	[tilespmem:s28+$0x40] =	vst v1;
	v1 =	vmax.f32 v6, $0.0e+00;
	v6 =	vld [tilespmem:s28+$0xA0]  }
.Ltmp20:
0x3aa: {  	[tilespmem:s28+$0x50] =	vst v1;
	v2 =	vmax.f32 v5, $0.0e+00;
	v1 =	vld [tilespmem:s28+$0xB0];
	(pc) =	sbr.rel @p1 .LBB2_34-.Ltmp20, $4  }
0x3ab: {  	[tilespmem:s28+$0x60] =	vst v2;
	v3 =	vmax.f32 v3, $0.0e+00;
	v2 =	vld [tilespmem:s28+$0xC0]  }
0x3ac: {  	[tilespmem:s28+$0x70] =	vst v3;
	v4 =	vmax.f32 v4, $0.0e+00;
	v3 =	vld [tilespmem:s28+$0xD0]  }
0x3ad: {  	[tilespmem:s28+$0x80] =	vst v4;
	v7 =	vmax.f32 v7, $0.0e+00;
	v4 =	vld [tilespmem:s28+$0xE0]  }
0x3ae: {  	s28 =	sadd.s32 $0x200, s28;
	v5 =	vld [tilespmem:s21+$0xFFFFFF00];
	[tilespmem:s21+$0x90] =	vst v7;
	v6 =	vmax.f32 v6, $0.0e+00  }
0x3af: {  	[tilespmem:s21+$0xA0] =	vst v6;
	v1 =	vmax.f32 v1, $0.0e+00  }
0x3b0: {  	[tilespmem:s21+$0xB0] =	vst v1;
	v1 =	vmax.f32 v2, $0.0e+00  }
0x3b1: {  	[tilespmem:s21+$0xC0] =	vst v1;
	v1 =	vmax.f32 v3, $0.0e+00  }
0x3b2: {  	[tilespmem:s21+$0xD0] =	vst v1;
	v1 =	vmax.f32 v4, $0.0e+00  }
0x3b3: {  	v2 =	vmax.f32 v5, $0.0e+00;
	[tilespmem:s21+$0xE0] =	vst v1  }
0x3b4: {  	[tilespmem:s21+$0xFFFFFF00] =	vst v2  }
0x3b5: {  	[spmem:s4] =	stream.indirect.scatter.add.f32 [tilespmem:s13], [sflag:$0xA], $0x80, s12, s31, $0xb8;
	[tilespmem:$0x1BC00] =	vst v63  }
.LBB2_36:
0x3b6: {  	p1 =	sge.u32 s15, s17  }
0x3b7: {  	s5 =	simm.s32 @!p1 $0x9  }
0x3b8: {  	_ =	swait.ge @!p1 [sflag:s5], $0x2000  }
0x3b9: {  	[sflag:s5] =	ssyncset.done @!p1 $0x0  }
0x3ba: {  	[sflag:s5] =	ssyncadd.s32 @!p1 $0xFFFFE000;
	s5 =	simm.s32 @!p2 $0x2  }
0x3bb: {  	_ =	swait.ge @!p2 [sflag:s5], $0x40  }
0x3bc: {  	[sflag:s5] =	ssyncset.done @!p2 $0x0  }
0x3bd: {  	[sflag:s5] =	ssyncadd.s32 @!p2 $0xFFFFFFC0  }
0x3be: {  	_ =	swait.ge @!p2 [sflag:s5], $0x40  }
0x3bf: {  	[sflag:s5] =	ssyncset.done @!p2 $0x0  }
.Ltmp21:
0x3c0: {  	[sflag:s5] =	ssyncadd.s32 @!p2 $0xFFFFFFC0;
	s5 =	simm.s32 @!p2 $0x4;
	(pc) =	sbr.rel @p3 .LBB2_40-.Ltmp21, $4  }
0x3c1: {  	s8 =	simm.s32 @!p2 $0x0;
	_ =	swait.ge @!p2 [sflag:s5], $0x2000  }
0x3c2: {  	s15 =	simm.s32 @!p2 $0x2380;
	s21 =	sadd.s32 $0xA, s16;
	[sflag:s5] =	ssyncset.done @!p2 $0x0  }
0x3c3: {  	p4 =	sge.u32 s21, s9;
	[sflag:s5] =	ssyncadd.s32 @!p2 $0xFFFFE000;
	s5 =	simm.s32 @!p2 $0x40  }
0x3c4: {  	[tilespmem:s15], [sflag:$0x8] =	stream.indirect.gather.add.f32 @!p2 [hbm:s1], $0x80, s8, s5, $0xb8;
	[tilespmem:$0x1BC00] =	vst v63  }
0x3c5: {  	s5 =	sshll.u32 @!p4 s21, $0xB  }
0x3c6: {  	_ =	swait.ge [sflag:s0], $0x2000;
	s5 =	sor.u32 @!p4 s18, s5  }
0x3c7: {  	s24 =	simm.s32 @!p4 $0x0;
	[sflag:s0] =	ssyncset.done $0x0;
	s8 =	sshrl.u32 @!p4 s5, $0x3  }
0x3c8: {  	s28 =	simm.s32 @!p4 $0x80;
	[sflag:s0] =	ssyncadd.s32 $0xFFFFE000;
	s15 =	sadd.s32 @!p4 s7, s8  }
0x3c9: {  	[tilespmem:s28], [sflag:$0x1] =	stream.linear.gather @!p4 [hbm4b:s15+s24], $0x40, $0x38;
	[tilespmem:$0x1BC00] =	vst v63  }
0x3ca: {  	s5 =	sshll.u32 @!p4 s5, $0x4;
	s8 =	sadd.s32 @!p4 s2, s8;
	s15 =	simm.s32 @!p4 $0x280  }
0x3cb: {  	[tilespmem:s15], [sflag:$0x1] =	stream.linear.gather @!p4 [hbm4b:s8+s24], $0x40, $0x38;
	[tilespmem:$0x1BC00] =	vst v63  }
0x3cc: {  	s5 =	sadd.s32 @!p4 s3, s5;
	s8 =	simm.s32 @!p4 $0x4380;
	s15 =	simm.s32 $0x480  }
0x3cd: {  	[tilespmem:s8], [sflag:$0x5] =	stream.linear.gather @!p4 [hbm4b:s5+s24], $0x2000, $0x38;
	[tilespmem:$0x1BC00] =	vst v63  }
0x3ce: {  	v1 =	vld [tilespmem:s15+$0xFFFFFF10]  }
0x3cf: {  	v7 =	vld [tilespmem:s15+$0xF0]  }
0x3d0: {  	v2 =	vld [tilespmem:s15+$0xFFFFFF20]  }
0x3d1: {  	v8 =	vld [tilespmem:s15+$0xFFFFFF80]  }
0x3d2: {  	v3 =	vld [tilespmem:s15+$0xFFFFFF30]  }
0x3d3: {  	v9 =	vld [tilespmem:s15+$0xFFFFFF90];
	v1 =	vmax.f32 v1, $0.0e+00  }
0x3d4: {  	v4 =	vld [tilespmem:s15+$0xFFFFFF40];
	v7 =	vmax.f32 v7, $0.0e+00;
	[tilespmem:s15+$0xFFFFFF10] =	vst v1  }
0x3d5: {  	v5 =	vld [tilespmem:s15+$0xFFFFFF50];
	v2 =	vmax.f32 v2, $0.0e+00;
	[tilespmem:s15+$0xF0] =	vst v7  }
0x3d6: {  	v6 =	vld [tilespmem:s15+$0xFFFFFF60];
	[tilespmem:s15+$0xFFFFFF20] =	vst v2;
	v2 =	vmax.f32 v8, $0.0e+00  }
0x3d7: {  	v1 =	vld [tilespmem:s15+$0xFFFFFF70];
	[tilespmem:s15+$0xFFFFFF80] =	vst v2;
	v2 =	vmax.f32 v3, $0.0e+00  }
0x3d8: {  	v10 =	vld [tilespmem:s15+$0xFFFFFFA0];
	[tilespmem:s15+$0xFFFFFF30] =	vst v2;
	v2 =	vmax.f32 v9, $0.0e+00  }
0x3d9: {  	v11 =	vld [tilespmem:s15+$0xFFFFFFB0];
	[tilespmem:s15+$0xFFFFFF90] =	vst v2;
	v2 =	vmax.f32 v4, $0.0e+00  }
0x3da: {  	v7 =	vld [tilespmem:s15+$0xFFFFFFC0];
	[tilespmem:s15+$0xFFFFFF40] =	vst v2;
	v2 =	vmax.f32 v5, $0.0e+00  }
0x3db: {  	v5 =	vld [tilespmem:s15+$0x0];
	[tilespmem:s15+$0xFFFFFF50] =	vst v2;
	v2 =	vmax.f32 v6, $0.0e+00  }
0x3dc: {  	v8 =	vld [tilespmem:s15+$0xFFFFFFD0];
	v1 =	vmax.f32 v1, $0.0e+00;
	[tilespmem:s15+$0xFFFFFF60] =	vst v2  }
0x3dd: {  	v2 =	vld [tilespmem:s15+$0x10];
	[tilespmem:s15+$0xFFFFFF70] =	vst v1;
	v1 =	vmax.f32 v10, $0.0e+00  }
0x3de: {  	v3 =	vld [tilespmem:s15+$0xFFFFFFE0];
	[tilespmem:s15+$0xFFFFFFA0] =	vst v1;
	v1 =	vmax.f32 v11, $0.0e+00  }
0x3df: {  	v4 =	vld [tilespmem:s15+$0xFFFFFFF0];
	[tilespmem:s15+$0xFFFFFFB0] =	vst v1;
	v1 =	vmax.f32 v7, $0.0e+00  }
0x3e0: {  	v6 =	vld [tilespmem:s15+$0x20];
	[tilespmem:s15+$0xFFFFFFC0] =	vst v1;
	v1 =	vmax.f32 v5, $0.0e+00  }
0x3e1: {  	v5 =	vld [tilespmem:s15+$0x50];
	[tilespmem:s15+$0x0] =	vst v1;
	v1 =	vmax.f32 v8, $0.0e+00  }
0x3e2: {  	v63 =	vld [tilespmem:s15+$0x30];
	[tilespmem:s15+$0xFFFFFFD0] =	vst v1;
	v1 =	vmax.f32 v2, $0.0e+00  }
0x3e3: {  	v7 =	vld [tilespmem:s15+$0x40];
	[tilespmem:s15+$0x10] =	vst v1;
	v1 =	vmax.f32 v3, $0.0e+00  }
0x3e4: {  	v2 =	vld [tilespmem:s15+$0x60];
	[tilespmem:s15+$0xFFFFFFE0] =	vst v1;
	v1 =	vmax.f32 v4, $0.0e+00  }
0x3e5: {  	v3 =	vld [tilespmem:s15+$0x80];
	[tilespmem:s15+$0xFFFFFFF0] =	vst v1;
	v1 =	vmax.f32 v6, $0.0e+00  }
0x3e6: {  	v4 =	vld [tilespmem:s15+$0x70];
	v5 =	vmax.f32 v5, $0.0e+00;
	[tilespmem:s15+$0x20] =	vst v1  }
0x3e7: {  	v6 =	vld [tilespmem:s15+$0x90];
	v1 =	vmax.f32 v63, $0.0e+00;
	[tilespmem:s15+$0x50] =	vst v5  }
0x3e8: {  	[tilespmem:s15+$0x30] =	vst v1;
	v1 =	vmax.f32 v7, $0.0e+00;
	v7 =	vld [tilespmem:s15+$0xA0]  }
0x3e9: {  	v5 =	vmax.f32 v2, $0.0e+00;
	[tilespmem:s15+$0x40] =	vst v1;
	v1 =	vld [tilespmem:s15+$0xB0]  }
0x3ea: {  	v2 =	vld [tilespmem:s15+$0xC0];
	[tilespmem:s15+$0x60] =	vst v5;
	v5 =	vmax.f32 v3, $0.0e+00  }
0x3eb: {  	v3 =	vld [tilespmem:s15+$0xD0];
	v4 =	vmax.f32 v4, $0.0e+00;
	[tilespmem:s15+$0x80] =	vst v5  }
0x3ec: {  	[tilespmem:s15+$0x70] =	vst v4;
	v6 =	vmax.f32 v6, $0.0e+00;
	v4 =	vld [tilespmem:s15+$0xE0]  }
0x3ed: {  	s28 =	simm.s32 $0x680;
	s8 =	simm.s32 $0x0;
	v5 =	vld [tilespmem:s15+$0xFFFFFF00];
	[tilespmem:s15+$0x90] =	vst v6;
	v6 =	vmax.f32 v7, $0.0e+00  }
.LBB2_38:
0x3ee: {  	v7 =	vld [tilespmem:s28+$0xF0];
	s8 =	sadd.s32 $0x4, s8;
	[tilespmem:s15+$0xA0] =	vst v6;
	v1 =	vmax.f32 v1, $0.0e+00  }
0x3ef: {  	v6 =	vld [tilespmem:s28+$0xFFFFFF10];
	p1 =	slt.u32 s8, $0x3C;
	[tilespmem:s15+$0xB0] =	vst v1;
	v1 =	vmax.f32 v2, $0.0e+00  }
0x3f0: {  	v2 =	vld [tilespmem:s28+$0xFFFFFF20];
	[tilespmem:s15+$0xC0] =	vst v1;
	v1 =	vmax.f32 v3, $0.0e+00  }
0x3f1: {  	v3 =	vld [tilespmem:s28+$0xFFFFFF30];
	[tilespmem:s15+$0xD0] =	vst v1;
	v1 =	vmax.f32 v4, $0.0e+00  }
0x3f2: {  	v4 =	vld [tilespmem:s28+$0xFFFFFF40];
	v5 =	vmax.f32 v5, $0.0e+00;
	[tilespmem:s15+$0xE0] =	vst v1  }
0x3f3: {  	v1 =	vld [tilespmem:s28+$0xFFFFFF50];
	v7 =	vmax.f32 v7, $0.0e+00;
	[tilespmem:s15+$0xFFFFFF00] =	vst v5;
	s15 =	smov.u32 s28  }
0x3f4: {  	v5 =	vmax.f32 v6, $0.0e+00;
	v6 =	vld [tilespmem:s28+$0xFFFFFF60];
	[tilespmem:s28+$0xF0] =	vst v7  }
0x3f5: {  	[tilespmem:s28+$0xFFFFFF10] =	vst v5;
	v2 =	vmax.f32 v2, $0.0e+00;
	v5 =	vld [tilespmem:s28+$0xFFFFFF70]  }
0x3f6: {  	[tilespmem:s28+$0xFFFFFF20] =	vst v2;
	v2 =	vmax.f32 v3, $0.0e+00;
	v3 =	vld [tilespmem:s28+$0xFFFFFF80]  }
0x3f7: {  	[tilespmem:s28+$0xFFFFFF30] =	vst v2;
	v2 =	vmax.f32 v4, $0.0e+00;
	v4 =	vld [tilespmem:s28+$0xFFFFFF90]  }
0x3f8: {  	[tilespmem:s28+$0xFFFFFF40] =	vst v2;
	v1 =	vmax.f32 v1, $0.0e+00;
	v2 =	vld [tilespmem:s28+$0xFFFFFFA0]  }
0x3f9: {  	[tilespmem:s28+$0xFFFFFF50] =	vst v1;
	v1 =	vmax.f32 v6, $0.0e+00;
	v6 =	vld [tilespmem:s28+$0xFFFFFFB0]  }
0x3fa: {  	[tilespmem:s28+$0xFFFFFF60] =	vst v1;
	v1 =	vmax.f32 v5, $0.0e+00;
	v5 =	vld [tilespmem:s28+$0xFFFFFFC0]  }
0x3fb: {  	[tilespmem:s28+$0xFFFFFF70] =	vst v1;
	v1 =	vmax.f32 v3, $0.0e+00;
	v3 =	vld [tilespmem:s28+$0xFFFFFFD0]  }
0x3fc: {  	[tilespmem:s28+$0xFFFFFF80] =	vst v1;
	v1 =	vmax.f32 v4, $0.0e+00;
	v4 =	vld [tilespmem:s28+$0xFFFFFFE0]  }
0x3fd: {  	[tilespmem:s28+$0xFFFFFF90] =	vst v1;
	v1 =	vmax.f32 v2, $0.0e+00;
	v2 =	vld [tilespmem:s28+$0xFFFFFFF0]  }
0x3fe: {  	[tilespmem:s28+$0xFFFFFFA0] =	vst v1;
	v1 =	vmax.f32 v6, $0.0e+00;
	v6 =	vld [tilespmem:s28+$0x0]  }
0x3ff: {  	[tilespmem:s28+$0xFFFFFFB0] =	vst v1;
	v1 =	vmax.f32 v5, $0.0e+00;
	v5 =	vld [tilespmem:s28+$0x10]  }
0x400: {  	[tilespmem:s28+$0xFFFFFFC0] =	vst v1;
	v1 =	vmax.f32 v3, $0.0e+00;
	v3 =	vld [tilespmem:s28+$0x20]  }
0x401: {  	[tilespmem:s28+$0xFFFFFFD0] =	vst v1;
	v1 =	vmax.f32 v4, $0.0e+00;
	v4 =	vld [tilespmem:s28+$0x30]  }
0x402: {  	[tilespmem:s28+$0xFFFFFFE0] =	vst v1;
	v1 =	vmax.f32 v2, $0.0e+00;
	v2 =	vld [tilespmem:s28+$0x40]  }
0x403: {  	[tilespmem:s28+$0xFFFFFFF0] =	vst v1;
	v1 =	vmax.f32 v6, $0.0e+00;
	v6 =	vld [tilespmem:s28+$0x50]  }
0x404: {  	[tilespmem:s28+$0x0] =	vst v1;
	v1 =	vmax.f32 v5, $0.0e+00;
	v5 =	vld [tilespmem:s28+$0x60]  }
0x405: {  	[tilespmem:s28+$0x10] =	vst v1;
	v1 =	vmax.f32 v3, $0.0e+00;
	v3 =	vld [tilespmem:s28+$0x70]  }
0x406: {  	[tilespmem:s28+$0x20] =	vst v1;
	v1 =	vmax.f32 v4, $0.0e+00;
	v4 =	vld [tilespmem:s28+$0x80]  }
0x407: {  	[tilespmem:s28+$0x30] =	vst v1;
	v1 =	vmax.f32 v2, $0.0e+00;
	v7 =	vld [tilespmem:s28+$0x90]  }
0x408: {  	[tilespmem:s28+$0x40] =	vst v1;
	v1 =	vmax.f32 v6, $0.0e+00;
	v6 =	vld [tilespmem:s28+$0xA0]  }
.Ltmp22:
0x409: {  	[tilespmem:s28+$0x50] =	vst v1;
	v2 =	vmax.f32 v5, $0.0e+00;
	v1 =	vld [tilespmem:s28+$0xB0];
	(pc) =	sbr.rel @p1 .LBB2_38-.Ltmp22, $4  }
0x40a: {  	[tilespmem:s28+$0x60] =	vst v2;
	v3 =	vmax.f32 v3, $0.0e+00;
	v2 =	vld [tilespmem:s28+$0xC0]  }
0x40b: {  	[tilespmem:s28+$0x70] =	vst v3;
	v4 =	vmax.f32 v4, $0.0e+00;
	v3 =	vld [tilespmem:s28+$0xD0]  }
0x40c: {  	[tilespmem:s28+$0x80] =	vst v4;
	v7 =	vmax.f32 v7, $0.0e+00;
	v4 =	vld [tilespmem:s28+$0xE0]  }
0x40d: {  	s28 =	sadd.s32 $0x200, s28;
	v5 =	vld [tilespmem:s15+$0xFFFFFF00];
	[tilespmem:s15+$0x90] =	vst v7;
	v6 =	vmax.f32 v6, $0.0e+00  }
0x40e: {  	[tilespmem:s15+$0xA0] =	vst v6;
	v1 =	vmax.f32 v1, $0.0e+00  }
0x40f: {  	[tilespmem:s15+$0xB0] =	vst v1;
	v1 =	vmax.f32 v2, $0.0e+00  }
0x410: {  	[tilespmem:s15+$0xC0] =	vst v1;
	v1 =	vmax.f32 v3, $0.0e+00  }
0x411: {  	[tilespmem:s15+$0xD0] =	vst v1;
	v1 =	vmax.f32 v4, $0.0e+00  }
0x412: {  	v2 =	vmax.f32 v5, $0.0e+00;
	[tilespmem:s15+$0xE0] =	vst v1  }
0x413: {  	[tilespmem:s15+$0xFFFFFF00] =	vst v2  }
0x414: {  	[spmem:s4] =	stream.indirect.scatter.add.f32 [tilespmem:s23], [sflag:$0x9], $0x80, s25, s31, $0xb8;
	[tilespmem:$0x1BC00] =	vst v63  }
.LBB2_40:
0x415: {  	p1 =	sge.u32 s30, s17  }
0x416: {  	s5 =	simm.s32 @!p1 $0xA  }
0x417: {  	_ =	swait.ge @!p1 [sflag:s5], $0x2000  }
0x418: {  	[sflag:s5] =	ssyncset.done @!p1 $0x0  }
0x419: {  	[sflag:s5] =	ssyncadd.s32 @!p1 $0xFFFFE000;
	s5 =	simm.s32 @!p4 $0x1  }
0x41a: {  	_ =	swait.ge @!p4 [sflag:s5], $0x40  }
0x41b: {  	[sflag:s5] =	ssyncset.done @!p4 $0x0  }
0x41c: {  	[sflag:s5] =	ssyncadd.s32 @!p4 $0xFFFFFFC0  }
0x41d: {  	_ =	swait.ge @!p4 [sflag:s5], $0x40  }
0x41e: {  	[sflag:s5] =	ssyncset.done @!p4 $0x0  }
.Ltmp23:
0x41f: {  	[sflag:s5] =	ssyncadd.s32 @!p4 $0xFFFFFFC0;
	s5 =	simm.s32 @!p4 $0x5;
	(pc) =	sbr.rel @p2 .LBB2_44-.Ltmp23, $4  }
0x420: {  	s8 =	simm.s32 @!p4 $0x80;
	_ =	swait.ge @!p4 [sflag:s5], $0x2000  }
0x421: {  	s15 =	simm.s32 @!p4 $0x4380;
	s30 =	sadd.s32 $0xB, s16;
	[sflag:s5] =	ssyncset.done @!p4 $0x0  }
0x422: {  	p1 =	sge.u32 s30, s9;
	[sflag:s5] =	ssyncadd.s32 @!p4 $0xFFFFE000;
	s5 =	simm.s32 @!p4 $0x40  }
0x423: {  	[tilespmem:s15], [sflag:$0x7] =	stream.indirect.gather.add.f32 @!p4 [hbm:s1], $0x80, s8, s5, $0xb8;
	[tilespmem:$0x1BC00] =	vst v63  }
0x424: {  	s5 =	sshll.u32 @!p1 s30, $0xB  }
0x425: {  	_ =	swait.ge [sflag:s6], $0x2000;
	s5 =	sor.u32 @!p1 s18, s5  }
0x426: {  	s24 =	simm.s32 @!p1 $0x0;
	[sflag:s6] =	ssyncset.done $0x0;
	s8 =	sshrl.u32 @!p1 s5, $0x3  }
0x427: {  	s28 =	simm.s32 @!p1 $0x100;
	[sflag:s6] =	ssyncadd.s32 $0xFFFFE000;
	s15 =	sadd.s32 @!p1 s7, s8  }
0x428: {  	[tilespmem:s28], [sflag:$0x2] =	stream.linear.gather @!p1 [hbm4b:s15+s24], $0x40, $0x38;
	[tilespmem:$0x1BC00] =	vst v63  }
0x429: {  	s5 =	sshll.u32 @!p1 s5, $0x4;
	s8 =	sadd.s32 @!p1 s2, s8;
	s15 =	simm.s32 @!p1 $0x300  }
0x42a: {  	[tilespmem:s15], [sflag:$0x2] =	stream.linear.gather @!p1 [hbm4b:s8+s24], $0x40, $0x38;
	[tilespmem:$0x1BC00] =	vst v63  }
0x42b: {  	s5 =	sadd.s32 @!p1 s3, s5;
	s8 =	simm.s32 @!p1 $0x6380;
	s15 =	simm.s32 $0x2480  }
0x42c: {  	[tilespmem:s8], [sflag:$0x6] =	stream.linear.gather @!p1 [hbm4b:s5+s24], $0x2000, $0x38;
	[tilespmem:$0x1BC00] =	vst v63  }
0x42d: {  	v1 =	vld [tilespmem:s15+$0xFFFFFF10]  }
0x42e: {  	v7 =	vld [tilespmem:s15+$0xF0]  }
0x42f: {  	v2 =	vld [tilespmem:s15+$0xFFFFFF20]  }
0x430: {  	v8 =	vld [tilespmem:s15+$0xFFFFFF80]  }
0x431: {  	v3 =	vld [tilespmem:s15+$0xFFFFFF30]  }
0x432: {  	v9 =	vld [tilespmem:s15+$0xFFFFFF90];
	v1 =	vmax.f32 v1, $0.0e+00  }
0x433: {  	v4 =	vld [tilespmem:s15+$0xFFFFFF40];
	v7 =	vmax.f32 v7, $0.0e+00;
	[tilespmem:s15+$0xFFFFFF10] =	vst v1  }
0x434: {  	v5 =	vld [tilespmem:s15+$0xFFFFFF50];
	v2 =	vmax.f32 v2, $0.0e+00;
	[tilespmem:s15+$0xF0] =	vst v7  }
0x435: {  	v6 =	vld [tilespmem:s15+$0xFFFFFF60];
	[tilespmem:s15+$0xFFFFFF20] =	vst v2;
	v2 =	vmax.f32 v8, $0.0e+00  }
0x436: {  	v1 =	vld [tilespmem:s15+$0xFFFFFF70];
	[tilespmem:s15+$0xFFFFFF80] =	vst v2;
	v2 =	vmax.f32 v3, $0.0e+00  }
0x437: {  	v10 =	vld [tilespmem:s15+$0xFFFFFFA0];
	[tilespmem:s15+$0xFFFFFF30] =	vst v2;
	v2 =	vmax.f32 v9, $0.0e+00  }
0x438: {  	v11 =	vld [tilespmem:s15+$0xFFFFFFB0];
	[tilespmem:s15+$0xFFFFFF90] =	vst v2;
	v2 =	vmax.f32 v4, $0.0e+00  }
0x439: {  	v7 =	vld [tilespmem:s15+$0xFFFFFFC0];
	[tilespmem:s15+$0xFFFFFF40] =	vst v2;
	v2 =	vmax.f32 v5, $0.0e+00  }
0x43a: {  	v5 =	vld [tilespmem:s15+$0x0];
	[tilespmem:s15+$0xFFFFFF50] =	vst v2;
	v2 =	vmax.f32 v6, $0.0e+00  }
0x43b: {  	v8 =	vld [tilespmem:s15+$0xFFFFFFD0];
	v1 =	vmax.f32 v1, $0.0e+00;
	[tilespmem:s15+$0xFFFFFF60] =	vst v2  }
0x43c: {  	v2 =	vld [tilespmem:s15+$0x10];
	[tilespmem:s15+$0xFFFFFF70] =	vst v1;
	v1 =	vmax.f32 v10, $0.0e+00  }
0x43d: {  	v3 =	vld [tilespmem:s15+$0xFFFFFFE0];
	[tilespmem:s15+$0xFFFFFFA0] =	vst v1;
	v1 =	vmax.f32 v11, $0.0e+00  }
0x43e: {  	v4 =	vld [tilespmem:s15+$0xFFFFFFF0];
	[tilespmem:s15+$0xFFFFFFB0] =	vst v1;
	v1 =	vmax.f32 v7, $0.0e+00  }
0x43f: {  	v6 =	vld [tilespmem:s15+$0x20];
	[tilespmem:s15+$0xFFFFFFC0] =	vst v1;
	v1 =	vmax.f32 v5, $0.0e+00  }
0x440: {  	v5 =	vld [tilespmem:s15+$0x50];
	[tilespmem:s15+$0x0] =	vst v1;
	v1 =	vmax.f32 v8, $0.0e+00  }
0x441: {  	v63 =	vld [tilespmem:s15+$0x30];
	[tilespmem:s15+$0xFFFFFFD0] =	vst v1;
	v1 =	vmax.f32 v2, $0.0e+00  }
0x442: {  	v7 =	vld [tilespmem:s15+$0x40];
	[tilespmem:s15+$0x10] =	vst v1;
	v1 =	vmax.f32 v3, $0.0e+00  }
0x443: {  	v2 =	vld [tilespmem:s15+$0x60];
	[tilespmem:s15+$0xFFFFFFE0] =	vst v1;
	v1 =	vmax.f32 v4, $0.0e+00  }
0x444: {  	v3 =	vld [tilespmem:s15+$0x80];
	[tilespmem:s15+$0xFFFFFFF0] =	vst v1;
	v1 =	vmax.f32 v6, $0.0e+00  }
0x445: {  	v4 =	vld [tilespmem:s15+$0x70];
	v5 =	vmax.f32 v5, $0.0e+00;
	[tilespmem:s15+$0x20] =	vst v1  }
0x446: {  	v6 =	vld [tilespmem:s15+$0x90];
	v1 =	vmax.f32 v63, $0.0e+00;
	[tilespmem:s15+$0x50] =	vst v5  }
0x447: {  	[tilespmem:s15+$0x30] =	vst v1;
	v1 =	vmax.f32 v7, $0.0e+00;
	v7 =	vld [tilespmem:s15+$0xA0]  }
0x448: {  	v5 =	vmax.f32 v2, $0.0e+00;
	[tilespmem:s15+$0x40] =	vst v1;
	v1 =	vld [tilespmem:s15+$0xB0]  }
0x449: {  	v2 =	vld [tilespmem:s15+$0xC0];
	[tilespmem:s15+$0x60] =	vst v5;
	v5 =	vmax.f32 v3, $0.0e+00  }
0x44a: {  	v3 =	vld [tilespmem:s15+$0xD0];
	v4 =	vmax.f32 v4, $0.0e+00;
	[tilespmem:s15+$0x80] =	vst v5  }
0x44b: {  	[tilespmem:s15+$0x70] =	vst v4;
	v6 =	vmax.f32 v6, $0.0e+00;
	v4 =	vld [tilespmem:s15+$0xE0]  }
0x44c: {  	s28 =	simm.s32 $0x2680;
	s8 =	simm.s32 $0x0;
	v5 =	vld [tilespmem:s15+$0xFFFFFF00];
	[tilespmem:s15+$0x90] =	vst v6;
	v6 =	vmax.f32 v7, $0.0e+00  }
.LBB2_42:
0x44d: {  	v7 =	vld [tilespmem:s28+$0xF0];
	s8 =	sadd.s32 $0x4, s8;
	[tilespmem:s15+$0xA0] =	vst v6;
	v1 =	vmax.f32 v1, $0.0e+00  }
0x44e: {  	v6 =	vld [tilespmem:s28+$0xFFFFFF10];
	p2 =	slt.u32 s8, $0x3C;
	[tilespmem:s15+$0xB0] =	vst v1;
	v1 =	vmax.f32 v2, $0.0e+00  }
0x44f: {  	v2 =	vld [tilespmem:s28+$0xFFFFFF20];
	[tilespmem:s15+$0xC0] =	vst v1;
	v1 =	vmax.f32 v3, $0.0e+00  }
0x450: {  	v3 =	vld [tilespmem:s28+$0xFFFFFF30];
	[tilespmem:s15+$0xD0] =	vst v1;
	v1 =	vmax.f32 v4, $0.0e+00  }
0x451: {  	v4 =	vld [tilespmem:s28+$0xFFFFFF40];
	v5 =	vmax.f32 v5, $0.0e+00;
	[tilespmem:s15+$0xE0] =	vst v1  }
0x452: {  	v1 =	vld [tilespmem:s28+$0xFFFFFF50];
	v7 =	vmax.f32 v7, $0.0e+00;
	[tilespmem:s15+$0xFFFFFF00] =	vst v5;
	s15 =	smov.u32 s28  }
0x453: {  	v5 =	vmax.f32 v6, $0.0e+00;
	v6 =	vld [tilespmem:s28+$0xFFFFFF60];
	[tilespmem:s28+$0xF0] =	vst v7  }
0x454: {  	[tilespmem:s28+$0xFFFFFF10] =	vst v5;
	v2 =	vmax.f32 v2, $0.0e+00;
	v5 =	vld [tilespmem:s28+$0xFFFFFF70]  }
0x455: {  	[tilespmem:s28+$0xFFFFFF20] =	vst v2;
	v2 =	vmax.f32 v3, $0.0e+00;
	v3 =	vld [tilespmem:s28+$0xFFFFFF80]  }
0x456: {  	[tilespmem:s28+$0xFFFFFF30] =	vst v2;
	v2 =	vmax.f32 v4, $0.0e+00;
	v4 =	vld [tilespmem:s28+$0xFFFFFF90]  }
0x457: {  	[tilespmem:s28+$0xFFFFFF40] =	vst v2;
	v1 =	vmax.f32 v1, $0.0e+00;
	v2 =	vld [tilespmem:s28+$0xFFFFFFA0]  }
0x458: {  	[tilespmem:s28+$0xFFFFFF50] =	vst v1;
	v1 =	vmax.f32 v6, $0.0e+00;
	v6 =	vld [tilespmem:s28+$0xFFFFFFB0]  }
0x459: {  	[tilespmem:s28+$0xFFFFFF60] =	vst v1;
	v1 =	vmax.f32 v5, $0.0e+00;
	v5 =	vld [tilespmem:s28+$0xFFFFFFC0]  }
0x45a: {  	[tilespmem:s28+$0xFFFFFF70] =	vst v1;
	v1 =	vmax.f32 v3, $0.0e+00;
	v3 =	vld [tilespmem:s28+$0xFFFFFFD0]  }
0x45b: {  	[tilespmem:s28+$0xFFFFFF80] =	vst v1;
	v1 =	vmax.f32 v4, $0.0e+00;
	v4 =	vld [tilespmem:s28+$0xFFFFFFE0]  }
0x45c: {  	[tilespmem:s28+$0xFFFFFF90] =	vst v1;
	v1 =	vmax.f32 v2, $0.0e+00;
	v2 =	vld [tilespmem:s28+$0xFFFFFFF0]  }
0x45d: {  	[tilespmem:s28+$0xFFFFFFA0] =	vst v1;
	v1 =	vmax.f32 v6, $0.0e+00;
	v6 =	vld [tilespmem:s28+$0x0]  }
0x45e: {  	[tilespmem:s28+$0xFFFFFFB0] =	vst v1;
	v1 =	vmax.f32 v5, $0.0e+00;
	v5 =	vld [tilespmem:s28+$0x10]  }
0x45f: {  	[tilespmem:s28+$0xFFFFFFC0] =	vst v1;
	v1 =	vmax.f32 v3, $0.0e+00;
	v3 =	vld [tilespmem:s28+$0x20]  }
0x460: {  	[tilespmem:s28+$0xFFFFFFD0] =	vst v1;
	v1 =	vmax.f32 v4, $0.0e+00;
	v4 =	vld [tilespmem:s28+$0x30]  }
0x461: {  	[tilespmem:s28+$0xFFFFFFE0] =	vst v1;
	v1 =	vmax.f32 v2, $0.0e+00;
	v2 =	vld [tilespmem:s28+$0x40]  }
0x462: {  	[tilespmem:s28+$0xFFFFFFF0] =	vst v1;
	v1 =	vmax.f32 v6, $0.0e+00;
	v6 =	vld [tilespmem:s28+$0x50]  }
0x463: {  	[tilespmem:s28+$0x0] =	vst v1;
	v1 =	vmax.f32 v5, $0.0e+00;
	v5 =	vld [tilespmem:s28+$0x60]  }
0x464: {  	[tilespmem:s28+$0x10] =	vst v1;
	v1 =	vmax.f32 v3, $0.0e+00;
	v3 =	vld [tilespmem:s28+$0x70]  }
0x465: {  	[tilespmem:s28+$0x20] =	vst v1;
	v1 =	vmax.f32 v4, $0.0e+00;
	v4 =	vld [tilespmem:s28+$0x80]  }
0x466: {  	[tilespmem:s28+$0x30] =	vst v1;
	v1 =	vmax.f32 v2, $0.0e+00;
	v7 =	vld [tilespmem:s28+$0x90]  }
0x467: {  	[tilespmem:s28+$0x40] =	vst v1;
	v1 =	vmax.f32 v6, $0.0e+00;
	v6 =	vld [tilespmem:s28+$0xA0]  }
.Ltmp24:
0x468: {  	[tilespmem:s28+$0x50] =	vst v1;
	v2 =	vmax.f32 v5, $0.0e+00;
	v1 =	vld [tilespmem:s28+$0xB0];
	(pc) =	sbr.rel @p2 .LBB2_42-.Ltmp24, $4  }
0x469: {  	[tilespmem:s28+$0x60] =	vst v2;
	v3 =	vmax.f32 v3, $0.0e+00;
	v2 =	vld [tilespmem:s28+$0xC0]  }
0x46a: {  	[tilespmem:s28+$0x70] =	vst v3;
	v4 =	vmax.f32 v4, $0.0e+00;
	v3 =	vld [tilespmem:s28+$0xD0]  }
0x46b: {  	[tilespmem:s28+$0x80] =	vst v4;
	v7 =	vmax.f32 v7, $0.0e+00;
	v4 =	vld [tilespmem:s28+$0xE0]  }
0x46c: {  	s28 =	sadd.s32 $0x200, s28;
	v5 =	vld [tilespmem:s15+$0xFFFFFF00];
	[tilespmem:s15+$0x90] =	vst v7;
	v6 =	vmax.f32 v6, $0.0e+00  }
0x46d: {  	[tilespmem:s15+$0xA0] =	vst v6;
	v1 =	vmax.f32 v1, $0.0e+00  }
0x46e: {  	[tilespmem:s15+$0xB0] =	vst v1;
	v1 =	vmax.f32 v2, $0.0e+00  }
0x46f: {  	[tilespmem:s15+$0xC0] =	vst v1;
	v1 =	vmax.f32 v3, $0.0e+00  }
0x470: {  	[tilespmem:s15+$0xD0] =	vst v1;
	v1 =	vmax.f32 v4, $0.0e+00  }
0x471: {  	v2 =	vmax.f32 v5, $0.0e+00;
	[tilespmem:s15+$0xE0] =	vst v1  }
0x472: {  	[tilespmem:s15+$0xFFFFFF00] =	vst v2  }
0x473: {  	[spmem:s4] =	stream.indirect.scatter.add.f32 [tilespmem:s29], [sflag:$0xA], $0x80, s26, s31, $0xb8;
	[tilespmem:$0x1BC00] =	vst v63  }
.LBB2_44:
0x474: {  	p2 =	sge.u32 s21, s17  }
0x475: {  	s5 =	simm.s32 @!p2 $0x9  }
0x476: {  	_ =	swait.ge @!p2 [sflag:s5], $0x2000  }
0x477: {  	[sflag:s5] =	ssyncset.done @!p2 $0x0  }
0x478: {  	[sflag:s5] =	ssyncadd.s32 @!p2 $0xFFFFE000;
	s5 =	simm.s32 @!p1 $0x2  }
0x479: {  	_ =	swait.ge @!p1 [sflag:s5], $0x40  }
0x47a: {  	[sflag:s5] =	ssyncset.done @!p1 $0x0  }
0x47b: {  	[sflag:s5] =	ssyncadd.s32 @!p1 $0xFFFFFFC0  }
0x47c: {  	_ =	swait.ge @!p1 [sflag:s5], $0x40  }
0x47d: {  	[sflag:s5] =	ssyncset.done @!p1 $0x0  }
.Ltmp25:
0x47e: {  	[sflag:s5] =	ssyncadd.s32 @!p1 $0xFFFFFFC0;
	s5 =	simm.s32 @!p1 $0x6;
	(pc) =	sbr.rel @p4 .LBB2_48-.Ltmp25, $4  }
0x47f: {  	_ =	swait.ge @!p1 [sflag:s5], $0x2000  }
0x480: {  	s8 =	simm.s32 @!p1 $0x100;
	[sflag:s5] =	ssyncset.done @!p1 $0x0  }
0x481: {  	s15 =	simm.s32 @!p1 $0x6380;
	[sflag:s5] =	ssyncadd.s32 @!p1 $0xFFFFE000;
	s5 =	simm.s32 @!p1 $0x40  }
0x482: {  	[tilespmem:s15], [sflag:$0x8] =	stream.indirect.gather.add.f32 @!p1 [hbm:s1], $0x80, s8, s5, $0xb8;
	[tilespmem:$0x1BC00] =	vst v63  }
0x483: {  	s5 =	sadd.s32 $0xC, s16  }
0x484: {  	p2 =	sge.u32 s5, s9  }
0x485: {  	s5 =	sshll.u32 @!p2 s5, $0xB  }
0x486: {  	_ =	swait.ge [sflag:s0], $0x2000;
	s5 =	sor.u32 @!p2 s18, s5  }
0x487: {  	[sflag:s0] =	ssyncset.done $0x0;
	s8 =	sshrl.u32 @!p2 s5, $0x3  }
0x488: {  	[sflag:s0] =	ssyncadd.s32 $0xFFFFE000;
	s21 =	simm.s32 @!p2 $0x0;
	s15 =	sadd.s32 @!p2 s7, s8  }
0x489: {  	[tilespmem:s21], [sflag:$0x1] =	stream.linear.gather @!p2 [hbm4b:s15+s21], $0x40, $0x38;
	[tilespmem:$0x1BC00] =	vst v63  }
0x48a: {  	s5 =	sshll.u32 @!p2 s5, $0x4;
	s8 =	sadd.s32 @!p2 s2, s8;
	s15 =	simm.s32 @!p2 $0x180  }
0x48b: {  	[tilespmem:s15], [sflag:$0x1] =	stream.linear.gather @!p2 [hbm4b:s8+s21], $0x40, $0x38;
	[tilespmem:$0x1BC00] =	vst v63  }
0x48c: {  	s5 =	sadd.s32 @!p2 s3, s5;
	s8 =	simm.s32 @!p2 $0x380;
	s15 =	simm.s32 $0x4480  }
0x48d: {  	[tilespmem:s8], [sflag:$0x3] =	stream.linear.gather @!p2 [hbm4b:s5+s21], $0x2000, $0x38;
	[tilespmem:$0x1BC00] =	vst v63  }
0x48e: {  	v1 =	vld [tilespmem:s15+$0xFFFFFF10]  }
0x48f: {  	v7 =	vld [tilespmem:s15+$0xF0]  }
0x490: {  	v2 =	vld [tilespmem:s15+$0xFFFFFF20]  }
0x491: {  	v8 =	vld [tilespmem:s15+$0xFFFFFF80]  }
0x492: {  	v3 =	vld [tilespmem:s15+$0xFFFFFF30]  }
0x493: {  	v9 =	vld [tilespmem:s15+$0xFFFFFF90];
	v1 =	vmax.f32 v1, $0.0e+00  }
0x494: {  	v4 =	vld [tilespmem:s15+$0xFFFFFF40];
	v7 =	vmax.f32 v7, $0.0e+00;
	[tilespmem:s15+$0xFFFFFF10] =	vst v1  }
0x495: {  	v5 =	vld [tilespmem:s15+$0xFFFFFF50];
	v2 =	vmax.f32 v2, $0.0e+00;
	[tilespmem:s15+$0xF0] =	vst v7  }
0x496: {  	v6 =	vld [tilespmem:s15+$0xFFFFFF60];
	[tilespmem:s15+$0xFFFFFF20] =	vst v2;
	v2 =	vmax.f32 v8, $0.0e+00  }
0x497: {  	v1 =	vld [tilespmem:s15+$0xFFFFFF70];
	[tilespmem:s15+$0xFFFFFF80] =	vst v2;
	v2 =	vmax.f32 v3, $0.0e+00  }
0x498: {  	v10 =	vld [tilespmem:s15+$0xFFFFFFA0];
	[tilespmem:s15+$0xFFFFFF30] =	vst v2;
	v2 =	vmax.f32 v9, $0.0e+00  }
0x499: {  	v11 =	vld [tilespmem:s15+$0xFFFFFFB0];
	[tilespmem:s15+$0xFFFFFF90] =	vst v2;
	v2 =	vmax.f32 v4, $0.0e+00  }
0x49a: {  	v7 =	vld [tilespmem:s15+$0xFFFFFFC0];
	[tilespmem:s15+$0xFFFFFF40] =	vst v2;
	v2 =	vmax.f32 v5, $0.0e+00  }
0x49b: {  	v5 =	vld [tilespmem:s15+$0x0];
	[tilespmem:s15+$0xFFFFFF50] =	vst v2;
	v2 =	vmax.f32 v6, $0.0e+00  }
0x49c: {  	v8 =	vld [tilespmem:s15+$0xFFFFFFD0];
	v1 =	vmax.f32 v1, $0.0e+00;
	[tilespmem:s15+$0xFFFFFF60] =	vst v2  }
0x49d: {  	v2 =	vld [tilespmem:s15+$0x10];
	[tilespmem:s15+$0xFFFFFF70] =	vst v1;
	v1 =	vmax.f32 v10, $0.0e+00  }
0x49e: {  	v3 =	vld [tilespmem:s15+$0xFFFFFFE0];
	[tilespmem:s15+$0xFFFFFFA0] =	vst v1;
	v1 =	vmax.f32 v11, $0.0e+00  }
0x49f: {  	v4 =	vld [tilespmem:s15+$0xFFFFFFF0];
	[tilespmem:s15+$0xFFFFFFB0] =	vst v1;
	v1 =	vmax.f32 v7, $0.0e+00  }
0x4a0: {  	v6 =	vld [tilespmem:s15+$0x20];
	[tilespmem:s15+$0xFFFFFFC0] =	vst v1;
	v1 =	vmax.f32 v5, $0.0e+00  }
0x4a1: {  	v5 =	vld [tilespmem:s15+$0x50];
	[tilespmem:s15+$0x0] =	vst v1;
	v1 =	vmax.f32 v8, $0.0e+00  }
0x4a2: {  	v63 =	vld [tilespmem:s15+$0x30];
	[tilespmem:s15+$0xFFFFFFD0] =	vst v1;
	v1 =	vmax.f32 v2, $0.0e+00  }
0x4a3: {  	v7 =	vld [tilespmem:s15+$0x40];
	[tilespmem:s15+$0x10] =	vst v1;
	v1 =	vmax.f32 v3, $0.0e+00  }
0x4a4: {  	v2 =	vld [tilespmem:s15+$0x60];
	[tilespmem:s15+$0xFFFFFFE0] =	vst v1;
	v1 =	vmax.f32 v4, $0.0e+00  }
0x4a5: {  	v3 =	vld [tilespmem:s15+$0x80];
	[tilespmem:s15+$0xFFFFFFF0] =	vst v1;
	v1 =	vmax.f32 v6, $0.0e+00  }
0x4a6: {  	v4 =	vld [tilespmem:s15+$0x70];
	v5 =	vmax.f32 v5, $0.0e+00;
	[tilespmem:s15+$0x20] =	vst v1  }
0x4a7: {  	v6 =	vld [tilespmem:s15+$0x90];
	v1 =	vmax.f32 v63, $0.0e+00;
	[tilespmem:s15+$0x50] =	vst v5  }
0x4a8: {  	[tilespmem:s15+$0x30] =	vst v1;
	v1 =	vmax.f32 v7, $0.0e+00;
	v7 =	vld [tilespmem:s15+$0xA0]  }
0x4a9: {  	v5 =	vmax.f32 v2, $0.0e+00;
	[tilespmem:s15+$0x40] =	vst v1;
	v1 =	vld [tilespmem:s15+$0xB0]  }
0x4aa: {  	v2 =	vld [tilespmem:s15+$0xC0];
	[tilespmem:s15+$0x60] =	vst v5;
	v5 =	vmax.f32 v3, $0.0e+00  }
0x4ab: {  	v3 =	vld [tilespmem:s15+$0xD0];
	v4 =	vmax.f32 v4, $0.0e+00;
	[tilespmem:s15+$0x80] =	vst v5  }
0x4ac: {  	[tilespmem:s15+$0x70] =	vst v4;
	v6 =	vmax.f32 v6, $0.0e+00;
	v4 =	vld [tilespmem:s15+$0xE0]  }
0x4ad: {  	s8 =	simm.s32 $0x0;
	s21 =	simm.s32 $0x4680;
	v5 =	vld [tilespmem:s15+$0xFFFFFF00];
	[tilespmem:s15+$0x90] =	vst v6;
	v6 =	vmax.f32 v7, $0.0e+00  }
.LBB2_46:
0x4ae: {  	v7 =	vld [tilespmem:s21+$0xF0];
	s8 =	sadd.s32 $0x4, s8;
	[tilespmem:s15+$0xA0] =	vst v6;
	v1 =	vmax.f32 v1, $0.0e+00  }
0x4af: {  	v6 =	vld [tilespmem:s21+$0xFFFFFF10];
	p2 =	slt.u32 s8, $0x3C;
	[tilespmem:s15+$0xB0] =	vst v1;
	v1 =	vmax.f32 v2, $0.0e+00  }
0x4b0: {  	v2 =	vld [tilespmem:s21+$0xFFFFFF20];
	[tilespmem:s15+$0xC0] =	vst v1;
	v1 =	vmax.f32 v3, $0.0e+00  }
0x4b1: {  	v3 =	vld [tilespmem:s21+$0xFFFFFF30];
	[tilespmem:s15+$0xD0] =	vst v1;
	v1 =	vmax.f32 v4, $0.0e+00  }
0x4b2: {  	v4 =	vld [tilespmem:s21+$0xFFFFFF40];
	v5 =	vmax.f32 v5, $0.0e+00;
	[tilespmem:s15+$0xE0] =	vst v1  }
0x4b3: {  	v1 =	vld [tilespmem:s21+$0xFFFFFF50];
	v7 =	vmax.f32 v7, $0.0e+00;
	[tilespmem:s15+$0xFFFFFF00] =	vst v5;
	s15 =	smov.u32 s21  }
0x4b4: {  	v5 =	vmax.f32 v6, $0.0e+00;
	v6 =	vld [tilespmem:s21+$0xFFFFFF60];
	[tilespmem:s21+$0xF0] =	vst v7  }
0x4b5: {  	[tilespmem:s21+$0xFFFFFF10] =	vst v5;
	v2 =	vmax.f32 v2, $0.0e+00;
	v5 =	vld [tilespmem:s21+$0xFFFFFF70]  }
0x4b6: {  	[tilespmem:s21+$0xFFFFFF20] =	vst v2;
	v2 =	vmax.f32 v3, $0.0e+00;
	v3 =	vld [tilespmem:s21+$0xFFFFFF80]  }
0x4b7: {  	[tilespmem:s21+$0xFFFFFF30] =	vst v2;
	v2 =	vmax.f32 v4, $0.0e+00;
	v4 =	vld [tilespmem:s21+$0xFFFFFF90]  }
0x4b8: {  	[tilespmem:s21+$0xFFFFFF40] =	vst v2;
	v1 =	vmax.f32 v1, $0.0e+00;
	v2 =	vld [tilespmem:s21+$0xFFFFFFA0]  }
0x4b9: {  	[tilespmem:s21+$0xFFFFFF50] =	vst v1;
	v1 =	vmax.f32 v6, $0.0e+00;
	v6 =	vld [tilespmem:s21+$0xFFFFFFB0]  }
0x4ba: {  	[tilespmem:s21+$0xFFFFFF60] =	vst v1;
	v1 =	vmax.f32 v5, $0.0e+00;
	v5 =	vld [tilespmem:s21+$0xFFFFFFC0]  }
0x4bb: {  	[tilespmem:s21+$0xFFFFFF70] =	vst v1;
	v1 =	vmax.f32 v3, $0.0e+00;
	v3 =	vld [tilespmem:s21+$0xFFFFFFD0]  }
0x4bc: {  	[tilespmem:s21+$0xFFFFFF80] =	vst v1;
	v1 =	vmax.f32 v4, $0.0e+00;
	v4 =	vld [tilespmem:s21+$0xFFFFFFE0]  }
0x4bd: {  	[tilespmem:s21+$0xFFFFFF90] =	vst v1;
	v1 =	vmax.f32 v2, $0.0e+00;
	v2 =	vld [tilespmem:s21+$0xFFFFFFF0]  }
0x4be: {  	[tilespmem:s21+$0xFFFFFFA0] =	vst v1;
	v1 =	vmax.f32 v6, $0.0e+00;
	v6 =	vld [tilespmem:s21+$0x0]  }
0x4bf: {  	[tilespmem:s21+$0xFFFFFFB0] =	vst v1;
	v1 =	vmax.f32 v5, $0.0e+00;
	v5 =	vld [tilespmem:s21+$0x10]  }
0x4c0: {  	[tilespmem:s21+$0xFFFFFFC0] =	vst v1;
	v1 =	vmax.f32 v3, $0.0e+00;
	v3 =	vld [tilespmem:s21+$0x20]  }
0x4c1: {  	[tilespmem:s21+$0xFFFFFFD0] =	vst v1;
	v1 =	vmax.f32 v4, $0.0e+00;
	v4 =	vld [tilespmem:s21+$0x30]  }
0x4c2: {  	[tilespmem:s21+$0xFFFFFFE0] =	vst v1;
	v1 =	vmax.f32 v2, $0.0e+00;
	v2 =	vld [tilespmem:s21+$0x40]  }
0x4c3: {  	[tilespmem:s21+$0xFFFFFFF0] =	vst v1;
	v1 =	vmax.f32 v6, $0.0e+00;
	v6 =	vld [tilespmem:s21+$0x50]  }
0x4c4: {  	[tilespmem:s21+$0x0] =	vst v1;
	v1 =	vmax.f32 v5, $0.0e+00;
	v5 =	vld [tilespmem:s21+$0x60]  }
0x4c5: {  	[tilespmem:s21+$0x10] =	vst v1;
	v1 =	vmax.f32 v3, $0.0e+00;
	v3 =	vld [tilespmem:s21+$0x70]  }
0x4c6: {  	[tilespmem:s21+$0x20] =	vst v1;
	v1 =	vmax.f32 v4, $0.0e+00;
	v4 =	vld [tilespmem:s21+$0x80]  }
0x4c7: {  	[tilespmem:s21+$0x30] =	vst v1;
	v1 =	vmax.f32 v2, $0.0e+00;
	v7 =	vld [tilespmem:s21+$0x90]  }
0x4c8: {  	[tilespmem:s21+$0x40] =	vst v1;
	v1 =	vmax.f32 v6, $0.0e+00;
	v6 =	vld [tilespmem:s21+$0xA0]  }
.Ltmp26:
0x4c9: {  	[tilespmem:s21+$0x50] =	vst v1;
	v2 =	vmax.f32 v5, $0.0e+00;
	v1 =	vld [tilespmem:s21+$0xB0];
	(pc) =	sbr.rel @p2 .LBB2_46-.Ltmp26, $4  }
0x4ca: {  	[tilespmem:s21+$0x60] =	vst v2;
	v3 =	vmax.f32 v3, $0.0e+00;
	v2 =	vld [tilespmem:s21+$0xC0]  }
0x4cb: {  	[tilespmem:s21+$0x70] =	vst v3;
	v4 =	vmax.f32 v4, $0.0e+00;
	v3 =	vld [tilespmem:s21+$0xD0]  }
0x4cc: {  	[tilespmem:s21+$0x80] =	vst v4;
	v7 =	vmax.f32 v7, $0.0e+00;
	v4 =	vld [tilespmem:s21+$0xE0]  }
0x4cd: {  	s21 =	sadd.s32 $0x200, s21;
	v5 =	vld [tilespmem:s15+$0xFFFFFF00];
	[tilespmem:s15+$0x90] =	vst v7;
	v6 =	vmax.f32 v6, $0.0e+00  }
0x4ce: {  	[tilespmem:s15+$0xA0] =	vst v6;
	v1 =	vmax.f32 v1, $0.0e+00  }
0x4cf: {  	[tilespmem:s15+$0xB0] =	vst v1;
	v1 =	vmax.f32 v2, $0.0e+00  }
0x4d0: {  	[tilespmem:s15+$0xC0] =	vst v1;
	v1 =	vmax.f32 v3, $0.0e+00  }
0x4d1: {  	[tilespmem:s15+$0xD0] =	vst v1;
	v1 =	vmax.f32 v4, $0.0e+00  }
0x4d2: {  	v2 =	vmax.f32 v5, $0.0e+00;
	[tilespmem:s15+$0xE0] =	vst v1  }
0x4d3: {  	[tilespmem:s15+$0xFFFFFF00] =	vst v2  }
0x4d4: {  	[spmem:s4] =	stream.indirect.scatter.add.f32 [tilespmem:s11], [sflag:$0x9], $0x80, s10, s31, $0xb8;
	[tilespmem:$0x1BC00] =	vst v63  }
.LBB2_48:
0x4d5: {  	p3 =	sge.u32 s30, s17  }
0x4d6: {  	s5 =	simm.s32 @!p3 $0xA  }
0x4d7: {  	_ =	swait.ge @!p3 [sflag:s5], $0x2000  }
0x4d8: {  	p2 =	sge.u32 s16, s20;
	[sflag:s5] =	ssyncset.done @!p3 $0x0  }
0x4d9: {  	[sflag:s5] =	ssyncadd.s32 @!p3 $0xFFFFE000;
	s5 =	simm.s32 @!p2 $0x1  }
0x4da: {  	_ =	swait.ge @!p2 [sflag:s5], $0x40  }
0x4db: {  	[sflag:s5] =	ssyncset.done @!p2 $0x0  }
0x4dc: {  	[sflag:s5] =	ssyncadd.s32 @!p2 $0xFFFFFFC0  }
0x4dd: {  	_ =	swait.ge @!p2 [sflag:s5], $0x40  }
0x4de: {  	[sflag:s5] =	ssyncset.done @!p2 $0x0  }
.Ltmp27:
0x4df: {  	[sflag:s5] =	ssyncadd.s32 @!p2 $0xFFFFFFC0;
	s5 =	simm.s32 @!p2 $0x3;
	(pc) =	sbr.rel @p1 .LBB2_52-.Ltmp27, $4  }
0x4e0: {  	_ =	swait.ge @!p2 [sflag:s5], $0x2000  }
0x4e1: {  	s8 =	simm.s32 @!p2 $0x0;
	[sflag:s5] =	ssyncset.done @!p2 $0x0  }
0x4e2: {  	s15 =	simm.s32 @!p2 $0x380;
	[sflag:s5] =	ssyncadd.s32 @!p2 $0xFFFFE000;
	s5 =	simm.s32 @!p2 $0x40  }
0x4e3: {  	[tilespmem:s15], [sflag:$0x7] =	stream.indirect.gather.add.f32 @!p2 [hbm:s1], $0x80, s8, s5, $0xb8;
	[tilespmem:$0x1BC00] =	vst v63  }
0x4e4: {  	s5 =	sadd.s32 $0xD, s16  }
0x4e5: {  	p1 =	sge.u32 s5, s9  }
0x4e6: {  	_ =	swait.ge [sflag:s6], $0x2000;
	s5 =	sshll.u32 @!p1 s5, $0xB  }
0x4e7: {  	[sflag:s6] =	ssyncset.done $0x0;
	s5 =	sor.u32 @!p1 s18, s5  }
0x4e8: {  	[sflag:s6] =	ssyncadd.s32 $0xFFFFE000;
	s8 =	sshrl.u32 @!p1 s5, $0x3  }
0x4e9: {  	s16 =	simm.s32 @!p1 $0x0;
	s21 =	simm.s32 @!p1 $0x80;
	s15 =	sadd.s32 @!p1 s7, s8  }
0x4ea: {  	[tilespmem:s21], [sflag:$0x2] =	stream.linear.gather @!p1 [hbm4b:s15+s16], $0x40, $0x38;
	[tilespmem:$0x1BC00] =	vst v63  }
0x4eb: {  	s5 =	sshll.u32 @!p1 s5, $0x4;
	s8 =	sadd.s32 @!p1 s2, s8;
	s15 =	simm.s32 @!p1 $0x200  }
0x4ec: {  	[tilespmem:s15], [sflag:$0x2] =	stream.linear.gather @!p1 [hbm4b:s8+s16], $0x40, $0x38;
	[tilespmem:$0x1BC00] =	vst v63  }
0x4ed: {  	s5 =	sadd.s32 @!p1 s3, s5;
	s8 =	simm.s32 @!p1 $0x2380;
	s15 =	simm.s32 $0x6480  }
0x4ee: {  	[tilespmem:s8], [sflag:$0x4] =	stream.linear.gather @!p1 [hbm4b:s5+s16], $0x2000, $0x38;
	[tilespmem:$0x1BC00] =	vst v63  }
0x4ef: {  	v1 =	vld [tilespmem:s15+$0xFFFFFF10]  }
0x4f0: {  	v7 =	vld [tilespmem:s15+$0xF0]  }
0x4f1: {  	v2 =	vld [tilespmem:s15+$0xFFFFFF20]  }
0x4f2: {  	v8 =	vld [tilespmem:s15+$0xFFFFFF80]  }
0x4f3: {  	v3 =	vld [tilespmem:s15+$0xFFFFFF30]  }
0x4f4: {  	v9 =	vld [tilespmem:s15+$0xFFFFFF90];
	v1 =	vmax.f32 v1, $0.0e+00  }
0x4f5: {  	v4 =	vld [tilespmem:s15+$0xFFFFFF40];
	v7 =	vmax.f32 v7, $0.0e+00;
	[tilespmem:s15+$0xFFFFFF10] =	vst v1  }
0x4f6: {  	v5 =	vld [tilespmem:s15+$0xFFFFFF50];
	v2 =	vmax.f32 v2, $0.0e+00;
	[tilespmem:s15+$0xF0] =	vst v7  }
0x4f7: {  	v6 =	vld [tilespmem:s15+$0xFFFFFF60];
	[tilespmem:s15+$0xFFFFFF20] =	vst v2;
	v2 =	vmax.f32 v8, $0.0e+00  }
0x4f8: {  	v1 =	vld [tilespmem:s15+$0xFFFFFF70];
	[tilespmem:s15+$0xFFFFFF80] =	vst v2;
	v2 =	vmax.f32 v3, $0.0e+00  }
0x4f9: {  	v10 =	vld [tilespmem:s15+$0xFFFFFFA0];
	[tilespmem:s15+$0xFFFFFF30] =	vst v2;
	v2 =	vmax.f32 v9, $0.0e+00  }
0x4fa: {  	v11 =	vld [tilespmem:s15+$0xFFFFFFB0];
	[tilespmem:s15+$0xFFFFFF90] =	vst v2;
	v2 =	vmax.f32 v4, $0.0e+00  }
0x4fb: {  	v7 =	vld [tilespmem:s15+$0xFFFFFFC0];
	[tilespmem:s15+$0xFFFFFF40] =	vst v2;
	v2 =	vmax.f32 v5, $0.0e+00  }
0x4fc: {  	v5 =	vld [tilespmem:s15+$0x0];
	[tilespmem:s15+$0xFFFFFF50] =	vst v2;
	v2 =	vmax.f32 v6, $0.0e+00  }
0x4fd: {  	v8 =	vld [tilespmem:s15+$0xFFFFFFD0];
	v1 =	vmax.f32 v1, $0.0e+00;
	[tilespmem:s15+$0xFFFFFF60] =	vst v2  }
0x4fe: {  	v2 =	vld [tilespmem:s15+$0x10];
	[tilespmem:s15+$0xFFFFFF70] =	vst v1;
	v1 =	vmax.f32 v10, $0.0e+00  }
0x4ff: {  	v3 =	vld [tilespmem:s15+$0xFFFFFFE0];
	[tilespmem:s15+$0xFFFFFFA0] =	vst v1;
	v1 =	vmax.f32 v11, $0.0e+00  }
0x500: {  	v4 =	vld [tilespmem:s15+$0xFFFFFFF0];
	[tilespmem:s15+$0xFFFFFFB0] =	vst v1;
	v1 =	vmax.f32 v7, $0.0e+00  }
0x501: {  	v6 =	vld [tilespmem:s15+$0x20];
	[tilespmem:s15+$0xFFFFFFC0] =	vst v1;
	v1 =	vmax.f32 v5, $0.0e+00  }
0x502: {  	v5 =	vld [tilespmem:s15+$0x50];
	[tilespmem:s15+$0x0] =	vst v1;
	v1 =	vmax.f32 v8, $0.0e+00  }
0x503: {  	v63 =	vld [tilespmem:s15+$0x30];
	[tilespmem:s15+$0xFFFFFFD0] =	vst v1;
	v1 =	vmax.f32 v2, $0.0e+00  }
0x504: {  	v7 =	vld [tilespmem:s15+$0x40];
	[tilespmem:s15+$0x10] =	vst v1;
	v1 =	vmax.f32 v3, $0.0e+00  }
0x505: {  	v2 =	vld [tilespmem:s15+$0x60];
	[tilespmem:s15+$0xFFFFFFE0] =	vst v1;
	v1 =	vmax.f32 v4, $0.0e+00  }
0x506: {  	v3 =	vld [tilespmem:s15+$0x80];
	[tilespmem:s15+$0xFFFFFFF0] =	vst v1;
	v1 =	vmax.f32 v6, $0.0e+00  }
0x507: {  	v4 =	vld [tilespmem:s15+$0x70];
	v5 =	vmax.f32 v5, $0.0e+00;
	[tilespmem:s15+$0x20] =	vst v1  }
0x508: {  	v6 =	vld [tilespmem:s15+$0x90];
	v1 =	vmax.f32 v63, $0.0e+00;
	[tilespmem:s15+$0x50] =	vst v5  }
0x509: {  	[tilespmem:s15+$0x30] =	vst v1;
	v1 =	vmax.f32 v7, $0.0e+00;
	v7 =	vld [tilespmem:s15+$0xA0]  }
0x50a: {  	v5 =	vmax.f32 v2, $0.0e+00;
	[tilespmem:s15+$0x40] =	vst v1;
	v1 =	vld [tilespmem:s15+$0xB0]  }
0x50b: {  	v2 =	vld [tilespmem:s15+$0xC0];
	[tilespmem:s15+$0x60] =	vst v5;
	v5 =	vmax.f32 v3, $0.0e+00  }
0x50c: {  	v3 =	vld [tilespmem:s15+$0xD0];
	v4 =	vmax.f32 v4, $0.0e+00;
	[tilespmem:s15+$0x80] =	vst v5  }
0x50d: {  	[tilespmem:s15+$0x70] =	vst v4;
	v6 =	vmax.f32 v6, $0.0e+00;
	v4 =	vld [tilespmem:s15+$0xE0]  }
0x50e: {  	s8 =	simm.s32 $0x0;
	s16 =	simm.s32 $0x6680;
	v5 =	vld [tilespmem:s15+$0xFFFFFF00];
	[tilespmem:s15+$0x90] =	vst v6;
	v6 =	vmax.f32 v7, $0.0e+00  }
.LBB2_50:
0x50f: {  	v7 =	vld [tilespmem:s16+$0xF0];
	s8 =	sadd.s32 $0x4, s8;
	[tilespmem:s15+$0xA0] =	vst v6;
	v1 =	vmax.f32 v1, $0.0e+00  }
0x510: {  	v6 =	vld [tilespmem:s16+$0xFFFFFF10];
	p1 =	slt.u32 s8, $0x3C;
	[tilespmem:s15+$0xB0] =	vst v1;
	v1 =	vmax.f32 v2, $0.0e+00  }
0x511: {  	v2 =	vld [tilespmem:s16+$0xFFFFFF20];
	[tilespmem:s15+$0xC0] =	vst v1;
	v1 =	vmax.f32 v3, $0.0e+00  }
0x512: {  	v3 =	vld [tilespmem:s16+$0xFFFFFF30];
	[tilespmem:s15+$0xD0] =	vst v1;
	v1 =	vmax.f32 v4, $0.0e+00  }
0x513: {  	v4 =	vld [tilespmem:s16+$0xFFFFFF40];
	v5 =	vmax.f32 v5, $0.0e+00;
	[tilespmem:s15+$0xE0] =	vst v1  }
0x514: {  	v1 =	vld [tilespmem:s16+$0xFFFFFF50];
	v7 =	vmax.f32 v7, $0.0e+00;
	[tilespmem:s15+$0xFFFFFF00] =	vst v5;
	s15 =	smov.u32 s16  }
0x515: {  	v5 =	vmax.f32 v6, $0.0e+00;
	v6 =	vld [tilespmem:s16+$0xFFFFFF60];
	[tilespmem:s16+$0xF0] =	vst v7  }
0x516: {  	[tilespmem:s16+$0xFFFFFF10] =	vst v5;
	v2 =	vmax.f32 v2, $0.0e+00;
	v5 =	vld [tilespmem:s16+$0xFFFFFF70]  }
0x517: {  	[tilespmem:s16+$0xFFFFFF20] =	vst v2;
	v2 =	vmax.f32 v3, $0.0e+00;
	v3 =	vld [tilespmem:s16+$0xFFFFFF80]  }
0x518: {  	[tilespmem:s16+$0xFFFFFF30] =	vst v2;
	v2 =	vmax.f32 v4, $0.0e+00;
	v4 =	vld [tilespmem:s16+$0xFFFFFF90]  }
0x519: {  	[tilespmem:s16+$0xFFFFFF40] =	vst v2;
	v1 =	vmax.f32 v1, $0.0e+00;
	v2 =	vld [tilespmem:s16+$0xFFFFFFA0]  }
0x51a: {  	[tilespmem:s16+$0xFFFFFF50] =	vst v1;
	v1 =	vmax.f32 v6, $0.0e+00;
	v6 =	vld [tilespmem:s16+$0xFFFFFFB0]  }
0x51b: {  	[tilespmem:s16+$0xFFFFFF60] =	vst v1;
	v1 =	vmax.f32 v5, $0.0e+00;
	v5 =	vld [tilespmem:s16+$0xFFFFFFC0]  }
0x51c: {  	[tilespmem:s16+$0xFFFFFF70] =	vst v1;
	v1 =	vmax.f32 v3, $0.0e+00;
	v3 =	vld [tilespmem:s16+$0xFFFFFFD0]  }
0x51d: {  	[tilespmem:s16+$0xFFFFFF80] =	vst v1;
	v1 =	vmax.f32 v4, $0.0e+00;
	v4 =	vld [tilespmem:s16+$0xFFFFFFE0]  }
0x51e: {  	[tilespmem:s16+$0xFFFFFF90] =	vst v1;
	v1 =	vmax.f32 v2, $0.0e+00;
	v2 =	vld [tilespmem:s16+$0xFFFFFFF0]  }
0x51f: {  	[tilespmem:s16+$0xFFFFFFA0] =	vst v1;
	v1 =	vmax.f32 v6, $0.0e+00;
	v6 =	vld [tilespmem:s16+$0x0]  }
0x520: {  	[tilespmem:s16+$0xFFFFFFB0] =	vst v1;
	v1 =	vmax.f32 v5, $0.0e+00;
	v5 =	vld [tilespmem:s16+$0x10]  }
0x521: {  	[tilespmem:s16+$0xFFFFFFC0] =	vst v1;
	v1 =	vmax.f32 v3, $0.0e+00;
	v3 =	vld [tilespmem:s16+$0x20]  }
0x522: {  	[tilespmem:s16+$0xFFFFFFD0] =	vst v1;
	v1 =	vmax.f32 v4, $0.0e+00;
	v4 =	vld [tilespmem:s16+$0x30]  }
0x523: {  	[tilespmem:s16+$0xFFFFFFE0] =	vst v1;
	v1 =	vmax.f32 v2, $0.0e+00;
	v2 =	vld [tilespmem:s16+$0x40]  }
0x524: {  	[tilespmem:s16+$0xFFFFFFF0] =	vst v1;
	v1 =	vmax.f32 v6, $0.0e+00;
	v6 =	vld [tilespmem:s16+$0x50]  }
0x525: {  	[tilespmem:s16+$0x0] =	vst v1;
	v1 =	vmax.f32 v5, $0.0e+00;
	v5 =	vld [tilespmem:s16+$0x60]  }
0x526: {  	[tilespmem:s16+$0x10] =	vst v1;
	v1 =	vmax.f32 v3, $0.0e+00;
	v3 =	vld [tilespmem:s16+$0x70]  }
0x527: {  	[tilespmem:s16+$0x20] =	vst v1;
	v1 =	vmax.f32 v4, $0.0e+00;
	v4 =	vld [tilespmem:s16+$0x80]  }
0x528: {  	[tilespmem:s16+$0x30] =	vst v1;
	v1 =	vmax.f32 v2, $0.0e+00;
	v7 =	vld [tilespmem:s16+$0x90]  }
0x529: {  	[tilespmem:s16+$0x40] =	vst v1;
	v1 =	vmax.f32 v6, $0.0e+00;
	v6 =	vld [tilespmem:s16+$0xA0]  }
.Ltmp28:
0x52a: {  	[tilespmem:s16+$0x50] =	vst v1;
	v2 =	vmax.f32 v5, $0.0e+00;
	v1 =	vld [tilespmem:s16+$0xB0];
	(pc) =	sbr.rel @p1 .LBB2_50-.Ltmp28, $4  }
0x52b: {  	[tilespmem:s16+$0x60] =	vst v2;
	v3 =	vmax.f32 v3, $0.0e+00;
	v2 =	vld [tilespmem:s16+$0xC0]  }
0x52c: {  	[tilespmem:s16+$0x70] =	vst v3;
	v4 =	vmax.f32 v4, $0.0e+00;
	v3 =	vld [tilespmem:s16+$0xD0]  }
0x52d: {  	[tilespmem:s16+$0x80] =	vst v4;
	v7 =	vmax.f32 v7, $0.0e+00;
	v4 =	vld [tilespmem:s16+$0xE0]  }
0x52e: {  	s16 =	sadd.s32 $0x200, s16;
	v5 =	vld [tilespmem:s15+$0xFFFFFF00];
	[tilespmem:s15+$0x90] =	vst v7;
	v6 =	vmax.f32 v6, $0.0e+00  }
0x52f: {  	[tilespmem:s15+$0xA0] =	vst v6;
	v1 =	vmax.f32 v1, $0.0e+00  }
0x530: {  	[tilespmem:s15+$0xB0] =	vst v1;
	v1 =	vmax.f32 v2, $0.0e+00  }
.Ltmp29:
0x531: {  	[tilespmem:s15+$0xC0] =	vst v1;
	v1 =	vmax.f32 v3, $0.0e+00;
	(pc) =	sbr.rel .LBB2_52-.Ltmp29, $4  }
0x532: {  	[tilespmem:s15+$0xD0] =	vst v1;
	v1 =	vmax.f32 v4, $0.0e+00  }
0x533: {  	v2 =	vmax.f32 v5, $0.0e+00;
	[tilespmem:s15+$0xE0] =	vst v1  }
0x534: {  	[tilespmem:s15+$0xFFFFFF00] =	vst v2  }
0x535: {  	[spmem:s4] =	stream.indirect.scatter.add.f32 [tilespmem:s13], [sflag:$0xA], $0x80, s12, s31, $0xb8;
	[tilespmem:$0x1BC00] =	vst v63  }
.LBB2_54:
0x536: {  	_ =	sfence.sel $0x180000  }
0x537: {  	[bflag:$0x0] =	sbarrier.arrive $0xFFFF  }
0x538: {  	_ =	strace $0x90000047  }
0x539: {  	s0 =	stileid.u32;
	[bflag:$0x2] =	sbarrier.arrive $0xFFFF  }
0x53a: {  	p0 =	sne.s32 s0, $0x0;
	s0 =	rddreg [dreg:$0x5]  }
0x53b: {  	s0 =	sadd.s32 @!p0 $0x100000, s0  }
0x53c: {  	[sflag:s0] =	ssyncadd.tile.s32 @!p0 $0x1;
	_ =	shalt  }
.Lfunc_end2:
_tile_overlayer_lowered:
.L_overlay_start_2:
0x53d: {  	(tag) =	ssettag $0x2  }
0x53e: {  	s0 =	rddreg [dreg:$0x0];
	s2 =	stileid.u32  }
0x53f: {  	s1 =	rddreg [dreg:$0x1];
	p0 =	sne.s32 s2, $0x0  }
0x540: {  	s3 =	rddreg [dreg:$0x2];
	[bflag:$0x3] =	sbarrier.arrive $0xFFFF;
	s2 =	simm.s32 @!p0 $0x1C0B  }
0x541: {  	[timem:s3], [sflag:s2] =	dma.local @!p0 [hbm:s0], s1  }
0x542: {  	s0 =	simm.s32 @!p0 $0xB  }
0x543: {  	_ =	swait.ge @!p0 [sflag:s0], s1  }
0x544: {  	s1 =	ssub.s32 @!p0 $0x0, s1;
	[sflag:s0] =	ssyncset.done @!p0 $0x0  }
0x545: {  	[sflag:s0] =	ssyncadd.s32 @!p0 s1  }
0x546: {  	[bflag:$0x3] =	sbarrier.arrive $0xFFFF  }
0x547: {  	_ =	shalt  }

</sc_bundles>
